<compile_context>
chip_gen: v7x
topology: tpu7x:2x2x1
jax: 0.10.2.dev20260603
libtpu: 0.0.44.dev20260713+nightly
codegen_flags: <defaults>
</compile_context>

<pallas_src>
import functools

import jax
import jax.numpy as jnp
from jax import lax
from jax.experimental import pallas as pl
from jax.experimental.pallas import tpu as pltpu
from jax.experimental.pallas import tpu_sc as plsc

_NC, _NS = 2, 16
_NW = _NC * _NS
_LANES = 16


def _make_sc_kernel(batch, in_dim, out_dim):
    rows_per_tile = batch // _NW
    pass_rows = 4
    npass = rows_per_tile // pass_rows
    w = 2048
    nchunk = out_dim // w
    nslice = out_dim // _NS

    mesh = plsc.VectorSubcoreMesh(
        core_axis_name="c", subcore_axis_name="s",
        num_cores=_NC, num_subcores=_NS)

    @functools.partial(
        pl.kernel,
        out_type=jax.ShapeDtypeStruct((batch, out_dim), jnp.float32),
        mesh=mesh,
        compiler_params=pltpu.CompilerParams(
            needs_layout_passes=False,
            disable_bounds_checks=True,
            disable_semaphore_checks=True,
        ),
        scratch_types=[
            pltpu.VMEM((pass_rows * in_dim,), jnp.float32),
            pltpu.VMEM((2 * 2 * w,), jnp.int32),
            pltpu.VMEM((2 * 4 * w,), jnp.float32),
            pltpu.VMEM((2 * pass_rows * w,), jnp.float32),
            pltpu.VMEM_SHARED((2 * out_dim,), jnp.int32),
            pltpu.VMEM_SHARED((4 * out_dim,), jnp.float32),
            pltpu.SemaphoreType.DMA,
            pltpu.SemaphoreType.DMA,
            pltpu.SemaphoreType.DMA,
            pltpu.SemaphoreType.DMA,
            pltpu.SemaphoreType.DMA,
            pltpu.SemaphoreType.DMA,
        ],
    )
    def sc_kernel(x_hbm, idx_hbm, w_hbm, out_hbm, xbuf, ibuf, cbuf, obuf,
                  sh_idx, sh_coef,
                  sem_x, sem_w, sem_ia, sem_ib, sem_oa, sem_ob):
        wbuf = cbuf
        cstage = obuf
        sem_i = [sem_ia, sem_ib]
        sem_o = [sem_oa, sem_ob]
        sid = lax.axis_index("s")
        wid = sid * _NC + lax.axis_index("c")
        rbase = wid * rows_per_tile

        def start_x(prow):
            return [pltpu.async_copy(x_hbm.at[prow + r],
                                     xbuf.at[pl.ds(r * in_dim, in_dim)],
                                     sem_x)
                    for r in range(pass_rows)]

        hx0 = start_x(rbase)

        hw = pltpu.async_copy(w_hbm.at[pl.ds(sid * nslice * 16, nslice * 16)],
                              wbuf, sem_w)

        @pl.when(sid == 0)
        def _():
            pltpu.async_copy(idx_hbm.at[0], sh_idx.at[pl.ds(0, out_dim)],
                             sem_ia)
            pltpu.async_copy(idx_hbm.at[1], sh_idx.at[pl.ds(out_dim, out_dim)],
                             sem_ia)

        hw.wait()
        iota16 = lax.broadcasted_iota(jnp.int32, (_LANES,), 0) * 16

        @plsc.parallel_loop(0, nslice, step=_LANES, unroll=2)
        def cgroup(g):
            bv = g * 16 + iota16
            p = []
            for k in range(16):
                p.append(plsc.load_gather(wbuf, [bv + k]))
            m = p[0]
            for k in range(1, 16):
                m = jnp.maximum(m, p[k])
            p = [jnp.exp(v - m) for v in p]
            s = p[0]
            for k in range(1, 16):
                s = s + p[k]
            r = 1.0 / s
            p = [v * r for v in p]
            c0 = (((p[8] + p[9]) + (p[10] + p[11]))
                  + ((p[12] + p[13]) + (p[14] + p[15])))
            ca_ = (((p[2] + p[3]) + (p[6] + p[7]))
                   - ((p[8] + p[9]) + (p[12] + p[13])))
            cb_ = (((p[4] + p[5]) + (p[6] + p[7]))
                   - ((p[8] + p[9]) + (p[10] + p[11])))
            cab = (((p[1] - p[2]) - (p[4] + p[7]))
                   + ((p[8] + p[11]) + (p[13] - p[14]))
                   + 2.0 * (p[9] - p[6]))
            cstage[pl.ds(0 * nslice + g, _LANES)] = c0
            cstage[pl.ds(1 * nslice + g, _LANES)] = ca_
            cstage[pl.ds(2 * nslice + g, _LANES)] = cb_
            cstage[pl.ds(3 * nslice + g, _LANES)] = cab

        for k in range(4):
            pltpu.sync_copy(
                cstage.at[pl.ds(k * nslice, nslice)],
                sh_coef.at[pl.ds(k * out_dim + sid * nslice, nslice)])

        @pl.when(sid == 0)
        def _():
            pltpu.make_async_copy(idx_hbm.at[0],
                                  sh_idx.at[pl.ds(0, out_dim)],
                                  sem_ia).wait()
            pltpu.make_async_copy(idx_hbm.at[1],
                                  sh_idx.at[pl.ds(out_dim, out_dim)],
                                  sem_ia).wait()

        plsc.subcore_barrier()

        def start_inputs(c, buf):
            pltpu.async_copy(sh_idx.at[pl.ds(c * w, w)],
                             ibuf.at[pl.ds((2 * buf) * w, w)], sem_i[buf])
            pltpu.async_copy(sh_idx.at[pl.ds(out_dim + c * w, w)],
                             ibuf.at[pl.ds((2 * buf + 1) * w, w)], sem_i[buf])
            for k in range(4):
                pltpu.async_copy(sh_coef.at[pl.ds(k * out_dim + c * w, w)],
                                 cbuf.at[pl.ds((4 * buf + k) * w, w)],
                                 sem_i[buf])

        def wait_inputs(buf):
            pltpu.make_async_copy(sh_idx.at[pl.ds(0, w)],
                                  ibuf.at[pl.ds((2 * buf) * w, w)],
                                  sem_i[buf]).wait()
            pltpu.make_async_copy(sh_idx.at[pl.ds(0, w)],
                                  ibuf.at[pl.ds((2 * buf + 1) * w, w)],
                                  sem_i[buf]).wait()
            for k in range(4):
                pltpu.make_async_copy(sh_coef.at[pl.ds(0, w)],
                                      cbuf.at[pl.ds((4 * buf + k) * w, w)],
                                      sem_i[buf]).wait()

        def drain_outputs(prow, buf):
            for r in range(pass_rows):
                pltpu.make_async_copy(
                    obuf.at[pl.ds((pass_rows * buf + r) * w, w)],
                    out_hbm.at[prow + r, pl.ds(0, w)],
                    sem_o[buf]).wait()

        def compute_chunk(c, buf, prow):
            @plsc.parallel_loop(0, w, step=_LANES, unroll=4)
            def jbody(o):
                i0 = ibuf[pl.ds((2 * buf) * w + o, _LANES)]
                i1 = ibuf[pl.ds((2 * buf + 1) * w + o, _LANES)]
                c0 = cbuf[pl.ds((4 * buf) * w + o, _LANES)]
                ca = cbuf[pl.ds((4 * buf + 1) * w + o, _LANES)]
                cb = cbuf[pl.ds((4 * buf + 2) * w + o, _LANES)]
                cab = cbuf[pl.ds((4 * buf + 3) * w + o, _LANES)]
                for r in range(pass_rows):
                    a = plsc.load_gather(xbuf, [i0 + r * in_dim])
                    b = plsc.load_gather(xbuf, [i1 + r * in_dim])
                    obuf[pl.ds((pass_rows * buf + r) * w + o, _LANES)] = (
                        c0 + a * ca + b * cb + (a * b) * cab)

            for r in range(pass_rows):
                pltpu.async_copy(
                    obuf.at[pl.ds((pass_rows * buf + r) * w, w)],
                    out_hbm.at[prow + r, pl.ds(c * w, w)],
                    sem_o[buf])

        hx = hx0
        start_inputs(0, 0)
        for p in range(npass):
            prow = rbase + p * pass_rows
            for h in hx:
                h.wait()

            @pl.loop(0, nchunk // 2)
            def chunk_pair(t):
                c0_, c1_ = 2 * t, 2 * t + 1
                start_inputs(c1_, 1)
                wait_inputs(0)

                @pl.when(t > 0)
                def _():
                    drain_outputs(prow, 0)

                compute_chunk(c0_, 0, prow)

                @pl.when(t + 1 < nchunk // 2)
                def _():
                    start_inputs(c0_ + 2, 0)

                wait_inputs(1)

                @pl.when(t > 0)
                def _():
                    drain_outputs(prow, 1)

                compute_chunk(c1_, 1, prow)

            if p + 1 < npass:
                hx = start_x(rbase + (p + 1) * pass_rows)
                start_inputs(0, 0)
            drain_outputs(prow, 0)
            drain_outputs(prow, 1)

    return sc_kernel


def kernel(x, weight, indices):
    batch, in_dim = x.shape
    out_dim = weight.shape[0]
    idx = indices.astype(jnp.int32)
    w_flat = weight.reshape(-1)
    sc = _make_sc_kernel(batch, in_dim, out_dim)
    return sc(x, idx, w_flat)

# --- scband reference (transcript-rebuilt; emitter-appended) ---
"""Pipeline reference for scband-logic-dense-cuda-5196910428686 (READ-ONLY COPY).

The authoritative reference and input builder live on the scoring server;
editing this copy changes nothing except your own understanding.
"""

import jax, jax.numpy as jnp
import numpy as np

IN_DIM = 16384
OUT_DIM = 16384
BATCH = 256
TEMPERATURE = 1.0


def setup_inputs(seed: int = 0) -> dict:
    key = jax.random.key(seed)
    k1, k2, k3, k4 = jax.random.split(key, 4)
    x = jax.random.uniform(k1, (BATCH, IN_DIM), dtype=jnp.float32)
    # 'random' connections: randperm(lut_rank*out_dim) % in_dim indexed by randperm(in_dim)
    c = jax.random.permutation(k2, 2 * OUT_DIM) % IN_DIM
    perm = jax.random.permutation(k3, IN_DIM)
    indices = perm[c].reshape(2, OUT_DIM).astype(jnp.int64)
    # 'residual' weight init: small random logits with the pass-through-A op (op id 3) boosted
    weight = 0.1 * jax.random.normal(k4, (OUT_DIM, 16), dtype=jnp.float32)
    weight = weight.at[:, 3].add(5.0 * 1.0)  # residual_init_param = 1.0
    return {"x": x, "weight": weight, "indices": indices}


def _all_binary_ops(a, b):
    ab = a * b
    ones = jnp.ones_like(a)
    zeros = jnp.zeros_like(a)
    ops = [
        zeros,                 # 0: FALSE
        ab,                    # 1: a AND b
        a - ab,                # 2: a AND NOT b
        a,                     # 3: a
        b - ab,                # 4: NOT a AND b
        b,                     # 5: b
        a + b - 2.0 * ab,      # 6: a XOR b
        a + b - ab,            # 7: a OR b
        1.0 - (a + b - ab),    # 8: NOR
        1.0 - (a + b - 2.0 * ab),  # 9: XNOR
        1.0 - b,               # 10: NOT b
        1.0 - b + ab,          # 11: a OR NOT b
        1.0 - a,               # 12: NOT a
        1.0 - a + ab,          # 13: NOT a OR b
        1.0 - ab,              # 14: NAND
        ones,                  # 15: TRUE
    ]
    return jnp.stack(ops, axis=-1)  # (..., out_dim, 16)


def reference(x, weight, indices):
    # gather the two operand columns per neuron
    a = jnp.take(x, indices[0], axis=-1)  # (batch, out_dim)
    b = jnp.take(x, indices[1], axis=-1)  # (batch, out_dim)
    probs = jax.nn.softmax(weight / TEMPERATURE, axis=-1)  # (out_dim, 16) soft sampler
    ops = _all_binary_ops(a, b)  # (batch, out_dim, 16)
    out = jnp.sum(ops * probs[None, :, :], axis=-1)  # (batch, out_dim)
    return out

if __name__ == "__main__":
    import jax
    _d = setup_inputs()
    print(jax.jit(kernel)(*tuple(_d.values())))

</pallas_src>

<mosaic_0001>
#map = affine_map<(d0, d1) -> (0, 0)>
#map1 = affine_map<(d0, d1) -> (0)>
module attributes {stable_mosaic.version = 14 : i64} {
  func.func @sc_kernel(%arg0: i32, %arg1: i32, %arg2: memref<256x16384xf32, #tpu.memory_space<hbm>>, %arg3: memref<2x16384xi32, #tpu.memory_space<hbm>>, %arg4: memref<262144xf32, #tpu.memory_space<hbm>>, %arg5: memref<256x16384xf32, #tpu.memory_space<hbm>>, %arg6: memref<65536xf32, #tpu.memory_space<vmem>>, %arg7: memref<8192xi32, #tpu.memory_space<vmem>>, %arg8: memref<16384xf32, #tpu.memory_space<vmem>>, %arg9: memref<16384xf32, #tpu.memory_space<vmem>>, %arg10: memref<32768xi32, #tpu.memory_space<vmem_shared>>, %arg11: memref<65536xf32, #tpu.memory_space<vmem_shared>>, %arg12: memref<!tpu.dma_semaphore, #tpu.memory_space<semaphore_mem>>, %arg13: memref<!tpu.dma_semaphore, #tpu.memory_space<semaphore_mem>>, %arg14: memref<!tpu.dma_semaphore, #tpu.memory_space<semaphore_mem>>, %arg15: memref<!tpu.dma_semaphore, #tpu.memory_space<semaphore_mem>>, %arg16: memref<!tpu.dma_semaphore, #tpu.memory_space<semaphore_mem>>, %arg17: memref<!tpu.dma_semaphore, #tpu.memory_space<semaphore_mem>>) attributes {dimension_semantics = [#tpu.dimension_semantics<core_parallel>, #tpu.dimension_semantics<subcore_parallel>], iteration_bounds = array<i64: 2, 16>, scalar_prefetch = 0 : i64, scratch_operands = 12 : i64, tpu.core_type = #tpu.core_type<sc_vector_subcore>, window_params = [{transform_indices = #map}, {transform_indices = #map}, {transform_indices = #map1}, {transform_indices = #map}]} {
    %mul3A = arith.constant 2 : i32
    %mul3A_0 = arith.muli %arg1, %mul3A : i32
    %add3A = arith.addi %mul3A_0, %arg0 : i32
    %mul3A_1 = arith.constant 8 : i32
    %mul3A_2 = arith.muli %add3A, %mul3A_1 : i32
    %add3A_3 = arith.constant 0 : i32
    %add3A_4 = arith.addi %mul3A_2, %add3A_3 : i32
    %dma_start3A = arith.constant 0 : i32
    %dma_start3A_5 = tpu.memref_slice %arg6[%dma_start3A] : memref<65536xf32, #tpu.memory_space<vmem>> -> memref<16384xf32, #tpu.memory_space<vmem>>
    %dma_start3A_6 = arith.constant 0 : i32
    %dma_start3A_7 = tpu.memref_slice %arg2[%add3A_4, %dma_start3A_6] : memref<256x16384xf32, #tpu.memory_space<hbm>> -> memref<1x16384xf32, #tpu.memory_space<hbm>>
    %dma_start3A_8 = tpu.memref_squeeze %dma_start3A_7 : memref<1x16384xf32, #tpu.memory_space<hbm>> -> memref<16384xf32, #tpu.memory_space<hbm>>
    %dma_start3A_9 = arith.constant 0 : i32
    %dma_start3A_10 = tpu.memref_slice %arg6[%dma_start3A_9] : memref<65536xf32, #tpu.memory_space<vmem>> -> memref<16384xf32, #tpu.memory_space<vmem>>
    %dma_start3A_11 = arith.constant 0 : i32
    %dma_start3A_12 = tpu.memref_slice %arg2[%add3A_4, %dma_start3A_11] : memref<256x16384xf32, #tpu.memory_space<hbm>> -> memref<1x16384xf32, #tpu.memory_space<hbm>>
    %dma_start3A_13 = tpu.memref_squeeze %dma_start3A_12 : memref<1x16384xf32, #tpu.memory_space<hbm>> -> memref<16384xf32, #tpu.memory_space<hbm>>
    tpu.enqueue_dma source(%dma_start3A_13 : memref<16384xf32, #tpu.memory_space<hbm>>) target(%dma_start3A_10 : memref<16384xf32, #tpu.memory_space<vmem>>) target_semaphore(%arg12 : memref<!tpu.dma_semaphore, #tpu.memory_space<semaphore_mem>>)
    %add3A_14 = arith.constant 1 : i32
    %add3A_15 = arith.addi %mul3A_2, %add3A_14 : i32
    %dma_start3A_16 = arith.constant 16384 : i32
    %dma_start3A_17 = tpu.memref_slice %arg6[%dma_start3A_16] : memref<65536xf32, #tpu.memory_space<vmem>> -> memref<16384xf32, #tpu.memory_space<vmem>>
    %dma_start3A_18 = arith.constant 0 : i32
    %dma_start3A_19 = tpu.memref_slice %arg2[%add3A_15, %dma_start3A_18] : memref<256x16384xf32, #tpu.memory_space<hbm>> -> memref<1x16384xf32, #tpu.memory_space<hbm>>
    %dma_start3A_20 = tpu.memref_squeeze %dma_start3A_19 : memref<1x16384xf32, #tpu.memory_space<hbm>> -> memref<16384xf32, #tpu.memory_space<hbm>>
    %dma_start3A_21 = arith.constant 16384 : i32
    %dma_start3A_22 = tpu.memref_slice %arg6[%dma_start3A_21] : memref<65536xf32, #tpu.memory_space<vmem>> -> memref<16384xf32, #tpu.memory_space<vmem>>
    %dma_start3A_23 = arith.constant 0 : i32
    %dma_start3A_24 = tpu.memref_slice %arg2[%add3A_15, %dma_start3A_23] : memref<256x16384xf32, #tpu.memory_space<hbm>> -> memref<1x16384xf32, #tpu.memory_space<hbm>>
    %dma_start3A_25 = tpu.memref_squeeze %dma_start3A_24 : memref<1x16384xf32, #tpu.memory_space<hbm>> -> memref<16384xf32, #tpu.memory_space<hbm>>
    tpu.enqueue_dma source(%dma_start3A_25 : memref<16384xf32, #tpu.memory_space<hbm>>) target(%dma_start3A_22 : memref<16384xf32, #tpu.memory_space<vmem>>) target_semaphore(%arg12 : memref<!tpu.dma_semaphore, #tpu.memory_space<semaphore_mem>>)
    %add3A_26 = arith.constant 2 : i32
    %add3A_27 = arith.addi %mul3A_2, %add3A_26 : i32
    %dma_start3A_28 = arith.constant 32768 : i32
    %dma_start3A_29 = tpu.memref_slice %arg6[%dma_start3A_28] : memref<65536xf32, #tpu.memory_space<vmem>> -> memref<16384xf32, #tpu.memory_space<vmem>>
    %dma_start3A_30 = arith.constant 0 : i32
    %dma_start3A_31 = tpu.memref_slice %arg2[%add3A_27, %dma_start3A_30] : memref<256x16384xf32, #tpu.memory_space<hbm>> -> memref<1x16384xf32, #tpu.memory_space<hbm>>
    %dma_start3A_32 = tpu.memref_squeeze %dma_start3A_31 : memref<1x16384xf32, #tpu.memory_space<hbm>> -> memref<16384xf32, #tpu.memory_space<hbm>>
    %dma_start3A_33 = arith.constant 32768 : i32
    %dma_start3A_34 = tpu.memref_slice %arg6[%dma_start3A_33] : memref<65536xf32, #tpu.memory_space<vmem>> -> memref<16384xf32, #tpu.memory_space<vmem>>
    %dma_start3A_35 = arith.constant 0 : i32
    %dma_start3A_36 = tpu.memref_slice %arg2[%add3A_27, %dma_start3A_35] : memref<256x16384xf32, #tpu.memory_space<hbm>> -> memref<1x16384xf32, #tpu.memory_space<hbm>>
    %dma_start3A_37 = tpu.memref_squeeze %dma_start3A_36 : memref<1x16384xf32, #tpu.memory_space<hbm>> -> memref<16384xf32, #tpu.memory_space<hbm>>
    tpu.enqueue_dma source(%dma_start3A_37 : memref<16384xf32, #tpu.memory_space<hbm>>) target(%dma_start3A_34 : memref<16384xf32, #tpu.memory_space<vmem>>) target_semaphore(%arg12 : memref<!tpu.dma_semaphore, #tpu.memory_space<semaphore_mem>>)
    %add3A_38 = arith.constant 3 : i32
    %add3A_39 = arith.addi %mul3A_2, %add3A_38 : i32
    %dma_start3A_40 = arith.constant 49152 : i32
    %dma_start3A_41 = tpu.memref_slice %arg6[%dma_start3A_40] : memref<65536xf32, #tpu.memory_space<vmem>> -> memref<16384xf32, #tpu.memory_space<vmem>>
    %dma_start3A_42 = arith.constant 0 : i32
    %dma_start3A_43 = tpu.memref_slice %arg2[%add3A_39, %dma_start3A_42] : memref<256x16384xf32, #tpu.memory_space<hbm>> -> memref<1x16384xf32, #tpu.memory_space<hbm>>
    %dma_start3A_44 = tpu.memref_squeeze %dma_start3A_43 : memref<1x16384xf32, #tpu.memory_space<hbm>> -> memref<16384xf32, #tpu.memory_space<hbm>>
    %dma_start3A_45 = arith.constant 49152 : i32
    %dma_start3A_46 = tpu.memref_slice %arg6[%dma_start3A_45] : memref<65536xf32, #tpu.memory_space<vmem>> -> memref<16384xf32, #tpu.memory_space<vmem>>
    %dma_start3A_47 = arith.constant 0 : i32
    %dma_start3A_48 = tpu.memref_slice %arg2[%add3A_39, %dma_start3A_47] : memref<256x16384xf32, #tpu.memory_space<hbm>> -> memref<1x16384xf32, #tpu.memory_space<hbm>>
    %dma_start3A_49 = tpu.memref_squeeze %dma_start3A_48 : memref<1x16384xf32, #tpu.memory_space<hbm>> -> memref<16384xf32, #tpu.memory_space<hbm>>
    tpu.enqueue_dma source(%dma_start3A_49 : memref<16384xf32, #tpu.memory_space<hbm>>) target(%dma_start3A_46 : memref<16384xf32, #tpu.memory_space<vmem>>) target_semaphore(%arg12 : memref<!tpu.dma_semaphore, #tpu.memory_space<semaphore_mem>>)
    %mul3A_50 = arith.constant 1024 : i32
    %mul3A_51 = arith.muli %arg1, %mul3A_50 : i32
    %mul3A_52 = arith.constant 16 : i32
    %mul3A_53 = arith.muli %mul3A_51, %mul3A_52 : i32
    %dma_start3A_54 = tpu.memref_slice %arg4[%mul3A_53] : memref<262144xf32, #tpu.memory_space<hbm>> -> memref<16384xf32, #tpu.memory_space<hbm>>
    %dma_start3A_55 = tpu.memref_slice %arg4[%mul3A_53] : memref<262144xf32, #tpu.memory_space<hbm>> -> memref<16384xf32, #tpu.memory_space<hbm>>
    tpu.enqueue_dma source(%dma_start3A_55 : memref<16384xf32, #tpu.memory_space<hbm>>) target(%arg8 : memref<16384xf32, #tpu.memory_space<vmem>>) target_semaphore(%arg13 : memref<!tpu.dma_semaphore, #tpu.memory_space<semaphore_mem>>)
    %eq3A = arith.constant 0 : i32
    %eq3A_56 = arith.cmpi eq, %arg1, %eq3A : i32
    %convert_element_type3A = arith.extui %eq3A_56 : i1 to i32
    %cond3A = arith.constant 0 : i32
    %cond3A_57 = arith.cmpi ne, %convert_element_type3A, %cond3A : i32
    scf.if %cond3A_57 {
      %dma_start3A_516 = arith.constant 0 : i32
      %dma_start3A_517 = arith.constant 0 : i32
      %dma_start3A_518 = tpu.memref_slice %arg10[%dma_start3A_517] : memref<32768xi32, #tpu.memory_space<vmem_shared>> -> memref<16384xi32, #tpu.memory_space<vmem_shared>>
      %dma_start3A_519 = arith.constant 0 : i32
      %dma_start3A_520 = tpu.memref_slice %arg3[%dma_start3A_516, %dma_start3A_519] : memref<2x16384xi32, #tpu.memory_space<hbm>> -> memref<1x16384xi32, #tpu.memory_space<hbm>>
      %dma_start3A_521 = tpu.memref_squeeze %dma_start3A_520 : memref<1x16384xi32, #tpu.memory_space<hbm>> -> memref<16384xi32, #tpu.memory_space<hbm>>
      tpu.enqueue_dma source(%dma_start3A_521 : memref<16384xi32, #tpu.memory_space<hbm>>) target(%dma_start3A_518 : memref<16384xi32, #tpu.memory_space<vmem_shared>>) target_semaphore(%arg14 : memref<!tpu.dma_semaphore, #tpu.memory_space<semaphore_mem>>)
      %dma_start3A_522 = arith.constant 1 : i32
      %dma_start3A_523 = arith.constant 16384 : i32
      %dma_start3A_524 = tpu.memref_slice %arg10[%dma_start3A_523] : memref<32768xi32, #tpu.memory_space<vmem_shared>> -> memref<16384xi32, #tpu.memory_space<vmem_shared>>
      %dma_start3A_525 = arith.constant 0 : i32
      %dma_start3A_526 = tpu.memref_slice %arg3[%dma_start3A_522, %dma_start3A_525] : memref<2x16384xi32, #tpu.memory_space<hbm>> -> memref<1x16384xi32, #tpu.memory_space<hbm>>
      %dma_start3A_527 = tpu.memref_squeeze %dma_start3A_526 : memref<1x16384xi32, #tpu.memory_space<hbm>> -> memref<16384xi32, #tpu.memory_space<hbm>>
      tpu.enqueue_dma source(%dma_start3A_527 : memref<16384xi32, #tpu.memory_space<hbm>>) target(%dma_start3A_524 : memref<16384xi32, #tpu.memory_space<vmem_shared>>) target_semaphore(%arg14 : memref<!tpu.dma_semaphore, #tpu.memory_space<semaphore_mem>>)
    } else {
    }
    %dma_wait3A = tpu.memref_slice %arg4[%mul3A_53] : memref<262144xf32, #tpu.memory_space<hbm>> -> memref<16384xf32, #tpu.memory_space<hbm>>
    %dma_wait3A_58 = tpu.memref_slice %arg4[%mul3A_53] : memref<262144xf32, #tpu.memory_space<hbm>> -> memref<16384xf32, #tpu.memory_space<hbm>>
    tpu.wait_dma2 semaphore(%arg13 : memref<!tpu.dma_semaphore, #tpu.memory_space<semaphore_mem>>) src(%dma_wait3A_58 : memref<16384xf32, #tpu.memory_space<hbm>>) dst(%arg8 : memref<16384xf32, #tpu.memory_space<vmem>>)
    %iota3A = tpu.iota {dimensions = array<i32: 0>} : vector<16xi32>
    %mul3A_59 = arith.constant 16 : i32
    %mul3A_60 = vector.broadcast %mul3A_59 : i32 to vector<16xi32>
    %mul3A_61 = arith.muli %iota3A, %mul3A_60 : vector<16xi32>
    %parallel_loop3A = arith.constant 0 : i32
    %parallel_loop3A_62 = arith.constant 1024 : i32
    %parallel_loop3A_63 = arith.constant 16 : i32
    scf.for %parallel_loop3A_516 = %parallel_loop3A to %parallel_loop3A_62 step %parallel_loop3A_63  : i32 {
      %parallel_loop3A_517 = arith.constant 16 : i32
      %parallel_loop3A_518 = arith.muli %parallel_loop3A_516, %parallel_loop3A_517 : i32
      %parallel_loop3A_519 = vector.broadcast %parallel_loop3A_518 : i32 to vector<16xi32>
      %parallel_loop3A_520 = arith.addi %parallel_loop3A_519, %mul3A_61 : vector<16xi32>
      %parallel_loop3A_521 = arith.constant 0 : i32
      %parallel_loop3A_522 = vector.broadcast %parallel_loop3A_521 : i32 to vector<16xi32>
      %parallel_loop3A_523 = arith.addi %parallel_loop3A_520, %parallel_loop3A_522 : vector<16xi32>
      %parallel_loop3A_524 = tpu.vector_load_idx %arg8[%parallel_loop3A_523] : memref<16384xf32, #tpu.memory_space<vmem>>[vector<16xi32>], vector<16xf32>,
      %parallel_loop3A_525 = arith.constant 1 : i32
      %parallel_loop3A_526 = vector.broadcast %parallel_loop3A_525 : i32 to vector<16xi32>
      %parallel_loop3A_527 = arith.addi %parallel_loop3A_520, %parallel_loop3A_526 : vector<16xi32>
      %parallel_loop3A_528 = tpu.vector_load_idx %arg8[%parallel_loop3A_527] : memref<16384xf32, #tpu.memory_space<vmem>>[vector<16xi32>], vector<16xf32>,
      %parallel_loop3A_529 = arith.constant 2 : i32
      %parallel_loop3A_530 = vector.broadcast %parallel_loop3A_529 : i32 to vector<16xi32>
      %parallel_loop3A_531 = arith.addi %parallel_loop3A_520, %parallel_loop3A_530 : vector<16xi32>
      %parallel_loop3A_532 = tpu.vector_load_idx %arg8[%parallel_loop3A_531] : memref<16384xf32, #tpu.memory_space<vmem>>[vector<16xi32>], vector<16xf32>,
      %parallel_loop3A_533 = arith.constant 3 : i32
      %parallel_loop3A_534 = vector.broadcast %parallel_loop3A_533 : i32 to vector<16xi32>
      %parallel_loop3A_535 = arith.addi %parallel_loop3A_520, %parallel_loop3A_534 : vector<16xi32>
      %parallel_loop3A_536 = tpu.vector_load_idx %arg8[%parallel_loop3A_535] : memref<16384xf32, #tpu.memory_space<vmem>>[vector<16xi32>], vector<16xf32>,
      %parallel_loop3A_537 = arith.constant 4 : i32
      %parallel_loop3A_538 = vector.broadcast %parallel_loop3A_537 : i32 to vector<16xi32>
      %parallel_loop3A_539 = arith.addi %parallel_loop3A_520, %parallel_loop3A_538 : vector<16xi32>
      %parallel_loop3A_540 = tpu.vector_load_idx %arg8[%parallel_loop3A_539] : memref<16384xf32, #tpu.memory_space<vmem>>[vector<16xi32>], vector<16xf32>,
      %parallel_loop3A_541 = arith.constant 5 : i32
      %parallel_loop3A_542 = vector.broadcast %parallel_loop3A_541 : i32 to vector<16xi32>
      %parallel_loop3A_543 = arith.addi %parallel_loop3A_520, %parallel_loop3A_542 : vector<16xi32>
      %parallel_loop3A_544 = tpu.vector_load_idx %arg8[%parallel_loop3A_543] : memref<16384xf32, #tpu.memory_space<vmem>>[vector<16xi32>], vector<16xf32>,
      %parallel_loop3A_545 = arith.constant 6 : i32
      %parallel_loop3A_546 = vector.broadcast %parallel_loop3A_545 : i32 to vector<16xi32>
      %parallel_loop3A_547 = arith.addi %parallel_loop3A_520, %parallel_loop3A_546 : vector<16xi32>
      %parallel_loop3A_548 = tpu.vector_load_idx %arg8[%parallel_loop3A_547] : memref<16384xf32, #tpu.memory_space<vmem>>[vector<16xi32>], vector<16xf32>,
      %parallel_loop3A_549 = arith.constant 7 : i32
      %parallel_loop3A_550 = vector.broadcast %parallel_loop3A_549 : i32 to vector<16xi32>
      %parallel_loop3A_551 = arith.addi %parallel_loop3A_520, %parallel_loop3A_550 : vector<16xi32>
      %parallel_loop3A_552 = tpu.vector_load_idx %arg8[%parallel_loop3A_551] : memref<16384xf32, #tpu.memory_space<vmem>>[vector<16xi32>], vector<16xf32>,
      %parallel_loop3A_553 = arith.constant 8 : i32
      %parallel_loop3A_554 = vector.broadcast %parallel_loop3A_553 : i32 to vector<16xi32>
      %parallel_loop3A_555 = arith.addi %parallel_loop3A_520, %parallel_loop3A_554 : vector<16xi32>
      %parallel_loop3A_556 = tpu.vector_load_idx %arg8[%parallel_loop3A_555] : memref<16384xf32, #tpu.memory_space<vmem>>[vector<16xi32>], vector<16xf32>,
      %parallel_loop3A_557 = arith.constant 9 : i32
      %parallel_loop3A_558 = vector.broadcast %parallel_loop3A_557 : i32 to vector<16xi32>
      %parallel_loop3A_559 = arith.addi %parallel_loop3A_520, %parallel_loop3A_558 : vector<16xi32>
      %parallel_loop3A_560 = tpu.vector_load_idx %arg8[%parallel_loop3A_559] : memref<16384xf32, #tpu.memory_space<vmem>>[vector<16xi32>], vector<16xf32>,
      %parallel_loop3A_561 = arith.constant 10 : i32
      %parallel_loop3A_562 = vector.broadcast %parallel_loop3A_561 : i32 to vector<16xi32>
      %parallel_loop3A_563 = arith.addi %parallel_loop3A_520, %parallel_loop3A_562 : vector<16xi32>
      %parallel_loop3A_564 = tpu.vector_load_idx %arg8[%parallel_loop3A_563] : memref<16384xf32, #tpu.memory_space<vmem>>[vector<16xi32>], vector<16xf32>,
      %parallel_loop3A_565 = arith.constant 11 : i32
      %parallel_loop3A_566 = vector.broadcast %parallel_loop3A_565 : i32 to vector<16xi32>
      %parallel_loop3A_567 = arith.addi %parallel_loop3A_520, %parallel_loop3A_566 : vector<16xi32>
      %parallel_loop3A_568 = tpu.vector_load_idx %arg8[%parallel_loop3A_567] : memref<16384xf32, #tpu.memory_space<vmem>>[vector<16xi32>], vector<16xf32>,
      %parallel_loop3A_569 = arith.constant 12 : i32
      %parallel_loop3A_570 = vector.broadcast %parallel_loop3A_569 : i32 to vector<16xi32>
      %parallel_loop3A_571 = arith.addi %parallel_loop3A_520, %parallel_loop3A_570 : vector<16xi32>
      %parallel_loop3A_572 = tpu.vector_load_idx %arg8[%parallel_loop3A_571] : memref<16384xf32, #tpu.memory_space<vmem>>[vector<16xi32>], vector<16xf32>,
      %parallel_loop3A_573 = arith.constant 13 : i32
      %parallel_loop3A_574 = vector.broadcast %parallel_loop3A_573 : i32 to vector<16xi32>
      %parallel_loop3A_575 = arith.addi %parallel_loop3A_520, %parallel_loop3A_574 : vector<16xi32>
      %parallel_loop3A_576 = tpu.vector_load_idx %arg8[%parallel_loop3A_575] : memref<16384xf32, #tpu.memory_space<vmem>>[vector<16xi32>], vector<16xf32>,
      %parallel_loop3A_577 = arith.constant 14 : i32
      %parallel_loop3A_578 = vector.broadcast %parallel_loop3A_577 : i32 to vector<16xi32>
      %parallel_loop3A_579 = arith.addi %parallel_loop3A_520, %parallel_loop3A_578 : vector<16xi32>
      %parallel_loop3A_580 = tpu.vector_load_idx %arg8[%parallel_loop3A_579] : memref<16384xf32, #tpu.memory_space<vmem>>[vector<16xi32>], vector<16xf32>,
      %parallel_loop3A_581 = arith.constant 15 : i32
      %parallel_loop3A_582 = vector.broadcast %parallel_loop3A_581 : i32 to vector<16xi32>
      %parallel_loop3A_583 = arith.addi %parallel_loop3A_520, %parallel_loop3A_582 : vector<16xi32>
      %parallel_loop3A_584 = tpu.vector_load_idx %arg8[%parallel_loop3A_583] : memref<16384xf32, #tpu.memory_space<vmem>>[vector<16xi32>], vector<16xf32>,
      %parallel_loop3A_585 = arith.maximumf %parallel_loop3A_524, %parallel_loop3A_528 : vector<16xf32>
      %parallel_loop3A_586 = arith.maximumf %parallel_loop3A_585, %parallel_loop3A_532 : vector<16xf32>
      %parallel_loop3A_587 = arith.maximumf %parallel_loop3A_586, %parallel_loop3A_536 : vector<16xf32>
      %parallel_loop3A_588 = arith.maximumf %parallel_loop3A_587, %parallel_loop3A_540 : vector<16xf32>
      %parallel_loop3A_589 = arith.maximumf %parallel_loop3A_588, %parallel_loop3A_544 : vector<16xf32>
      %parallel_loop3A_590 = arith.maximumf %parallel_loop3A_589, %parallel_loop3A_548 : vector<16xf32>
      %parallel_loop3A_591 = arith.maximumf %parallel_loop3A_590, %parallel_loop3A_552 : vector<16xf32>
      %parallel_loop3A_592 = arith.maximumf %parallel_loop3A_591, %parallel_loop3A_556 : vector<16xf32>
      %parallel_loop3A_593 = arith.maximumf %parallel_loop3A_592, %parallel_loop3A_560 : vector<16xf32>
      %parallel_loop3A_594 = arith.maximumf %parallel_loop3A_593, %parallel_loop3A_564 : vector<16xf32>
      %parallel_loop3A_595 = arith.maximumf %parallel_loop3A_594, %parallel_loop3A_568 : vector<16xf32>
      %parallel_loop3A_596 = arith.maximumf %parallel_loop3A_595, %parallel_loop3A_572 : vector<16xf32>
      %parallel_loop3A_597 = arith.maximumf %parallel_loop3A_596, %parallel_loop3A_576 : vector<16xf32>
      %parallel_loop3A_598 = arith.maximumf %parallel_loop3A_597, %parallel_loop3A_580 : vector<16xf32>
      %parallel_loop3A_599 = arith.maximumf %parallel_loop3A_598, %parallel_loop3A_584 : vector<16xf32>
      %parallel_loop3A_600 = arith.subf %parallel_loop3A_524, %parallel_loop3A_599 : vector<16xf32>
      %parallel_loop3A_601 = math.exp %parallel_loop3A_600 : vector<16xf32>
      %parallel_loop3A_602 = arith.subf %parallel_loop3A_528, %parallel_loop3A_599 : vector<16xf32>
      %parallel_loop3A_603 = math.exp %parallel_loop3A_602 : vector<16xf32>
      %parallel_loop3A_604 = arith.subf %parallel_loop3A_532, %parallel_loop3A_599 : vector<16xf32>
      %parallel_loop3A_605 = math.exp %parallel_loop3A_604 : vector<16xf32>
      %parallel_loop3A_606 = arith.subf %parallel_loop3A_536, %parallel_loop3A_599 : vector<16xf32>
      %parallel_loop3A_607 = math.exp %parallel_loop3A_606 : vector<16xf32>
      %parallel_loop3A_608 = arith.subf %parallel_loop3A_540, %parallel_loop3A_599 : vector<16xf32>
      %parallel_loop3A_609 = math.exp %parallel_loop3A_608 : vector<16xf32>
      %parallel_loop3A_610 = arith.subf %parallel_loop3A_544, %parallel_loop3A_599 : vector<16xf32>
      %parallel_loop3A_611 = math.exp %parallel_loop3A_610 : vector<16xf32>
      %parallel_loop3A_612 = arith.subf %parallel_loop3A_548, %parallel_loop3A_599 : vector<16xf32>
      %parallel_loop3A_613 = math.exp %parallel_loop3A_612 : vector<16xf32>
      %parallel_loop3A_614 = arith.subf %parallel_loop3A_552, %parallel_loop3A_599 : vector<16xf32>
      %parallel_loop3A_615 = math.exp %parallel_loop3A_614 : vector<16xf32>
      %parallel_loop3A_616 = arith.subf %parallel_loop3A_556, %parallel_loop3A_599 : vector<16xf32>
      %parallel_loop3A_617 = math.exp %parallel_loop3A_616 : vector<16xf32>
      %parallel_loop3A_618 = arith.subf %parallel_loop3A_560, %parallel_loop3A_599 : vector<16xf32>
      %parallel_loop3A_619 = math.exp %parallel_loop3A_618 : vector<16xf32>
      %parallel_loop3A_620 = arith.subf %parallel_loop3A_564, %parallel_loop3A_599 : vector<16xf32>
      %parallel_loop3A_621 = math.exp %parallel_loop3A_620 : vector<16xf32>
      %parallel_loop3A_622 = arith.subf %parallel_loop3A_568, %parallel_loop3A_599 : vector<16xf32>
      %parallel_loop3A_623 = math.exp %parallel_loop3A_622 : vector<16xf32>
      %parallel_loop3A_624 = arith.subf %parallel_loop3A_572, %parallel_loop3A_599 : vector<16xf32>
      %parallel_loop3A_625 = math.exp %parallel_loop3A_624 : vector<16xf32>
      %parallel_loop3A_626 = arith.subf %parallel_loop3A_576, %parallel_loop3A_599 : vector<16xf32>
      %parallel_loop3A_627 = math.exp %parallel_loop3A_626 : vector<16xf32>
      %parallel_loop3A_628 = arith.subf %parallel_loop3A_580, %parallel_loop3A_599 : vector<16xf32>
      %parallel_loop3A_629 = math.exp %parallel_loop3A_628 : vector<16xf32>
      %parallel_loop3A_630 = arith.subf %parallel_loop3A_584, %parallel_loop3A_599 : vector<16xf32>
      %parallel_loop3A_631 = math.exp %parallel_loop3A_630 : vector<16xf32>
      %parallel_loop3A_632 = arith.addf %parallel_loop3A_601, %parallel_loop3A_603 : vector<16xf32>
      %parallel_loop3A_633 = arith.addf %parallel_loop3A_632, %parallel_loop3A_605 : vector<16xf32>
      %parallel_loop3A_634 = arith.addf %parallel_loop3A_633, %parallel_loop3A_607 : vector<16xf32>
      %parallel_loop3A_635 = arith.addf %parallel_loop3A_634, %parallel_loop3A_609 : vector<16xf32>
      %parallel_loop3A_636 = arith.addf %parallel_loop3A_635, %parallel_loop3A_611 : vector<16xf32>
      %parallel_loop3A_637 = arith.addf %parallel_loop3A_636, %parallel_loop3A_613 : vector<16xf32>
      %parallel_loop3A_638 = arith.addf %parallel_loop3A_637, %parallel_loop3A_615 : vector<16xf32>
      %parallel_loop3A_639 = arith.addf %parallel_loop3A_638, %parallel_loop3A_617 : vector<16xf32>
      %parallel_loop3A_640 = arith.addf %parallel_loop3A_639, %parallel_loop3A_619 : vector<16xf32>
      %parallel_loop3A_641 = arith.addf %parallel_loop3A_640, %parallel_loop3A_621 : vector<16xf32>
      %parallel_loop3A_642 = arith.addf %parallel_loop3A_641, %parallel_loop3A_623 : vector<16xf32>
      %parallel_loop3A_643 = arith.addf %parallel_loop3A_642, %parallel_loop3A_625 : vector<16xf32>
      %parallel_loop3A_644 = arith.addf %parallel_loop3A_643, %parallel_loop3A_627 : vector<16xf32>
      %parallel_loop3A_645 = arith.addf %parallel_loop3A_644, %parallel_loop3A_629 : vector<16xf32>
      %parallel_loop3A_646 = arith.addf %parallel_loop3A_645, %parallel_loop3A_631 : vector<16xf32>
      %parallel_loop3A_647 = arith.constant 1.000000e+00 : f32
      %parallel_loop3A_648 = vector.broadcast %parallel_loop3A_647 : f32 to vector<16xf32>
      %parallel_loop3A_649 = arith.divf %parallel_loop3A_648, %parallel_loop3A_646 : vector<16xf32>
      %parallel_loop3A_650 = arith.mulf %parallel_loop3A_601, %parallel_loop3A_649 : vector<16xf32>
      %parallel_loop3A_651 = arith.mulf %parallel_loop3A_603, %parallel_loop3A_649 : vector<16xf32>
      %parallel_loop3A_652 = arith.mulf %parallel_loop3A_605, %parallel_loop3A_649 : vector<16xf32>
      %parallel_loop3A_653 = arith.mulf %parallel_loop3A_607, %parallel_loop3A_649 : vector<16xf32>
      %parallel_loop3A_654 = arith.mulf %parallel_loop3A_609, %parallel_loop3A_649 : vector<16xf32>
      %parallel_loop3A_655 = arith.mulf %parallel_loop3A_611, %parallel_loop3A_649 : vector<16xf32>
      %parallel_loop3A_656 = arith.mulf %parallel_loop3A_613, %parallel_loop3A_649 : vector<16xf32>
      %parallel_loop3A_657 = arith.mulf %parallel_loop3A_615, %parallel_loop3A_649 : vector<16xf32>
      %parallel_loop3A_658 = arith.mulf %parallel_loop3A_617, %parallel_loop3A_649 : vector<16xf32>
      %parallel_loop3A_659 = arith.mulf %parallel_loop3A_619, %parallel_loop3A_649 : vector<16xf32>
      %parallel_loop3A_660 = arith.mulf %parallel_loop3A_621, %parallel_loop3A_649 : vector<16xf32>
      %parallel_loop3A_661 = arith.mulf %parallel_loop3A_623, %parallel_loop3A_649 : vector<16xf32>
      %parallel_loop3A_662 = arith.mulf %parallel_loop3A_625, %parallel_loop3A_649 : vector<16xf32>
      %parallel_loop3A_663 = arith.mulf %parallel_loop3A_627, %parallel_loop3A_649 : vector<16xf32>
      %parallel_loop3A_664 = arith.mulf %parallel_loop3A_629, %parallel_loop3A_649 : vector<16xf32>
      %parallel_loop3A_665 = arith.mulf %parallel_loop3A_631, %parallel_loop3A_649 : vector<16xf32>
      %parallel_loop3A_666 = arith.addf %parallel_loop3A_658, %parallel_loop3A_659 : vector<16xf32>
      %parallel_loop3A_667 = arith.addf %parallel_loop3A_660, %parallel_loop3A_661 : vector<16xf32>
      %parallel_loop3A_668 = arith.addf %parallel_loop3A_666, %parallel_loop3A_667 : vector<16xf32>
      %parallel_loop3A_669 = arith.addf %parallel_loop3A_662, %parallel_loop3A_663 : vector<16xf32>
      %parallel_loop3A_670 = arith.addf %parallel_loop3A_664, %parallel_loop3A_665 : vector<16xf32>
      %parallel_loop3A_671 = arith.addf %parallel_loop3A_669, %parallel_loop3A_670 : vector<16xf32>
      %parallel_loop3A_672 = arith.addf %parallel_loop3A_668, %parallel_loop3A_671 : vector<16xf32>
      %parallel_loop3A_673 = arith.addf %parallel_loop3A_652, %parallel_loop3A_653 : vector<16xf32>
      %parallel_loop3A_674 = arith.addf %parallel_loop3A_656, %parallel_loop3A_657 : vector<16xf32>
      %parallel_loop3A_675 = arith.addf %parallel_loop3A_673, %parallel_loop3A_674 : vector<16xf32>
      %parallel_loop3A_676 = arith.addf %parallel_loop3A_658, %parallel_loop3A_659 : vector<16xf32>
      %parallel_loop3A_677 = arith.addf %parallel_loop3A_662, %parallel_loop3A_663 : vector<16xf32>
      %parallel_loop3A_678 = arith.addf %parallel_loop3A_676, %parallel_loop3A_677 : vector<16xf32>
      %parallel_loop3A_679 = arith.subf %parallel_loop3A_675, %parallel_loop3A_678 : vector<16xf32>
      %parallel_loop3A_680 = arith.addf %parallel_loop3A_654, %parallel_loop3A_655 : vector<16xf32>
      %parallel_loop3A_681 = arith.addf %parallel_loop3A_656, %parallel_loop3A_657 : vector<16xf32>
      %parallel_loop3A_682 = arith.addf %parallel_loop3A_680, %parallel_loop3A_681 : vector<16xf32>
      %parallel_loop3A_683 = arith.addf %parallel_loop3A_658, %parallel_loop3A_659 : vector<16xf32>
      %parallel_loop3A_684 = arith.addf %parallel_loop3A_660, %parallel_loop3A_661 : vector<16xf32>
      %parallel_loop3A_685 = arith.addf %parallel_loop3A_683, %parallel_loop3A_684 : vector<16xf32>
      %parallel_loop3A_686 = arith.subf %parallel_loop3A_682, %parallel_loop3A_685 : vector<16xf32>
      %parallel_loop3A_687 = arith.subf %parallel_loop3A_651, %parallel_loop3A_652 : vector<16xf32>
      %parallel_loop3A_688 = arith.addf %parallel_loop3A_654, %parallel_loop3A_657 : vector<16xf32>
      %parallel_loop3A_689 = arith.subf %parallel_loop3A_687, %parallel_loop3A_688 : vector<16xf32>
      %parallel_loop3A_690 = arith.addf %parallel_loop3A_658, %parallel_loop3A_661 : vector<16xf32>
      %parallel_loop3A_691 = arith.subf %parallel_loop3A_663, %parallel_loop3A_664 : vector<16xf32>
      %parallel_loop3A_692 = arith.addf %parallel_loop3A_690, %parallel_loop3A_691 : vector<16xf32>
      %parallel_loop3A_693 = arith.addf %parallel_loop3A_689, %parallel_loop3A_692 : vector<16xf32>
      %parallel_loop3A_694 = arith.subf %parallel_loop3A_659, %parallel_loop3A_656 : vector<16xf32>
      %parallel_loop3A_695 = arith.constant 2.000000e+00 : f32
      %parallel_loop3A_696 = vector.broadcast %parallel_loop3A_695 : f32 to vector<16xf32>
      %parallel_loop3A_697 = arith.mulf %parallel_loop3A_696, %parallel_loop3A_694 : vector<16xf32>
      %parallel_loop3A_698 = arith.addf %parallel_loop3A_693, %parallel_loop3A_697 : vector<16xf32>
      %parallel_loop3A_699 = arith.constant 0 : i32
      %parallel_loop3A_700 = arith.addi %parallel_loop3A_699, %parallel_loop3A_516 : i32
      %parallel_loop3A_701 = arith.index_cast %parallel_loop3A_700 : i32 to index
      %parallel_loop3A_702 = tpu.vector_load %arg9[%parallel_loop3A_701] {strides = array<i32>} : memref<16384xf32, #tpu.memory_space<vmem>>, vector<16xf32>,
      tpu.vector_store %arg9[%parallel_loop3A_701], %parallel_loop3A_672 {strides = array<i32>} : memref<16384xf32, #tpu.memory_space<vmem>>, vector<16xf32>,
      %parallel_loop3A_703 = arith.constant 1024 : i32
      %parallel_loop3A_704 = arith.addi %parallel_loop3A_703, %parallel_loop3A_516 : i32
      %parallel_loop3A_705 = arith.index_cast %parallel_loop3A_704 : i32 to index
      %parallel_loop3A_706 = tpu.vector_load %arg9[%parallel_loop3A_705] {strides = array<i32>} : memref<16384xf32, #tpu.memory_space<vmem>>, vector<16xf32>,
      tpu.vector_store %arg9[%parallel_loop3A_705], %parallel_loop3A_679 {strides = array<i32>} : memref<16384xf32, #tpu.memory_space<vmem>>, vector<16xf32>,
      %parallel_loop3A_707 = arith.constant 2048 : i32
      %parallel_loop3A_708 = arith.addi %parallel_loop3A_707, %parallel_loop3A_516 : i32
      %parallel_loop3A_709 = arith.index_cast %parallel_loop3A_708 : i32 to index
      %parallel_loop3A_710 = tpu.vector_load %arg9[%parallel_loop3A_709] {strides = array<i32>} : memref<16384xf32, #tpu.memory_space<vmem>>, vector<16xf32>,
      tpu.vector_store %arg9[%parallel_loop3A_709], %parallel_loop3A_686 {strides = array<i32>} : memref<16384xf32, #tpu.memory_space<vmem>>, vector<16xf32>,
      %parallel_loop3A_711 = arith.constant 3072 : i32
      %parallel_loop3A_712 = arith.addi %parallel_loop3A_711, %parallel_loop3A_516 : i32
      %parallel_loop3A_713 = arith.index_cast %parallel_loop3A_712 : i32 to index
      %parallel_loop3A_714 = tpu.vector_load %arg9[%parallel_loop3A_713] {strides = array<i32>} : memref<16384xf32, #tpu.memory_space<vmem>>, vector<16xf32>,
      tpu.vector_store %arg9[%parallel_loop3A_713], %parallel_loop3A_698 {strides = array<i32>} : memref<16384xf32, #tpu.memory_space<vmem>>, vector<16xf32>,
    } {sc.loop_unroll_factor = 2 : i64, sc.parallel_access}
    %mul3A_64 = arith.constant 1024 : i32
    %mul3A_65 = arith.muli %arg1, %mul3A_64 : i32
    %add3A_66 = arith.constant 0 : i32
    %add3A_67 = arith.addi %add3A_66, %mul3A_65 : i32
    "tpu.region"() ({
      %run_scoped3A = tpu.sem_alloc : memref<!tpu.dma_semaphore, #tpu.memory_space<semaphore_mem>>
      %dma_start3A_516 = arith.constant 0 : i32
      %dma_start3A_517 = tpu.memref_slice %arg9[%dma_start3A_516] : memref<16384xf32, #tpu.memory_space<vmem>> -> memref<1024xf32, #tpu.memory_space<vmem>>
      %dma_start3A_518 = tpu.memref_slice %arg11[%add3A_67] : memref<65536xf32, #tpu.memory_space<vmem_shared>> -> memref<1024xf32, #tpu.memory_space<vmem_shared>>
      %dma_start3A_519 = tpu.memref_slice %arg11[%add3A_67] : memref<65536xf32, #tpu.memory_space<vmem_shared>> -> memref<1024xf32, #tpu.memory_space<vmem_shared>>
      %dma_start3A_520 = arith.constant 0 : i32
      %dma_start3A_521 = tpu.memref_slice %arg9[%dma_start3A_520] : memref<16384xf32, #tpu.memory_space<vmem>> -> memref<1024xf32, #tpu.memory_space<vmem>>
      tpu.enqueue_dma source(%dma_start3A_521 : memref<1024xf32, #tpu.memory_space<vmem>>) target(%dma_start3A_519 : memref<1024xf32, #tpu.memory_space<vmem_shared>>) target_semaphore(%run_scoped3A : memref<!tpu.dma_semaphore, #tpu.memory_space<semaphore_mem>>)
      %dma_wait3A_522 = arith.constant 0 : i32
      %dma_wait3A_523 = tpu.memref_slice %arg9[%dma_wait3A_522] : memref<16384xf32, #tpu.memory_space<vmem>> -> memref<1024xf32, #tpu.memory_space<vmem>>
      %dma_wait3A_524 = tpu.memref_slice %arg11[%add3A_67] : memref<65536xf32, #tpu.memory_space<vmem_shared>> -> memref<1024xf32, #tpu.memory_space<vmem_shared>>
      %dma_wait3A_525 = tpu.memref_slice %arg11[%add3A_67] : memref<65536xf32, #tpu.memory_space<vmem_shared>> -> memref<1024xf32, #tpu.memory_space<vmem_shared>>
      %dma_wait3A_526 = arith.constant 0 : i32
      %dma_wait3A_527 = tpu.memref_slice %arg9[%dma_wait3A_526] : memref<16384xf32, #tpu.memory_space<vmem>> -> memref<1024xf32, #tpu.memory_space<vmem>>
      tpu.wait_dma2 semaphore(%run_scoped3A : memref<!tpu.dma_semaphore, #tpu.memory_space<semaphore_mem>>) src(%dma_wait3A_527 : memref<1024xf32, #tpu.memory_space<vmem>>) dst(%dma_wait3A_525 : memref<1024xf32, #tpu.memory_space<vmem_shared>>)
      tpu.yield
    }) : () -> ()
    %mul3A_68 = arith.constant 1024 : i32
    %mul3A_69 = arith.muli %arg1, %mul3A_68 : i32
    %add3A_70 = arith.constant 16384 : i32
    %add3A_71 = arith.addi %add3A_70, %mul3A_69 : i32
    "tpu.region"() ({
      %run_scoped3A = tpu.sem_alloc : memref<!tpu.dma_semaphore, #tpu.memory_space<semaphore_mem>>
      %dma_start3A_516 = arith.constant 1024 : i32
      %dma_start3A_517 = tpu.memref_slice %arg9[%dma_start3A_516] : memref<16384xf32, #tpu.memory_space<vmem>> -> memref<1024xf32, #tpu.memory_space<vmem>>
      %dma_start3A_518 = tpu.memref_slice %arg11[%add3A_71] : memref<65536xf32, #tpu.memory_space<vmem_shared>> -> memref<1024xf32, #tpu.memory_space<vmem_shared>>
      %dma_start3A_519 = tpu.memref_slice %arg11[%add3A_71] : memref<65536xf32, #tpu.memory_space<vmem_shared>> -> memref<1024xf32, #tpu.memory_space<vmem_shared>>
      %dma_start3A_520 = arith.constant 1024 : i32
      %dma_start3A_521 = tpu.memref_slice %arg9[%dma_start3A_520] : memref<16384xf32, #tpu.memory_space<vmem>> -> memref<1024xf32, #tpu.memory_space<vmem>>
      tpu.enqueue_dma source(%dma_start3A_521 : memref<1024xf32, #tpu.memory_space<vmem>>) target(%dma_start3A_519 : memref<1024xf32, #tpu.memory_space<vmem_shared>>) target_semaphore(%run_scoped3A : memref<!tpu.dma_semaphore, #tpu.memory_space<semaphore_mem>>)
      %dma_wait3A_522 = arith.constant 1024 : i32
      %dma_wait3A_523 = tpu.memref_slice %arg9[%dma_wait3A_522] : memref<16384xf32, #tpu.memory_space<vmem>> -> memref<1024xf32, #tpu.memory_space<vmem>>
      %dma_wait3A_524 = tpu.memref_slice %arg11[%add3A_71] : memref<65536xf32, #tpu.memory_space<vmem_shared>> -> memref<1024xf32, #tpu.memory_space<vmem_shared>>
      %dma_wait3A_525 = tpu.memref_slice %arg11[%add3A_71] : memref<65536xf32, #tpu.memory_space<vmem_shared>> -> memref<1024xf32, #tpu.memory_space<vmem_shared>>
      %dma_wait3A_526 = arith.constant 1024 : i32
      %dma_wait3A_527 = tpu.memref_slice %arg9[%dma_wait3A_526] : memref<16384xf32, #tpu.memory_space<vmem>> -> memref<1024xf32, #tpu.memory_space<vmem>>
      tpu.wait_dma2 semaphore(%run_scoped3A : memref<!tpu.dma_semaphore, #tpu.memory_space<semaphore_mem>>) src(%dma_wait3A_527 : memref<1024xf32, #tpu.memory_space<vmem>>) dst(%dma_wait3A_525 : memref<1024xf32, #tpu.memory_space<vmem_shared>>)
      tpu.yield
    }) : () -> ()
    %mul3A_72 = arith.constant 1024 : i32
    %mul3A_73 = arith.muli %arg1, %mul3A_72 : i32
    %add3A_74 = arith.constant 32768 : i32
    %add3A_75 = arith.addi %add3A_74, %mul3A_73 : i32
    "tpu.region"() ({
      %run_scoped3A = tpu.sem_alloc : memref<!tpu.dma_semaphore, #tpu.memory_space<semaphore_mem>>
      %dma_start3A_516 = arith.constant 2048 : i32
      %dma_start3A_517 = tpu.memref_slice %arg9[%dma_start3A_516] : memref<16384xf32, #tpu.memory_space<vmem>> -> memref<1024xf32, #tpu.memory_space<vmem>>
      %dma_start3A_518 = tpu.memref_slice %arg11[%add3A_75] : memref<65536xf32, #tpu.memory_space<vmem_shared>> -> memref<1024xf32, #tpu.memory_space<vmem_shared>>
      %dma_start3A_519 = tpu.memref_slice %arg11[%add3A_75] : memref<65536xf32, #tpu.memory_space<vmem_shared>> -> memref<1024xf32, #tpu.memory_space<vmem_shared>>
      %dma_start3A_520 = arith.constant 2048 : i32
      %dma_start3A_521 = tpu.memref_slice %arg9[%dma_start3A_520] : memref<16384xf32, #tpu.memory_space<vmem>> -> memref<1024xf32, #tpu.memory_space<vmem>>
      tpu.enqueue_dma source(%dma_start3A_521 : memref<1024xf32, #tpu.memory_space<vmem>>) target(%dma_start3A_519 : memref<1024xf32, #tpu.memory_space<vmem_shared>>) target_semaphore(%run_scoped3A : memref<!tpu.dma_semaphore, #tpu.memory_space<semaphore_mem>>)
      %dma_wait3A_522 = arith.constant 2048 : i32
      %dma_wait3A_523 = tpu.memref_slice %arg9[%dma_wait3A_522] : memref<16384xf32, #tpu.memory_space<vmem>> -> memref<1024xf32, #tpu.memory_space<vmem>>
      %dma_wait3A_524 = tpu.memref_slice %arg11[%add3A_75] : memref<65536xf32, #tpu.memory_space<vmem_shared>> -> memref<1024xf32, #tpu.memory_space<vmem_shared>>
      %dma_wait3A_525 = tpu.memref_slice %arg11[%add3A_75] : memref<65536xf32, #tpu.memory_space<vmem_shared>> -> memref<1024xf32, #tpu.memory_space<vmem_shared>>
      %dma_wait3A_526 = arith.constant 2048 : i32
      %dma_wait3A_527 = tpu.memref_slice %arg9[%dma_wait3A_526] : memref<16384xf32, #tpu.memory_space<vmem>> -> memref<1024xf32, #tpu.memory_space<vmem>>
      tpu.wait_dma2 semaphore(%run_scoped3A : memref<!tpu.dma_semaphore, #tpu.memory_space<semaphore_mem>>) src(%dma_wait3A_527 : memref<1024xf32, #tpu.memory_space<vmem>>) dst(%dma_wait3A_525 : memref<1024xf32, #tpu.memory_space<vmem_shared>>)
      tpu.yield
    }) : () -> ()
    %mul3A_76 = arith.constant 1024 : i32
    %mul3A_77 = arith.muli %arg1, %mul3A_76 : i32
    %add3A_78 = arith.constant 49152 : i32
    %add3A_79 = arith.addi %add3A_78, %mul3A_77 : i32
    "tpu.region"() ({
      %run_scoped3A = tpu.sem_alloc : memref<!tpu.dma_semaphore, #tpu.memory_space<semaphore_mem>>
      %dma_start3A_516 = arith.constant 3072 : i32
      %dma_start3A_517 = tpu.memref_slice %arg9[%dma_start3A_516] : memref<16384xf32, #tpu.memory_space<vmem>> -> memref<1024xf32, #tpu.memory_space<vmem>>
      %dma_start3A_518 = tpu.memref_slice %arg11[%add3A_79] : memref<65536xf32, #tpu.memory_space<vmem_shared>> -> memref<1024xf32, #tpu.memory_space<vmem_shared>>
      %dma_start3A_519 = tpu.memref_slice %arg11[%add3A_79] : memref<65536xf32, #tpu.memory_space<vmem_shared>> -> memref<1024xf32, #tpu.memory_space<vmem_shared>>
      %dma_start3A_520 = arith.constant 3072 : i32
      %dma_start3A_521 = tpu.memref_slice %arg9[%dma_start3A_520] : memref<16384xf32, #tpu.memory_space<vmem>> -> memref<1024xf32, #tpu.memory_space<vmem>>
      tpu.enqueue_dma source(%dma_start3A_521 : memref<1024xf32, #tpu.memory_space<vmem>>) target(%dma_start3A_519 : memref<1024xf32, #tpu.memory_space<vmem_shared>>) target_semaphore(%run_scoped3A : memref<!tpu.dma_semaphore, #tpu.memory_space<semaphore_mem>>)
      %dma_wait3A_522 = arith.constant 3072 : i32
      %dma_wait3A_523 = tpu.memref_slice %arg9[%dma_wait3A_522] : memref<16384xf32, #tpu.memory_space<vmem>> -> memref<1024xf32, #tpu.memory_space<vmem>>
      %dma_wait3A_524 = tpu.memref_slice %arg11[%add3A_79] : memref<65536xf32, #tpu.memory_space<vmem_shared>> -> memref<1024xf32, #tpu.memory_space<vmem_shared>>
      %dma_wait3A_525 = tpu.memref_slice %arg11[%add3A_79] : memref<65536xf32, #tpu.memory_space<vmem_shared>> -> memref<1024xf32, #tpu.memory_space<vmem_shared>>
      %dma_wait3A_526 = arith.constant 3072 : i32
      %dma_wait3A_527 = tpu.memref_slice %arg9[%dma_wait3A_526] : memref<16384xf32, #tpu.memory_space<vmem>> -> memref<1024xf32, #tpu.memory_space<vmem>>
      tpu.wait_dma2 semaphore(%run_scoped3A : memref<!tpu.dma_semaphore, #tpu.memory_space<semaphore_mem>>) src(%dma_wait3A_527 : memref<1024xf32, #tpu.memory_space<vmem>>) dst(%dma_wait3A_525 : memref<1024xf32, #tpu.memory_space<vmem_shared>>)
      tpu.yield
    }) : () -> ()
    %eq3A_80 = arith.constant 0 : i32
    %eq3A_81 = arith.cmpi eq, %arg1, %eq3A_80 : i32
    %convert_element_type3A_82 = arith.extui %eq3A_81 : i1 to i32
    %cond3A_83 = arith.constant 0 : i32
    %cond3A_84 = arith.cmpi ne, %convert_element_type3A_82, %cond3A_83 : i32
    scf.if %cond3A_84 {
      %dma_wait3A_516 = arith.constant 0 : i32
      %dma_wait3A_517 = arith.constant 0 : i32
      %dma_wait3A_518 = tpu.memref_slice %arg10[%dma_wait3A_517] : memref<32768xi32, #tpu.memory_space<vmem_shared>> -> memref<16384xi32, #tpu.memory_space<vmem_shared>>
      %dma_wait3A_519 = arith.constant 0 : i32
      %dma_wait3A_520 = tpu.memref_slice %arg3[%dma_wait3A_516, %dma_wait3A_519] : memref<2x16384xi32, #tpu.memory_space<hbm>> -> memref<1x16384xi32, #tpu.memory_space<hbm>>
      %dma_wait3A_521 = tpu.memref_squeeze %dma_wait3A_520 : memref<1x16384xi32, #tpu.memory_space<hbm>> -> memref<16384xi32, #tpu.memory_space<hbm>>
      tpu.wait_dma2 semaphore(%arg14 : memref<!tpu.dma_semaphore, #tpu.memory_space<semaphore_mem>>) src(%dma_wait3A_521 : memref<16384xi32, #tpu.memory_space<hbm>>) dst(%dma_wait3A_518 : memref<16384xi32, #tpu.memory_space<vmem_shared>>)
      %dma_wait3A_522 = arith.constant 1 : i32
      %dma_wait3A_523 = arith.constant 16384 : i32
      %dma_wait3A_524 = tpu.memref_slice %arg10[%dma_wait3A_523] : memref<32768xi32, #tpu.memory_space<vmem_shared>> -> memref<16384xi32, #tpu.memory_space<vmem_shared>>
      %dma_wait3A_525 = arith.constant 0 : i32
      %dma_wait3A_526 = tpu.memref_slice %arg3[%dma_wait3A_522, %dma_wait3A_525] : memref<2x16384xi32, #tpu.memory_space<hbm>> -> memref<1x16384xi32, #tpu.memory_space<hbm>>
      %dma_wait3A_527 = tpu.memref_squeeze %dma_wait3A_526 : memref<1x16384xi32, #tpu.memory_space<hbm>> -> memref<16384xi32, #tpu.memory_space<hbm>>
      tpu.wait_dma2 semaphore(%arg14 : memref<!tpu.dma_semaphore, #tpu.memory_space<semaphore_mem>>) src(%dma_wait3A_527 : memref<16384xi32, #tpu.memory_space<hbm>>) dst(%dma_wait3A_524 : memref<16384xi32, #tpu.memory_space<vmem_shared>>)
    } else {
    }
    %barrier3A = arith.constant 0 : index
    tpu.barrier barrier_id(%barrier3A)
    %dma_start3A_85 = arith.constant 0 : i32
    %dma_start3A_86 = tpu.memref_slice %arg7[%dma_start3A_85] : memref<8192xi32, #tpu.memory_space<vmem>> -> memref<2048xi32, #tpu.memory_space<vmem>>
    %dma_start3A_87 = arith.constant 0 : i32
    %dma_start3A_88 = tpu.memref_slice %arg10[%dma_start3A_87] : memref<32768xi32, #tpu.memory_space<vmem_shared>> -> memref<2048xi32, #tpu.memory_space<vmem_shared>>
    %dma_start3A_89 = arith.constant 0 : i32
    %dma_start3A_90 = tpu.memref_slice %arg7[%dma_start3A_89] : memref<8192xi32, #tpu.memory_space<vmem>> -> memref<2048xi32, #tpu.memory_space<vmem>>
    %dma_start3A_91 = arith.constant 0 : i32
    %dma_start3A_92 = tpu.memref_slice %arg10[%dma_start3A_91] : memref<32768xi32, #tpu.memory_space<vmem_shared>> -> memref<2048xi32, #tpu.memory_space<vmem_shared>>
    tpu.enqueue_dma source(%dma_start3A_92 : memref<2048xi32, #tpu.memory_space<vmem_shared>>) target(%dma_start3A_90 : memref<2048xi32, #tpu.memory_space<vmem>>) target_semaphore(%arg14 : memref<!tpu.dma_semaphore, #tpu.memory_space<semaphore_mem>>)
    %dma_start3A_93 = arith.constant 2048 : i32
    %dma_start3A_94 = tpu.memref_slice %arg7[%dma_start3A_93] : memref<8192xi32, #tpu.memory_space<vmem>> -> memref<2048xi32, #tpu.memory_space<vmem>>
    %dma_start3A_95 = arith.constant 16384 : i32
    %dma_start3A_96 = tpu.memref_slice %arg10[%dma_start3A_95] : memref<32768xi32, #tpu.memory_space<vmem_shared>> -> memref<2048xi32, #tpu.memory_space<vmem_shared>>
    %dma_start3A_97 = arith.constant 2048 : i32
    %dma_start3A_98 = tpu.memref_slice %arg7[%dma_start3A_97] : memref<8192xi32, #tpu.memory_space<vmem>> -> memref<2048xi32, #tpu.memory_space<vmem>>
    %dma_start3A_99 = arith.constant 16384 : i32
    %dma_start3A_100 = tpu.memref_slice %arg10[%dma_start3A_99] : memref<32768xi32, #tpu.memory_space<vmem_shared>> -> memref<2048xi32, #tpu.memory_space<vmem_shared>>
    tpu.enqueue_dma source(%dma_start3A_100 : memref<2048xi32, #tpu.memory_space<vmem_shared>>) target(%dma_start3A_98 : memref<2048xi32, #tpu.memory_space<vmem>>) target_semaphore(%arg14 : memref<!tpu.dma_semaphore, #tpu.memory_space<semaphore_mem>>)
    %dma_start3A_101 = arith.constant 0 : i32
    %dma_start3A_102 = tpu.memref_slice %arg8[%dma_start3A_101] : memref<16384xf32, #tpu.memory_space<vmem>> -> memref<2048xf32, #tpu.memory_space<vmem>>
    %dma_start3A_103 = arith.constant 0 : i32
    %dma_start3A_104 = tpu.memref_slice %arg11[%dma_start3A_103] : memref<65536xf32, #tpu.memory_space<vmem_shared>> -> memref<2048xf32, #tpu.memory_space<vmem_shared>>
    %dma_start3A_105 = arith.constant 0 : i32
    %dma_start3A_106 = tpu.memref_slice %arg8[%dma_start3A_105] : memref<16384xf32, #tpu.memory_space<vmem>> -> memref<2048xf32, #tpu.memory_space<vmem>>
    %dma_start3A_107 = arith.constant 0 : i32
    %dma_start3A_108 = tpu.memref_slice %arg11[%dma_start3A_107] : memref<65536xf32, #tpu.memory_space<vmem_shared>> -> memref<2048xf32, #tpu.memory_space<vmem_shared>>
    tpu.enqueue_dma source(%dma_start3A_108 : memref<2048xf32, #tpu.memory_space<vmem_shared>>) target(%dma_start3A_106 : memref<2048xf32, #tpu.memory_space<vmem>>) target_semaphore(%arg14 : memref<!tpu.dma_semaphore, #tpu.memory_space<semaphore_mem>>)
    %dma_start3A_109 = arith.constant 2048 : i32
    %dma_start3A_110 = tpu.memref_slice %arg8[%dma_start3A_109] : memref<16384xf32, #tpu.memory_space<vmem>> -> memref<2048xf32, #tpu.memory_space<vmem>>
    %dma_start3A_111 = arith.constant 16384 : i32
    %dma_start3A_112 = tpu.memref_slice %arg11[%dma_start3A_111] : memref<65536xf32, #tpu.memory_space<vmem_shared>> -> memref<2048xf32, #tpu.memory_space<vmem_shared>>
    %dma_start3A_113 = arith.constant 2048 : i32
    %dma_start3A_114 = tpu.memref_slice %arg8[%dma_start3A_113] : memref<16384xf32, #tpu.memory_space<vmem>> -> memref<2048xf32, #tpu.memory_space<vmem>>
    %dma_start3A_115 = arith.constant 16384 : i32
    %dma_start3A_116 = tpu.memref_slice %arg11[%dma_start3A_115] : memref<65536xf32, #tpu.memory_space<vmem_shared>> -> memref<2048xf32, #tpu.memory_space<vmem_shared>>
    tpu.enqueue_dma source(%dma_start3A_116 : memref<2048xf32, #tpu.memory_space<vmem_shared>>) target(%dma_start3A_114 : memref<2048xf32, #tpu.memory_space<vmem>>) target_semaphore(%arg14 : memref<!tpu.dma_semaphore, #tpu.memory_space<semaphore_mem>>)
    %dma_start3A_117 = arith.constant 4096 : i32
    %dma_start3A_118 = tpu.memref_slice %arg8[%dma_start3A_117] : memref<16384xf32, #tpu.memory_space<vmem>> -> memref<2048xf32, #tpu.memory_space<vmem>>
    %dma_start3A_119 = arith.constant 32768 : i32
    %dma_start3A_120 = tpu.memref_slice %arg11[%dma_start3A_119] : memref<65536xf32, #tpu.memory_space<vmem_shared>> -> memref<2048xf32, #tpu.memory_space<vmem_shared>>
    %dma_start3A_121 = arith.constant 4096 : i32
    %dma_start3A_122 = tpu.memref_slice %arg8[%dma_start3A_121] : memref<16384xf32, #tpu.memory_space<vmem>> -> memref<2048xf32, #tpu.memory_space<vmem>>
    %dma_start3A_123 = arith.constant 32768 : i32
    %dma_start3A_124 = tpu.memref_slice %arg11[%dma_start3A_123] : memref<65536xf32, #tpu.memory_space<vmem_shared>> -> memref<2048xf32, #tpu.memory_space<vmem_shared>>
    tpu.enqueue_dma source(%dma_start3A_124 : memref<2048xf32, #tpu.memory_space<vmem_shared>>) target(%dma_start3A_122 : memref<2048xf32, #tpu.memory_space<vmem>>) target_semaphore(%arg14 : memref<!tpu.dma_semaphore, #tpu.memory_space<semaphore_mem>>)
    %dma_start3A_125 = arith.constant 6144 : i32
    %dma_start3A_126 = tpu.memref_slice %arg8[%dma_start3A_125] : memref<16384xf32, #tpu.memory_space<vmem>> -> memref<2048xf32, #tpu.memory_space<vmem>>
    %dma_start3A_127 = arith.constant 49152 : i32
    %dma_start3A_128 = tpu.memref_slice %arg11[%dma_start3A_127] : memref<65536xf32, #tpu.memory_space<vmem_shared>> -> memref<2048xf32, #tpu.memory_space<vmem_shared>>
    %dma_start3A_129 = arith.constant 6144 : i32
    %dma_start3A_130 = tpu.memref_slice %arg8[%dma_start3A_129] : memref<16384xf32, #tpu.memory_space<vmem>> -> memref<2048xf32, #tpu.memory_space<vmem>>
    %dma_start3A_131 = arith.constant 49152 : i32
    %dma_start3A_132 = tpu.memref_slice %arg11[%dma_start3A_131] : memref<65536xf32, #tpu.memory_space<vmem_shared>> -> memref<2048xf32, #tpu.memory_space<vmem_shared>>
    tpu.enqueue_dma source(%dma_start3A_132 : memref<2048xf32, #tpu.memory_space<vmem_shared>>) target(%dma_start3A_130 : memref<2048xf32, #tpu.memory_space<vmem>>) target_semaphore(%arg14 : memref<!tpu.dma_semaphore, #tpu.memory_space<semaphore_mem>>)
    %add3A_133 = arith.constant 0 : i32
    %add3A_134 = arith.addi %mul3A_2, %add3A_133 : i32
    %dma_wait3A_135 = arith.constant 0 : i32
    %dma_wait3A_136 = tpu.memref_slice %arg6[%dma_wait3A_135] : memref<65536xf32, #tpu.memory_space<vmem>> -> memref<16384xf32, #tpu.memory_space<vmem>>
    %dma_wait3A_137 = arith.constant 0 : i32
    %dma_wait3A_138 = tpu.memref_slice %arg2[%add3A_4, %dma_wait3A_137] : memref<256x16384xf32, #tpu.memory_space<hbm>> -> memref<1x16384xf32, #tpu.memory_space<hbm>>
    %dma_wait3A_139 = tpu.memref_squeeze %dma_wait3A_138 : memref<1x16384xf32, #tpu.memory_space<hbm>> -> memref<16384xf32, #tpu.memory_space<hbm>>
    %dma_wait3A_140 = arith.constant 0 : i32
    %dma_wait3A_141 = tpu.memref_slice %arg6[%dma_wait3A_140] : memref<65536xf32, #tpu.memory_space<vmem>> -> memref<16384xf32, #tpu.memory_space<vmem>>
    %dma_wait3A_142 = arith.constant 0 : i32
    %dma_wait3A_143 = tpu.memref_slice %arg2[%add3A_4, %dma_wait3A_142] : memref<256x16384xf32, #tpu.memory_space<hbm>> -> memref<1x16384xf32, #tpu.memory_space<hbm>>
    %dma_wait3A_144 = tpu.memref_squeeze %dma_wait3A_143 : memref<1x16384xf32, #tpu.memory_space<hbm>> -> memref<16384xf32, #tpu.memory_space<hbm>>
    tpu.wait_dma2 semaphore(%arg12 : memref<!tpu.dma_semaphore, #tpu.memory_space<semaphore_mem>>) src(%dma_wait3A_144 : memref<16384xf32, #tpu.memory_space<hbm>>) dst(%dma_wait3A_141 : memref<16384xf32, #tpu.memory_space<vmem>>)
    %dma_wait3A_145 = arith.constant 16384 : i32
    %dma_wait3A_146 = tpu.memref_slice %arg6[%dma_wait3A_145] : memref<65536xf32, #tpu.memory_space<vmem>> -> memref<16384xf32, #tpu.memory_space<vmem>>
    %dma_wait3A_147 = arith.constant 0 : i32
    %dma_wait3A_148 = tpu.memref_slice %arg2[%add3A_15, %dma_wait3A_147] : memref<256x16384xf32, #tpu.memory_space<hbm>> -> memref<1x16384xf32, #tpu.memory_space<hbm>>
    %dma_wait3A_149 = tpu.memref_squeeze %dma_wait3A_148 : memref<1x16384xf32, #tpu.memory_space<hbm>> -> memref<16384xf32, #tpu.memory_space<hbm>>
    %dma_wait3A_150 = arith.constant 16384 : i32
    %dma_wait3A_151 = tpu.memref_slice %arg6[%dma_wait3A_150] : memref<65536xf32, #tpu.memory_space<vmem>> -> memref<16384xf32, #tpu.memory_space<vmem>>
    %dma_wait3A_152 = arith.constant 0 : i32
    %dma_wait3A_153 = tpu.memref_slice %arg2[%add3A_15, %dma_wait3A_152] : memref<256x16384xf32, #tpu.memory_space<hbm>> -> memref<1x16384xf32, #tpu.memory_space<hbm>>
    %dma_wait3A_154 = tpu.memref_squeeze %dma_wait3A_153 : memref<1x16384xf32, #tpu.memory_space<hbm>> -> memref<16384xf32, #tpu.memory_space<hbm>>
    tpu.wait_dma2 semaphore(%arg12 : memref<!tpu.dma_semaphore, #tpu.memory_space<semaphore_mem>>) src(%dma_wait3A_154 : memref<16384xf32, #tpu.memory_space<hbm>>) dst(%dma_wait3A_151 : memref<16384xf32, #tpu.memory_space<vmem>>)
    %dma_wait3A_155 = arith.constant 32768 : i32
    %dma_wait3A_156 = tpu.memref_slice %arg6[%dma_wait3A_155] : memref<65536xf32, #tpu.memory_space<vmem>> -> memref<16384xf32, #tpu.memory_space<vmem>>
    %dma_wait3A_157 = arith.constant 0 : i32
    %dma_wait3A_158 = tpu.memref_slice %arg2[%add3A_27, %dma_wait3A_157] : memref<256x16384xf32, #tpu.memory_space<hbm>> -> memref<1x16384xf32, #tpu.memory_space<hbm>>
    %dma_wait3A_159 = tpu.memref_squeeze %dma_wait3A_158 : memref<1x16384xf32, #tpu.memory_space<hbm>> -> memref<16384xf32, #tpu.memory_space<hbm>>
    %dma_wait3A_160 = arith.constant 32768 : i32
    %dma_wait3A_161 = tpu.memref_slice %arg6[%dma_wait3A_160] : memref<65536xf32, #tpu.memory_space<vmem>> -> memref<16384xf32, #tpu.memory_space<vmem>>
    %dma_wait3A_162 = arith.constant 0 : i32
    %dma_wait3A_163 = tpu.memref_slice %arg2[%add3A_27, %dma_wait3A_162] : memref<256x16384xf32, #tpu.memory_space<hbm>> -> memref<1x16384xf32, #tpu.memory_space<hbm>>
    %dma_wait3A_164 = tpu.memref_squeeze %dma_wait3A_163 : memref<1x16384xf32, #tpu.memory_space<hbm>> -> memref<16384xf32, #tpu.memory_space<hbm>>
    tpu.wait_dma2 semaphore(%arg12 : memref<!tpu.dma_semaphore, #tpu.memory_space<semaphore_mem>>) src(%dma_wait3A_164 : memref<16384xf32, #tpu.memory_space<hbm>>) dst(%dma_wait3A_161 : memref<16384xf32, #tpu.memory_space<vmem>>)
    %dma_wait3A_165 = arith.constant 49152 : i32
    %dma_wait3A_166 = tpu.memref_slice %arg6[%dma_wait3A_165] : memref<65536xf32, #tpu.memory_space<vmem>> -> memref<16384xf32, #tpu.memory_space<vmem>>
    %dma_wait3A_167 = arith.constant 0 : i32
    %dma_wait3A_168 = tpu.memref_slice %arg2[%add3A_39, %dma_wait3A_167] : memref<256x16384xf32, #tpu.memory_space<hbm>> -> memref<1x16384xf32, #tpu.memory_space<hbm>>
    %dma_wait3A_169 = tpu.memref_squeeze %dma_wait3A_168 : memref<1x16384xf32, #tpu.memory_space<hbm>> -> memref<16384xf32, #tpu.memory_space<hbm>>
    %dma_wait3A_170 = arith.constant 49152 : i32
    %dma_wait3A_171 = tpu.memref_slice %arg6[%dma_wait3A_170] : memref<65536xf32, #tpu.memory_space<vmem>> -> memref<16384xf32, #tpu.memory_space<vmem>>
    %dma_wait3A_172 = arith.constant 0 : i32
    %dma_wait3A_173 = tpu.memref_slice %arg2[%add3A_39, %dma_wait3A_172] : memref<256x16384xf32, #tpu.memory_space<hbm>> -> memref<1x16384xf32, #tpu.memory_space<hbm>>
    %dma_wait3A_174 = tpu.memref_squeeze %dma_wait3A_173 : memref<1x16384xf32, #tpu.memory_space<hbm>> -> memref<16384xf32, #tpu.memory_space<hbm>>
    tpu.wait_dma2 semaphore(%arg12 : memref<!tpu.dma_semaphore, #tpu.memory_space<semaphore_mem>>) src(%dma_wait3A_174 : memref<16384xf32, #tpu.memory_space<hbm>>) dst(%dma_wait3A_171 : memref<16384xf32, #tpu.memory_space<vmem>>)
    %scan3A = arith.constant 0 : i32
    %scan3A_175 = arith.constant 4 : i32
    %scan3A_176 = arith.addi %scan3A, %scan3A_175 : i32
    %scan3A_177 = arith.constant 1 : i32
    scf.for %scan3A_516 = %scan3A to %scan3A_176 step %scan3A_177  : i32 {
      %mul3A_517 = arith.constant 1 : i32
      %mul3A_518 = arith.muli %scan3A_516, %mul3A_517 : i32
      %add3A_519 = arith.constant 0 : i32
      %add3A_520 = arith.addi %add3A_519, %mul3A_518 : i32
      %mul3A_521 = arith.constant 2 : i32
      %mul3A_522 = arith.muli %mul3A_521, %add3A_520 : i32
      %mul3A_523 = arith.constant 2 : i32
      %mul3A_524 = arith.muli %mul3A_523, %add3A_520 : i32
      %add3A_525 = arith.constant 1 : i32
      %add3A_526 = arith.addi %mul3A_524, %add3A_525 : i32
      %mul3A_527 = arith.constant 2048 : i32
      %mul3A_528 = arith.muli %add3A_526, %mul3A_527 : i32
      %dma_start3A_529 = arith.constant 4096 : i32
      %dma_start3A_530 = tpu.memref_slice %arg7[%dma_start3A_529] : memref<8192xi32, #tpu.memory_space<vmem>> -> memref<2048xi32, #tpu.memory_space<vmem>>
      %dma_start3A_531 = tpu.memref_slice %arg10[%mul3A_528] : memref<32768xi32, #tpu.memory_space<vmem_shared>> -> memref<2048xi32, #tpu.memory_space<vmem_shared>>
      %dma_start3A_532 = arith.constant 4096 : i32
      %dma_start3A_533 = tpu.memref_slice %arg7[%dma_start3A_532] : memref<8192xi32, #tpu.memory_space<vmem>> -> memref<2048xi32, #tpu.memory_space<vmem>>
      %dma_start3A_534 = tpu.memref_slice %arg10[%mul3A_528] : memref<32768xi32, #tpu.memory_space<vmem_shared>> -> memref<2048xi32, #tpu.memory_space<vmem_shared>>
      tpu.enqueue_dma source(%dma_start3A_534 : memref<2048xi32, #tpu.memory_space<vmem_shared>>) target(%dma_start3A_533 : memref<2048xi32, #tpu.memory_space<vmem>>) target_semaphore(%arg15 : memref<!tpu.dma_semaphore, #tpu.memory_space<semaphore_mem>>)
      %mul3A_535 = arith.constant 2048 : i32
      %mul3A_536 = arith.muli %add3A_526, %mul3A_535 : i32
      %add3A_537 = arith.constant 16384 : i32
      %add3A_538 = arith.addi %add3A_537, %mul3A_536 : i32
      %dma_start3A_539 = arith.constant 6144 : i32
      %dma_start3A_540 = tpu.memref_slice %arg7[%dma_start3A_539] : memref<8192xi32, #tpu.memory_space<vmem>> -> memref<2048xi32, #tpu.memory_space<vmem>>
      %dma_start3A_541 = tpu.memref_slice %arg10[%add3A_538] : memref<32768xi32, #tpu.memory_space<vmem_shared>> -> memref<2048xi32, #tpu.memory_space<vmem_shared>>
      %dma_start3A_542 = arith.constant 6144 : i32
      %dma_start3A_543 = tpu.memref_slice %arg7[%dma_start3A_542] : memref<8192xi32, #tpu.memory_space<vmem>> -> memref<2048xi32, #tpu.memory_space<vmem>>
      %dma_start3A_544 = tpu.memref_slice %arg10[%add3A_538] : memref<32768xi32, #tpu.memory_space<vmem_shared>> -> memref<2048xi32, #tpu.memory_space<vmem_shared>>
      tpu.enqueue_dma source(%dma_start3A_544 : memref<2048xi32, #tpu.memory_space<vmem_shared>>) target(%dma_start3A_543 : memref<2048xi32, #tpu.memory_space<vmem>>) target_semaphore(%arg15 : memref<!tpu.dma_semaphore, #tpu.memory_space<semaphore_mem>>)
      %mul3A_545 = arith.constant 2048 : i32
      %mul3A_546 = arith.muli %add3A_526, %mul3A_545 : i32
      %add3A_547 = arith.constant 0 : i32
      %add3A_548 = arith.addi %add3A_547, %mul3A_546 : i32
      %dma_start3A_549 = arith.constant 8192 : i32
      %dma_start3A_550 = tpu.memref_slice %arg8[%dma_start3A_549] : memref<16384xf32, #tpu.memory_space<vmem>> -> memref<2048xf32, #tpu.memory_space<vmem>>
      %dma_start3A_551 = tpu.memref_slice %arg11[%add3A_548] : memref<65536xf32, #tpu.memory_space<vmem_shared>> -> memref<2048xf32, #tpu.memory_space<vmem_shared>>
      %dma_start3A_552 = arith.constant 8192 : i32
      %dma_start3A_553 = tpu.memref_slice %arg8[%dma_start3A_552] : memref<16384xf32, #tpu.memory_space<vmem>> -> memref<2048xf32, #tpu.memory_space<vmem>>
      %dma_start3A_554 = tpu.memref_slice %arg11[%add3A_548] : memref<65536xf32, #tpu.memory_space<vmem_shared>> -> memref<2048xf32, #tpu.memory_space<vmem_shared>>
      tpu.enqueue_dma source(%dma_start3A_554 : memref<2048xf32, #tpu.memory_space<vmem_shared>>) target(%dma_start3A_553 : memref<2048xf32, #tpu.memory_space<vmem>>) target_semaphore(%arg15 : memref<!tpu.dma_semaphore, #tpu.memory_space<semaphore_mem>>)
      %mul3A_555 = arith.constant 2048 : i32
      %mul3A_556 = arith.muli %add3A_526, %mul3A_555 : i32
      %add3A_557 = arith.constant 16384 : i32
      %add3A_558 = arith.addi %add3A_557, %mul3A_556 : i32
      %dma_start3A_559 = arith.constant 10240 : i32
      %dma_start3A_560 = tpu.memref_slice %arg8[%dma_start3A_559] : memref<16384xf32, #tpu.memory_space<vmem>> -> memref<2048xf32, #tpu.memory_space<vmem>>
      %dma_start3A_561 = tpu.memref_slice %arg11[%add3A_558] : memref<65536xf32, #tpu.memory_space<vmem_shared>> -> memref<2048xf32, #tpu.memory_space<vmem_shared>>
      %dma_start3A_562 = arith.constant 10240 : i32
      %dma_start3A_563 = tpu.memref_slice %arg8[%dma_start3A_562] : memref<16384xf32, #tpu.memory_space<vmem>> -> memref<2048xf32, #tpu.memory_space<vmem>>
      %dma_start3A_564 = tpu.memref_slice %arg11[%add3A_558] : memref<65536xf32, #tpu.memory_space<vmem_shared>> -> memref<2048xf32, #tpu.memory_space<vmem_shared>>
      tpu.enqueue_dma source(%dma_start3A_564 : memref<2048xf32, #tpu.memory_space<vmem_shared>>) target(%dma_start3A_563 : memref<2048xf32, #tpu.memory_space<vmem>>) target_semaphore(%arg15 : memref<!tpu.dma_semaphore, #tpu.memory_space<semaphore_mem>>)
      %mul3A_565 = arith.constant 2048 : i32
      %mul3A_566 = arith.muli %add3A_526, %mul3A_565 : i32
      %add3A_567 = arith.constant 32768 : i32
      %add3A_568 = arith.addi %add3A_567, %mul3A_566 : i32
      %dma_start3A_569 = arith.constant 12288 : i32
      %dma_start3A_570 = tpu.memref_slice %arg8[%dma_start3A_569] : memref<16384xf32, #tpu.memory_space<vmem>> -> memref<2048xf32, #tpu.memory_space<vmem>>
      %dma_start3A_571 = tpu.memref_slice %arg11[%add3A_568] : memref<65536xf32, #tpu.memory_space<vmem_shared>> -> memref<2048xf32, #tpu.memory_space<vmem_shared>>
      %dma_start3A_572 = arith.constant 12288 : i32
      %dma_start3A_573 = tpu.memref_slice %arg8[%dma_start3A_572] : memref<16384xf32, #tpu.memory_space<vmem>> -> memref<2048xf32, #tpu.memory_space<vmem>>
      %dma_start3A_574 = tpu.memref_slice %arg11[%add3A_568] : memref<65536xf32, #tpu.memory_space<vmem_shared>> -> memref<2048xf32, #tpu.memory_space<vmem_shared>>
      tpu.enqueue_dma source(%dma_start3A_574 : memref<2048xf32, #tpu.memory_space<vmem_shared>>) target(%dma_start3A_573 : memref<2048xf32, #tpu.memory_space<vmem>>) target_semaphore(%arg15 : memref<!tpu.dma_semaphore, #tpu.memory_space<semaphore_mem>>)
      %mul3A_575 = arith.constant 2048 : i32
      %mul3A_576 = arith.muli %add3A_526, %mul3A_575 : i32
      %add3A_577 = arith.constant 49152 : i32
      %add3A_578 = arith.addi %add3A_577, %mul3A_576 : i32
      %dma_start3A_579 = arith.constant 14336 : i32
      %dma_start3A_580 = tpu.memref_slice %arg8[%dma_start3A_579] : memref<16384xf32, #tpu.memory_space<vmem>> -> memref<2048xf32, #tpu.memory_space<vmem>>
      %dma_start3A_581 = tpu.memref_slice %arg11[%add3A_578] : memref<65536xf32, #tpu.memory_space<vmem_shared>> -> memref<2048xf32, #tpu.memory_space<vmem_shared>>
      %dma_start3A_582 = arith.constant 14336 : i32
      %dma_start3A_583 = tpu.memref_slice %arg8[%dma_start3A_582] : memref<16384xf32, #tpu.memory_space<vmem>> -> memref<2048xf32, #tpu.memory_space<vmem>>
      %dma_start3A_584 = tpu.memref_slice %arg11[%add3A_578] : memref<65536xf32, #tpu.memory_space<vmem_shared>> -> memref<2048xf32, #tpu.memory_space<vmem_shared>>
      tpu.enqueue_dma source(%dma_start3A_584 : memref<2048xf32, #tpu.memory_space<vmem_shared>>) target(%dma_start3A_583 : memref<2048xf32, #tpu.memory_space<vmem>>) target_semaphore(%arg15 : memref<!tpu.dma_semaphore, #tpu.memory_space<semaphore_mem>>)
      %dma_wait3A_585 = arith.constant 0 : i32
      %dma_wait3A_586 = tpu.memref_slice %arg7[%dma_wait3A_585] : memref<8192xi32, #tpu.memory_space<vmem>> -> memref<2048xi32, #tpu.memory_space<vmem>>
      %dma_wait3A_587 = arith.constant 0 : i32
      %dma_wait3A_588 = tpu.memref_slice %arg10[%dma_wait3A_587] : memref<32768xi32, #tpu.memory_space<vmem_shared>> -> memref<2048xi32, #tpu.memory_space<vmem_shared>>
      %dma_wait3A_589 = arith.constant 0 : i32
      %dma_wait3A_590 = tpu.memref_slice %arg7[%dma_wait3A_589] : memref<8192xi32, #tpu.memory_space<vmem>> -> memref<2048xi32, #tpu.memory_space<vmem>>
      %dma_wait3A_591 = arith.constant 0 : i32
      %dma_wait3A_592 = tpu.memref_slice %arg10[%dma_wait3A_591] : memref<32768xi32, #tpu.memory_space<vmem_shared>> -> memref<2048xi32, #tpu.memory_space<vmem_shared>>
      tpu.wait_dma2 semaphore(%arg14 : memref<!tpu.dma_semaphore, #tpu.memory_space<semaphore_mem>>) src(%dma_wait3A_592 : memref<2048xi32, #tpu.memory_space<vmem_shared>>) dst(%dma_wait3A_590 : memref<2048xi32, #tpu.memory_space<vmem>>)
      %dma_wait3A_593 = arith.constant 2048 : i32
      %dma_wait3A_594 = tpu.memref_slice %arg7[%dma_wait3A_593] : memref<8192xi32, #tpu.memory_space<vmem>> -> memref<2048xi32, #tpu.memory_space<vmem>>
      %dma_wait3A_595 = arith.constant 0 : i32
      %dma_wait3A_596 = tpu.memref_slice %arg10[%dma_wait3A_595] : memref<32768xi32, #tpu.memory_space<vmem_shared>> -> memref<2048xi32, #tpu.memory_space<vmem_shared>>
      %dma_wait3A_597 = arith.constant 2048 : i32
      %dma_wait3A_598 = tpu.memref_slice %arg7[%dma_wait3A_597] : memref<8192xi32, #tpu.memory_space<vmem>> -> memref<2048xi32, #tpu.memory_space<vmem>>
      %dma_wait3A_599 = arith.constant 0 : i32
      %dma_wait3A_600 = tpu.memref_slice %arg10[%dma_wait3A_599] : memref<32768xi32, #tpu.memory_space<vmem_shared>> -> memref<2048xi32, #tpu.memory_space<vmem_shared>>
      tpu.wait_dma2 semaphore(%arg14 : memref<!tpu.dma_semaphore, #tpu.memory_space<semaphore_mem>>) src(%dma_wait3A_600 : memref<2048xi32, #tpu.memory_space<vmem_shared>>) dst(%dma_wait3A_598 : memref<2048xi32, #tpu.memory_space<vmem>>)
      %dma_wait3A_601 = arith.constant 0 : i32
      %dma_wait3A_602 = tpu.memref_slice %arg8[%dma_wait3A_601] : memref<16384xf32, #tpu.memory_space<vmem>> -> memref<2048xf32, #tpu.memory_space<vmem>>
      %dma_wait3A_603 = arith.constant 0 : i32
      %dma_wait3A_604 = tpu.memref_slice %arg11[%dma_wait3A_603] : memref<65536xf32, #tpu.memory_space<vmem_shared>> -> memref<2048xf32, #tpu.memory_space<vmem_shared>>
      %dma_wait3A_605 = arith.constant 0 : i32
      %dma_wait3A_606 = tpu.memref_slice %arg8[%dma_wait3A_605] : memref<16384xf32, #tpu.memory_space<vmem>> -> memref<2048xf32, #tpu.memory_space<vmem>>
      %dma_wait3A_607 = arith.constant 0 : i32
      %dma_wait3A_608 = tpu.memref_slice %arg11[%dma_wait3A_607] : memref<65536xf32, #tpu.memory_space<vmem_shared>> -> memref<2048xf32, #tpu.memory_space<vmem_shared>>
      tpu.wait_dma2 semaphore(%arg14 : memref<!tpu.dma_semaphore, #tpu.memory_space<semaphore_mem>>) src(%dma_wait3A_608 : memref<2048xf32, #tpu.memory_space<vmem_shared>>) dst(%dma_wait3A_606 : memref<2048xf32, #tpu.memory_space<vmem>>)
      %dma_wait3A_609 = arith.constant 2048 : i32
      %dma_wait3A_610 = tpu.memref_slice %arg8[%dma_wait3A_609] : memref<16384xf32, #tpu.memory_space<vmem>> -> memref<2048xf32, #tpu.memory_space<vmem>>
      %dma_wait3A_611 = arith.constant 0 : i32
      %dma_wait3A_612 = tpu.memref_slice %arg11[%dma_wait3A_611] : memref<65536xf32, #tpu.memory_space<vmem_shared>> -> memref<2048xf32, #tpu.memory_space<vmem_shared>>
      %dma_wait3A_613 = arith.constant 2048 : i32
      %dma_wait3A_614 = tpu.memref_slice %arg8[%dma_wait3A_613] : memref<16384xf32, #tpu.memory_space<vmem>> -> memref<2048xf32, #tpu.memory_space<vmem>>
      %dma_wait3A_615 = arith.constant 0 : i32
      %dma_wait3A_616 = tpu.memref_slice %arg11[%dma_wait3A_615] : memref<65536xf32, #tpu.memory_space<vmem_shared>> -> memref<2048xf32, #tpu.memory_space<vmem_shared>>
      tpu.wait_dma2 semaphore(%arg14 : memref<!tpu.dma_semaphore, #tpu.memory_space<semaphore_mem>>) src(%dma_wait3A_616 : memref<2048xf32, #tpu.memory_space<vmem_shared>>) dst(%dma_wait3A_614 : memref<2048xf32, #tpu.memory_space<vmem>>)
      %dma_wait3A_617 = arith.constant 4096 : i32
      %dma_wait3A_618 = tpu.memref_slice %arg8[%dma_wait3A_617] : memref<16384xf32, #tpu.memory_space<vmem>> -> memref<2048xf32, #tpu.memory_space<vmem>>
      %dma_wait3A_619 = arith.constant 0 : i32
      %dma_wait3A_620 = tpu.memref_slice %arg11[%dma_wait3A_619] : memref<65536xf32, #tpu.memory_space<vmem_shared>> -> memref<2048xf32, #tpu.memory_space<vmem_shared>>
      %dma_wait3A_621 = arith.constant 4096 : i32
      %dma_wait3A_622 = tpu.memref_slice %arg8[%dma_wait3A_621] : memref<16384xf32, #tpu.memory_space<vmem>> -> memref<2048xf32, #tpu.memory_space<vmem>>
      %dma_wait3A_623 = arith.constant 0 : i32
      %dma_wait3A_624 = tpu.memref_slice %arg11[%dma_wait3A_623] : memref<65536xf32, #tpu.memory_space<vmem_shared>> -> memref<2048xf32, #tpu.memory_space<vmem_shared>>
      tpu.wait_dma2 semaphore(%arg14 : memref<!tpu.dma_semaphore, #tpu.memory_space<semaphore_mem>>) src(%dma_wait3A_624 : memref<2048xf32, #tpu.memory_space<vmem_shared>>) dst(%dma_wait3A_622 : memref<2048xf32, #tpu.memory_space<vmem>>)
      %dma_wait3A_625 = arith.constant 6144 : i32
      %dma_wait3A_626 = tpu.memref_slice %arg8[%dma_wait3A_625] : memref<16384xf32, #tpu.memory_space<vmem>> -> memref<2048xf32, #tpu.memory_space<vmem>>
      %dma_wait3A_627 = arith.constant 0 : i32
      %dma_wait3A_628 = tpu.memref_slice %arg11[%dma_wait3A_627] : memref<65536xf32, #tpu.memory_space<vmem_shared>> -> memref<2048xf32, #tpu.memory_space<vmem_shared>>
      %dma_wait3A_629 = arith.constant 6144 : i32
      %dma_wait3A_630 = tpu.memref_slice %arg8[%dma_wait3A_629] : memref<16384xf32, #tpu.memory_space<vmem>> -> memref<2048xf32, #tpu.memory_space<vmem>>
      %dma_wait3A_631 = arith.constant 0 : i32
      %dma_wait3A_632 = tpu.memref_slice %arg11[%dma_wait3A_631] : memref<65536xf32, #tpu.memory_space<vmem_shared>> -> memref<2048xf32, #tpu.memory_space<vmem_shared>>
      tpu.wait_dma2 semaphore(%arg14 : memref<!tpu.dma_semaphore, #tpu.memory_space<semaphore_mem>>) src(%dma_wait3A_632 : memref<2048xf32, #tpu.memory_space<vmem_shared>>) dst(%dma_wait3A_630 : memref<2048xf32, #tpu.memory_space<vmem>>)
      %gt3A = arith.constant 0 : i32
      %gt3A_633 = arith.cmpi sgt, %add3A_520, %gt3A : i32
      %convert_element_type3A_634 = arith.extui %gt3A_633 : i1 to i32
      %cond3A_635 = arith.constant 0 : i32
      %cond3A_636 = arith.cmpi ne, %convert_element_type3A_634, %cond3A_635 : i32
      scf.if %cond3A_636 {
        %add3A_798 = arith.constant 0 : i32
        %add3A_799 = arith.addi %add3A_134, %add3A_798 : i32
        %dma_wait3A_800 = arith.constant 0 : i32
        %dma_wait3A_801 = tpu.memref_slice %arg9[%dma_wait3A_800] : memref<16384xf32, #tpu.memory_space<vmem>> -> memref<2048xf32, #tpu.memory_space<vmem>>
        %dma_wait3A_802 = arith.constant 0 : i32
        %dma_wait3A_803 = tpu.memref_slice %arg5[%add3A_799, %dma_wait3A_802] : memref<256x16384xf32, #tpu.memory_space<hbm>> -> memref<1x2048xf32, #tpu.memory_space<hbm>>
        %dma_wait3A_804 = tpu.memref_squeeze %dma_wait3A_803 : memref<1x2048xf32, #tpu.memory_space<hbm>> -> memref<2048xf32, #tpu.memory_space<hbm>>
        %dma_wait3A_805 = arith.constant 0 : i32
        %dma_wait3A_806 = tpu.memref_slice %arg5[%add3A_799, %dma_wait3A_805] : memref<256x16384xf32, #tpu.memory_space<hbm>> -> memref<1x2048xf32, #tpu.memory_space<hbm>>
        %dma_wait3A_807 = tpu.memref_squeeze %dma_wait3A_806 : memref<1x2048xf32, #tpu.memory_space<hbm>> -> memref<2048xf32, #tpu.memory_space<hbm>>
        %dma_wait3A_808 = arith.constant 0 : i32
        %dma_wait3A_809 = tpu.memref_slice %arg9[%dma_wait3A_808] : memref<16384xf32, #tpu.memory_space<vmem>> -> memref<2048xf32, #tpu.memory_space<vmem>>
        tpu.wait_dma2 semaphore(%arg16 : memref<!tpu.dma_semaphore, #tpu.memory_space<semaphore_mem>>) src(%dma_wait3A_809 : memref<2048xf32, #tpu.memory_space<vmem>>) dst(%dma_wait3A_807 : memref<2048xf32, #tpu.memory_space<hbm>>)
        %add3A_810 = arith.constant 1 : i32
        %add3A_811 = arith.addi %add3A_134, %add3A_810 : i32
        %dma_wait3A_812 = arith.constant 2048 : i32
        %dma_wait3A_813 = tpu.memref_slice %arg9[%dma_wait3A_812] : memref<16384xf32, #tpu.memory_space<vmem>> -> memref<2048xf32, #tpu.memory_space<vmem>>
        %dma_wait3A_814 = arith.constant 0 : i32
        %dma_wait3A_815 = tpu.memref_slice %arg5[%add3A_811, %dma_wait3A_814] : memref<256x16384xf32, #tpu.memory_space<hbm>> -> memref<1x2048xf32, #tpu.memory_space<hbm>>
        %dma_wait3A_816 = tpu.memref_squeeze %dma_wait3A_815 : memref<1x2048xf32, #tpu.memory_space<hbm>> -> memref<2048xf32, #tpu.memory_space<hbm>>
        %dma_wait3A_817 = arith.constant 0 : i32
        %dma_wait3A_818 = tpu.memref_slice %arg5[%add3A_811, %dma_wait3A_817] : memref<256x16384xf32, #tpu.memory_space<hbm>> -> memref<1x2048xf32, #tpu.memory_space<hbm>>
        %dma_wait3A_819 = tpu.memref_squeeze %dma_wait3A_818 : memref<1x2048xf32, #tpu.memory_space<hbm>> -> memref<2048xf32, #tpu.memory_space<hbm>>
        %dma_wait3A_820 = arith.constant 2048 : i32
        %dma_wait3A_821 = tpu.memref_slice %arg9[%dma_wait3A_820] : memref<16384xf32, #tpu.memory_space<vmem>> -> memref<2048xf32, #tpu.memory_space<vmem>>
        tpu.wait_dma2 semaphore(%arg16 : memref<!tpu.dma_semaphore, #tpu.memory_space<semaphore_mem>>) src(%dma_wait3A_821 : memref<2048xf32, #tpu.memory_space<vmem>>) dst(%dma_wait3A_819 : memref<2048xf32, #tpu.memory_space<hbm>>)
        %add3A_822 = arith.constant 2 : i32
        %add3A_823 = arith.addi %add3A_134, %add3A_822 : i32
        %dma_wait3A_824 = arith.constant 4096 : i32
        %dma_wait3A_825 = tpu.memref_slice %arg9[%dma_wait3A_824] : memref<16384xf32, #tpu.memory_space<vmem>> -> memref<2048xf32, #tpu.memory_space<vmem>>
        %dma_wait3A_826 = arith.constant 0 : i32
        %dma_wait3A_827 = tpu.memref_slice %arg5[%add3A_823, %dma_wait3A_826] : memref<256x16384xf32, #tpu.memory_space<hbm>> -> memref<1x2048xf32, #tpu.memory_space<hbm>>
        %dma_wait3A_828 = tpu.memref_squeeze %dma_wait3A_827 : memref<1x2048xf32, #tpu.memory_space<hbm>> -> memref<2048xf32, #tpu.memory_space<hbm>>
        %dma_wait3A_829 = arith.constant 0 : i32
        %dma_wait3A_830 = tpu.memref_slice %arg5[%add3A_823, %dma_wait3A_829] : memref<256x16384xf32, #tpu.memory_space<hbm>> -> memref<1x2048xf32, #tpu.memory_space<hbm>>
        %dma_wait3A_831 = tpu.memref_squeeze %dma_wait3A_830 : memref<1x2048xf32, #tpu.memory_space<hbm>> -> memref<2048xf32, #tpu.memory_space<hbm>>
        %dma_wait3A_832 = arith.constant 4096 : i32
        %dma_wait3A_833 = tpu.memref_slice %arg9[%dma_wait3A_832] : memref<16384xf32, #tpu.memory_space<vmem>> -> memref<2048xf32, #tpu.memory_space<vmem>>
        tpu.wait_dma2 semaphore(%arg16 : memref<!tpu.dma_semaphore, #tpu.memory_space<semaphore_mem>>) src(%dma_wait3A_833 : memref<2048xf32, #tpu.memory_space<vmem>>) dst(%dma_wait3A_831 : memref<2048xf32, #tpu.memory_space<hbm>>)
        %add3A_834 = arith.constant 3 : i32
        %add3A_835 = arith.addi %add3A_134, %add3A_834 : i32
        %dma_wait3A_836 = arith.constant 6144 : i32
        %dma_wait3A_837 = tpu.memref_slice %arg9[%dma_wait3A_836] : memref<16384xf32, #tpu.memory_space<vmem>> -> memref<2048xf32, #tpu.memory_space<vmem>>
        %dma_wait3A_838 = arith.constant 0 : i32
        %dma_wait3A_839 = tpu.memref_slice %arg5[%add3A_835, %dma_wait3A_838] : memref<256x16384xf32, #tpu.memory_space<hbm>> -> memref<1x2048xf32, #tpu.memory_space<hbm>>
        %dma_wait3A_840 = tpu.memref_squeeze %dma_wait3A_839 : memref<1x2048xf32, #tpu.memory_space<hbm>> -> memref<2048xf32, #tpu.memory_space<hbm>>
        %dma_wait3A_841 = arith.constant 0 : i32
        %dma_wait3A_842 = tpu.memref_slice %arg5[%add3A_835, %dma_wait3A_841] : memref<256x16384xf32, #tpu.memory_space<hbm>> -> memref<1x2048xf32, #tpu.memory_space<hbm>>
        %dma_wait3A_843 = tpu.memref_squeeze %dma_wait3A_842 : memref<1x2048xf32, #tpu.memory_space<hbm>> -> memref<2048xf32, #tpu.memory_space<hbm>>
        %dma_wait3A_844 = arith.constant 6144 : i32
        %dma_wait3A_845 = tpu.memref_slice %arg9[%dma_wait3A_844] : memref<16384xf32, #tpu.memory_space<vmem>> -> memref<2048xf32, #tpu.memory_space<vmem>>
        tpu.wait_dma2 semaphore(%arg16 : memref<!tpu.dma_semaphore, #tpu.memory_space<semaphore_mem>>) src(%dma_wait3A_845 : memref<2048xf32, #tpu.memory_space<vmem>>) dst(%dma_wait3A_843 : memref<2048xf32, #tpu.memory_space<hbm>>)
      } else {
      }
      %parallel_loop3A_637 = arith.constant 0 : i32
      %parallel_loop3A_638 = arith.constant 2048 : i32
      %parallel_loop3A_639 = arith.constant 16 : i32
      scf.for %parallel_loop3A_798 = %parallel_loop3A_637 to %parallel_loop3A_638 step %parallel_loop3A_639  : i32 {
        %parallel_loop3A_799 = arith.constant 0 : i32
        %parallel_loop3A_800 = arith.addi %parallel_loop3A_799, %parallel_loop3A_798 : i32
        %parallel_loop3A_801 = arith.index_cast %parallel_loop3A_800 : i32 to index
        %parallel_loop3A_802 = tpu.vector_load %arg7[%parallel_loop3A_801] {strides = array<i32>} : memref<8192xi32, #tpu.memory_space<vmem>>, vector<16xi32>,
        %parallel_loop3A_803 = arith.constant 2048 : i32
        %parallel_loop3A_804 = arith.addi %parallel_loop3A_803, %parallel_loop3A_798 : i32
        %parallel_loop3A_805 = arith.index_cast %parallel_loop3A_804 : i32 to index
        %parallel_loop3A_806 = tpu.vector_load %arg7[%parallel_loop3A_805] {strides = array<i32>} : memref<8192xi32, #tpu.memory_space<vmem>>, vector<16xi32>,
        %parallel_loop3A_807 = arith.constant 0 : i32
        %parallel_loop3A_808 = arith.addi %parallel_loop3A_807, %parallel_loop3A_798 : i32
        %parallel_loop3A_809 = arith.index_cast %parallel_loop3A_808 : i32 to index
        %parallel_loop3A_810 = tpu.vector_load %arg8[%parallel_loop3A_809] {strides = array<i32>} : memref<16384xf32, #tpu.memory_space<vmem>>, vector<16xf32>,
        %parallel_loop3A_811 = arith.constant 2048 : i32
        %parallel_loop3A_812 = arith.addi %parallel_loop3A_811, %parallel_loop3A_798 : i32
        %parallel_loop3A_813 = arith.index_cast %parallel_loop3A_812 : i32 to index
        %parallel_loop3A_814 = tpu.vector_load %arg8[%parallel_loop3A_813] {strides = array<i32>} : memref<16384xf32, #tpu.memory_space<vmem>>, vector<16xf32>,
        %parallel_loop3A_815 = arith.constant 4096 : i32
        %parallel_loop3A_816 = arith.addi %parallel_loop3A_815, %parallel_loop3A_798 : i32
        %parallel_loop3A_817 = arith.index_cast %parallel_loop3A_816 : i32 to index
        %parallel_loop3A_818 = tpu.vector_load %arg8[%parallel_loop3A_817] {strides = array<i32>} : memref<16384xf32, #tpu.memory_space<vmem>>, vector<16xf32>,
        %parallel_loop3A_819 = arith.constant 6144 : i32
        %parallel_loop3A_820 = arith.addi %parallel_loop3A_819, %parallel_loop3A_798 : i32
        %parallel_loop3A_821 = arith.index_cast %parallel_loop3A_820 : i32 to index
        %parallel_loop3A_822 = tpu.vector_load %arg8[%parallel_loop3A_821] {strides = array<i32>} : memref<16384xf32, #tpu.memory_space<vmem>>, vector<16xf32>,
        %parallel_loop3A_823 = arith.constant 0 : i32
        %parallel_loop3A_824 = vector.broadcast %parallel_loop3A_823 : i32 to vector<16xi32>
        %parallel_loop3A_825 = arith.addi %parallel_loop3A_802, %parallel_loop3A_824 : vector<16xi32>
        %parallel_loop3A_826 = tpu.vector_load_idx %arg6[%parallel_loop3A_825] : memref<65536xf32, #tpu.memory_space<vmem>>[vector<16xi32>], vector<16xf32>,
        %parallel_loop3A_827 = arith.constant 0 : i32
        %parallel_loop3A_828 = vector.broadcast %parallel_loop3A_827 : i32 to vector<16xi32>
        %parallel_loop3A_829 = arith.addi %parallel_loop3A_806, %parallel_loop3A_828 : vector<16xi32>
        %parallel_loop3A_830 = tpu.vector_load_idx %arg6[%parallel_loop3A_829] : memref<65536xf32, #tpu.memory_space<vmem>>[vector<16xi32>], vector<16xf32>,
        %parallel_loop3A_831 = arith.mulf %parallel_loop3A_826, %parallel_loop3A_814 : vector<16xf32>
        %parallel_loop3A_832 = arith.addf %parallel_loop3A_810, %parallel_loop3A_831 : vector<16xf32>
        %parallel_loop3A_833 = arith.mulf %parallel_loop3A_830, %parallel_loop3A_818 : vector<16xf32>
        %parallel_loop3A_834 = arith.addf %parallel_loop3A_832, %parallel_loop3A_833 : vector<16xf32>
        %parallel_loop3A_835 = arith.mulf %parallel_loop3A_826, %parallel_loop3A_830 : vector<16xf32>
        %parallel_loop3A_836 = arith.mulf %parallel_loop3A_835, %parallel_loop3A_822 : vector<16xf32>
        %parallel_loop3A_837 = arith.addf %parallel_loop3A_834, %parallel_loop3A_836 : vector<16xf32>
        %parallel_loop3A_838 = arith.constant 0 : i32
        %parallel_loop3A_839 = arith.addi %parallel_loop3A_838, %parallel_loop3A_798 : i32
        %parallel_loop3A_840 = arith.index_cast %parallel_loop3A_839 : i32 to index
        %parallel_loop3A_841 = tpu.vector_load %arg9[%parallel_loop3A_840] {strides = array<i32>} : memref<16384xf32, #tpu.memory_space<vmem>>, vector<16xf32>,
        tpu.vector_store %arg9[%parallel_loop3A_840], %parallel_loop3A_837 {strides = array<i32>} : memref<16384xf32, #tpu.memory_space<vmem>>, vector<16xf32>,
        %parallel_loop3A_842 = arith.constant 16384 : i32
        %parallel_loop3A_843 = vector.broadcast %parallel_loop3A_842 : i32 to vector<16xi32>
        %parallel_loop3A_844 = arith.addi %parallel_loop3A_802, %parallel_loop3A_843 : vector<16xi32>
        %parallel_loop3A_845 = tpu.vector_load_idx %arg6[%parallel_loop3A_844] : memref<65536xf32, #tpu.memory_space<vmem>>[vector<16xi32>], vector<16xf32>,
        %parallel_loop3A_846 = arith.constant 16384 : i32
        %parallel_loop3A_847 = vector.broadcast %parallel_loop3A_846 : i32 to vector<16xi32>
        %parallel_loop3A_848 = arith.addi %parallel_loop3A_806, %parallel_loop3A_847 : vector<16xi32>
        %parallel_loop3A_849 = tpu.vector_load_idx %arg6[%parallel_loop3A_848] : memref<65536xf32, #tpu.memory_space<vmem>>[vector<16xi32>], vector<16xf32>,
        %parallel_loop3A_850 = arith.mulf %parallel_loop3A_845, %parallel_loop3A_814 : vector<16xf32>
        %parallel_loop3A_851 = arith.addf %parallel_loop3A_810, %parallel_loop3A_850 : vector<16xf32>
        %parallel_loop3A_852 = arith.mulf %parallel_loop3A_849, %parallel_loop3A_818 : vector<16xf32>
        %parallel_loop3A_853 = arith.addf %parallel_loop3A_851, %parallel_loop3A_852 : vector<16xf32>
        %parallel_loop3A_854 = arith.mulf %parallel_loop3A_845, %parallel_loop3A_849 : vector<16xf32>
        %parallel_loop3A_855 = arith.mulf %parallel_loop3A_854, %parallel_loop3A_822 : vector<16xf32>
        %parallel_loop3A_856 = arith.addf %parallel_loop3A_853, %parallel_loop3A_855 : vector<16xf32>
        %parallel_loop3A_857 = arith.constant 2048 : i32
        %parallel_loop3A_858 = arith.addi %parallel_loop3A_857, %parallel_loop3A_798 : i32
        %parallel_loop3A_859 = arith.index_cast %parallel_loop3A_858 : i32 to index
        %parallel_loop3A_860 = tpu.vector_load %arg9[%parallel_loop3A_859] {strides = array<i32>} : memref<16384xf32, #tpu.memory_space<vmem>>, vector<16xf32>,
        tpu.vector_store %arg9[%parallel_loop3A_859], %parallel_loop3A_856 {strides = array<i32>} : memref<16384xf32, #tpu.memory_space<vmem>>, vector<16xf32>,
        %parallel_loop3A_861 = arith.constant 32768 : i32
        %parallel_loop3A_862 = vector.broadcast %parallel_loop3A_861 : i32 to vector<16xi32>
        %parallel_loop3A_863 = arith.addi %parallel_loop3A_802, %parallel_loop3A_862 : vector<16xi32>
        %parallel_loop3A_864 = tpu.vector_load_idx %arg6[%parallel_loop3A_863] : memref<65536xf32, #tpu.memory_space<vmem>>[vector<16xi32>], vector<16xf32>,
        %parallel_loop3A_865 = arith.constant 32768 : i32
        %parallel_loop3A_866 = vector.broadcast %parallel_loop3A_865 : i32 to vector<16xi32>
        %parallel_loop3A_867 = arith.addi %parallel_loop3A_806, %parallel_loop3A_866 : vector<16xi32>
        %parallel_loop3A_868 = tpu.vector_load_idx %arg6[%parallel_loop3A_867] : memref<65536xf32, #tpu.memory_space<vmem>>[vector<16xi32>], vector<16xf32>,
        %parallel_loop3A_869 = arith.mulf %parallel_loop3A_864, %parallel_loop3A_814 : vector<16xf32>
        %parallel_loop3A_870 = arith.addf %parallel_loop3A_810, %parallel_loop3A_869 : vector<16xf32>
        %parallel_loop3A_871 = arith.mulf %parallel_loop3A_868, %parallel_loop3A_818 : vector<16xf32>
        %parallel_loop3A_872 = arith.addf %parallel_loop3A_870, %parallel_loop3A_871 : vector<16xf32>
        %parallel_loop3A_873 = arith.mulf %parallel_loop3A_864, %parallel_loop3A_868 : vector<16xf32>
        %parallel_loop3A_874 = arith.mulf %parallel_loop3A_873, %parallel_loop3A_822 : vector<16xf32>
        %parallel_loop3A_875 = arith.addf %parallel_loop3A_872, %parallel_loop3A_874 : vector<16xf32>
        %parallel_loop3A_876 = arith.constant 4096 : i32
        %parallel_loop3A_877 = arith.addi %parallel_loop3A_876, %parallel_loop3A_798 : i32
        %parallel_loop3A_878 = arith.index_cast %parallel_loop3A_877 : i32 to index
        %parallel_loop3A_879 = tpu.vector_load %arg9[%parallel_loop3A_878] {strides = array<i32>} : memref<16384xf32, #tpu.memory_space<vmem>>, vector<16xf32>,
        tpu.vector_store %arg9[%parallel_loop3A_878], %parallel_loop3A_875 {strides = array<i32>} : memref<16384xf32, #tpu.memory_space<vmem>>, vector<16xf32>,
        %parallel_loop3A_880 = arith.constant 49152 : i32
        %parallel_loop3A_881 = vector.broadcast %parallel_loop3A_880 : i32 to vector<16xi32>
        %parallel_loop3A_882 = arith.addi %parallel_loop3A_802, %parallel_loop3A_881 : vector<16xi32>
        %parallel_loop3A_883 = tpu.vector_load_idx %arg6[%parallel_loop3A_882] : memref<65536xf32, #tpu.memory_space<vmem>>[vector<16xi32>], vector<16xf32>,
        %parallel_loop3A_884 = arith.constant 49152 : i32
        %parallel_loop3A_885 = vector.broadcast %parallel_loop3A_884 : i32 to vector<16xi32>
        %parallel_loop3A_886 = arith.addi %parallel_loop3A_806, %parallel_loop3A_885 : vector<16xi32>
        %parallel_loop3A_887 = tpu.vector_load_idx %arg6[%parallel_loop3A_886] : memref<65536xf32, #tpu.memory_space<vmem>>[vector<16xi32>], vector<16xf32>,
        %parallel_loop3A_888 = arith.mulf %parallel_loop3A_883, %parallel_loop3A_814 : vector<16xf32>
        %parallel_loop3A_889 = arith.addf %parallel_loop3A_810, %parallel_loop3A_888 : vector<16xf32>
        %parallel_loop3A_890 = arith.mulf %parallel_loop3A_887, %parallel_loop3A_818 : vector<16xf32>
        %parallel_loop3A_891 = arith.addf %parallel_loop3A_889, %parallel_loop3A_890 : vector<16xf32>
        %parallel_loop3A_892 = arith.mulf %parallel_loop3A_883, %parallel_loop3A_887 : vector<16xf32>
        %parallel_loop3A_893 = arith.mulf %parallel_loop3A_892, %parallel_loop3A_822 : vector<16xf32>
        %parallel_loop3A_894 = arith.addf %parallel_loop3A_891, %parallel_loop3A_893 : vector<16xf32>
        %parallel_loop3A_895 = arith.constant 6144 : i32
        %parallel_loop3A_896 = arith.addi %parallel_loop3A_895, %parallel_loop3A_798 : i32
        %parallel_loop3A_897 = arith.index_cast %parallel_loop3A_896 : i32 to index
        %parallel_loop3A_898 = tpu.vector_load %arg9[%parallel_loop3A_897] {strides = array<i32>} : memref<16384xf32, #tpu.memory_space<vmem>>, vector<16xf32>,
        tpu.vector_store %arg9[%parallel_loop3A_897], %parallel_loop3A_894 {strides = array<i32>} : memref<16384xf32, #tpu.memory_space<vmem>>, vector<16xf32>,
      } {sc.loop_unroll_factor = 4 : i64, sc.parallel_access}
      %add3A_640 = arith.constant 0 : i32
      %add3A_641 = arith.addi %add3A_134, %add3A_640 : i32
      %mul3A_642 = arith.constant 2048 : i32
      %mul3A_643 = arith.muli %mul3A_522, %mul3A_642 : i32
      %dma_start3A_644 = arith.constant 0 : i32
      %dma_start3A_645 = tpu.memref_slice %arg9[%dma_start3A_644] : memref<16384xf32, #tpu.memory_space<vmem>> -> memref<2048xf32, #tpu.memory_space<vmem>>
      %dma_start3A_646 = tpu.memref_slice %arg5[%add3A_641, %mul3A_643] : memref<256x16384xf32, #tpu.memory_space<hbm>> -> memref<1x2048xf32, #tpu.memory_space<hbm>>
      %dma_start3A_647 = tpu.memref_squeeze %dma_start3A_646 : memref<1x2048xf32, #tpu.memory_space<hbm>> -> memref<2048xf32, #tpu.memory_space<hbm>>
      %dma_start3A_648 = tpu.memref_slice %arg5[%add3A_641, %mul3A_643] : memref<256x16384xf32, #tpu.memory_space<hbm>> -> memref<1x2048xf32, #tpu.memory_space<hbm>>
      %dma_start3A_649 = tpu.memref_squeeze %dma_start3A_648 : memref<1x2048xf32, #tpu.memory_space<hbm>> -> memref<2048xf32, #tpu.memory_space<hbm>>
      %dma_start3A_650 = arith.constant 0 : i32
      %dma_start3A_651 = tpu.memref_slice %arg9[%dma_start3A_650] : memref<16384xf32, #tpu.memory_space<vmem>> -> memref<2048xf32, #tpu.memory_space<vmem>>
      tpu.enqueue_dma source(%dma_start3A_651 : memref<2048xf32, #tpu.memory_space<vmem>>) target(%dma_start3A_649 : memref<2048xf32, #tpu.memory_space<hbm>>) target_semaphore(%arg16 : memref<!tpu.dma_semaphore, #tpu.memory_space<semaphore_mem>>)
      %add3A_652 = arith.constant 1 : i32
      %add3A_653 = arith.addi %add3A_134, %add3A_652 : i32
      %mul3A_654 = arith.constant 2048 : i32
      %mul3A_655 = arith.muli %mul3A_522, %mul3A_654 : i32
      %dma_start3A_656 = arith.constant 2048 : i32
      %dma_start3A_657 = tpu.memref_slice %arg9[%dma_start3A_656] : memref<16384xf32, #tpu.memory_space<vmem>> -> memref<2048xf32, #tpu.memory_space<vmem>>
      %dma_start3A_658 = tpu.memref_slice %arg5[%add3A_653, %mul3A_655] : memref<256x16384xf32, #tpu.memory_space<hbm>> -> memref<1x2048xf32, #tpu.memory_space<hbm>>
      %dma_start3A_659 = tpu.memref_squeeze %dma_start3A_658 : memref<1x2048xf32, #tpu.memory_space<hbm>> -> memref<2048xf32, #tpu.memory_space<hbm>>
      %dma_start3A_660 = tpu.memref_slice %arg5[%add3A_653, %mul3A_655] : memref<256x16384xf32, #tpu.memory_space<hbm>> -> memref<1x2048xf32, #tpu.memory_space<hbm>>
      %dma_start3A_661 = tpu.memref_squeeze %dma_start3A_660 : memref<1x2048xf32, #tpu.memory_space<hbm>> -> memref<2048xf32, #tpu.memory_space<hbm>>
      %dma_start3A_662 = arith.constant 2048 : i32
      %dma_start3A_663 = tpu.memref_slice %arg9[%dma_start3A_662] : memref<16384xf32, #tpu.memory_space<vmem>> -> memref<2048xf32, #tpu.memory_space<vmem>>
      tpu.enqueue_dma source(%dma_start3A_663 : memref<2048xf32, #tpu.memory_space<vmem>>) target(%dma_start3A_661 : memref<2048xf32, #tpu.memory_space<hbm>>) target_semaphore(%arg16 : memref<!tpu.dma_semaphore, #tpu.memory_space<semaphore_mem>>)
      %add3A_664 = arith.constant 2 : i32
      %add3A_665 = arith.addi %add3A_134, %add3A_664 : i32
      %mul3A_666 = arith.constant 2048 : i32
      %mul3A_667 = arith.muli %mul3A_522, %mul3A_666 : i32
      %dma_start3A_668 = arith.constant 4096 : i32
      %dma_start3A_669 = tpu.memref_slice %arg9[%dma_start3A_668] : memref<16384xf32, #tpu.memory_space<vmem>> -> memref<2048xf32, #tpu.memory_space<vmem>>
      %dma_start3A_670 = tpu.memref_slice %arg5[%add3A_665, %mul3A_667] : memref<256x16384xf32, #tpu.memory_space<hbm>> -> memref<1x2048xf32, #tpu.memory_space<hbm>>
      %dma_start3A_671 = tpu.memref_squeeze %dma_start3A_670 : memref<1x2048xf32, #tpu.memory_space<hbm>> -> memref<2048xf32, #tpu.memory_space<hbm>>
      %dma_start3A_672 = tpu.memref_slice %arg5[%add3A_665, %mul3A_667] : memref<256x16384xf32, #tpu.memory_space<hbm>> -> memref<1x2048xf32, #tpu.memory_space<hbm>>
      %dma_start3A_673 = tpu.memref_squeeze %dma_start3A_672 : memref<1x2048xf32, #tpu.memory_space<hbm>> -> memref<2048xf32, #tpu.memory_space<hbm>>
      %dma_start3A_674 = arith.constant 4096 : i32
      %dma_start3A_675 = tpu.memref_slice %arg9[%dma_start3A_674] : memref<16384xf32, #tpu.memory_space<vmem>> -> memref<2048xf32, #tpu.memory_space<vmem>>
      tpu.enqueue_dma source(%dma_start3A_675 : memref<2048xf32, #tpu.memory_space<vmem>>) target(%dma_start3A_673 : memref<2048xf32, #tpu.memory_space<hbm>>) target_semaphore(%arg16 : memref<!tpu.dma_semaphore, #tpu.memory_space<semaphore_mem>>)
      %add3A_676 = arith.constant 3 : i32
      %add3A_677 = arith.addi %add3A_134, %add3A_676 : i32
      %mul3A_678 = arith.constant 2048 : i32
      %mul3A_679 = arith.muli %mul3A_522, %mul3A_678 : i32
      %dma_start3A_680 = arith.constant 6144 : i32
      %dma_start3A_681 = tpu.memref_slice %arg9[%dma_start3A_680] : memref<16384xf32, #tpu.memory_space<vmem>> -> memref<2048xf32, #tpu.memory_space<vmem>>
      %dma_start3A_682 = tpu.memref_slice %arg5[%add3A_677, %mul3A_679] : memref<256x16384xf32, #tpu.memory_space<hbm>> -> memref<1x2048xf32, #tpu.memory_space<hbm>>
      %dma_start3A_683 = tpu.memref_squeeze %dma_start3A_682 : memref<1x2048xf32, #tpu.memory_space<hbm>> -> memref<2048xf32, #tpu.memory_space<hbm>>
      %dma_start3A_684 = tpu.memref_slice %arg5[%add3A_677, %mul3A_679] : memref<256x16384xf32, #tpu.memory_space<hbm>> -> memref<1x2048xf32, #tpu.memory_space<hbm>>
      %dma_start3A_685 = tpu.memref_squeeze %dma_start3A_684 : memref<1x2048xf32, #tpu.memory_space<hbm>> -> memref<2048xf32, #tpu.memory_space<hbm>>
      %dma_start3A_686 = arith.constant 6144 : i32
      %dma_start3A_687 = tpu.memref_slice %arg9[%dma_start3A_686] : memref<16384xf32, #tpu.memory_space<vmem>> -> memref<2048xf32, #tpu.memory_space<vmem>>
      tpu.enqueue_dma source(%dma_start3A_687 : memref<2048xf32, #tpu.memory_space<vmem>>) target(%dma_start3A_685 : memref<2048xf32, #tpu.memory_space<hbm>>) target_semaphore(%arg16 : memref<!tpu.dma_semaphore, #tpu.memory_space<semaphore_mem>>)
      %add3A_688 = arith.constant 1 : i32
      %add3A_689 = arith.addi %add3A_520, %add3A_688 : i32
      %lt3A = arith.constant 4 : i32
      %lt3A_690 = arith.cmpi slt, %add3A_689, %lt3A : i32
      %convert_element_type3A_691 = arith.extui %lt3A_690 : i1 to i32
      %cond3A_692 = arith.constant 0 : i32
      %cond3A_693 = arith.cmpi ne, %convert_element_type3A_691, %cond3A_692 : i32
      scf.if %cond3A_693 {
        %add3A_798 = arith.constant 2 : i32
        %add3A_799 = arith.addi %mul3A_522, %add3A_798 : i32
        %mul3A_800 = arith.constant 2048 : i32
        %mul3A_801 = arith.muli %add3A_799, %mul3A_800 : i32
        %dma_start3A_802 = arith.constant 0 : i32
        %dma_start3A_803 = tpu.memref_slice %arg7[%dma_start3A_802] : memref<8192xi32, #tpu.memory_space<vmem>> -> memref<2048xi32, #tpu.memory_space<vmem>>
        %dma_start3A_804 = tpu.memref_slice %arg10[%mul3A_801] : memref<32768xi32, #tpu.memory_space<vmem_shared>> -> memref<2048xi32, #tpu.memory_space<vmem_shared>>
        %dma_start3A_805 = arith.constant 0 : i32
        %dma_start3A_806 = tpu.memref_slice %arg7[%dma_start3A_805] : memref<8192xi32, #tpu.memory_space<vmem>> -> memref<2048xi32, #tpu.memory_space<vmem>>
        %dma_start3A_807 = tpu.memref_slice %arg10[%mul3A_801] : memref<32768xi32, #tpu.memory_space<vmem_shared>> -> memref<2048xi32, #tpu.memory_space<vmem_shared>>
        tpu.enqueue_dma source(%dma_start3A_807 : memref<2048xi32, #tpu.memory_space<vmem_shared>>) target(%dma_start3A_806 : memref<2048xi32, #tpu.memory_space<vmem>>) target_semaphore(%arg14 : memref<!tpu.dma_semaphore, #tpu.memory_space<semaphore_mem>>)
        %mul3A_808 = arith.constant 2048 : i32
        %mul3A_809 = arith.muli %add3A_799, %mul3A_808 : i32
        %add3A_810 = arith.constant 16384 : i32
        %add3A_811 = arith.addi %add3A_810, %mul3A_809 : i32
        %dma_start3A_812 = arith.constant 2048 : i32
        %dma_start3A_813 = tpu.memref_slice %arg7[%dma_start3A_812] : memref<8192xi32, #tpu.memory_space<vmem>> -> memref<2048xi32, #tpu.memory_space<vmem>>
        %dma_start3A_814 = tpu.memref_slice %arg10[%add3A_811] : memref<32768xi32, #tpu.memory_space<vmem_shared>> -> memref<2048xi32, #tpu.memory_space<vmem_shared>>
        %dma_start3A_815 = arith.constant 2048 : i32
        %dma_start3A_816 = tpu.memref_slice %arg7[%dma_start3A_815] : memref<8192xi32, #tpu.memory_space<vmem>> -> memref<2048xi32, #tpu.memory_space<vmem>>
        %dma_start3A_817 = tpu.memref_slice %arg10[%add3A_811] : memref<32768xi32, #tpu.memory_space<vmem_shared>> -> memref<2048xi32, #tpu.memory_space<vmem_shared>>
        tpu.enqueue_dma source(%dma_start3A_817 : memref<2048xi32, #tpu.memory_space<vmem_shared>>) target(%dma_start3A_816 : memref<2048xi32, #tpu.memory_space<vmem>>) target_semaphore(%arg14 : memref<!tpu.dma_semaphore, #tpu.memory_space<semaphore_mem>>)
        %mul3A_818 = arith.constant 2048 : i32
        %mul3A_819 = arith.muli %add3A_799, %mul3A_818 : i32
        %add3A_820 = arith.constant 0 : i32
        %add3A_821 = arith.addi %add3A_820, %mul3A_819 : i32
        %dma_start3A_822 = arith.constant 0 : i32
        %dma_start3A_823 = tpu.memref_slice %arg8[%dma_start3A_822] : memref<16384xf32, #tpu.memory_space<vmem>> -> memref<2048xf32, #tpu.memory_space<vmem>>
        %dma_start3A_824 = tpu.memref_slice %arg11[%add3A_821] : memref<65536xf32, #tpu.memory_space<vmem_shared>> -> memref<2048xf32, #tpu.memory_space<vmem_shared>>
        %dma_start3A_825 = arith.constant 0 : i32
        %dma_start3A_826 = tpu.memref_slice %arg8[%dma_start3A_825] : memref<16384xf32, #tpu.memory_space<vmem>> -> memref<2048xf32, #tpu.memory_space<vmem>>
        %dma_start3A_827 = tpu.memref_slice %arg11[%add3A_821] : memref<65536xf32, #tpu.memory_space<vmem_shared>> -> memref<2048xf32, #tpu.memory_space<vmem_shared>>
        tpu.enqueue_dma source(%dma_start3A_827 : memref<2048xf32, #tpu.memory_space<vmem_shared>>) target(%dma_start3A_826 : memref<2048xf32, #tpu.memory_space<vmem>>) target_semaphore(%arg14 : memref<!tpu.dma_semaphore, #tpu.memory_space<semaphore_mem>>)
        %mul3A_828 = arith.constant 2048 : i32
        %mul3A_829 = arith.muli %add3A_799, %mul3A_828 : i32
        %add3A_830 = arith.constant 16384 : i32
        %add3A_831 = arith.addi %add3A_830, %mul3A_829 : i32
        %dma_start3A_832 = arith.constant 2048 : i32
        %dma_start3A_833 = tpu.memref_slice %arg8[%dma_start3A_832] : memref<16384xf32, #tpu.memory_space<vmem>> -> memref<2048xf32, #tpu.memory_space<vmem>>
        %dma_start3A_834 = tpu.memref_slice %arg11[%add3A_831] : memref<65536xf32, #tpu.memory_space<vmem_shared>> -> memref<2048xf32, #tpu.memory_space<vmem_shared>>
        %dma_start3A_835 = arith.constant 2048 : i32
        %dma_start3A_836 = tpu.memref_slice %arg8[%dma_start3A_835] : memref<16384xf32, #tpu.memory_space<vmem>> -> memref<2048xf32, #tpu.memory_space<vmem>>
        %dma_start3A_837 = tpu.memref_slice %arg11[%add3A_831] : memref<65536xf32, #tpu.memory_space<vmem_shared>> -> memref<2048xf32, #tpu.memory_space<vmem_shared>>
        tpu.enqueue_dma source(%dma_start3A_837 : memref<2048xf32, #tpu.memory_space<vmem_shared>>) target(%dma_start3A_836 : memref<2048xf32, #tpu.memory_space<vmem>>) target_semaphore(%arg14 : memref<!tpu.dma_semaphore, #tpu.memory_space<semaphore_mem>>)
        %mul3A_838 = arith.constant 2048 : i32
        %mul3A_839 = arith.muli %add3A_799, %mul3A_838 : i32
        %add3A_840 = arith.constant 32768 : i32
        %add3A_841 = arith.addi %add3A_840, %mul3A_839 : i32
        %dma_start3A_842 = arith.constant 4096 : i32
        %dma_start3A_843 = tpu.memref_slice %arg8[%dma_start3A_842] : memref<16384xf32, #tpu.memory_space<vmem>> -> memref<2048xf32, #tpu.memory_space<vmem>>
        %dma_start3A_844 = tpu.memref_slice %arg11[%add3A_841] : memref<65536xf32, #tpu.memory_space<vmem_shared>> -> memref<2048xf32, #tpu.memory_space<vmem_shared>>
        %dma_start3A_845 = arith.constant 4096 : i32
        %dma_start3A_846 = tpu.memref_slice %arg8[%dma_start3A_845] : memref<16384xf32, #tpu.memory_space<vmem>> -> memref<2048xf32, #tpu.memory_space<vmem>>
        %dma_start3A_847 = tpu.memref_slice %arg11[%add3A_841] : memref<65536xf32, #tpu.memory_space<vmem_shared>> -> memref<2048xf32, #tpu.memory_space<vmem_shared>>
        tpu.enqueue_dma source(%dma_start3A_847 : memref<2048xf32, #tpu.memory_space<vmem_shared>>) target(%dma_start3A_846 : memref<2048xf32, #tpu.memory_space<vmem>>) target_semaphore(%arg14 : memref<!tpu.dma_semaphore, #tpu.memory_space<semaphore_mem>>)
        %mul3A_848 = arith.constant 2048 : i32
        %mul3A_849 = arith.muli %add3A_799, %mul3A_848 : i32
        %add3A_850 = arith.constant 49152 : i32
        %add3A_851 = arith.addi %add3A_850, %mul3A_849 : i32
        %dma_start3A_852 = arith.constant 6144 : i32
        %dma_start3A_853 = tpu.memref_slice %arg8[%dma_start3A_852] : memref<16384xf32, #tpu.memory_space<vmem>> -> memref<2048xf32, #tpu.memory_space<vmem>>
        %dma_start3A_854 = tpu.memref_slice %arg11[%add3A_851] : memref<65536xf32, #tpu.memory_space<vmem_shared>> -> memref<2048xf32, #tpu.memory_space<vmem_shared>>
        %dma_start3A_855 = arith.constant 6144 : i32
        %dma_start3A_856 = tpu.memref_slice %arg8[%dma_start3A_855] : memref<16384xf32, #tpu.memory_space<vmem>> -> memref<2048xf32, #tpu.memory_space<vmem>>
        %dma_start3A_857 = tpu.memref_slice %arg11[%add3A_851] : memref<65536xf32, #tpu.memory_space<vmem_shared>> -> memref<2048xf32, #tpu.memory_space<vmem_shared>>
        tpu.enqueue_dma source(%dma_start3A_857 : memref<2048xf32, #tpu.memory_space<vmem_shared>>) target(%dma_start3A_856 : memref<2048xf32, #tpu.memory_space<vmem>>) target_semaphore(%arg14 : memref<!tpu.dma_semaphore, #tpu.memory_space<semaphore_mem>>)
      } else {
      }
      %dma_wait3A_694 = arith.constant 4096 : i32
      %dma_wait3A_695 = tpu.memref_slice %arg7[%dma_wait3A_694] : memref<8192xi32, #tpu.memory_space<vmem>> -> memref<2048xi32, #tpu.memory_space<vmem>>
      %dma_wait3A_696 = arith.constant 0 : i32
      %dma_wait3A_697 = tpu.memref_slice %arg10[%dma_wait3A_696] : memref<32768xi32, #tpu.memory_space<vmem_shared>> -> memref<2048xi32, #tpu.memory_space<vmem_shared>>
      %dma_wait3A_698 = arith.constant 4096 : i32
      %dma_wait3A_699 = tpu.memref_slice %arg7[%dma_wait3A_698] : memref<8192xi32, #tpu.memory_space<vmem>> -> memref<2048xi32, #tpu.memory_space<vmem>>
      %dma_wait3A_700 = arith.constant 0 : i32
      %dma_wait3A_701 = tpu.memref_slice %arg10[%dma_wait3A_700] : memref<32768xi32, #tpu.memory_space<vmem_shared>> -> memref<2048xi32, #tpu.memory_space<vmem_shared>>
      tpu.wait_dma2 semaphore(%arg15 : memref<!tpu.dma_semaphore, #tpu.memory_space<semaphore_mem>>) src(%dma_wait3A_701 : memref<2048xi32, #tpu.memory_space<vmem_shared>>) dst(%dma_wait3A_699 : memref<2048xi32, #tpu.memory_space<vmem>>)
      %dma_wait3A_702 = arith.constant 6144 : i32
      %dma_wait3A_703 = tpu.memref_slice %arg7[%dma_wait3A_702] : memref<8192xi32, #tpu.memory_space<vmem>> -> memref<2048xi32, #tpu.memory_space<vmem>>
      %dma_wait3A_704 = arith.constant 0 : i32
      %dma_wait3A_705 = tpu.memref_slice %arg10[%dma_wait3A_704] : memref<32768xi32, #tpu.memory_space<vmem_shared>> -> memref<2048xi32, #tpu.memory_space<vmem_shared>>
      %dma_wait3A_706 = arith.constant 6144 : i32
      %dma_wait3A_707 = tpu.memref_slice %arg7[%dma_wait3A_706] : memref<8192xi32, #tpu.memory_space<vmem>> -> memref<2048xi32, #tpu.memory_space<vmem>>
      %dma_wait3A_708 = arith.constant 0 : i32
      %dma_wait3A_709 = tpu.memref_slice %arg10[%dma_wait3A_708] : memref<32768xi32, #tpu.memory_space<vmem_shared>> -> memref<2048xi32, #tpu.memory_space<vmem_shared>>
      tpu.wait_dma2 semaphore(%arg15 : memref<!tpu.dma_semaphore, #tpu.memory_space<semaphore_mem>>) src(%dma_wait3A_709 : memref<2048xi32, #tpu.memory_space<vmem_shared>>) dst(%dma_wait3A_707 : memref<2048xi32, #tpu.memory_space<vmem>>)
      %dma_wait3A_710 = arith.constant 8192 : i32
      %dma_wait3A_711 = tpu.memref_slice %arg8[%dma_wait3A_710] : memref<16384xf32, #tpu.memory_space<vmem>> -> memref<2048xf32, #tpu.memory_space<vmem>>
      %dma_wait3A_712 = arith.constant 0 : i32
      %dma_wait3A_713 = tpu.memref_slice %arg11[%dma_wait3A_712] : memref<65536xf32, #tpu.memory_space<vmem_shared>> -> memref<2048xf32, #tpu.memory_space<vmem_shared>>
      %dma_wait3A_714 = arith.constant 8192 : i32
      %dma_wait3A_715 = tpu.memref_slice %arg8[%dma_wait3A_714] : memref<16384xf32, #tpu.memory_space<vmem>> -> memref<2048xf32, #tpu.memory_space<vmem>>
      %dma_wait3A_716 = arith.constant 0 : i32
      %dma_wait3A_717 = tpu.memref_slice %arg11[%dma_wait3A_716] : memref<65536xf32, #tpu.memory_space<vmem_shared>> -> memref<2048xf32, #tpu.memory_space<vmem_shared>>
      tpu.wait_dma2 semaphore(%arg15 : memref<!tpu.dma_semaphore, #tpu.memory_space<semaphore_mem>>) src(%dma_wait3A_717 : memref<2048xf32, #tpu.memory_space<vmem_shared>>) dst(%dma_wait3A_715 : memref<2048xf32, #tpu.memory_space<vmem>>)
      %dma_wait3A_718 = arith.constant 10240 : i32
      %dma_wait3A_719 = tpu.memref_slice %arg8[%dma_wait3A_718] : memref<16384xf32, #tpu.memory_space<vmem>> -> memref<2048xf32, #tpu.memory_space<vmem>>
      %dma_wait3A_720 = arith.constant 0 : i32
      %dma_wait3A_721 = tpu.memref_slice %arg11[%dma_wait3A_720] : memref<65536xf32, #tpu.memory_space<vmem_shared>> -> memref<2048xf32, #tpu.memory_space<vmem_shared>>
      %dma_wait3A_722 = arith.constant 10240 : i32
      %dma_wait3A_723 = tpu.memref_slice %arg8[%dma_wait3A_722] : memref<16384xf32, #tpu.memory_space<vmem>> -> memref<2048xf32, #tpu.memory_space<vmem>>
      %dma_wait3A_724 = arith.constant 0 : i32
      %dma_wait3A_725 = tpu.memref_slice %arg11[%dma_wait3A_724] : memref<65536xf32, #tpu.memory_space<vmem_shared>> -> memref<2048xf32, #tpu.memory_space<vmem_shared>>
      tpu.wait_dma2 semaphore(%arg15 : memref<!tpu.dma_semaphore, #tpu.memory_space<semaphore_mem>>) src(%dma_wait3A_725 : memref<2048xf32, #tpu.memory_space<vmem_shared>>) dst(%dma_wait3A_723 : memref<2048xf32, #tpu.memory_space<vmem>>)
      %dma_wait3A_726 = arith.constant 12288 : i32
      %dma_wait3A_727 = tpu.memref_slice %arg8[%dma_wait3A_726] : memref<16384xf32, #tpu.memory_space<vmem>> -> memref<2048xf32, #tpu.memory_space<vmem>>
      %dma_wait3A_728 = arith.constant 0 : i32
      %dma_wait3A_729 = tpu.memref_slice %arg11[%dma_wait3A_728] : memref<65536xf32, #tpu.memory_space<vmem_shared>> -> memref<2048xf32, #tpu.memory_space<vmem_shared>>
      %dma_wait3A_730 = arith.constant 12288 : i32
      %dma_wait3A_731 = tpu.memref_slice %arg8[%dma_wait3A_730] : memref<16384xf32, #tpu.memory_space<vmem>> -> memref<2048xf32, #tpu.memory_space<vmem>>
      %dma_wait3A_732 = arith.constant 0 : i32
      %dma_wait3A_733 = tpu.memref_slice %arg11[%dma_wait3A_732] : memref<65536xf32, #tpu.memory_space<vmem_shared>> -> memref<2048xf32, #tpu.memory_space<vmem_shared>>
      tpu.wait_dma2 semaphore(%arg15 : memref<!tpu.dma_semaphore, #tpu.memory_space<semaphore_mem>>) src(%dma_wait3A_733 : memref<2048xf32, #tpu.memory_space<vmem_shared>>) dst(%dma_wait3A_731 : memref<2048xf32, #tpu.memory_space<vmem>>)
      %dma_wait3A_734 = arith.constant 14336 : i32
      %dma_wait3A_735 = tpu.memref_slice %arg8[%dma_wait3A_734] : memref<16384xf32, #tpu.memory_space<vmem>> -> memref<2048xf32, #tpu.memory_space<vmem>>
      %dma_wait3A_736 = arith.constant 0 : i32
      %dma_wait3A_737 = tpu.memref_slice %arg11[%dma_wait3A_736] : memref<65536xf32, #tpu.memory_space<vmem_shared>> -> memref<2048xf32, #tpu.memory_space<vmem_shared>>
      %dma_wait3A_738 = arith.constant 14336 : i32
      %dma_wait3A_739 = tpu.memref_slice %arg8[%dma_wait3A_738] : memref<16384xf32, #tpu.memory_space<vmem>> -> memref<2048xf32, #tpu.memory_space<vmem>>
      %dma_wait3A_740 = arith.constant 0 : i32
      %dma_wait3A_741 = tpu.memref_slice %arg11[%dma_wait3A_740] : memref<65536xf32, #tpu.memory_space<vmem_shared>> -> memref<2048xf32, #tpu.memory_space<vmem_shared>>
      tpu.wait_dma2 semaphore(%arg15 : memref<!tpu.dma_semaphore, #tpu.memory_space<semaphore_mem>>) src(%dma_wait3A_741 : memref<2048xf32, #tpu.memory_space<vmem_shared>>) dst(%dma_wait3A_739 : memref<2048xf32, #tpu.memory_space<vmem>>)
      %gt3A_742 = arith.constant 0 : i32
      %gt3A_743 = arith.cmpi sgt, %add3A_520, %gt3A_742 : i32
      %convert_element_type3A_744 = arith.extui %gt3A_743 : i1 to i32
      %cond3A_745 = arith.constant 0 : i32
      %cond3A_746 = arith.cmpi ne, %convert_element_type3A_744, %cond3A_745 : i32
      scf.if %cond3A_746 {
        %add3A_798 = arith.constant 0 : i32
        %add3A_799 = arith.addi %add3A_134, %add3A_798 : i32
        %dma_wait3A_800 = arith.constant 8192 : i32
        %dma_wait3A_801 = tpu.memref_slice %arg9[%dma_wait3A_800] : memref<16384xf32, #tpu.memory_space<vmem>> -> memref<2048xf32, #tpu.memory_space<vmem>>
        %dma_wait3A_802 = arith.constant 0 : i32
        %dma_wait3A_803 = tpu.memref_slice %arg5[%add3A_799, %dma_wait3A_802] : memref<256x16384xf32, #tpu.memory_space<hbm>> -> memref<1x2048xf32, #tpu.memory_space<hbm>>
        %dma_wait3A_804 = tpu.memref_squeeze %dma_wait3A_803 : memref<1x2048xf32, #tpu.memory_space<hbm>> -> memref<2048xf32, #tpu.memory_space<hbm>>
        %dma_wait3A_805 = arith.constant 0 : i32
        %dma_wait3A_806 = tpu.memref_slice %arg5[%add3A_799, %dma_wait3A_805] : memref<256x16384xf32, #tpu.memory_space<hbm>> -> memref<1x2048xf32, #tpu.memory_space<hbm>>
        %dma_wait3A_807 = tpu.memref_squeeze %dma_wait3A_806 : memref<1x2048xf32, #tpu.memory_space<hbm>> -> memref<2048xf32, #tpu.memory_space<hbm>>
        %dma_wait3A_808 = arith.constant 8192 : i32
        %dma_wait3A_809 = tpu.memref_slice %arg9[%dma_wait3A_808] : memref<16384xf32, #tpu.memory_space<vmem>> -> memref<2048xf32, #tpu.memory_space<vmem>>
        tpu.wait_dma2 semaphore(%arg17 : memref<!tpu.dma_semaphore, #tpu.memory_space<semaphore_mem>>) src(%dma_wait3A_809 : memref<2048xf32, #tpu.memory_space<vmem>>) dst(%dma_wait3A_807 : memref<2048xf32, #tpu.memory_space<hbm>>)
        %add3A_810 = arith.constant 1 : i32
        %add3A_811 = arith.addi %add3A_134, %add3A_810 : i32
        %dma_wait3A_812 = arith.constant 10240 : i32
        %dma_wait3A_813 = tpu.memref_slice %arg9[%dma_wait3A_812] : memref<16384xf32, #tpu.memory_space<vmem>> -> memref<2048xf32, #tpu.memory_space<vmem>>
        %dma_wait3A_814 = arith.constant 0 : i32
        %dma_wait3A_815 = tpu.memref_slice %arg5[%add3A_811, %dma_wait3A_814] : memref<256x16384xf32, #tpu.memory_space<hbm>> -> memref<1x2048xf32, #tpu.memory_space<hbm>>
        %dma_wait3A_816 = tpu.memref_squeeze %dma_wait3A_815 : memref<1x2048xf32, #tpu.memory_space<hbm>> -> memref<2048xf32, #tpu.memory_space<hbm>>
        %dma_wait3A_817 = arith.constant 0 : i32
        %dma_wait3A_818 = tpu.memref_slice %arg5[%add3A_811, %dma_wait3A_817] : memref<256x16384xf32, #tpu.memory_space<hbm>> -> memref<1x2048xf32, #tpu.memory_space<hbm>>
        %dma_wait3A_819 = tpu.memref_squeeze %dma_wait3A_818 : memref<1x2048xf32, #tpu.memory_space<hbm>> -> memref<2048xf32, #tpu.memory_space<hbm>>
        %dma_wait3A_820 = arith.constant 10240 : i32
        %dma_wait3A_821 = tpu.memref_slice %arg9[%dma_wait3A_820] : memref<16384xf32, #tpu.memory_space<vmem>> -> memref<2048xf32, #tpu.memory_space<vmem>>
        tpu.wait_dma2 semaphore(%arg17 : memref<!tpu.dma_semaphore, #tpu.memory_space<semaphore_mem>>) src(%dma_wait3A_821 : memref<2048xf32, #tpu.memory_space<vmem>>) dst(%dma_wait3A_819 : memref<2048xf32, #tpu.memory_space<hbm>>)
        %add3A_822 = arith.constant 2 : i32
        %add3A_823 = arith.addi %add3A_134, %add3A_822 : i32
        %dma_wait3A_824 = arith.constant 12288 : i32
        %dma_wait3A_825 = tpu.memref_slice %arg9[%dma_wait3A_824] : memref<16384xf32, #tpu.memory_space<vmem>> -> memref<2048xf32, #tpu.memory_space<vmem>>
        %dma_wait3A_826 = arith.constant 0 : i32
        %dma_wait3A_827 = tpu.memref_slice %arg5[%add3A_823, %dma_wait3A_826] : memref<256x16384xf32, #tpu.memory_space<hbm>> -> memref<1x2048xf32, #tpu.memory_space<hbm>>
        %dma_wait3A_828 = tpu.memref_squeeze %dma_wait3A_827 : memref<1x2048xf32, #tpu.memory_space<hbm>> -> memref<2048xf32, #tpu.memory_space<hbm>>
        %dma_wait3A_829 = arith.constant 0 : i32
        %dma_wait3A_830 = tpu.memref_slice %arg5[%add3A_823, %dma_wait3A_829] : memref<256x16384xf32, #tpu.memory_space<hbm>> -> memref<1x2048xf32, #tpu.memory_space<hbm>>
        %dma_wait3A_831 = tpu.memref_squeeze %dma_wait3A_830 : memref<1x2048xf32, #tpu.memory_space<hbm>> -> memref<2048xf32, #tpu.memory_space<hbm>>
        %dma_wait3A_832 = arith.constant 12288 : i32
        %dma_wait3A_833 = tpu.memref_slice %arg9[%dma_wait3A_832] : memref<16384xf32, #tpu.memory_space<vmem>> -> memref<2048xf32, #tpu.memory_space<vmem>>
        tpu.wait_dma2 semaphore(%arg17 : memref<!tpu.dma_semaphore, #tpu.memory_space<semaphore_mem>>) src(%dma_wait3A_833 : memref<2048xf32, #tpu.memory_space<vmem>>) dst(%dma_wait3A_831 : memref<2048xf32, #tpu.memory_space<hbm>>)
        %add3A_834 = arith.constant 3 : i32
        %add3A_835 = arith.addi %add3A_134, %add3A_834 : i32
        %dma_wait3A_836 = arith.constant 14336 : i32
        %dma_wait3A_837 = tpu.memref_slice %arg9[%dma_wait3A_836] : memref<16384xf32, #tpu.memory_space<vmem>> -> memref<2048xf32, #tpu.memory_space<vmem>>
        %dma_wait3A_838 = arith.constant 0 : i32
        %dma_wait3A_839 = tpu.memref_slice %arg5[%add3A_835, %dma_wait3A_838] : memref<256x16384xf32, #tpu.memory_space<hbm>> -> memref<1x2048xf32, #tpu.memory_space<hbm>>
        %dma_wait3A_840 = tpu.memref_squeeze %dma_wait3A_839 : memref<1x2048xf32, #tpu.memory_space<hbm>> -> memref<2048xf32, #tpu.memory_space<hbm>>
        %dma_wait3A_841 = arith.constant 0 : i32
        %dma_wait3A_842 = tpu.memref_slice %arg5[%add3A_835, %dma_wait3A_841] : memref<256x16384xf32, #tpu.memory_space<hbm>> -> memref<1x2048xf32, #tpu.memory_space<hbm>>
        %dma_wait3A_843 = tpu.memref_squeeze %dma_wait3A_842 : memref<1x2048xf32, #tpu.memory_space<hbm>> -> memref<2048xf32, #tpu.memory_space<hbm>>
        %dma_wait3A_844 = arith.constant 14336 : i32
        %dma_wait3A_845 = tpu.memref_slice %arg9[%dma_wait3A_844] : memref<16384xf32, #tpu.memory_space<vmem>> -> memref<2048xf32, #tpu.memory_space<vmem>>
        tpu.wait_dma2 semaphore(%arg17 : memref<!tpu.dma_semaphore, #tpu.memory_space<semaphore_mem>>) src(%dma_wait3A_845 : memref<2048xf32, #tpu.memory_space<vmem>>) dst(%dma_wait3A_843 : memref<2048xf32, #tpu.memory_space<hbm>>)
      } else {
      }
      %parallel_loop3A_747 = arith.constant 0 : i32
      %parallel_loop3A_748 = arith.constant 2048 : i32
      %parallel_loop3A_749 = arith.constant 16 : i32
      scf.for %parallel_loop3A_798 = %parallel_loop3A_747 to %parallel_loop3A_748 step %parallel_loop3A_749  : i32 {
        %parallel_loop3A_799 = arith.constant 4096 : i32
        %parallel_loop3A_800 = arith.addi %parallel_loop3A_799, %parallel_loop3A_798 : i32
        %parallel_loop3A_801 = arith.index_cast %parallel_loop3A_800 : i32 to index
        %parallel_loop3A_802 = tpu.vector_load %arg7[%parallel_loop3A_801] {strides = array<i32>} : memref<8192xi32, #tpu.memory_space<vmem>>, vector<16xi32>,
        %parallel_loop3A_803 = arith.constant 6144 : i32
        %parallel_loop3A_804 = arith.addi %parallel_loop3A_803, %parallel_loop3A_798 : i32
        %parallel_loop3A_805 = arith.index_cast %parallel_loop3A_804 : i32 to index
        %parallel_loop3A_806 = tpu.vector_load %arg7[%parallel_loop3A_805] {strides = array<i32>} : memref<8192xi32, #tpu.memory_space<vmem>>, vector<16xi32>,
        %parallel_loop3A_807 = arith.constant 8192 : i32
        %parallel_loop3A_808 = arith.addi %parallel_loop3A_807, %parallel_loop3A_798 : i32
        %parallel_loop3A_809 = arith.index_cast %parallel_loop3A_808 : i32 to index
        %parallel_loop3A_810 = tpu.vector_load %arg8[%parallel_loop3A_809] {strides = array<i32>} : memref<16384xf32, #tpu.memory_space<vmem>>, vector<16xf32>,
        %parallel_loop3A_811 = arith.constant 10240 : i32
        %parallel_loop3A_812 = arith.addi %parallel_loop3A_811, %parallel_loop3A_798 : i32
        %parallel_loop3A_813 = arith.index_cast %parallel_loop3A_812 : i32 to index
        %parallel_loop3A_814 = tpu.vector_load %arg8[%parallel_loop3A_813] {strides = array<i32>} : memref<16384xf32, #tpu.memory_space<vmem>>, vector<16xf32>,
        %parallel_loop3A_815 = arith.constant 12288 : i32
        %parallel_loop3A_816 = arith.addi %parallel_loop3A_815, %parallel_loop3A_798 : i32
        %parallel_loop3A_817 = arith.index_cast %parallel_loop3A_816 : i32 to index
        %parallel_loop3A_818 = tpu.vector_load %arg8[%parallel_loop3A_817] {strides = array<i32>} : memref<16384xf32, #tpu.memory_space<vmem>>, vector<16xf32>,
        %parallel_loop3A_819 = arith.constant 14336 : i32
        %parallel_loop3A_820 = arith.addi %parallel_loop3A_819, %parallel_loop3A_798 : i32
        %parallel_loop3A_821 = arith.index_cast %parallel_loop3A_820 : i32 to index
        %parallel_loop3A_822 = tpu.vector_load %arg8[%parallel_loop3A_821] {strides = array<i32>} : memref<16384xf32, #tpu.memory_space<vmem>>, vector<16xf32>,
        %parallel_loop3A_823 = arith.constant 0 : i32
        %parallel_loop3A_824 = vector.broadcast %parallel_loop3A_823 : i32 to vector<16xi32>
        %parallel_loop3A_825 = arith.addi %parallel_loop3A_802, %parallel_loop3A_824 : vector<16xi32>
        %parallel_loop3A_826 = tpu.vector_load_idx %arg6[%parallel_loop3A_825] : memref<65536xf32, #tpu.memory_space<vmem>>[vector<16xi32>], vector<16xf32>,
        %parallel_loop3A_827 = arith.constant 0 : i32
        %parallel_loop3A_828 = vector.broadcast %parallel_loop3A_827 : i32 to vector<16xi32>
        %parallel_loop3A_829 = arith.addi %parallel_loop3A_806, %parallel_loop3A_828 : vector<16xi32>
        %parallel_loop3A_830 = tpu.vector_load_idx %arg6[%parallel_loop3A_829] : memref<65536xf32, #tpu.memory_space<vmem>>[vector<16xi32>], vector<16xf32>,
        %parallel_loop3A_831 = arith.mulf %parallel_loop3A_826, %parallel_loop3A_814 : vector<16xf32>
        %parallel_loop3A_832 = arith.addf %parallel_loop3A_810, %parallel_loop3A_831 : vector<16xf32>
        %parallel_loop3A_833 = arith.mulf %parallel_loop3A_830, %parallel_loop3A_818 : vector<16xf32>
        %parallel_loop3A_834 = arith.addf %parallel_loop3A_832, %parallel_loop3A_833 : vector<16xf32>
        %parallel_loop3A_835 = arith.mulf %parallel_loop3A_826, %parallel_loop3A_830 : vector<16xf32>
        %parallel_loop3A_836 = arith.mulf %parallel_loop3A_835, %parallel_loop3A_822 : vector<16xf32>
        %parallel_loop3A_837 = arith.addf %parallel_loop3A_834, %parallel_loop3A_836 : vector<16xf32>
        %parallel_loop3A_838 = arith.constant 8192 : i32
        %parallel_loop3A_839 = arith.addi %parallel_loop3A_838, %parallel_loop3A_798 : i32
        %parallel_loop3A_840 = arith.index_cast %parallel_loop3A_839 : i32 to index
        %parallel_loop3A_841 = tpu.vector_load %arg9[%parallel_loop3A_840] {strides = array<i32>} : memref<16384xf32, #tpu.memory_space<vmem>>, vector<16xf32>,
        tpu.vector_store %arg9[%parallel_loop3A_840], %parallel_loop3A_837 {strides = array<i32>} : memref<16384xf32, #tpu.memory_space<vmem>>, vector<16xf32>,
        %parallel_loop3A_842 = arith.constant 16384 : i32
        %parallel_loop3A_843 = vector.broadcast %parallel_loop3A_842 : i32 to vector<16xi32>
        %parallel_loop3A_844 = arith.addi %parallel_loop3A_802, %parallel_loop3A_843 : vector<16xi32>
        %parallel_loop3A_845 = tpu.vector_load_idx %arg6[%parallel_loop3A_844] : memref<65536xf32, #tpu.memory_space<vmem>>[vector<16xi32>], vector<16xf32>,
        %parallel_loop3A_846 = arith.constant 16384 : i32
        %parallel_loop3A_847 = vector.broadcast %parallel_loop3A_846 : i32 to vector<16xi32>
        %parallel_loop3A_848 = arith.addi %parallel_loop3A_806, %parallel_loop3A_847 : vector<16xi32>
        %parallel_loop3A_849 = tpu.vector_load_idx %arg6[%parallel_loop3A_848] : memref<65536xf32, #tpu.memory_space<vmem>>[vector<16xi32>], vector<16xf32>,
        %parallel_loop3A_850 = arith.mulf %parallel_loop3A_845, %parallel_loop3A_814 : vector<16xf32>
        %parallel_loop3A_851 = arith.addf %parallel_loop3A_810, %parallel_loop3A_850 : vector<16xf32>
        %parallel_loop3A_852 = arith.mulf %parallel_loop3A_849, %parallel_loop3A_818 : vector<16xf32>
        %parallel_loop3A_853 = arith.addf %parallel_loop3A_851, %parallel_loop3A_852 : vector<16xf32>
        %parallel_loop3A_854 = arith.mulf %parallel_loop3A_845, %parallel_loop3A_849 : vector<16xf32>
        %parallel_loop3A_855 = arith.mulf %parallel_loop3A_854, %parallel_loop3A_822 : vector<16xf32>
        %parallel_loop3A_856 = arith.addf %parallel_loop3A_853, %parallel_loop3A_855 : vector<16xf32>
        %parallel_loop3A_857 = arith.constant 10240 : i32
        %parallel_loop3A_858 = arith.addi %parallel_loop3A_857, %parallel_loop3A_798 : i32
        %parallel_loop3A_859 = arith.index_cast %parallel_loop3A_858 : i32 to index
        %parallel_loop3A_860 = tpu.vector_load %arg9[%parallel_loop3A_859] {strides = array<i32>} : memref<16384xf32, #tpu.memory_space<vmem>>, vector<16xf32>,
        tpu.vector_store %arg9[%parallel_loop3A_859], %parallel_loop3A_856 {strides = array<i32>} : memref<16384xf32, #tpu.memory_space<vmem>>, vector<16xf32>,
        %parallel_loop3A_861 = arith.constant 32768 : i32
        %parallel_loop3A_862 = vector.broadcast %parallel_loop3A_861 : i32 to vector<16xi32>
        %parallel_loop3A_863 = arith.addi %parallel_loop3A_802, %parallel_loop3A_862 : vector<16xi32>
        %parallel_loop3A_864 = tpu.vector_load_idx %arg6[%parallel_loop3A_863] : memref<65536xf32, #tpu.memory_space<vmem>>[vector<16xi32>], vector<16xf32>,
        %parallel_loop3A_865 = arith.constant 32768 : i32
        %parallel_loop3A_866 = vector.broadcast %parallel_loop3A_865 : i32 to vector<16xi32>
        %parallel_loop3A_867 = arith.addi %parallel_loop3A_806, %parallel_loop3A_866 : vector<16xi32>
        %parallel_loop3A_868 = tpu.vector_load_idx %arg6[%parallel_loop3A_867] : memref<65536xf32, #tpu.memory_space<vmem>>[vector<16xi32>], vector<16xf32>,
        %parallel_loop3A_869 = arith.mulf %parallel_loop3A_864, %parallel_loop3A_814 : vector<16xf32>
        %parallel_loop3A_870 = arith.addf %parallel_loop3A_810, %parallel_loop3A_869 : vector<16xf32>
        %parallel_loop3A_871 = arith.mulf %parallel_loop3A_868, %parallel_loop3A_818 : vector<16xf32>
        %parallel_loop3A_872 = arith.addf %parallel_loop3A_870, %parallel_loop3A_871 : vector<16xf32>
        %parallel_loop3A_873 = arith.mulf %parallel_loop3A_864, %parallel_loop3A_868 : vector<16xf32>
        %parallel_loop3A_874 = arith.mulf %parallel_loop3A_873, %parallel_loop3A_822 : vector<16xf32>
        %parallel_loop3A_875 = arith.addf %parallel_loop3A_872, %parallel_loop3A_874 : vector<16xf32>
        %parallel_loop3A_876 = arith.constant 12288 : i32
        %parallel_loop3A_877 = arith.addi %parallel_loop3A_876, %parallel_loop3A_798 : i32
        %parallel_loop3A_878 = arith.index_cast %parallel_loop3A_877 : i32 to index
        %parallel_loop3A_879 = tpu.vector_load %arg9[%parallel_loop3A_878] {strides = array<i32>} : memref<16384xf32, #tpu.memory_space<vmem>>, vector<16xf32>,
        tpu.vector_store %arg9[%parallel_loop3A_878], %parallel_loop3A_875 {strides = array<i32>} : memref<16384xf32, #tpu.memory_space<vmem>>, vector<16xf32>,
        %parallel_loop3A_880 = arith.constant 49152 : i32
        %parallel_loop3A_881 = vector.broadcast %parallel_loop3A_880 : i32 to vector<16xi32>
        %parallel_loop3A_882 = arith.addi %parallel_loop3A_802, %parallel_loop3A_881 : vector<16xi32>
        %parallel_loop3A_883 = tpu.vector_load_idx %arg6[%parallel_loop3A_882] : memref<65536xf32, #tpu.memory_space<vmem>>[vector<16xi32>], vector<16xf32>,
        %parallel_loop3A_884 = arith.constant 49152 : i32
        %parallel_loop3A_885 = vector.broadcast %parallel_loop3A_884 : i32 to vector<16xi32>
        %parallel_loop3A_886 = arith.addi %parallel_loop3A_806, %parallel_loop3A_885 : vector<16xi32>
        %parallel_loop3A_887 = tpu.vector_load_idx %arg6[%parallel_loop3A_886] : memref<65536xf32, #tpu.memory_space<vmem>>[vector<16xi32>], vector<16xf32>,
        %parallel_loop3A_888 = arith.mulf %parallel_loop3A_883, %parallel_loop3A_814 : vector<16xf32>
        %parallel_loop3A_889 = arith.addf %parallel_loop3A_810, %parallel_loop3A_888 : vector<16xf32>
        %parallel_loop3A_890 = arith.mulf %parallel_loop3A_887, %parallel_loop3A_818 : vector<16xf32>
        %parallel_loop3A_891 = arith.addf %parallel_loop3A_889, %parallel_loop3A_890 : vector<16xf32>
        %parallel_loop3A_892 = arith.mulf %parallel_loop3A_883, %parallel_loop3A_887 : vector<16xf32>
        %parallel_loop3A_893 = arith.mulf %parallel_loop3A_892, %parallel_loop3A_822 : vector<16xf32>
        %parallel_loop3A_894 = arith.addf %parallel_loop3A_891, %parallel_loop3A_893 : vector<16xf32>
        %parallel_loop3A_895 = arith.constant 14336 : i32
        %parallel_loop3A_896 = arith.addi %parallel_loop3A_895, %parallel_loop3A_798 : i32
        %parallel_loop3A_897 = arith.index_cast %parallel_loop3A_896 : i32 to index
        %parallel_loop3A_898 = tpu.vector_load %arg9[%parallel_loop3A_897] {strides = array<i32>} : memref<16384xf32, #tpu.memory_space<vmem>>, vector<16xf32>,
        tpu.vector_store %arg9[%parallel_loop3A_897], %parallel_loop3A_894 {strides = array<i32>} : memref<16384xf32, #tpu.memory_space<vmem>>, vector<16xf32>,
      } {sc.loop_unroll_factor = 4 : i64, sc.parallel_access}
      %add3A_750 = arith.constant 0 : i32
      %add3A_751 = arith.addi %add3A_134, %add3A_750 : i32
      %mul3A_752 = arith.constant 2048 : i32
      %mul3A_753 = arith.muli %add3A_526, %mul3A_752 : i32
      %dma_start3A_754 = arith.constant 8192 : i32
      %dma_start3A_755 = tpu.memref_slice %arg9[%dma_start3A_754] : memref<16384xf32, #tpu.memory_space<vmem>> -> memref<2048xf32, #tpu.memory_space<vmem>>
      %dma_start3A_756 = tpu.memref_slice %arg5[%add3A_751, %mul3A_753] : memref<256x16384xf32, #tpu.memory_space<hbm>> -> memref<1x2048xf32, #tpu.memory_space<hbm>>
      %dma_start3A_757 = tpu.memref_squeeze %dma_start3A_756 : memref<1x2048xf32, #tpu.memory_space<hbm>> -> memref<2048xf32, #tpu.memory_space<hbm>>
      %dma_start3A_758 = tpu.memref_slice %arg5[%add3A_751, %mul3A_753] : memref<256x16384xf32, #tpu.memory_space<hbm>> -> memref<1x2048xf32, #tpu.memory_space<hbm>>
      %dma_start3A_759 = tpu.memref_squeeze %dma_start3A_758 : memref<1x2048xf32, #tpu.memory_space<hbm>> -> memref<2048xf32, #tpu.memory_space<hbm>>
      %dma_start3A_760 = arith.constant 8192 : i32
      %dma_start3A_761 = tpu.memref_slice %arg9[%dma_start3A_760] : memref<16384xf32, #tpu.memory_space<vmem>> -> memref<2048xf32, #tpu.memory_space<vmem>>
      tpu.enqueue_dma source(%dma_start3A_761 : memref<2048xf32, #tpu.memory_space<vmem>>) target(%dma_start3A_759 : memref<2048xf32, #tpu.memory_space<hbm>>) target_semaphore(%arg17 : memref<!tpu.dma_semaphore, #tpu.memory_space<semaphore_mem>>)
      %add3A_762 = arith.constant 1 : i32
      %add3A_763 = arith.addi %add3A_134, %add3A_762 : i32
      %mul3A_764 = arith.constant 2048 : i32
      %mul3A_765 = arith.muli %add3A_526, %mul3A_764 : i32
      %dma_start3A_766 = arith.constant 10240 : i32
      %dma_start3A_767 = tpu.memref_slice %arg9[%dma_start3A_766] : memref<16384xf32, #tpu.memory_space<vmem>> -> memref<2048xf32, #tpu.memory_space<vmem>>
      %dma_start3A_768 = tpu.memref_slice %arg5[%add3A_763, %mul3A_765] : memref<256x16384xf32, #tpu.memory_space<hbm>> -> memref<1x2048xf32, #tpu.memory_space<hbm>>
      %dma_start3A_769 = tpu.memref_squeeze %dma_start3A_768 : memref<1x2048xf32, #tpu.memory_space<hbm>> -> memref<2048xf32, #tpu.memory_space<hbm>>
      %dma_start3A_770 = tpu.memref_slice %arg5[%add3A_763, %mul3A_765] : memref<256x16384xf32, #tpu.memory_space<hbm>> -> memref<1x2048xf32, #tpu.memory_space<hbm>>
      %dma_start3A_771 = tpu.memref_squeeze %dma_start3A_770 : memref<1x2048xf32, #tpu.memory_space<hbm>> -> memref<2048xf32, #tpu.memory_space<hbm>>
      %dma_start3A_772 = arith.constant 10240 : i32
      %dma_start3A_773 = tpu.memref_slice %arg9[%dma_start3A_772] : memref<16384xf32, #tpu.memory_space<vmem>> -> memref<2048xf32, #tpu.memory_space<vmem>>
      tpu.enqueue_dma source(%dma_start3A_773 : memref<2048xf32, #tpu.memory_space<vmem>>) target(%dma_start3A_771 : memref<2048xf32, #tpu.memory_space<hbm>>) target_semaphore(%arg17 : memref<!tpu.dma_semaphore, #tpu.memory_space<semaphore_mem>>)
      %add3A_774 = arith.constant 2 : i32
      %add3A_775 = arith.addi %add3A_134, %add3A_774 : i32
      %mul3A_776 = arith.constant 2048 : i32
      %mul3A_777 = arith.muli %add3A_526, %mul3A_776 : i32
      %dma_start3A_778 = arith.constant 12288 : i32
      %dma_start3A_779 = tpu.memref_slice %arg9[%dma_start3A_778] : memref<16384xf32, #tpu.memory_space<vmem>> -> memref<2048xf32, #tpu.memory_space<vmem>>
      %dma_start3A_780 = tpu.memref_slice %arg5[%add3A_775, %mul3A_777] : memref<256x16384xf32, #tpu.memory_space<hbm>> -> memref<1x2048xf32, #tpu.memory_space<hbm>>
      %dma_start3A_781 = tpu.memref_squeeze %dma_start3A_780 : memref<1x2048xf32, #tpu.memory_space<hbm>> -> memref<2048xf32, #tpu.memory_space<hbm>>
      %dma_start3A_782 = tpu.memref_slice %arg5[%add3A_775, %mul3A_777] : memref<256x16384xf32, #tpu.memory_space<hbm>> -> memref<1x2048xf32, #tpu.memory_space<hbm>>
      %dma_start3A_783 = tpu.memref_squeeze %dma_start3A_782 : memref<1x2048xf32, #tpu.memory_space<hbm>> -> memref<2048xf32, #tpu.memory_space<hbm>>
      %dma_start3A_784 = arith.constant 12288 : i32
      %dma_start3A_785 = tpu.memref_slice %arg9[%dma_start3A_784] : memref<16384xf32, #tpu.memory_space<vmem>> -> memref<2048xf32, #tpu.memory_space<vmem>>
      tpu.enqueue_dma source(%dma_start3A_785 : memref<2048xf32, #tpu.memory_space<vmem>>) target(%dma_start3A_783 : memref<2048xf32, #tpu.memory_space<hbm>>) target_semaphore(%arg17 : memref<!tpu.dma_semaphore, #tpu.memory_space<semaphore_mem>>)
      %add3A_786 = arith.constant 3 : i32
      %add3A_787 = arith.addi %add3A_134, %add3A_786 : i32
      %mul3A_788 = arith.constant 2048 : i32
      %mul3A_789 = arith.muli %add3A_526, %mul3A_788 : i32
      %dma_start3A_790 = arith.constant 14336 : i32
      %dma_start3A_791 = tpu.memref_slice %arg9[%dma_start3A_790] : memref<16384xf32, #tpu.memory_space<vmem>> -> memref<2048xf32, #tpu.memory_space<vmem>>
      %dma_start3A_792 = tpu.memref_slice %arg5[%add3A_787, %mul3A_789] : memref<256x16384xf32, #tpu.memory_space<hbm>> -> memref<1x2048xf32, #tpu.memory_space<hbm>>
      %dma_start3A_793 = tpu.memref_squeeze %dma_start3A_792 : memref<1x2048xf32, #tpu.memory_space<hbm>> -> memref<2048xf32, #tpu.memory_space<hbm>>
      %dma_start3A_794 = tpu.memref_slice %arg5[%add3A_787, %mul3A_789] : memref<256x16384xf32, #tpu.memory_space<hbm>> -> memref<1x2048xf32, #tpu.memory_space<hbm>>
      %dma_start3A_795 = tpu.memref_squeeze %dma_start3A_794 : memref<1x2048xf32, #tpu.memory_space<hbm>> -> memref<2048xf32, #tpu.memory_space<hbm>>
      %dma_start3A_796 = arith.constant 14336 : i32
      %dma_start3A_797 = tpu.memref_slice %arg9[%dma_start3A_796] : memref<16384xf32, #tpu.memory_space<vmem>> -> memref<2048xf32, #tpu.memory_space<vmem>>
      tpu.enqueue_dma source(%dma_start3A_797 : memref<2048xf32, #tpu.memory_space<vmem>>) target(%dma_start3A_795 : memref<2048xf32, #tpu.memory_space<hbm>>) target_semaphore(%arg17 : memref<!tpu.dma_semaphore, #tpu.memory_space<semaphore_mem>>)
    }
    %scan3A_178 = arith.constant 4 : i32
    %add3A_179 = arith.constant 4 : i32
    %add3A_180 = arith.addi %mul3A_2, %add3A_179 : i32
    %add3A_181 = arith.constant 0 : i32
    %add3A_182 = arith.addi %add3A_180, %add3A_181 : i32
    %dma_start3A_183 = arith.constant 0 : i32
    %dma_start3A_184 = tpu.memref_slice %arg6[%dma_start3A_183] : memref<65536xf32, #tpu.memory_space<vmem>> -> memref<16384xf32, #tpu.memory_space<vmem>>
    %dma_start3A_185 = arith.constant 0 : i32
    %dma_start3A_186 = tpu.memref_slice %arg2[%add3A_182, %dma_start3A_185] : memref<256x16384xf32, #tpu.memory_space<hbm>> -> memref<1x16384xf32, #tpu.memory_space<hbm>>
    %dma_start3A_187 = tpu.memref_squeeze %dma_start3A_186 : memref<1x16384xf32, #tpu.memory_space<hbm>> -> memref<16384xf32, #tpu.memory_space<hbm>>
    %dma_start3A_188 = arith.constant 0 : i32
    %dma_start3A_189 = tpu.memref_slice %arg6[%dma_start3A_188] : memref<65536xf32, #tpu.memory_space<vmem>> -> memref<16384xf32, #tpu.memory_space<vmem>>
    %dma_start3A_190 = arith.constant 0 : i32
    %dma_start3A_191 = tpu.memref_slice %arg2[%add3A_182, %dma_start3A_190] : memref<256x16384xf32, #tpu.memory_space<hbm>> -> memref<1x16384xf32, #tpu.memory_space<hbm>>
    %dma_start3A_192 = tpu.memref_squeeze %dma_start3A_191 : memref<1x16384xf32, #tpu.memory_space<hbm>> -> memref<16384xf32, #tpu.memory_space<hbm>>
    tpu.enqueue_dma source(%dma_start3A_192 : memref<16384xf32, #tpu.memory_space<hbm>>) target(%dma_start3A_189 : memref<16384xf32, #tpu.memory_space<vmem>>) target_semaphore(%arg12 : memref<!tpu.dma_semaphore, #tpu.memory_space<semaphore_mem>>)
    %add3A_193 = arith.constant 1 : i32
    %add3A_194 = arith.addi %add3A_180, %add3A_193 : i32
    %dma_start3A_195 = arith.constant 16384 : i32
    %dma_start3A_196 = tpu.memref_slice %arg6[%dma_start3A_195] : memref<65536xf32, #tpu.memory_space<vmem>> -> memref<16384xf32, #tpu.memory_space<vmem>>
    %dma_start3A_197 = arith.constant 0 : i32
    %dma_start3A_198 = tpu.memref_slice %arg2[%add3A_194, %dma_start3A_197] : memref<256x16384xf32, #tpu.memory_space<hbm>> -> memref<1x16384xf32, #tpu.memory_space<hbm>>
    %dma_start3A_199 = tpu.memref_squeeze %dma_start3A_198 : memref<1x16384xf32, #tpu.memory_space<hbm>> -> memref<16384xf32, #tpu.memory_space<hbm>>
    %dma_start3A_200 = arith.constant 16384 : i32
    %dma_start3A_201 = tpu.memref_slice %arg6[%dma_start3A_200] : memref<65536xf32, #tpu.memory_space<vmem>> -> memref<16384xf32, #tpu.memory_space<vmem>>
    %dma_start3A_202 = arith.constant 0 : i32
    %dma_start3A_203 = tpu.memref_slice %arg2[%add3A_194, %dma_start3A_202] : memref<256x16384xf32, #tpu.memory_space<hbm>> -> memref<1x16384xf32, #tpu.memory_space<hbm>>
    %dma_start3A_204 = tpu.memref_squeeze %dma_start3A_203 : memref<1x16384xf32, #tpu.memory_space<hbm>> -> memref<16384xf32, #tpu.memory_space<hbm>>
    tpu.enqueue_dma source(%dma_start3A_204 : memref<16384xf32, #tpu.memory_space<hbm>>) target(%dma_start3A_201 : memref<16384xf32, #tpu.memory_space<vmem>>) target_semaphore(%arg12 : memref<!tpu.dma_semaphore, #tpu.memory_space<semaphore_mem>>)
    %add3A_205 = arith.constant 2 : i32
    %add3A_206 = arith.addi %add3A_180, %add3A_205 : i32
    %dma_start3A_207 = arith.constant 32768 : i32
    %dma_start3A_208 = tpu.memref_slice %arg6[%dma_start3A_207] : memref<65536xf32, #tpu.memory_space<vmem>> -> memref<16384xf32, #tpu.memory_space<vmem>>
    %dma_start3A_209 = arith.constant 0 : i32
    %dma_start3A_210 = tpu.memref_slice %arg2[%add3A_206, %dma_start3A_209] : memref<256x16384xf32, #tpu.memory_space<hbm>> -> memref<1x16384xf32, #tpu.memory_space<hbm>>
    %dma_start3A_211 = tpu.memref_squeeze %dma_start3A_210 : memref<1x16384xf32, #tpu.memory_space<hbm>> -> memref<16384xf32, #tpu.memory_space<hbm>>
    %dma_start3A_212 = arith.constant 32768 : i32
    %dma_start3A_213 = tpu.memref_slice %arg6[%dma_start3A_212] : memref<65536xf32, #tpu.memory_space<vmem>> -> memref<16384xf32, #tpu.memory_space<vmem>>
    %dma_start3A_214 = arith.constant 0 : i32
    %dma_start3A_215 = tpu.memref_slice %arg2[%add3A_206, %dma_start3A_214] : memref<256x16384xf32, #tpu.memory_space<hbm>> -> memref<1x16384xf32, #tpu.memory_space<hbm>>
    %dma_start3A_216 = tpu.memref_squeeze %dma_start3A_215 : memref<1x16384xf32, #tpu.memory_space<hbm>> -> memref<16384xf32, #tpu.memory_space<hbm>>
    tpu.enqueue_dma source(%dma_start3A_216 : memref<16384xf32, #tpu.memory_space<hbm>>) target(%dma_start3A_213 : memref<16384xf32, #tpu.memory_space<vmem>>) target_semaphore(%arg12 : memref<!tpu.dma_semaphore, #tpu.memory_space<semaphore_mem>>)
    %add3A_217 = arith.constant 3 : i32
    %add3A_218 = arith.addi %add3A_180, %add3A_217 : i32
    %dma_start3A_219 = arith.constant 49152 : i32
    %dma_start3A_220 = tpu.memref_slice %arg6[%dma_start3A_219] : memref<65536xf32, #tpu.memory_space<vmem>> -> memref<16384xf32, #tpu.memory_space<vmem>>
    %dma_start3A_221 = arith.constant 0 : i32
    %dma_start3A_222 = tpu.memref_slice %arg2[%add3A_218, %dma_start3A_221] : memref<256x16384xf32, #tpu.memory_space<hbm>> -> memref<1x16384xf32, #tpu.memory_space<hbm>>
    %dma_start3A_223 = tpu.memref_squeeze %dma_start3A_222 : memref<1x16384xf32, #tpu.memory_space<hbm>> -> memref<16384xf32, #tpu.memory_space<hbm>>
    %dma_start3A_224 = arith.constant 49152 : i32
    %dma_start3A_225 = tpu.memref_slice %arg6[%dma_start3A_224] : memref<65536xf32, #tpu.memory_space<vmem>> -> memref<16384xf32, #tpu.memory_space<vmem>>
    %dma_start3A_226 = arith.constant 0 : i32
    %dma_start3A_227 = tpu.memref_slice %arg2[%add3A_218, %dma_start3A_226] : memref<256x16384xf32, #tpu.memory_space<hbm>> -> memref<1x16384xf32, #tpu.memory_space<hbm>>
    %dma_start3A_228 = tpu.memref_squeeze %dma_start3A_227 : memref<1x16384xf32, #tpu.memory_space<hbm>> -> memref<16384xf32, #tpu.memory_space<hbm>>
    tpu.enqueue_dma source(%dma_start3A_228 : memref<16384xf32, #tpu.memory_space<hbm>>) target(%dma_start3A_225 : memref<16384xf32, #tpu.memory_space<vmem>>) target_semaphore(%arg12 : memref<!tpu.dma_semaphore, #tpu.memory_space<semaphore_mem>>)
    %dma_start3A_229 = arith.constant 0 : i32
    %dma_start3A_230 = tpu.memref_slice %arg7[%dma_start3A_229] : memref<8192xi32, #tpu.memory_space<vmem>> -> memref<2048xi32, #tpu.memory_space<vmem>>
    %dma_start3A_231 = arith.constant 0 : i32
    %dma_start3A_232 = tpu.memref_slice %arg10[%dma_start3A_231] : memref<32768xi32, #tpu.memory_space<vmem_shared>> -> memref<2048xi32, #tpu.memory_space<vmem_shared>>
    %dma_start3A_233 = arith.constant 0 : i32
    %dma_start3A_234 = tpu.memref_slice %arg7[%dma_start3A_233] : memref<8192xi32, #tpu.memory_space<vmem>> -> memref<2048xi32, #tpu.memory_space<vmem>>
    %dma_start3A_235 = arith.constant 0 : i32
    %dma_start3A_236 = tpu.memref_slice %arg10[%dma_start3A_235] : memref<32768xi32, #tpu.memory_space<vmem_shared>> -> memref<2048xi32, #tpu.memory_space<vmem_shared>>
    tpu.enqueue_dma source(%dma_start3A_236 : memref<2048xi32, #tpu.memory_space<vmem_shared>>) target(%dma_start3A_234 : memref<2048xi32, #tpu.memory_space<vmem>>) target_semaphore(%arg14 : memref<!tpu.dma_semaphore, #tpu.memory_space<semaphore_mem>>)
    %dma_start3A_237 = arith.constant 2048 : i32
    %dma_start3A_238 = tpu.memref_slice %arg7[%dma_start3A_237] : memref<8192xi32, #tpu.memory_space<vmem>> -> memref<2048xi32, #tpu.memory_space<vmem>>
    %dma_start3A_239 = arith.constant 16384 : i32
    %dma_start3A_240 = tpu.memref_slice %arg10[%dma_start3A_239] : memref<32768xi32, #tpu.memory_space<vmem_shared>> -> memref<2048xi32, #tpu.memory_space<vmem_shared>>
    %dma_start3A_241 = arith.constant 2048 : i32
    %dma_start3A_242 = tpu.memref_slice %arg7[%dma_start3A_241] : memref<8192xi32, #tpu.memory_space<vmem>> -> memref<2048xi32, #tpu.memory_space<vmem>>
    %dma_start3A_243 = arith.constant 16384 : i32
    %dma_start3A_244 = tpu.memref_slice %arg10[%dma_start3A_243] : memref<32768xi32, #tpu.memory_space<vmem_shared>> -> memref<2048xi32, #tpu.memory_space<vmem_shared>>
    tpu.enqueue_dma source(%dma_start3A_244 : memref<2048xi32, #tpu.memory_space<vmem_shared>>) target(%dma_start3A_242 : memref<2048xi32, #tpu.memory_space<vmem>>) target_semaphore(%arg14 : memref<!tpu.dma_semaphore, #tpu.memory_space<semaphore_mem>>)
    %dma_start3A_245 = arith.constant 0 : i32
    %dma_start3A_246 = tpu.memref_slice %arg8[%dma_start3A_245] : memref<16384xf32, #tpu.memory_space<vmem>> -> memref<2048xf32, #tpu.memory_space<vmem>>
    %dma_start3A_247 = arith.constant 0 : i32
    %dma_start3A_248 = tpu.memref_slice %arg11[%dma_start3A_247] : memref<65536xf32, #tpu.memory_space<vmem_shared>> -> memref<2048xf32, #tpu.memory_space<vmem_shared>>
    %dma_start3A_249 = arith.constant 0 : i32
    %dma_start3A_250 = tpu.memref_slice %arg8[%dma_start3A_249] : memref<16384xf32, #tpu.memory_space<vmem>> -> memref<2048xf32, #tpu.memory_space<vmem>>
    %dma_start3A_251 = arith.constant 0 : i32
    %dma_start3A_252 = tpu.memref_slice %arg11[%dma_start3A_251] : memref<65536xf32, #tpu.memory_space<vmem_shared>> -> memref<2048xf32, #tpu.memory_space<vmem_shared>>
    tpu.enqueue_dma source(%dma_start3A_252 : memref<2048xf32, #tpu.memory_space<vmem_shared>>) target(%dma_start3A_250 : memref<2048xf32, #tpu.memory_space<vmem>>) target_semaphore(%arg14 : memref<!tpu.dma_semaphore, #tpu.memory_space<semaphore_mem>>)
    %dma_start3A_253 = arith.constant 2048 : i32
    %dma_start3A_254 = tpu.memref_slice %arg8[%dma_start3A_253] : memref<16384xf32, #tpu.memory_space<vmem>> -> memref<2048xf32, #tpu.memory_space<vmem>>
    %dma_start3A_255 = arith.constant 16384 : i32
    %dma_start3A_256 = tpu.memref_slice %arg11[%dma_start3A_255] : memref<65536xf32, #tpu.memory_space<vmem_shared>> -> memref<2048xf32, #tpu.memory_space<vmem_shared>>
    %dma_start3A_257 = arith.constant 2048 : i32
    %dma_start3A_258 = tpu.memref_slice %arg8[%dma_start3A_257] : memref<16384xf32, #tpu.memory_space<vmem>> -> memref<2048xf32, #tpu.memory_space<vmem>>
    %dma_start3A_259 = arith.constant 16384 : i32
    %dma_start3A_260 = tpu.memref_slice %arg11[%dma_start3A_259] : memref<65536xf32, #tpu.memory_space<vmem_shared>> -> memref<2048xf32, #tpu.memory_space<vmem_shared>>
    tpu.enqueue_dma source(%dma_start3A_260 : memref<2048xf32, #tpu.memory_space<vmem_shared>>) target(%dma_start3A_258 : memref<2048xf32, #tpu.memory_space<vmem>>) target_semaphore(%arg14 : memref<!tpu.dma_semaphore, #tpu.memory_space<semaphore_mem>>)
    %dma_start3A_261 = arith.constant 4096 : i32
    %dma_start3A_262 = tpu.memref_slice %arg8[%dma_start3A_261] : memref<16384xf32, #tpu.memory_space<vmem>> -> memref<2048xf32, #tpu.memory_space<vmem>>
    %dma_start3A_263 = arith.constant 32768 : i32
    %dma_start3A_264 = tpu.memref_slice %arg11[%dma_start3A_263] : memref<65536xf32, #tpu.memory_space<vmem_shared>> -> memref<2048xf32, #tpu.memory_space<vmem_shared>>
    %dma_start3A_265 = arith.constant 4096 : i32
    %dma_start3A_266 = tpu.memref_slice %arg8[%dma_start3A_265] : memref<16384xf32, #tpu.memory_space<vmem>> -> memref<2048xf32, #tpu.memory_space<vmem>>
    %dma_start3A_267 = arith.constant 32768 : i32
    %dma_start3A_268 = tpu.memref_slice %arg11[%dma_start3A_267] : memref<65536xf32, #tpu.memory_space<vmem_shared>> -> memref<2048xf32, #tpu.memory_space<vmem_shared>>
    tpu.enqueue_dma source(%dma_start3A_268 : memref<2048xf32, #tpu.memory_space<vmem_shared>>) target(%dma_start3A_266 : memref<2048xf32, #tpu.memory_space<vmem>>) target_semaphore(%arg14 : memref<!tpu.dma_semaphore, #tpu.memory_space<semaphore_mem>>)
    %dma_start3A_269 = arith.constant 6144 : i32
    %dma_start3A_270 = tpu.memref_slice %arg8[%dma_start3A_269] : memref<16384xf32, #tpu.memory_space<vmem>> -> memref<2048xf32, #tpu.memory_space<vmem>>
    %dma_start3A_271 = arith.constant 49152 : i32
    %dma_start3A_272 = tpu.memref_slice %arg11[%dma_start3A_271] : memref<65536xf32, #tpu.memory_space<vmem_shared>> -> memref<2048xf32, #tpu.memory_space<vmem_shared>>
    %dma_start3A_273 = arith.constant 6144 : i32
    %dma_start3A_274 = tpu.memref_slice %arg8[%dma_start3A_273] : memref<16384xf32, #tpu.memory_space<vmem>> -> memref<2048xf32, #tpu.memory_space<vmem>>
    %dma_start3A_275 = arith.constant 49152 : i32
    %dma_start3A_276 = tpu.memref_slice %arg11[%dma_start3A_275] : memref<65536xf32, #tpu.memory_space<vmem_shared>> -> memref<2048xf32, #tpu.memory_space<vmem_shared>>
    tpu.enqueue_dma source(%dma_start3A_276 : memref<2048xf32, #tpu.memory_space<vmem_shared>>) target(%dma_start3A_274 : memref<2048xf32, #tpu.memory_space<vmem>>) target_semaphore(%arg14 : memref<!tpu.dma_semaphore, #tpu.memory_space<semaphore_mem>>)
    %add3A_277 = arith.constant 0 : i32
    %add3A_278 = arith.addi %add3A_134, %add3A_277 : i32
    %dma_wait3A_279 = arith.constant 0 : i32
    %dma_wait3A_280 = tpu.memref_slice %arg9[%dma_wait3A_279] : memref<16384xf32, #tpu.memory_space<vmem>> -> memref<2048xf32, #tpu.memory_space<vmem>>
    %dma_wait3A_281 = arith.constant 0 : i32
    %dma_wait3A_282 = tpu.memref_slice %arg5[%add3A_278, %dma_wait3A_281] : memref<256x16384xf32, #tpu.memory_space<hbm>> -> memref<1x2048xf32, #tpu.memory_space<hbm>>
    %dma_wait3A_283 = tpu.memref_squeeze %dma_wait3A_282 : memref<1x2048xf32, #tpu.memory_space<hbm>> -> memref<2048xf32, #tpu.memory_space<hbm>>
    %dma_wait3A_284 = arith.constant 0 : i32
    %dma_wait3A_285 = tpu.memref_slice %arg5[%add3A_278, %dma_wait3A_284] : memref<256x16384xf32, #tpu.memory_space<hbm>> -> memref<1x2048xf32, #tpu.memory_space<hbm>>
    %dma_wait3A_286 = tpu.memref_squeeze %dma_wait3A_285 : memref<1x2048xf32, #tpu.memory_space<hbm>> -> memref<2048xf32, #tpu.memory_space<hbm>>
    %dma_wait3A_287 = arith.constant 0 : i32
    %dma_wait3A_288 = tpu.memref_slice %arg9[%dma_wait3A_287] : memref<16384xf32, #tpu.memory_space<vmem>> -> memref<2048xf32, #tpu.memory_space<vmem>>
    tpu.wait_dma2 semaphore(%arg16 : memref<!tpu.dma_semaphore, #tpu.memory_space<semaphore_mem>>) src(%dma_wait3A_288 : memref<2048xf32, #tpu.memory_space<vmem>>) dst(%dma_wait3A_286 : memref<2048xf32, #tpu.memory_space<hbm>>)
    %add3A_289 = arith.constant 1 : i32
    %add3A_290 = arith.addi %add3A_134, %add3A_289 : i32
    %dma_wait3A_291 = arith.constant 2048 : i32
    %dma_wait3A_292 = tpu.memref_slice %arg9[%dma_wait3A_291] : memref<16384xf32, #tpu.memory_space<vmem>> -> memref<2048xf32, #tpu.memory_space<vmem>>
    %dma_wait3A_293 = arith.constant 0 : i32
    %dma_wait3A_294 = tpu.memref_slice %arg5[%add3A_290, %dma_wait3A_293] : memref<256x16384xf32, #tpu.memory_space<hbm>> -> memref<1x2048xf32, #tpu.memory_space<hbm>>
    %dma_wait3A_295 = tpu.memref_squeeze %dma_wait3A_294 : memref<1x2048xf32, #tpu.memory_space<hbm>> -> memref<2048xf32, #tpu.memory_space<hbm>>
    %dma_wait3A_296 = arith.constant 0 : i32
    %dma_wait3A_297 = tpu.memref_slice %arg5[%add3A_290, %dma_wait3A_296] : memref<256x16384xf32, #tpu.memory_space<hbm>> -> memref<1x2048xf32, #tpu.memory_space<hbm>>
    %dma_wait3A_298 = tpu.memref_squeeze %dma_wait3A_297 : memref<1x2048xf32, #tpu.memory_space<hbm>> -> memref<2048xf32, #tpu.memory_space<hbm>>
    %dma_wait3A_299 = arith.constant 2048 : i32
    %dma_wait3A_300 = tpu.memref_slice %arg9[%dma_wait3A_299] : memref<16384xf32, #tpu.memory_space<vmem>> -> memref<2048xf32, #tpu.memory_space<vmem>>
    tpu.wait_dma2 semaphore(%arg16 : memref<!tpu.dma_semaphore, #tpu.memory_space<semaphore_mem>>) src(%dma_wait3A_300 : memref<2048xf32, #tpu.memory_space<vmem>>) dst(%dma_wait3A_298 : memref<2048xf32, #tpu.memory_space<hbm>>)
    %add3A_301 = arith.constant 2 : i32
    %add3A_302 = arith.addi %add3A_134, %add3A_301 : i32
    %dma_wait3A_303 = arith.constant 4096 : i32
    %dma_wait3A_304 = tpu.memref_slice %arg9[%dma_wait3A_303] : memref<16384xf32, #tpu.memory_space<vmem>> -> memref<2048xf32, #tpu.memory_space<vmem>>
    %dma_wait3A_305 = arith.constant 0 : i32
    %dma_wait3A_306 = tpu.memref_slice %arg5[%add3A_302, %dma_wait3A_305] : memref<256x16384xf32, #tpu.memory_space<hbm>> -> memref<1x2048xf32, #tpu.memory_space<hbm>>
    %dma_wait3A_307 = tpu.memref_squeeze %dma_wait3A_306 : memref<1x2048xf32, #tpu.memory_space<hbm>> -> memref<2048xf32, #tpu.memory_space<hbm>>
    %dma_wait3A_308 = arith.constant 0 : i32
    %dma_wait3A_309 = tpu.memref_slice %arg5[%add3A_302, %dma_wait3A_308] : memref<256x16384xf32, #tpu.memory_space<hbm>> -> memref<1x2048xf32, #tpu.memory_space<hbm>>
    %dma_wait3A_310 = tpu.memref_squeeze %dma_wait3A_309 : memref<1x2048xf32, #tpu.memory_space<hbm>> -> memref<2048xf32, #tpu.memory_space<hbm>>
    %dma_wait3A_311 = arith.constant 4096 : i32
    %dma_wait3A_312 = tpu.memref_slice %arg9[%dma_wait3A_311] : memref<16384xf32, #tpu.memory_space<vmem>> -> memref<2048xf32, #tpu.memory_space<vmem>>
    tpu.wait_dma2 semaphore(%arg16 : memref<!tpu.dma_semaphore, #tpu.memory_space<semaphore_mem>>) src(%dma_wait3A_312 : memref<2048xf32, #tpu.memory_space<vmem>>) dst(%dma_wait3A_310 : memref<2048xf32, #tpu.memory_space<hbm>>)
    %add3A_313 = arith.constant 3 : i32
    %add3A_314 = arith.addi %add3A_134, %add3A_313 : i32
    %dma_wait3A_315 = arith.constant 6144 : i32
    %dma_wait3A_316 = tpu.memref_slice %arg9[%dma_wait3A_315] : memref<16384xf32, #tpu.memory_space<vmem>> -> memref<2048xf32, #tpu.memory_space<vmem>>
    %dma_wait3A_317 = arith.constant 0 : i32
    %dma_wait3A_318 = tpu.memref_slice %arg5[%add3A_314, %dma_wait3A_317] : memref<256x16384xf32, #tpu.memory_space<hbm>> -> memref<1x2048xf32, #tpu.memory_space<hbm>>
    %dma_wait3A_319 = tpu.memref_squeeze %dma_wait3A_318 : memref<1x2048xf32, #tpu.memory_space<hbm>> -> memref<2048xf32, #tpu.memory_space<hbm>>
    %dma_wait3A_320 = arith.constant 0 : i32
    %dma_wait3A_321 = tpu.memref_slice %arg5[%add3A_314, %dma_wait3A_320] : memref<256x16384xf32, #tpu.memory_space<hbm>> -> memref<1x2048xf32, #tpu.memory_space<hbm>>
    %dma_wait3A_322 = tpu.memref_squeeze %dma_wait3A_321 : memref<1x2048xf32, #tpu.memory_space<hbm>> -> memref<2048xf32, #tpu.memory_space<hbm>>
    %dma_wait3A_323 = arith.constant 6144 : i32
    %dma_wait3A_324 = tpu.memref_slice %arg9[%dma_wait3A_323] : memref<16384xf32, #tpu.memory_space<vmem>> -> memref<2048xf32, #tpu.memory_space<vmem>>
    tpu.wait_dma2 semaphore(%arg16 : memref<!tpu.dma_semaphore, #tpu.memory_space<semaphore_mem>>) src(%dma_wait3A_324 : memref<2048xf32, #tpu.memory_space<vmem>>) dst(%dma_wait3A_322 : memref<2048xf32, #tpu.memory_space<hbm>>)
    %add3A_325 = arith.constant 0 : i32
    %add3A_326 = arith.addi %add3A_134, %add3A_325 : i32
    %dma_wait3A_327 = arith.constant 8192 : i32
    %dma_wait3A_328 = tpu.memref_slice %arg9[%dma_wait3A_327] : memref<16384xf32, #tpu.memory_space<vmem>> -> memref<2048xf32, #tpu.memory_space<vmem>>
    %dma_wait3A_329 = arith.constant 0 : i32
    %dma_wait3A_330 = tpu.memref_slice %arg5[%add3A_326, %dma_wait3A_329] : memref<256x16384xf32, #tpu.memory_space<hbm>> -> memref<1x2048xf32, #tpu.memory_space<hbm>>
    %dma_wait3A_331 = tpu.memref_squeeze %dma_wait3A_330 : memref<1x2048xf32, #tpu.memory_space<hbm>> -> memref<2048xf32, #tpu.memory_space<hbm>>
    %dma_wait3A_332 = arith.constant 0 : i32
    %dma_wait3A_333 = tpu.memref_slice %arg5[%add3A_326, %dma_wait3A_332] : memref<256x16384xf32, #tpu.memory_space<hbm>> -> memref<1x2048xf32, #tpu.memory_space<hbm>>
    %dma_wait3A_334 = tpu.memref_squeeze %dma_wait3A_333 : memref<1x2048xf32, #tpu.memory_space<hbm>> -> memref<2048xf32, #tpu.memory_space<hbm>>
    %dma_wait3A_335 = arith.constant 8192 : i32
    %dma_wait3A_336 = tpu.memref_slice %arg9[%dma_wait3A_335] : memref<16384xf32, #tpu.memory_space<vmem>> -> memref<2048xf32, #tpu.memory_space<vmem>>
    tpu.wait_dma2 semaphore(%arg17 : memref<!tpu.dma_semaphore, #tpu.memory_space<semaphore_mem>>) src(%dma_wait3A_336 : memref<2048xf32, #tpu.memory_space<vmem>>) dst(%dma_wait3A_334 : memref<2048xf32, #tpu.memory_space<hbm>>)
    %add3A_337 = arith.constant 1 : i32
    %add3A_338 = arith.addi %add3A_134, %add3A_337 : i32
    %dma_wait3A_339 = arith.constant 10240 : i32
    %dma_wait3A_340 = tpu.memref_slice %arg9[%dma_wait3A_339] : memref<16384xf32, #tpu.memory_space<vmem>> -> memref<2048xf32, #tpu.memory_space<vmem>>
    %dma_wait3A_341 = arith.constant 0 : i32
    %dma_wait3A_342 = tpu.memref_slice %arg5[%add3A_338, %dma_wait3A_341] : memref<256x16384xf32, #tpu.memory_space<hbm>> -> memref<1x2048xf32, #tpu.memory_space<hbm>>
    %dma_wait3A_343 = tpu.memref_squeeze %dma_wait3A_342 : memref<1x2048xf32, #tpu.memory_space<hbm>> -> memref<2048xf32, #tpu.memory_space<hbm>>
    %dma_wait3A_344 = arith.constant 0 : i32
    %dma_wait3A_345 = tpu.memref_slice %arg5[%add3A_338, %dma_wait3A_344] : memref<256x16384xf32, #tpu.memory_space<hbm>> -> memref<1x2048xf32, #tpu.memory_space<hbm>>
    %dma_wait3A_346 = tpu.memref_squeeze %dma_wait3A_345 : memref<1x2048xf32, #tpu.memory_space<hbm>> -> memref<2048xf32, #tpu.memory_space<hbm>>
    %dma_wait3A_347 = arith.constant 10240 : i32
    %dma_wait3A_348 = tpu.memref_slice %arg9[%dma_wait3A_347] : memref<16384xf32, #tpu.memory_space<vmem>> -> memref<2048xf32, #tpu.memory_space<vmem>>
    tpu.wait_dma2 semaphore(%arg17 : memref<!tpu.dma_semaphore, #tpu.memory_space<semaphore_mem>>) src(%dma_wait3A_348 : memref<2048xf32, #tpu.memory_space<vmem>>) dst(%dma_wait3A_346 : memref<2048xf32, #tpu.memory_space<hbm>>)
    %add3A_349 = arith.constant 2 : i32
    %add3A_350 = arith.addi %add3A_134, %add3A_349 : i32
    %dma_wait3A_351 = arith.constant 12288 : i32
    %dma_wait3A_352 = tpu.memref_slice %arg9[%dma_wait3A_351] : memref<16384xf32, #tpu.memory_space<vmem>> -> memref<2048xf32, #tpu.memory_space<vmem>>
    %dma_wait3A_353 = arith.constant 0 : i32
    %dma_wait3A_354 = tpu.memref_slice %arg5[%add3A_350, %dma_wait3A_353] : memref<256x16384xf32, #tpu.memory_space<hbm>> -> memref<1x2048xf32, #tpu.memory_space<hbm>>
    %dma_wait3A_355 = tpu.memref_squeeze %dma_wait3A_354 : memref<1x2048xf32, #tpu.memory_space<hbm>> -> memref<2048xf32, #tpu.memory_space<hbm>>
    %dma_wait3A_356 = arith.constant 0 : i32
    %dma_wait3A_357 = tpu.memref_slice %arg5[%add3A_350, %dma_wait3A_356] : memref<256x16384xf32, #tpu.memory_space<hbm>> -> memref<1x2048xf32, #tpu.memory_space<hbm>>
    %dma_wait3A_358 = tpu.memref_squeeze %dma_wait3A_357 : memref<1x2048xf32, #tpu.memory_space<hbm>> -> memref<2048xf32, #tpu.memory_space<hbm>>
    %dma_wait3A_359 = arith.constant 12288 : i32
    %dma_wait3A_360 = tpu.memref_slice %arg9[%dma_wait3A_359] : memref<16384xf32, #tpu.memory_space<vmem>> -> memref<2048xf32, #tpu.memory_space<vmem>>
    tpu.wait_dma2 semaphore(%arg17 : memref<!tpu.dma_semaphore, #tpu.memory_space<semaphore_mem>>) src(%dma_wait3A_360 : memref<2048xf32, #tpu.memory_space<vmem>>) dst(%dma_wait3A_358 : memref<2048xf32, #tpu.memory_space<hbm>>)
    %add3A_361 = arith.constant 3 : i32
    %add3A_362 = arith.addi %add3A_134, %add3A_361 : i32
    %dma_wait3A_363 = arith.constant 14336 : i32
    %dma_wait3A_364 = tpu.memref_slice %arg9[%dma_wait3A_363] : memref<16384xf32, #tpu.memory_space<vmem>> -> memref<2048xf32, #tpu.memory_space<vmem>>
    %dma_wait3A_365 = arith.constant 0 : i32
    %dma_wait3A_366 = tpu.memref_slice %arg5[%add3A_362, %dma_wait3A_365] : memref<256x16384xf32, #tpu.memory_space<hbm>> -> memref<1x2048xf32, #tpu.memory_space<hbm>>
    %dma_wait3A_367 = tpu.memref_squeeze %dma_wait3A_366 : memref<1x2048xf32, #tpu.memory_space<hbm>> -> memref<2048xf32, #tpu.memory_space<hbm>>
    %dma_wait3A_368 = arith.constant 0 : i32
    %dma_wait3A_369 = tpu.memref_slice %arg5[%add3A_362, %dma_wait3A_368] : memref<256x16384xf32, #tpu.memory_space<hbm>> -> memref<1x2048xf32, #tpu.memory_space<hbm>>
    %dma_wait3A_370 = tpu.memref_squeeze %dma_wait3A_369 : memref<1x2048xf32, #tpu.memory_space<hbm>> -> memref<2048xf32, #tpu.memory_space<hbm>>
    %dma_wait3A_371 = arith.constant 14336 : i32
    %dma_wait3A_372 = tpu.memref_slice %arg9[%dma_wait3A_371] : memref<16384xf32, #tpu.memory_space<vmem>> -> memref<2048xf32, #tpu.memory_space<vmem>>
    tpu.wait_dma2 semaphore(%arg17 : memref<!tpu.dma_semaphore, #tpu.memory_space<semaphore_mem>>) src(%dma_wait3A_372 : memref<2048xf32, #tpu.memory_space<vmem>>) dst(%dma_wait3A_370 : memref<2048xf32, #tpu.memory_space<hbm>>)
    %add3A_373 = arith.constant 4 : i32
    %add3A_374 = arith.addi %mul3A_2, %add3A_373 : i32
    %dma_wait3A_375 = arith.constant 0 : i32
    %dma_wait3A_376 = tpu.memref_slice %arg6[%dma_wait3A_375] : memref<65536xf32, #tpu.memory_space<vmem>> -> memref<16384xf32, #tpu.memory_space<vmem>>
    %dma_wait3A_377 = arith.constant 0 : i32
    %dma_wait3A_378 = tpu.memref_slice %arg2[%add3A_182, %dma_wait3A_377] : memref<256x16384xf32, #tpu.memory_space<hbm>> -> memref<1x16384xf32, #tpu.memory_space<hbm>>
    %dma_wait3A_379 = tpu.memref_squeeze %dma_wait3A_378 : memref<1x16384xf32, #tpu.memory_space<hbm>> -> memref<16384xf32, #tpu.memory_space<hbm>>
    %dma_wait3A_380 = arith.constant 0 : i32
    %dma_wait3A_381 = tpu.memref_slice %arg6[%dma_wait3A_380] : memref<65536xf32, #tpu.memory_space<vmem>> -> memref<16384xf32, #tpu.memory_space<vmem>>
    %dma_wait3A_382 = arith.constant 0 : i32
    %dma_wait3A_383 = tpu.memref_slice %arg2[%add3A_182, %dma_wait3A_382] : memref<256x16384xf32, #tpu.memory_space<hbm>> -> memref<1x16384xf32, #tpu.memory_space<hbm>>
    %dma_wait3A_384 = tpu.memref_squeeze %dma_wait3A_383 : memref<1x16384xf32, #tpu.memory_space<hbm>> -> memref<16384xf32, #tpu.memory_space<hbm>>
    tpu.wait_dma2 semaphore(%arg12 : memref<!tpu.dma_semaphore, #tpu.memory_space<semaphore_mem>>) src(%dma_wait3A_384 : memref<16384xf32, #tpu.memory_space<hbm>>) dst(%dma_wait3A_381 : memref<16384xf32, #tpu.memory_space<vmem>>)
    %dma_wait3A_385 = arith.constant 16384 : i32
    %dma_wait3A_386 = tpu.memref_slice %arg6[%dma_wait3A_385] : memref<65536xf32, #tpu.memory_space<vmem>> -> memref<16384xf32, #tpu.memory_space<vmem>>
    %dma_wait3A_387 = arith.constant 0 : i32
    %dma_wait3A_388 = tpu.memref_slice %arg2[%add3A_194, %dma_wait3A_387] : memref<256x16384xf32, #tpu.memory_space<hbm>> -> memref<1x16384xf32, #tpu.memory_space<hbm>>
    %dma_wait3A_389 = tpu.memref_squeeze %dma_wait3A_388 : memref<1x16384xf32, #tpu.memory_space<hbm>> -> memref<16384xf32, #tpu.memory_space<hbm>>
    %dma_wait3A_390 = arith.constant 16384 : i32
    %dma_wait3A_391 = tpu.memref_slice %arg6[%dma_wait3A_390] : memref<65536xf32, #tpu.memory_space<vmem>> -> memref<16384xf32, #tpu.memory_space<vmem>>
    %dma_wait3A_392 = arith.constant 0 : i32
    %dma_wait3A_393 = tpu.memref_slice %arg2[%add3A_194, %dma_wait3A_392] : memref<256x16384xf32, #tpu.memory_space<hbm>> -> memref<1x16384xf32, #tpu.memory_space<hbm>>
    %dma_wait3A_394 = tpu.memref_squeeze %dma_wait3A_393 : memref<1x16384xf32, #tpu.memory_space<hbm>> -> memref<16384xf32, #tpu.memory_space<hbm>>
    tpu.wait_dma2 semaphore(%arg12 : memref<!tpu.dma_semaphore, #tpu.memory_space<semaphore_mem>>) src(%dma_wait3A_394 : memref<16384xf32, #tpu.memory_space<hbm>>) dst(%dma_wait3A_391 : memref<16384xf32, #tpu.memory_space<vmem>>)
    %dma_wait3A_395 = arith.constant 32768 : i32
    %dma_wait3A_396 = tpu.memref_slice %arg6[%dma_wait3A_395] : memref<65536xf32, #tpu.memory_space<vmem>> -> memref<16384xf32, #tpu.memory_space<vmem>>
    %dma_wait3A_397 = arith.constant 0 : i32
    %dma_wait3A_398 = tpu.memref_slice %arg2[%add3A_206, %dma_wait3A_397] : memref<256x16384xf32, #tpu.memory_space<hbm>> -> memref<1x16384xf32, #tpu.memory_space<hbm>>
    %dma_wait3A_399 = tpu.memref_squeeze %dma_wait3A_398 : memref<1x16384xf32, #tpu.memory_space<hbm>> -> memref<16384xf32, #tpu.memory_space<hbm>>
    %dma_wait3A_400 = arith.constant 32768 : i32
    %dma_wait3A_401 = tpu.memref_slice %arg6[%dma_wait3A_400] : memref<65536xf32, #tpu.memory_space<vmem>> -> memref<16384xf32, #tpu.memory_space<vmem>>
    %dma_wait3A_402 = arith.constant 0 : i32
    %dma_wait3A_403 = tpu.memref_slice %arg2[%add3A_206, %dma_wait3A_402] : memref<256x16384xf32, #tpu.memory_space<hbm>> -> memref<1x16384xf32, #tpu.memory_space<hbm>>
    %dma_wait3A_404 = tpu.memref_squeeze %dma_wait3A_403 : memref<1x16384xf32, #tpu.memory_space<hbm>> -> memref<16384xf32, #tpu.memory_space<hbm>>
    tpu.wait_dma2 semaphore(%arg12 : memref<!tpu.dma_semaphore, #tpu.memory_space<semaphore_mem>>) src(%dma_wait3A_404 : memref<16384xf32, #tpu.memory_space<hbm>>) dst(%dma_wait3A_401 : memref<16384xf32, #tpu.memory_space<vmem>>)
    %dma_wait3A_405 = arith.constant 49152 : i32
    %dma_wait3A_406 = tpu.memref_slice %arg6[%dma_wait3A_405] : memref<65536xf32, #tpu.memory_space<vmem>> -> memref<16384xf32, #tpu.memory_space<vmem>>
    %dma_wait3A_407 = arith.constant 0 : i32
    %dma_wait3A_408 = tpu.memref_slice %arg2[%add3A_218, %dma_wait3A_407] : memref<256x16384xf32, #tpu.memory_space<hbm>> -> memref<1x16384xf32, #tpu.memory_space<hbm>>
    %dma_wait3A_409 = tpu.memref_squeeze %dma_wait3A_408 : memref<1x16384xf32, #tpu.memory_space<hbm>> -> memref<16384xf32, #tpu.memory_space<hbm>>
    %dma_wait3A_410 = arith.constant 49152 : i32
    %dma_wait3A_411 = tpu.memref_slice %arg6[%dma_wait3A_410] : memref<65536xf32, #tpu.memory_space<vmem>> -> memref<16384xf32, #tpu.memory_space<vmem>>
    %dma_wait3A_412 = arith.constant 0 : i32
    %dma_wait3A_413 = tpu.memref_slice %arg2[%add3A_218, %dma_wait3A_412] : memref<256x16384xf32, #tpu.memory_space<hbm>> -> memref<1x16384xf32, #tpu.memory_space<hbm>>
    %dma_wait3A_414 = tpu.memref_squeeze %dma_wait3A_413 : memref<1x16384xf32, #tpu.memory_space<hbm>> -> memref<16384xf32, #tpu.memory_space<hbm>>
    tpu.wait_dma2 semaphore(%arg12 : memref<!tpu.dma_semaphore, #tpu.memory_space<semaphore_mem>>) src(%dma_wait3A_414 : memref<16384xf32, #tpu.memory_space<hbm>>) dst(%dma_wait3A_411 : memref<16384xf32, #tpu.memory_space<vmem>>)
    %scan3A_415 = arith.constant 0 : i32
    %scan3A_416 = arith.constant 4 : i32
    %scan3A_417 = arith.addi %scan3A_415, %scan3A_416 : i32
    %scan3A_418 = arith.constant 1 : i32
    scf.for %scan3A_516 = %scan3A_415 to %scan3A_417 step %scan3A_418  : i32 {
      %mul3A_517 = arith.constant 1 : i32
      %mul3A_518 = arith.muli %scan3A_516, %mul3A_517 : i32
      %add3A_519 = arith.constant 0 : i32
      %add3A_520 = arith.addi %add3A_519, %mul3A_518 : i32
      %mul3A_521 = arith.constant 2 : i32
      %mul3A_522 = arith.muli %mul3A_521, %add3A_520 : i32
      %mul3A_523 = arith.constant 2 : i32
      %mul3A_524 = arith.muli %mul3A_523, %add3A_520 : i32
      %add3A_525 = arith.constant 1 : i32
      %add3A_526 = arith.addi %mul3A_524, %add3A_525 : i32
      %mul3A_527 = arith.constant 2048 : i32
      %mul3A_528 = arith.muli %add3A_526, %mul3A_527 : i32
      %dma_start3A_529 = arith.constant 4096 : i32
      %dma_start3A_530 = tpu.memref_slice %arg7[%dma_start3A_529] : memref<8192xi32, #tpu.memory_space<vmem>> -> memref<2048xi32, #tpu.memory_space<vmem>>
      %dma_start3A_531 = tpu.memref_slice %arg10[%mul3A_528] : memref<32768xi32, #tpu.memory_space<vmem_shared>> -> memref<2048xi32, #tpu.memory_space<vmem_shared>>
      %dma_start3A_532 = arith.constant 4096 : i32
      %dma_start3A_533 = tpu.memref_slice %arg7[%dma_start3A_532] : memref<8192xi32, #tpu.memory_space<vmem>> -> memref<2048xi32, #tpu.memory_space<vmem>>
      %dma_start3A_534 = tpu.memref_slice %arg10[%mul3A_528] : memref<32768xi32, #tpu.memory_space<vmem_shared>> -> memref<2048xi32, #tpu.memory_space<vmem_shared>>
      tpu.enqueue_dma source(%dma_start3A_534 : memref<2048xi32, #tpu.memory_space<vmem_shared>>) target(%dma_start3A_533 : memref<2048xi32, #tpu.memory_space<vmem>>) target_semaphore(%arg15 : memref<!tpu.dma_semaphore, #tpu.memory_space<semaphore_mem>>)
      %mul3A_535 = arith.constant 2048 : i32
      %mul3A_536 = arith.muli %add3A_526, %mul3A_535 : i32
      %add3A_537 = arith.constant 16384 : i32
      %add3A_538 = arith.addi %add3A_537, %mul3A_536 : i32
      %dma_start3A_539 = arith.constant 6144 : i32
      %dma_start3A_540 = tpu.memref_slice %arg7[%dma_start3A_539] : memref<8192xi32, #tpu.memory_space<vmem>> -> memref<2048xi32, #tpu.memory_space<vmem>>
      %dma_start3A_541 = tpu.memref_slice %arg10[%add3A_538] : memref<32768xi32, #tpu.memory_space<vmem_shared>> -> memref<2048xi32, #tpu.memory_space<vmem_shared>>
      %dma_start3A_542 = arith.constant 6144 : i32
      %dma_start3A_543 = tpu.memref_slice %arg7[%dma_start3A_542] : memref<8192xi32, #tpu.memory_space<vmem>> -> memref<2048xi32, #tpu.memory_space<vmem>>
      %dma_start3A_544 = tpu.memref_slice %arg10[%add3A_538] : memref<32768xi32, #tpu.memory_space<vmem_shared>> -> memref<2048xi32, #tpu.memory_space<vmem_shared>>
      tpu.enqueue_dma source(%dma_start3A_544 : memref<2048xi32, #tpu.memory_space<vmem_shared>>) target(%dma_start3A_543 : memref<2048xi32, #tpu.memory_space<vmem>>) target_semaphore(%arg15 : memref<!tpu.dma_semaphore, #tpu.memory_space<semaphore_mem>>)
      %mul3A_545 = arith.constant 2048 : i32
      %mul3A_546 = arith.muli %add3A_526, %mul3A_545 : i32
      %add3A_547 = arith.constant 0 : i32
      %add3A_548 = arith.addi %add3A_547, %mul3A_546 : i32
      %dma_start3A_549 = arith.constant 8192 : i32
      %dma_start3A_550 = tpu.memref_slice %arg8[%dma_start3A_549] : memref<16384xf32, #tpu.memory_space<vmem>> -> memref<2048xf32, #tpu.memory_space<vmem>>
      %dma_start3A_551 = tpu.memref_slice %arg11[%add3A_548] : memref<65536xf32, #tpu.memory_space<vmem_shared>> -> memref<2048xf32, #tpu.memory_space<vmem_shared>>
      %dma_start3A_552 = arith.constant 8192 : i32
      %dma_start3A_553 = tpu.memref_slice %arg8[%dma_start3A_552] : memref<16384xf32, #tpu.memory_space<vmem>> -> memref<2048xf32, #tpu.memory_space<vmem>>
      %dma_start3A_554 = tpu.memref_slice %arg11[%add3A_548] : memref<65536xf32, #tpu.memory_space<vmem_shared>> -> memref<2048xf32, #tpu.memory_space<vmem_shared>>
      tpu.enqueue_dma source(%dma_start3A_554 : memref<2048xf32, #tpu.memory_space<vmem_shared>>) target(%dma_start3A_553 : memref<2048xf32, #tpu.memory_space<vmem>>) target_semaphore(%arg15 : memref<!tpu.dma_semaphore, #tpu.memory_space<semaphore_mem>>)
      %mul3A_555 = arith.constant 2048 : i32
      %mul3A_556 = arith.muli %add3A_526, %mul3A_555 : i32
      %add3A_557 = arith.constant 16384 : i32
      %add3A_558 = arith.addi %add3A_557, %mul3A_556 : i32
      %dma_start3A_559 = arith.constant 10240 : i32
      %dma_start3A_560 = tpu.memref_slice %arg8[%dma_start3A_559] : memref<16384xf32, #tpu.memory_space<vmem>> -> memref<2048xf32, #tpu.memory_space<vmem>>
      %dma_start3A_561 = tpu.memref_slice %arg11[%add3A_558] : memref<65536xf32, #tpu.memory_space<vmem_shared>> -> memref<2048xf32, #tpu.memory_space<vmem_shared>>
      %dma_start3A_562 = arith.constant 10240 : i32
      %dma_start3A_563 = tpu.memref_slice %arg8[%dma_start3A_562] : memref<16384xf32, #tpu.memory_space<vmem>> -> memref<2048xf32, #tpu.memory_space<vmem>>
      %dma_start3A_564 = tpu.memref_slice %arg11[%add3A_558] : memref<65536xf32, #tpu.memory_space<vmem_shared>> -> memref<2048xf32, #tpu.memory_space<vmem_shared>>
      tpu.enqueue_dma source(%dma_start3A_564 : memref<2048xf32, #tpu.memory_space<vmem_shared>>) target(%dma_start3A_563 : memref<2048xf32, #tpu.memory_space<vmem>>) target_semaphore(%arg15 : memref<!tpu.dma_semaphore, #tpu.memory_space<semaphore_mem>>)
      %mul3A_565 = arith.constant 2048 : i32
      %mul3A_566 = arith.muli %add3A_526, %mul3A_565 : i32
      %add3A_567 = arith.constant 32768 : i32
      %add3A_568 = arith.addi %add3A_567, %mul3A_566 : i32
      %dma_start3A_569 = arith.constant 12288 : i32
      %dma_start3A_570 = tpu.memref_slice %arg8[%dma_start3A_569] : memref<16384xf32, #tpu.memory_space<vmem>> -> memref<2048xf32, #tpu.memory_space<vmem>>
      %dma_start3A_571 = tpu.memref_slice %arg11[%add3A_568] : memref<65536xf32, #tpu.memory_space<vmem_shared>> -> memref<2048xf32, #tpu.memory_space<vmem_shared>>
      %dma_start3A_572 = arith.constant 12288 : i32
      %dma_start3A_573 = tpu.memref_slice %arg8[%dma_start3A_572] : memref<16384xf32, #tpu.memory_space<vmem>> -> memref<2048xf32, #tpu.memory_space<vmem>>
      %dma_start3A_574 = tpu.memref_slice %arg11[%add3A_568] : memref<65536xf32, #tpu.memory_space<vmem_shared>> -> memref<2048xf32, #tpu.memory_space<vmem_shared>>
      tpu.enqueue_dma source(%dma_start3A_574 : memref<2048xf32, #tpu.memory_space<vmem_shared>>) target(%dma_start3A_573 : memref<2048xf32, #tpu.memory_space<vmem>>) target_semaphore(%arg15 : memref<!tpu.dma_semaphore, #tpu.memory_space<semaphore_mem>>)
      %mul3A_575 = arith.constant 2048 : i32
      %mul3A_576 = arith.muli %add3A_526, %mul3A_575 : i32
      %add3A_577 = arith.constant 49152 : i32
      %add3A_578 = arith.addi %add3A_577, %mul3A_576 : i32
      %dma_start3A_579 = arith.constant 14336 : i32
      %dma_start3A_580 = tpu.memref_slice %arg8[%dma_start3A_579] : memref<16384xf32, #tpu.memory_space<vmem>> -> memref<2048xf32, #tpu.memory_space<vmem>>
      %dma_start3A_581 = tpu.memref_slice %arg11[%add3A_578] : memref<65536xf32, #tpu.memory_space<vmem_shared>> -> memref<2048xf32, #tpu.memory_space<vmem_shared>>
      %dma_start3A_582 = arith.constant 14336 : i32
      %dma_start3A_583 = tpu.memref_slice %arg8[%dma_start3A_582] : memref<16384xf32, #tpu.memory_space<vmem>> -> memref<2048xf32, #tpu.memory_space<vmem>>
      %dma_start3A_584 = tpu.memref_slice %arg11[%add3A_578] : memref<65536xf32, #tpu.memory_space<vmem_shared>> -> memref<2048xf32, #tpu.memory_space<vmem_shared>>
      tpu.enqueue_dma source(%dma_start3A_584 : memref<2048xf32, #tpu.memory_space<vmem_shared>>) target(%dma_start3A_583 : memref<2048xf32, #tpu.memory_space<vmem>>) target_semaphore(%arg15 : memref<!tpu.dma_semaphore, #tpu.memory_space<semaphore_mem>>)
      %dma_wait3A_585 = arith.constant 0 : i32
      %dma_wait3A_586 = tpu.memref_slice %arg7[%dma_wait3A_585] : memref<8192xi32, #tpu.memory_space<vmem>> -> memref<2048xi32, #tpu.memory_space<vmem>>
      %dma_wait3A_587 = arith.constant 0 : i32
      %dma_wait3A_588 = tpu.memref_slice %arg10[%dma_wait3A_587] : memref<32768xi32, #tpu.memory_space<vmem_shared>> -> memref<2048xi32, #tpu.memory_space<vmem_shared>>
      %dma_wait3A_589 = arith.constant 0 : i32
      %dma_wait3A_590 = tpu.memref_slice %arg7[%dma_wait3A_589] : memref<8192xi32, #tpu.memory_space<vmem>> -> memref<2048xi32, #tpu.memory_space<vmem>>
      %dma_wait3A_591 = arith.constant 0 : i32
      %dma_wait3A_592 = tpu.memref_slice %arg10[%dma_wait3A_591] : memref<32768xi32, #tpu.memory_space<vmem_shared>> -> memref<2048xi32, #tpu.memory_space<vmem_shared>>
      tpu.wait_dma2 semaphore(%arg14 : memref<!tpu.dma_semaphore, #tpu.memory_space<semaphore_mem>>) src(%dma_wait3A_592 : memref<2048xi32, #tpu.memory_space<vmem_shared>>) dst(%dma_wait3A_590 : memref<2048xi32, #tpu.memory_space<vmem>>)
      %dma_wait3A_593 = arith.constant 2048 : i32
      %dma_wait3A_594 = tpu.memref_slice %arg7[%dma_wait3A_593] : memref<8192xi32, #tpu.memory_space<vmem>> -> memref<2048xi32, #tpu.memory_space<vmem>>
      %dma_wait3A_595 = arith.constant 0 : i32
      %dma_wait3A_596 = tpu.memref_slice %arg10[%dma_wait3A_595] : memref<32768xi32, #tpu.memory_space<vmem_shared>> -> memref<2048xi32, #tpu.memory_space<vmem_shared>>
      %dma_wait3A_597 = arith.constant 2048 : i32
      %dma_wait3A_598 = tpu.memref_slice %arg7[%dma_wait3A_597] : memref<8192xi32, #tpu.memory_space<vmem>> -> memref<2048xi32, #tpu.memory_space<vmem>>
      %dma_wait3A_599 = arith.constant 0 : i32
      %dma_wait3A_600 = tpu.memref_slice %arg10[%dma_wait3A_599] : memref<32768xi32, #tpu.memory_space<vmem_shared>> -> memref<2048xi32, #tpu.memory_space<vmem_shared>>
      tpu.wait_dma2 semaphore(%arg14 : memref<!tpu.dma_semaphore, #tpu.memory_space<semaphore_mem>>) src(%dma_wait3A_600 : memref<2048xi32, #tpu.memory_space<vmem_shared>>) dst(%dma_wait3A_598 : memref<2048xi32, #tpu.memory_space<vmem>>)
      %dma_wait3A_601 = arith.constant 0 : i32
      %dma_wait3A_602 = tpu.memref_slice %arg8[%dma_wait3A_601] : memref<16384xf32, #tpu.memory_space<vmem>> -> memref<2048xf32, #tpu.memory_space<vmem>>
      %dma_wait3A_603 = arith.constant 0 : i32
      %dma_wait3A_604 = tpu.memref_slice %arg11[%dma_wait3A_603] : memref<65536xf32, #tpu.memory_space<vmem_shared>> -> memref<2048xf32, #tpu.memory_space<vmem_shared>>
      %dma_wait3A_605 = arith.constant 0 : i32
      %dma_wait3A_606 = tpu.memref_slice %arg8[%dma_wait3A_605] : memref<16384xf32, #tpu.memory_space<vmem>> -> memref<2048xf32, #tpu.memory_space<vmem>>
      %dma_wait3A_607 = arith.constant 0 : i32
      %dma_wait3A_608 = tpu.memref_slice %arg11[%dma_wait3A_607] : memref<65536xf32, #tpu.memory_space<vmem_shared>> -> memref<2048xf32, #tpu.memory_space<vmem_shared>>
      tpu.wait_dma2 semaphore(%arg14 : memref<!tpu.dma_semaphore, #tpu.memory_space<semaphore_mem>>) src(%dma_wait3A_608 : memref<2048xf32, #tpu.memory_space<vmem_shared>>) dst(%dma_wait3A_606 : memref<2048xf32, #tpu.memory_space<vmem>>)
      %dma_wait3A_609 = arith.constant 2048 : i32
      %dma_wait3A_610 = tpu.memref_slice %arg8[%dma_wait3A_609] : memref<16384xf32, #tpu.memory_space<vmem>> -> memref<2048xf32, #tpu.memory_space<vmem>>
      %dma_wait3A_611 = arith.constant 0 : i32
      %dma_wait3A_612 = tpu.memref_slice %arg11[%dma_wait3A_611] : memref<65536xf32, #tpu.memory_space<vmem_shared>> -> memref<2048xf32, #tpu.memory_space<vmem_shared>>
      %dma_wait3A_613 = arith.constant 2048 : i32
      %dma_wait3A_614 = tpu.memref_slice %arg8[%dma_wait3A_613] : memref<16384xf32, #tpu.memory_space<vmem>> -> memref<2048xf32, #tpu.memory_space<vmem>>
      %dma_wait3A_615 = arith.constant 0 : i32
      %dma_wait3A_616 = tpu.memref_slice %arg11[%dma_wait3A_615] : memref<65536xf32, #tpu.memory_space<vmem_shared>> -> memref<2048xf32, #tpu.memory_space<vmem_shared>>
      tpu.wait_dma2 semaphore(%arg14 : memref<!tpu.dma_semaphore, #tpu.memory_space<semaphore_mem>>) src(%dma_wait3A_616 : memref<2048xf32, #tpu.memory_space<vmem_shared>>) dst(%dma_wait3A_614 : memref<2048xf32, #tpu.memory_space<vmem>>)
      %dma_wait3A_617 = arith.constant 4096 : i32
      %dma_wait3A_618 = tpu.memref_slice %arg8[%dma_wait3A_617] : memref<16384xf32, #tpu.memory_space<vmem>> -> memref<2048xf32, #tpu.memory_space<vmem>>
      %dma_wait3A_619 = arith.constant 0 : i32
      %dma_wait3A_620 = tpu.memref_slice %arg11[%dma_wait3A_619] : memref<65536xf32, #tpu.memory_space<vmem_shared>> -> memref<2048xf32, #tpu.memory_space<vmem_shared>>
      %dma_wait3A_621 = arith.constant 4096 : i32
      %dma_wait3A_622 = tpu.memref_slice %arg8[%dma_wait3A_621] : memref<16384xf32, #tpu.memory_space<vmem>> -> memref<2048xf32, #tpu.memory_space<vmem>>
      %dma_wait3A_623 = arith.constant 0 : i32
      %dma_wait3A_624 = tpu.memref_slice %arg11[%dma_wait3A_623] : memref<65536xf32, #tpu.memory_space<vmem_shared>> -> memref<2048xf32, #tpu.memory_space<vmem_shared>>
      tpu.wait_dma2 semaphore(%arg14 : memref<!tpu.dma_semaphore, #tpu.memory_space<semaphore_mem>>) src(%dma_wait3A_624 : memref<2048xf32, #tpu.memory_space<vmem_shared>>) dst(%dma_wait3A_622 : memref<2048xf32, #tpu.memory_space<vmem>>)
      %dma_wait3A_625 = arith.constant 6144 : i32
      %dma_wait3A_626 = tpu.memref_slice %arg8[%dma_wait3A_625] : memref<16384xf32, #tpu.memory_space<vmem>> -> memref<2048xf32, #tpu.memory_space<vmem>>
      %dma_wait3A_627 = arith.constant 0 : i32
      %dma_wait3A_628 = tpu.memref_slice %arg11[%dma_wait3A_627] : memref<65536xf32, #tpu.memory_space<vmem_shared>> -> memref<2048xf32, #tpu.memory_space<vmem_shared>>
      %dma_wait3A_629 = arith.constant 6144 : i32
      %dma_wait3A_630 = tpu.memref_slice %arg8[%dma_wait3A_629] : memref<16384xf32, #tpu.memory_space<vmem>> -> memref<2048xf32, #tpu.memory_space<vmem>>
      %dma_wait3A_631 = arith.constant 0 : i32
      %dma_wait3A_632 = tpu.memref_slice %arg11[%dma_wait3A_631] : memref<65536xf32, #tpu.memory_space<vmem_shared>> -> memref<2048xf32, #tpu.memory_space<vmem_shared>>
      tpu.wait_dma2 semaphore(%arg14 : memref<!tpu.dma_semaphore, #tpu.memory_space<semaphore_mem>>) src(%dma_wait3A_632 : memref<2048xf32, #tpu.memory_space<vmem_shared>>) dst(%dma_wait3A_630 : memref<2048xf32, #tpu.memory_space<vmem>>)
      %gt3A = arith.constant 0 : i32
      %gt3A_633 = arith.cmpi sgt, %add3A_520, %gt3A : i32
      %convert_element_type3A_634 = arith.extui %gt3A_633 : i1 to i32
      %cond3A_635 = arith.constant 0 : i32
      %cond3A_636 = arith.cmpi ne, %convert_element_type3A_634, %cond3A_635 : i32
      scf.if %cond3A_636 {
        %add3A_798 = arith.constant 0 : i32
        %add3A_799 = arith.addi %add3A_374, %add3A_798 : i32
        %dma_wait3A_800 = arith.constant 0 : i32
        %dma_wait3A_801 = tpu.memref_slice %arg9[%dma_wait3A_800] : memref<16384xf32, #tpu.memory_space<vmem>> -> memref<2048xf32, #tpu.memory_space<vmem>>
        %dma_wait3A_802 = arith.constant 0 : i32
        %dma_wait3A_803 = tpu.memref_slice %arg5[%add3A_799, %dma_wait3A_802] : memref<256x16384xf32, #tpu.memory_space<hbm>> -> memref<1x2048xf32, #tpu.memory_space<hbm>>
        %dma_wait3A_804 = tpu.memref_squeeze %dma_wait3A_803 : memref<1x2048xf32, #tpu.memory_space<hbm>> -> memref<2048xf32, #tpu.memory_space<hbm>>
        %dma_wait3A_805 = arith.constant 0 : i32
        %dma_wait3A_806 = tpu.memref_slice %arg5[%add3A_799, %dma_wait3A_805] : memref<256x16384xf32, #tpu.memory_space<hbm>> -> memref<1x2048xf32, #tpu.memory_space<hbm>>
        %dma_wait3A_807 = tpu.memref_squeeze %dma_wait3A_806 : memref<1x2048xf32, #tpu.memory_space<hbm>> -> memref<2048xf32, #tpu.memory_space<hbm>>
        %dma_wait3A_808 = arith.constant 0 : i32
        %dma_wait3A_809 = tpu.memref_slice %arg9[%dma_wait3A_808] : memref<16384xf32, #tpu.memory_space<vmem>> -> memref<2048xf32, #tpu.memory_space<vmem>>
        tpu.wait_dma2 semaphore(%arg16 : memref<!tpu.dma_semaphore, #tpu.memory_space<semaphore_mem>>) src(%dma_wait3A_809 : memref<2048xf32, #tpu.memory_space<vmem>>) dst(%dma_wait3A_807 : memref<2048xf32, #tpu.memory_space<hbm>>)
        %add3A_810 = arith.constant 1 : i32
        %add3A_811 = arith.addi %add3A_374, %add3A_810 : i32
        %dma_wait3A_812 = arith.constant 2048 : i32
        %dma_wait3A_813 = tpu.memref_slice %arg9[%dma_wait3A_812] : memref<16384xf32, #tpu.memory_space<vmem>> -> memref<2048xf32, #tpu.memory_space<vmem>>
        %dma_wait3A_814 = arith.constant 0 : i32
        %dma_wait3A_815 = tpu.memref_slice %arg5[%add3A_811, %dma_wait3A_814] : memref<256x16384xf32, #tpu.memory_space<hbm>> -> memref<1x2048xf32, #tpu.memory_space<hbm>>
        %dma_wait3A_816 = tpu.memref_squeeze %dma_wait3A_815 : memref<1x2048xf32, #tpu.memory_space<hbm>> -> memref<2048xf32, #tpu.memory_space<hbm>>
        %dma_wait3A_817 = arith.constant 0 : i32
        %dma_wait3A_818 = tpu.memref_slice %arg5[%add3A_811, %dma_wait3A_817] : memref<256x16384xf32, #tpu.memory_space<hbm>> -> memref<1x2048xf32, #tpu.memory_space<hbm>>
        %dma_wait3A_819 = tpu.memref_squeeze %dma_wait3A_818 : memref<1x2048xf32, #tpu.memory_space<hbm>> -> memref<2048xf32, #tpu.memory_space<hbm>>
        %dma_wait3A_820 = arith.constant 2048 : i32
        %dma_wait3A_821 = tpu.memref_slice %arg9[%dma_wait3A_820] : memref<16384xf32, #tpu.memory_space<vmem>> -> memref<2048xf32, #tpu.memory_space<vmem>>
        tpu.wait_dma2 semaphore(%arg16 : memref<!tpu.dma_semaphore, #tpu.memory_space<semaphore_mem>>) src(%dma_wait3A_821 : memref<2048xf32, #tpu.memory_space<vmem>>) dst(%dma_wait3A_819 : memref<2048xf32, #tpu.memory_space<hbm>>)
        %add3A_822 = arith.constant 2 : i32
        %add3A_823 = arith.addi %add3A_374, %add3A_822 : i32
        %dma_wait3A_824 = arith.constant 4096 : i32
        %dma_wait3A_825 = tpu.memref_slice %arg9[%dma_wait3A_824] : memref<16384xf32, #tpu.memory_space<vmem>> -> memref<2048xf32, #tpu.memory_space<vmem>>
        %dma_wait3A_826 = arith.constant 0 : i32
        %dma_wait3A_827 = tpu.memref_slice %arg5[%add3A_823, %dma_wait3A_826] : memref<256x16384xf32, #tpu.memory_space<hbm>> -> memref<1x2048xf32, #tpu.memory_space<hbm>>
        %dma_wait3A_828 = tpu.memref_squeeze %dma_wait3A_827 : memref<1x2048xf32, #tpu.memory_space<hbm>> -> memref<2048xf32, #tpu.memory_space<hbm>>
        %dma_wait3A_829 = arith.constant 0 : i32
        %dma_wait3A_830 = tpu.memref_slice %arg5[%add3A_823, %dma_wait3A_829] : memref<256x16384xf32, #tpu.memory_space<hbm>> -> memref<1x2048xf32, #tpu.memory_space<hbm>>
        %dma_wait3A_831 = tpu.memref_squeeze %dma_wait3A_830 : memref<1x2048xf32, #tpu.memory_space<hbm>> -> memref<2048xf32, #tpu.memory_space<hbm>>
        %dma_wait3A_832 = arith.constant 4096 : i32
        %dma_wait3A_833 = tpu.memref_slice %arg9[%dma_wait3A_832] : memref<16384xf32, #tpu.memory_space<vmem>> -> memref<2048xf32, #tpu.memory_space<vmem>>
        tpu.wait_dma2 semaphore(%arg16 : memref<!tpu.dma_semaphore, #tpu.memory_space<semaphore_mem>>) src(%dma_wait3A_833 : memref<2048xf32, #tpu.memory_space<vmem>>) dst(%dma_wait3A_831 : memref<2048xf32, #tpu.memory_space<hbm>>)
        %add3A_834 = arith.constant 3 : i32
        %add3A_835 = arith.addi %add3A_374, %add3A_834 : i32
        %dma_wait3A_836 = arith.constant 6144 : i32
        %dma_wait3A_837 = tpu.memref_slice %arg9[%dma_wait3A_836] : memref<16384xf32, #tpu.memory_space<vmem>> -> memref<2048xf32, #tpu.memory_space<vmem>>
        %dma_wait3A_838 = arith.constant 0 : i32
        %dma_wait3A_839 = tpu.memref_slice %arg5[%add3A_835, %dma_wait3A_838] : memref<256x16384xf32, #tpu.memory_space<hbm>> -> memref<1x2048xf32, #tpu.memory_space<hbm>>
        %dma_wait3A_840 = tpu.memref_squeeze %dma_wait3A_839 : memref<1x2048xf32, #tpu.memory_space<hbm>> -> memref<2048xf32, #tpu.memory_space<hbm>>
        %dma_wait3A_841 = arith.constant 0 : i32
        %dma_wait3A_842 = tpu.memref_slice %arg5[%add3A_835, %dma_wait3A_841] : memref<256x16384xf32, #tpu.memory_space<hbm>> -> memref<1x2048xf32, #tpu.memory_space<hbm>>
        %dma_wait3A_843 = tpu.memref_squeeze %dma_wait3A_842 : memref<1x2048xf32, #tpu.memory_space<hbm>> -> memref<2048xf32, #tpu.memory_space<hbm>>
        %dma_wait3A_844 = arith.constant 6144 : i32
        %dma_wait3A_845 = tpu.memref_slice %arg9[%dma_wait3A_844] : memref<16384xf32, #tpu.memory_space<vmem>> -> memref<2048xf32, #tpu.memory_space<vmem>>
        tpu.wait_dma2 semaphore(%arg16 : memref<!tpu.dma_semaphore, #tpu.memory_space<semaphore_mem>>) src(%dma_wait3A_845 : memref<2048xf32, #tpu.memory_space<vmem>>) dst(%dma_wait3A_843 : memref<2048xf32, #tpu.memory_space<hbm>>)
      } else {
      }
      %parallel_loop3A_637 = arith.constant 0 : i32
      %parallel_loop3A_638 = arith.constant 2048 : i32
      %parallel_loop3A_639 = arith.constant 16 : i32
      scf.for %parallel_loop3A_798 = %parallel_loop3A_637 to %parallel_loop3A_638 step %parallel_loop3A_639  : i32 {
        %parallel_loop3A_799 = arith.constant 0 : i32
        %parallel_loop3A_800 = arith.addi %parallel_loop3A_799, %parallel_loop3A_798 : i32
        %parallel_loop3A_801 = arith.index_cast %parallel_loop3A_800 : i32 to index
        %parallel_loop3A_802 = tpu.vector_load %arg7[%parallel_loop3A_801] {strides = array<i32>} : memref<8192xi32, #tpu.memory_space<vmem>>, vector<16xi32>,
        %parallel_loop3A_803 = arith.constant 2048 : i32
        %parallel_loop3A_804 = arith.addi %parallel_loop3A_803, %parallel_loop3A_798 : i32
        %parallel_loop3A_805 = arith.index_cast %parallel_loop3A_804 : i32 to index
        %parallel_loop3A_806 = tpu.vector_load %arg7[%parallel_loop3A_805] {strides = array<i32>} : memref<8192xi32, #tpu.memory_space<vmem>>, vector<16xi32>,
        %parallel_loop3A_807 = arith.constant 0 : i32
        %parallel_loop3A_808 = arith.addi %parallel_loop3A_807, %parallel_loop3A_798 : i32
        %parallel_loop3A_809 = arith.index_cast %parallel_loop3A_808 : i32 to index
        %parallel_loop3A_810 = tpu.vector_load %arg8[%parallel_loop3A_809] {strides = array<i32>} : memref<16384xf32, #tpu.memory_space<vmem>>, vector<16xf32>,
        %parallel_loop3A_811 = arith.constant 2048 : i32
        %parallel_loop3A_812 = arith.addi %parallel_loop3A_811, %parallel_loop3A_798 : i32
        %parallel_loop3A_813 = arith.index_cast %parallel_loop3A_812 : i32 to index
        %parallel_loop3A_814 = tpu.vector_load %arg8[%parallel_loop3A_813] {strides = array<i32>} : memref<16384xf32, #tpu.memory_space<vmem>>, vector<16xf32>,
        %parallel_loop3A_815 = arith.constant 4096 : i32
        %parallel_loop3A_816 = arith.addi %parallel_loop3A_815, %parallel_loop3A_798 : i32
        %parallel_loop3A_817 = arith.index_cast %parallel_loop3A_816 : i32 to index
        %parallel_loop3A_818 = tpu.vector_load %arg8[%parallel_loop3A_817] {strides = array<i32>} : memref<16384xf32, #tpu.memory_space<vmem>>, vector<16xf32>,
        %parallel_loop3A_819 = arith.constant 6144 : i32
        %parallel_loop3A_820 = arith.addi %parallel_loop3A_819, %parallel_loop3A_798 : i32
        %parallel_loop3A_821 = arith.index_cast %parallel_loop3A_820 : i32 to index
        %parallel_loop3A_822 = tpu.vector_load %arg8[%parallel_loop3A_821] {strides = array<i32>} : memref<16384xf32, #tpu.memory_space<vmem>>, vector<16xf32>,
        %parallel_loop3A_823 = arith.constant 0 : i32
        %parallel_loop3A_824 = vector.broadcast %parallel_loop3A_823 : i32 to vector<16xi32>
        %parallel_loop3A_825 = arith.addi %parallel_loop3A_802, %parallel_loop3A_824 : vector<16xi32>
        %parallel_loop3A_826 = tpu.vector_load_idx %arg6[%parallel_loop3A_825] : memref<65536xf32, #tpu.memory_space<vmem>>[vector<16xi32>], vector<16xf32>,
        %parallel_loop3A_827 = arith.constant 0 : i32
        %parallel_loop3A_828 = vector.broadcast %parallel_loop3A_827 : i32 to vector<16xi32>
        %parallel_loop3A_829 = arith.addi %parallel_loop3A_806, %parallel_loop3A_828 : vector<16xi32>
        %parallel_loop3A_830 = tpu.vector_load_idx %arg6[%parallel_loop3A_829] : memref<65536xf32, #tpu.memory_space<vmem>>[vector<16xi32>], vector<16xf32>,
        %parallel_loop3A_831 = arith.mulf %parallel_loop3A_826, %parallel_loop3A_814 : vector<16xf32>
        %parallel_loop3A_832 = arith.addf %parallel_loop3A_810, %parallel_loop3A_831 : vector<16xf32>
        %parallel_loop3A_833 = arith.mulf %parallel_loop3A_830, %parallel_loop3A_818 : vector<16xf32>
        %parallel_loop3A_834 = arith.addf %parallel_loop3A_832, %parallel_loop3A_833 : vector<16xf32>
        %parallel_loop3A_835 = arith.mulf %parallel_loop3A_826, %parallel_loop3A_830 : vector<16xf32>
        %parallel_loop3A_836 = arith.mulf %parallel_loop3A_835, %parallel_loop3A_822 : vector<16xf32>
        %parallel_loop3A_837 = arith.addf %parallel_loop3A_834, %parallel_loop3A_836 : vector<16xf32>
        %parallel_loop3A_838 = arith.constant 0 : i32
        %parallel_loop3A_839 = arith.addi %parallel_loop3A_838, %parallel_loop3A_798 : i32
        %parallel_loop3A_840 = arith.index_cast %parallel_loop3A_839 : i32 to index
        %parallel_loop3A_841 = tpu.vector_load %arg9[%parallel_loop3A_840] {strides = array<i32>} : memref<16384xf32, #tpu.memory_space<vmem>>, vector<16xf32>,
        tpu.vector_store %arg9[%parallel_loop3A_840], %parallel_loop3A_837 {strides = array<i32>} : memref<16384xf32, #tpu.memory_space<vmem>>, vector<16xf32>,
        %parallel_loop3A_842 = arith.constant 16384 : i32
        %parallel_loop3A_843 = vector.broadcast %parallel_loop3A_842 : i32 to vector<16xi32>
        %parallel_loop3A_844 = arith.addi %parallel_loop3A_802, %parallel_loop3A_843 : vector<16xi32>
        %parallel_loop3A_845 = tpu.vector_load_idx %arg6[%parallel_loop3A_844] : memref<65536xf32, #tpu.memory_space<vmem>>[vector<16xi32>], vector<16xf32>,
        %parallel_loop3A_846 = arith.constant 16384 : i32
        %parallel_loop3A_847 = vector.broadcast %parallel_loop3A_846 : i32 to vector<16xi32>
        %parallel_loop3A_848 = arith.addi %parallel_loop3A_806, %parallel_loop3A_847 : vector<16xi32>
        %parallel_loop3A_849 = tpu.vector_load_idx %arg6[%parallel_loop3A_848] : memref<65536xf32, #tpu.memory_space<vmem>>[vector<16xi32>], vector<16xf32>,
        %parallel_loop3A_850 = arith.mulf %parallel_loop3A_845, %parallel_loop3A_814 : vector<16xf32>
        %parallel_loop3A_851 = arith.addf %parallel_loop3A_810, %parallel_loop3A_850 : vector<16xf32>
        %parallel_loop3A_852 = arith.mulf %parallel_loop3A_849, %parallel_loop3A_818 : vector<16xf32>
        %parallel_loop3A_853 = arith.addf %parallel_loop3A_851, %parallel_loop3A_852 : vector<16xf32>
        %parallel_loop3A_854 = arith.mulf %parallel_loop3A_845, %parallel_loop3A_849 : vector<16xf32>
        %parallel_loop3A_855 = arith.mulf %parallel_loop3A_854, %parallel_loop3A_822 : vector<16xf32>
        %parallel_loop3A_856 = arith.addf %parallel_loop3A_853, %parallel_loop3A_855 : vector<16xf32>
        %parallel_loop3A_857 = arith.constant 2048 : i32
        %parallel_loop3A_858 = arith.addi %parallel_loop3A_857, %parallel_loop3A_798 : i32
        %parallel_loop3A_859 = arith.index_cast %parallel_loop3A_858 : i32 to index
        %parallel_loop3A_860 = tpu.vector_load %arg9[%parallel_loop3A_859] {strides = array<i32>} : memref<16384xf32, #tpu.memory_space<vmem>>, vector<16xf32>,
        tpu.vector_store %arg9[%parallel_loop3A_859], %parallel_loop3A_856 {strides = array<i32>} : memref<16384xf32, #tpu.memory_space<vmem>>, vector<16xf32>,
        %parallel_loop3A_861 = arith.constant 32768 : i32
        %parallel_loop3A_862 = vector.broadcast %parallel_loop3A_861 : i32 to vector<16xi32>
        %parallel_loop3A_863 = arith.addi %parallel_loop3A_802, %parallel_loop3A_862 : vector<16xi32>
        %parallel_loop3A_864 = tpu.vector_load_idx %arg6[%parallel_loop3A_863] : memref<65536xf32, #tpu.memory_space<vmem>>[vector<16xi32>], vector<16xf32>,
        %parallel_loop3A_865 = arith.constant 32768 : i32
        %parallel_loop3A_866 = vector.broadcast %parallel_loop3A_865 : i32 to vector<16xi32>
        %parallel_loop3A_867 = arith.addi %parallel_loop3A_806, %parallel_loop3A_866 : vector<16xi32>
        %parallel_loop3A_868 = tpu.vector_load_idx %arg6[%parallel_loop3A_867] : memref<65536xf32, #tpu.memory_space<vmem>>[vector<16xi32>], vector<16xf32>,
        %parallel_loop3A_869 = arith.mulf %parallel_loop3A_864, %parallel_loop3A_814 : vector<16xf32>
        %parallel_loop3A_870 = arith.addf %parallel_loop3A_810, %parallel_loop3A_869 : vector<16xf32>
        %parallel_loop3A_871 = arith.mulf %parallel_loop3A_868, %parallel_loop3A_818 : vector<16xf32>
        %parallel_loop3A_872 = arith.addf %parallel_loop3A_870, %parallel_loop3A_871 : vector<16xf32>
        %parallel_loop3A_873 = arith.mulf %parallel_loop3A_864, %parallel_loop3A_868 : vector<16xf32>
        %parallel_loop3A_874 = arith.mulf %parallel_loop3A_873, %parallel_loop3A_822 : vector<16xf32>
        %parallel_loop3A_875 = arith.addf %parallel_loop3A_872, %parallel_loop3A_874 : vector<16xf32>
        %parallel_loop3A_876 = arith.constant 4096 : i32
        %parallel_loop3A_877 = arith.addi %parallel_loop3A_876, %parallel_loop3A_798 : i32
        %parallel_loop3A_878 = arith.index_cast %parallel_loop3A_877 : i32 to index
        %parallel_loop3A_879 = tpu.vector_load %arg9[%parallel_loop3A_878] {strides = array<i32>} : memref<16384xf32, #tpu.memory_space<vmem>>, vector<16xf32>,
        tpu.vector_store %arg9[%parallel_loop3A_878], %parallel_loop3A_875 {strides = array<i32>} : memref<16384xf32, #tpu.memory_space<vmem>>, vector<16xf32>,
        %parallel_loop3A_880 = arith.constant 49152 : i32
        %parallel_loop3A_881 = vector.broadcast %parallel_loop3A_880 : i32 to vector<16xi32>
        %parallel_loop3A_882 = arith.addi %parallel_loop3A_802, %parallel_loop3A_881 : vector<16xi32>
        %parallel_loop3A_883 = tpu.vector_load_idx %arg6[%parallel_loop3A_882] : memref<65536xf32, #tpu.memory_space<vmem>>[vector<16xi32>], vector<16xf32>,
        %parallel_loop3A_884 = arith.constant 49152 : i32
        %parallel_loop3A_885 = vector.broadcast %parallel_loop3A_884 : i32 to vector<16xi32>
        %parallel_loop3A_886 = arith.addi %parallel_loop3A_806, %parallel_loop3A_885 : vector<16xi32>
        %parallel_loop3A_887 = tpu.vector_load_idx %arg6[%parallel_loop3A_886] : memref<65536xf32, #tpu.memory_space<vmem>>[vector<16xi32>], vector<16xf32>,
        %parallel_loop3A_888 = arith.mulf %parallel_loop3A_883, %parallel_loop3A_814 : vector<16xf32>
        %parallel_loop3A_889 = arith.addf %parallel_loop3A_810, %parallel_loop3A_888 : vector<16xf32>
        %parallel_loop3A_890 = arith.mulf %parallel_loop3A_887, %parallel_loop3A_818 : vector<16xf32>
        %parallel_loop3A_891 = arith.addf %parallel_loop3A_889, %parallel_loop3A_890 : vector<16xf32>
        %parallel_loop3A_892 = arith.mulf %parallel_loop3A_883, %parallel_loop3A_887 : vector<16xf32>
        %parallel_loop3A_893 = arith.mulf %parallel_loop3A_892, %parallel_loop3A_822 : vector<16xf32>
        %parallel_loop3A_894 = arith.addf %parallel_loop3A_891, %parallel_loop3A_893 : vector<16xf32>
        %parallel_loop3A_895 = arith.constant 6144 : i32
        %parallel_loop3A_896 = arith.addi %parallel_loop3A_895, %parallel_loop3A_798 : i32
        %parallel_loop3A_897 = arith.index_cast %parallel_loop3A_896 : i32 to index
        %parallel_loop3A_898 = tpu.vector_load %arg9[%parallel_loop3A_897] {strides = array<i32>} : memref<16384xf32, #tpu.memory_space<vmem>>, vector<16xf32>,
        tpu.vector_store %arg9[%parallel_loop3A_897], %parallel_loop3A_894 {strides = array<i32>} : memref<16384xf32, #tpu.memory_space<vmem>>, vector<16xf32>,
      } {sc.loop_unroll_factor = 4 : i64, sc.parallel_access}
      %add3A_640 = arith.constant 0 : i32
      %add3A_641 = arith.addi %add3A_374, %add3A_640 : i32
      %mul3A_642 = arith.constant 2048 : i32
      %mul3A_643 = arith.muli %mul3A_522, %mul3A_642 : i32
      %dma_start3A_644 = arith.constant 0 : i32
      %dma_start3A_645 = tpu.memref_slice %arg9[%dma_start3A_644] : memref<16384xf32, #tpu.memory_space<vmem>> -> memref<2048xf32, #tpu.memory_space<vmem>>
      %dma_start3A_646 = tpu.memref_slice %arg5[%add3A_641, %mul3A_643] : memref<256x16384xf32, #tpu.memory_space<hbm>> -> memref<1x2048xf32, #tpu.memory_space<hbm>>
      %dma_start3A_647 = tpu.memref_squeeze %dma_start3A_646 : memref<1x2048xf32, #tpu.memory_space<hbm>> -> memref<2048xf32, #tpu.memory_space<hbm>>
      %dma_start3A_648 = tpu.memref_slice %arg5[%add3A_641, %mul3A_643] : memref<256x16384xf32, #tpu.memory_space<hbm>> -> memref<1x2048xf32, #tpu.memory_space<hbm>>
      %dma_start3A_649 = tpu.memref_squeeze %dma_start3A_648 : memref<1x2048xf32, #tpu.memory_space<hbm>> -> memref<2048xf32, #tpu.memory_space<hbm>>
      %dma_start3A_650 = arith.constant 0 : i32
      %dma_start3A_651 = tpu.memref_slice %arg9[%dma_start3A_650] : memref<16384xf32, #tpu.memory_space<vmem>> -> memref<2048xf32, #tpu.memory_space<vmem>>
      tpu.enqueue_dma source(%dma_start3A_651 : memref<2048xf32, #tpu.memory_space<vmem>>) target(%dma_start3A_649 : memref<2048xf32, #tpu.memory_space<hbm>>) target_semaphore(%arg16 : memref<!tpu.dma_semaphore, #tpu.memory_space<semaphore_mem>>)
      %add3A_652 = arith.constant 1 : i32
      %add3A_653 = arith.addi %add3A_374, %add3A_652 : i32
      %mul3A_654 = arith.constant 2048 : i32
      %mul3A_655 = arith.muli %mul3A_522, %mul3A_654 : i32
      %dma_start3A_656 = arith.constant 2048 : i32
      %dma_start3A_657 = tpu.memref_slice %arg9[%dma_start3A_656] : memref<16384xf32, #tpu.memory_space<vmem>> -> memref<2048xf32, #tpu.memory_space<vmem>>
      %dma_start3A_658 = tpu.memref_slice %arg5[%add3A_653, %mul3A_655] : memref<256x16384xf32, #tpu.memory_space<hbm>> -> memref<1x2048xf32, #tpu.memory_space<hbm>>
      %dma_start3A_659 = tpu.memref_squeeze %dma_start3A_658 : memref<1x2048xf32, #tpu.memory_space<hbm>> -> memref<2048xf32, #tpu.memory_space<hbm>>
      %dma_start3A_660 = tpu.memref_slice %arg5[%add3A_653, %mul3A_655] : memref<256x16384xf32, #tpu.memory_space<hbm>> -> memref<1x2048xf32, #tpu.memory_space<hbm>>
      %dma_start3A_661 = tpu.memref_squeeze %dma_start3A_660 : memref<1x2048xf32, #tpu.memory_space<hbm>> -> memref<2048xf32, #tpu.memory_space<hbm>>
      %dma_start3A_662 = arith.constant 2048 : i32
      %dma_start3A_663 = tpu.memref_slice %arg9[%dma_start3A_662] : memref<16384xf32, #tpu.memory_space<vmem>> -> memref<2048xf32, #tpu.memory_space<vmem>>
      tpu.enqueue_dma source(%dma_start3A_663 : memref<2048xf32, #tpu.memory_space<vmem>>) target(%dma_start3A_661 : memref<2048xf32, #tpu.memory_space<hbm>>) target_semaphore(%arg16 : memref<!tpu.dma_semaphore, #tpu.memory_space<semaphore_mem>>)
      %add3A_664 = arith.constant 2 : i32
      %add3A_665 = arith.addi %add3A_374, %add3A_664 : i32
      %mul3A_666 = arith.constant 2048 : i32
      %mul3A_667 = arith.muli %mul3A_522, %mul3A_666 : i32
      %dma_start3A_668 = arith.constant 4096 : i32
      %dma_start3A_669 = tpu.memref_slice %arg9[%dma_start3A_668] : memref<16384xf32, #tpu.memory_space<vmem>> -> memref<2048xf32, #tpu.memory_space<vmem>>
      %dma_start3A_670 = tpu.memref_slice %arg5[%add3A_665, %mul3A_667] : memref<256x16384xf32, #tpu.memory_space<hbm>> -> memref<1x2048xf32, #tpu.memory_space<hbm>>
      %dma_start3A_671 = tpu.memref_squeeze %dma_start3A_670 : memref<1x2048xf32, #tpu.memory_space<hbm>> -> memref<2048xf32, #tpu.memory_space<hbm>>
      %dma_start3A_672 = tpu.memref_slice %arg5[%add3A_665, %mul3A_667] : memref<256x16384xf32, #tpu.memory_space<hbm>> -> memref<1x2048xf32, #tpu.memory_space<hbm>>
      %dma_start3A_673 = tpu.memref_squeeze %dma_start3A_672 : memref<1x2048xf32, #tpu.memory_space<hbm>> -> memref<2048xf32, #tpu.memory_space<hbm>>
      %dma_start3A_674 = arith.constant 4096 : i32
      %dma_start3A_675 = tpu.memref_slice %arg9[%dma_start3A_674] : memref<16384xf32, #tpu.memory_space<vmem>> -> memref<2048xf32, #tpu.memory_space<vmem>>
      tpu.enqueue_dma source(%dma_start3A_675 : memref<2048xf32, #tpu.memory_space<vmem>>) target(%dma_start3A_673 : memref<2048xf32, #tpu.memory_space<hbm>>) target_semaphore(%arg16 : memref<!tpu.dma_semaphore, #tpu.memory_space<semaphore_mem>>)
      %add3A_676 = arith.constant 3 : i32
      %add3A_677 = arith.addi %add3A_374, %add3A_676 : i32
      %mul3A_678 = arith.constant 2048 : i32
      %mul3A_679 = arith.muli %mul3A_522, %mul3A_678 : i32
      %dma_start3A_680 = arith.constant 6144 : i32
      %dma_start3A_681 = tpu.memref_slice %arg9[%dma_start3A_680] : memref<16384xf32, #tpu.memory_space<vmem>> -> memref<2048xf32, #tpu.memory_space<vmem>>
      %dma_start3A_682 = tpu.memref_slice %arg5[%add3A_677, %mul3A_679] : memref<256x16384xf32, #tpu.memory_space<hbm>> -> memref<1x2048xf32, #tpu.memory_space<hbm>>
      %dma_start3A_683 = tpu.memref_squeeze %dma_start3A_682 : memref<1x2048xf32, #tpu.memory_space<hbm>> -> memref<2048xf32, #tpu.memory_space<hbm>>
      %dma_start3A_684 = tpu.memref_slice %arg5[%add3A_677, %mul3A_679] : memref<256x16384xf32, #tpu.memory_space<hbm>> -> memref<1x2048xf32, #tpu.memory_space<hbm>>
      %dma_start3A_685 = tpu.memref_squeeze %dma_start3A_684 : memref<1x2048xf32, #tpu.memory_space<hbm>> -> memref<2048xf32, #tpu.memory_space<hbm>>
      %dma_start3A_686 = arith.constant 6144 : i32
      %dma_start3A_687 = tpu.memref_slice %arg9[%dma_start3A_686] : memref<16384xf32, #tpu.memory_space<vmem>> -> memref<2048xf32, #tpu.memory_space<vmem>>
      tpu.enqueue_dma source(%dma_start3A_687 : memref<2048xf32, #tpu.memory_space<vmem>>) target(%dma_start3A_685 : memref<2048xf32, #tpu.memory_space<hbm>>) target_semaphore(%arg16 : memref<!tpu.dma_semaphore, #tpu.memory_space<semaphore_mem>>)
      %add3A_688 = arith.constant 1 : i32
      %add3A_689 = arith.addi %add3A_520, %add3A_688 : i32
      %lt3A = arith.constant 4 : i32
      %lt3A_690 = arith.cmpi slt, %add3A_689, %lt3A : i32
      %convert_element_type3A_691 = arith.extui %lt3A_690 : i1 to i32
      %cond3A_692 = arith.constant 0 : i32
      %cond3A_693 = arith.cmpi ne, %convert_element_type3A_691, %cond3A_692 : i32
      scf.if %cond3A_693 {
        %add3A_798 = arith.constant 2 : i32
        %add3A_799 = arith.addi %mul3A_522, %add3A_798 : i32
        %mul3A_800 = arith.constant 2048 : i32
        %mul3A_801 = arith.muli %add3A_799, %mul3A_800 : i32
        %dma_start3A_802 = arith.constant 0 : i32
        %dma_start3A_803 = tpu.memref_slice %arg7[%dma_start3A_802] : memref<8192xi32, #tpu.memory_space<vmem>> -> memref<2048xi32, #tpu.memory_space<vmem>>
        %dma_start3A_804 = tpu.memref_slice %arg10[%mul3A_801] : memref<32768xi32, #tpu.memory_space<vmem_shared>> -> memref<2048xi32, #tpu.memory_space<vmem_shared>>
        %dma_start3A_805 = arith.constant 0 : i32
        %dma_start3A_806 = tpu.memref_slice %arg7[%dma_start3A_805] : memref<8192xi32, #tpu.memory_space<vmem>> -> memref<2048xi32, #tpu.memory_space<vmem>>
        %dma_start3A_807 = tpu.memref_slice %arg10[%mul3A_801] : memref<32768xi32, #tpu.memory_space<vmem_shared>> -> memref<2048xi32, #tpu.memory_space<vmem_shared>>
        tpu.enqueue_dma source(%dma_start3A_807 : memref<2048xi32, #tpu.memory_space<vmem_shared>>) target(%dma_start3A_806 : memref<2048xi32, #tpu.memory_space<vmem>>) target_semaphore(%arg14 : memref<!tpu.dma_semaphore, #tpu.memory_space<semaphore_mem>>)
        %mul3A_808 = arith.constant 2048 : i32
        %mul3A_809 = arith.muli %add3A_799, %mul3A_808 : i32
        %add3A_810 = arith.constant 16384 : i32
        %add3A_811 = arith.addi %add3A_810, %mul3A_809 : i32
        %dma_start3A_812 = arith.constant 2048 : i32
        %dma_start3A_813 = tpu.memref_slice %arg7[%dma_start3A_812] : memref<8192xi32, #tpu.memory_space<vmem>> -> memref<2048xi32, #tpu.memory_space<vmem>>
        %dma_start3A_814 = tpu.memref_slice %arg10[%add3A_811] : memref<32768xi32, #tpu.memory_space<vmem_shared>> -> memref<2048xi32, #tpu.memory_space<vmem_shared>>
        %dma_start3A_815 = arith.constant 2048 : i32
        %dma_start3A_816 = tpu.memref_slice %arg7[%dma_start3A_815] : memref<8192xi32, #tpu.memory_space<vmem>> -> memref<2048xi32, #tpu.memory_space<vmem>>
        %dma_start3A_817 = tpu.memref_slice %arg10[%add3A_811] : memref<32768xi32, #tpu.memory_space<vmem_shared>> -> memref<2048xi32, #tpu.memory_space<vmem_shared>>
        tpu.enqueue_dma source(%dma_start3A_817 : memref<2048xi32, #tpu.memory_space<vmem_shared>>) target(%dma_start3A_816 : memref<2048xi32, #tpu.memory_space<vmem>>) target_semaphore(%arg14 : memref<!tpu.dma_semaphore, #tpu.memory_space<semaphore_mem>>)
        %mul3A_818 = arith.constant 2048 : i32
        %mul3A_819 = arith.muli %add3A_799, %mul3A_818 : i32
        %add3A_820 = arith.constant 0 : i32
        %add3A_821 = arith.addi %add3A_820, %mul3A_819 : i32
        %dma_start3A_822 = arith.constant 0 : i32
        %dma_start3A_823 = tpu.memref_slice %arg8[%dma_start3A_822] : memref<16384xf32, #tpu.memory_space<vmem>> -> memref<2048xf32, #tpu.memory_space<vmem>>
        %dma_start3A_824 = tpu.memref_slice %arg11[%add3A_821] : memref<65536xf32, #tpu.memory_space<vmem_shared>> -> memref<2048xf32, #tpu.memory_space<vmem_shared>>
        %dma_start3A_825 = arith.constant 0 : i32
        %dma_start3A_826 = tpu.memref_slice %arg8[%dma_start3A_825] : memref<16384xf32, #tpu.memory_space<vmem>> -> memref<2048xf32, #tpu.memory_space<vmem>>
        %dma_start3A_827 = tpu.memref_slice %arg11[%add3A_821] : memref<65536xf32, #tpu.memory_space<vmem_shared>> -> memref<2048xf32, #tpu.memory_space<vmem_shared>>
        tpu.enqueue_dma source(%dma_start3A_827 : memref<2048xf32, #tpu.memory_space<vmem_shared>>) target(%dma_start3A_826 : memref<2048xf32, #tpu.memory_space<vmem>>) target_semaphore(%arg14 : memref<!tpu.dma_semaphore, #tpu.memory_space<semaphore_mem>>)
        %mul3A_828 = arith.constant 2048 : i32
        %mul3A_829 = arith.muli %add3A_799, %mul3A_828 : i32
        %add3A_830 = arith.constant 16384 : i32
        %add3A_831 = arith.addi %add3A_830, %mul3A_829 : i32
        %dma_start3A_832 = arith.constant 2048 : i32
        %dma_start3A_833 = tpu.memref_slice %arg8[%dma_start3A_832] : memref<16384xf32, #tpu.memory_space<vmem>> -> memref<2048xf32, #tpu.memory_space<vmem>>
        %dma_start3A_834 = tpu.memref_slice %arg11[%add3A_831] : memref<65536xf32, #tpu.memory_space<vmem_shared>> -> memref<2048xf32, #tpu.memory_space<vmem_shared>>
        %dma_start3A_835 = arith.constant 2048 : i32
        %dma_start3A_836 = tpu.memref_slice %arg8[%dma_start3A_835] : memref<16384xf32, #tpu.memory_space<vmem>> -> memref<2048xf32, #tpu.memory_space<vmem>>
        %dma_start3A_837 = tpu.memref_slice %arg11[%add3A_831] : memref<65536xf32, #tpu.memory_space<vmem_shared>> -> memref<2048xf32, #tpu.memory_space<vmem_shared>>
        tpu.enqueue_dma source(%dma_start3A_837 : memref<2048xf32, #tpu.memory_space<vmem_shared>>) target(%dma_start3A_836 : memref<2048xf32, #tpu.memory_space<vmem>>) target_semaphore(%arg14 : memref<!tpu.dma_semaphore, #tpu.memory_space<semaphore_mem>>)
        %mul3A_838 = arith.constant 2048 : i32
        %mul3A_839 = arith.muli %add3A_799, %mul3A_838 : i32
        %add3A_840 = arith.constant 32768 : i32
        %add3A_841 = arith.addi %add3A_840, %mul3A_839 : i32
        %dma_start3A_842 = arith.constant 4096 : i32
        %dma_start3A_843 = tpu.memref_slice %arg8[%dma_start3A_842] : memref<16384xf32, #tpu.memory_space<vmem>> -> memref<2048xf32, #tpu.memory_space<vmem>>
        %dma_start3A_844 = tpu.memref_slice %arg11[%add3A_841] : memref<65536xf32, #tpu.memory_space<vmem_shared>> -> memref<2048xf32, #tpu.memory_space<vmem_shared>>
        %dma_start3A_845 = arith.constant 4096 : i32
        %dma_start3A_846 = tpu.memref_slice %arg8[%dma_start3A_845] : memref<16384xf32, #tpu.memory_space<vmem>> -> memref<2048xf32, #tpu.memory_space<vmem>>
        %dma_start3A_847 = tpu.memref_slice %arg11[%add3A_841] : memref<65536xf32, #tpu.memory_space<vmem_shared>> -> memref<2048xf32, #tpu.memory_space<vmem_shared>>
        tpu.enqueue_dma source(%dma_start3A_847 : memref<2048xf32, #tpu.memory_space<vmem_shared>>) target(%dma_start3A_846 : memref<2048xf32, #tpu.memory_space<vmem>>) target_semaphore(%arg14 : memref<!tpu.dma_semaphore, #tpu.memory_space<semaphore_mem>>)
        %mul3A_848 = arith.constant 2048 : i32
        %mul3A_849 = arith.muli %add3A_799, %mul3A_848 : i32
        %add3A_850 = arith.constant 49152 : i32
        %add3A_851 = arith.addi %add3A_850, %mul3A_849 : i32
        %dma_start3A_852 = arith.constant 6144 : i32
        %dma_start3A_853 = tpu.memref_slice %arg8[%dma_start3A_852] : memref<16384xf32, #tpu.memory_space<vmem>> -> memref<2048xf32, #tpu.memory_space<vmem>>
        %dma_start3A_854 = tpu.memref_slice %arg11[%add3A_851] : memref<65536xf32, #tpu.memory_space<vmem_shared>> -> memref<2048xf32, #tpu.memory_space<vmem_shared>>
        %dma_start3A_855 = arith.constant 6144 : i32
        %dma_start3A_856 = tpu.memref_slice %arg8[%dma_start3A_855] : memref<16384xf32, #tpu.memory_space<vmem>> -> memref<2048xf32, #tpu.memory_space<vmem>>
        %dma_start3A_857 = tpu.memref_slice %arg11[%add3A_851] : memref<65536xf32, #tpu.memory_space<vmem_shared>> -> memref<2048xf32, #tpu.memory_space<vmem_shared>>
        tpu.enqueue_dma source(%dma_start3A_857 : memref<2048xf32, #tpu.memory_space<vmem_shared>>) target(%dma_start3A_856 : memref<2048xf32, #tpu.memory_space<vmem>>) target_semaphore(%arg14 : memref<!tpu.dma_semaphore, #tpu.memory_space<semaphore_mem>>)
      } else {
      }
      %dma_wait3A_694 = arith.constant 4096 : i32
      %dma_wait3A_695 = tpu.memref_slice %arg7[%dma_wait3A_694] : memref<8192xi32, #tpu.memory_space<vmem>> -> memref<2048xi32, #tpu.memory_space<vmem>>
      %dma_wait3A_696 = arith.constant 0 : i32
      %dma_wait3A_697 = tpu.memref_slice %arg10[%dma_wait3A_696] : memref<32768xi32, #tpu.memory_space<vmem_shared>> -> memref<2048xi32, #tpu.memory_space<vmem_shared>>
      %dma_wait3A_698 = arith.constant 4096 : i32
      %dma_wait3A_699 = tpu.memref_slice %arg7[%dma_wait3A_698] : memref<8192xi32, #tpu.memory_space<vmem>> -> memref<2048xi32, #tpu.memory_space<vmem>>
      %dma_wait3A_700 = arith.constant 0 : i32
      %dma_wait3A_701 = tpu.memref_slice %arg10[%dma_wait3A_700] : memref<32768xi32, #tpu.memory_space<vmem_shared>> -> memref<2048xi32, #tpu.memory_space<vmem_shared>>
      tpu.wait_dma2 semaphore(%arg15 : memref<!tpu.dma_semaphore, #tpu.memory_space<semaphore_mem>>) src(%dma_wait3A_701 : memref<2048xi32, #tpu.memory_space<vmem_shared>>) dst(%dma_wait3A_699 : memref<2048xi32, #tpu.memory_space<vmem>>)
      %dma_wait3A_702 = arith.constant 6144 : i32
      %dma_wait3A_703 = tpu.memref_slice %arg7[%dma_wait3A_702] : memref<8192xi32, #tpu.memory_space<vmem>> -> memref<2048xi32, #tpu.memory_space<vmem>>
      %dma_wait3A_704 = arith.constant 0 : i32
      %dma_wait3A_705 = tpu.memref_slice %arg10[%dma_wait3A_704] : memref<32768xi32, #tpu.memory_space<vmem_shared>> -> memref<2048xi32, #tpu.memory_space<vmem_shared>>
      %dma_wait3A_706 = arith.constant 6144 : i32
      %dma_wait3A_707 = tpu.memref_slice %arg7[%dma_wait3A_706] : memref<8192xi32, #tpu.memory_space<vmem>> -> memref<2048xi32, #tpu.memory_space<vmem>>
      %dma_wait3A_708 = arith.constant 0 : i32
      %dma_wait3A_709 = tpu.memref_slice %arg10[%dma_wait3A_708] : memref<32768xi32, #tpu.memory_space<vmem_shared>> -> memref<2048xi32, #tpu.memory_space<vmem_shared>>
      tpu.wait_dma2 semaphore(%arg15 : memref<!tpu.dma_semaphore, #tpu.memory_space<semaphore_mem>>) src(%dma_wait3A_709 : memref<2048xi32, #tpu.memory_space<vmem_shared>>) dst(%dma_wait3A_707 : memref<2048xi32, #tpu.memory_space<vmem>>)
      %dma_wait3A_710 = arith.constant 8192 : i32
      %dma_wait3A_711 = tpu.memref_slice %arg8[%dma_wait3A_710] : memref<16384xf32, #tpu.memory_space<vmem>> -> memref<2048xf32, #tpu.memory_space<vmem>>
      %dma_wait3A_712 = arith.constant 0 : i32
      %dma_wait3A_713 = tpu.memref_slice %arg11[%dma_wait3A_712] : memref<65536xf32, #tpu.memory_space<vmem_shared>> -> memref<2048xf32, #tpu.memory_space<vmem_shared>>
      %dma_wait3A_714 = arith.constant 8192 : i32
      %dma_wait3A_715 = tpu.memref_slice %arg8[%dma_wait3A_714] : memref<16384xf32, #tpu.memory_space<vmem>> -> memref<2048xf32, #tpu.memory_space<vmem>>
      %dma_wait3A_716 = arith.constant 0 : i32
      %dma_wait3A_717 = tpu.memref_slice %arg11[%dma_wait3A_716] : memref<65536xf32, #tpu.memory_space<vmem_shared>> -> memref<2048xf32, #tpu.memory_space<vmem_shared>>
      tpu.wait_dma2 semaphore(%arg15 : memref<!tpu.dma_semaphore, #tpu.memory_space<semaphore_mem>>) src(%dma_wait3A_717 : memref<2048xf32, #tpu.memory_space<vmem_shared>>) dst(%dma_wait3A_715 : memref<2048xf32, #tpu.memory_space<vmem>>)
      %dma_wait3A_718 = arith.constant 10240 : i32
      %dma_wait3A_719 = tpu.memref_slice %arg8[%dma_wait3A_718] : memref<16384xf32, #tpu.memory_space<vmem>> -> memref<2048xf32, #tpu.memory_space<vmem>>
      %dma_wait3A_720 = arith.constant 0 : i32
      %dma_wait3A_721 = tpu.memref_slice %arg11[%dma_wait3A_720] : memref<65536xf32, #tpu.memory_space<vmem_shared>> -> memref<2048xf32, #tpu.memory_space<vmem_shared>>
      %dma_wait3A_722 = arith.constant 10240 : i32
      %dma_wait3A_723 = tpu.memref_slice %arg8[%dma_wait3A_722] : memref<16384xf32, #tpu.memory_space<vmem>> -> memref<2048xf32, #tpu.memory_space<vmem>>
      %dma_wait3A_724 = arith.constant 0 : i32
      %dma_wait3A_725 = tpu.memref_slice %arg11[%dma_wait3A_724] : memref<65536xf32, #tpu.memory_space<vmem_shared>> -> memref<2048xf32, #tpu.memory_space<vmem_shared>>
      tpu.wait_dma2 semaphore(%arg15 : memref<!tpu.dma_semaphore, #tpu.memory_space<semaphore_mem>>) src(%dma_wait3A_725 : memref<2048xf32, #tpu.memory_space<vmem_shared>>) dst(%dma_wait3A_723 : memref<2048xf32, #tpu.memory_space<vmem>>)
      %dma_wait3A_726 = arith.constant 12288 : i32
      %dma_wait3A_727 = tpu.memref_slice %arg8[%dma_wait3A_726] : memref<16384xf32, #tpu.memory_space<vmem>> -> memref<2048xf32, #tpu.memory_space<vmem>>
      %dma_wait3A_728 = arith.constant 0 : i32
      %dma_wait3A_729 = tpu.memref_slice %arg11[%dma_wait3A_728] : memref<65536xf32, #tpu.memory_space<vmem_shared>> -> memref<2048xf32, #tpu.memory_space<vmem_shared>>
      %dma_wait3A_730 = arith.constant 12288 : i32
      %dma_wait3A_731 = tpu.memref_slice %arg8[%dma_wait3A_730] : memref<16384xf32, #tpu.memory_space<vmem>> -> memref<2048xf32, #tpu.memory_space<vmem>>
      %dma_wait3A_732 = arith.constant 0 : i32
      %dma_wait3A_733 = tpu.memref_slice %arg11[%dma_wait3A_732] : memref<65536xf32, #tpu.memory_space<vmem_shared>> -> memref<2048xf32, #tpu.memory_space<vmem_shared>>
      tpu.wait_dma2 semaphore(%arg15 : memref<!tpu.dma_semaphore, #tpu.memory_space<semaphore_mem>>) src(%dma_wait3A_733 : memref<2048xf32, #tpu.memory_space<vmem_shared>>) dst(%dma_wait3A_731 : memref<2048xf32, #tpu.memory_space<vmem>>)
      %dma_wait3A_734 = arith.constant 14336 : i32
      %dma_wait3A_735 = tpu.memref_slice %arg8[%dma_wait3A_734] : memref<16384xf32, #tpu.memory_space<vmem>> -> memref<2048xf32, #tpu.memory_space<vmem>>
      %dma_wait3A_736 = arith.constant 0 : i32
      %dma_wait3A_737 = tpu.memref_slice %arg11[%dma_wait3A_736] : memref<65536xf32, #tpu.memory_space<vmem_shared>> -> memref<2048xf32, #tpu.memory_space<vmem_shared>>
      %dma_wait3A_738 = arith.constant 14336 : i32
      %dma_wait3A_739 = tpu.memref_slice %arg8[%dma_wait3A_738] : memref<16384xf32, #tpu.memory_space<vmem>> -> memref<2048xf32, #tpu.memory_space<vmem>>
      %dma_wait3A_740 = arith.constant 0 : i32
      %dma_wait3A_741 = tpu.memref_slice %arg11[%dma_wait3A_740] : memref<65536xf32, #tpu.memory_space<vmem_shared>> -> memref<2048xf32, #tpu.memory_space<vmem_shared>>
      tpu.wait_dma2 semaphore(%arg15 : memref<!tpu.dma_semaphore, #tpu.memory_space<semaphore_mem>>) src(%dma_wait3A_741 : memref<2048xf32, #tpu.memory_space<vmem_shared>>) dst(%dma_wait3A_739 : memref<2048xf32, #tpu.memory_space<vmem>>)
      %gt3A_742 = arith.constant 0 : i32
      %gt3A_743 = arith.cmpi sgt, %add3A_520, %gt3A_742 : i32
      %convert_element_type3A_744 = arith.extui %gt3A_743 : i1 to i32
      %cond3A_745 = arith.constant 0 : i32
      %cond3A_746 = arith.cmpi ne, %convert_element_type3A_744, %cond3A_745 : i32
      scf.if %cond3A_746 {
        %add3A_798 = arith.constant 0 : i32
        %add3A_799 = arith.addi %add3A_374, %add3A_798 : i32
        %dma_wait3A_800 = arith.constant 8192 : i32
        %dma_wait3A_801 = tpu.memref_slice %arg9[%dma_wait3A_800] : memref<16384xf32, #tpu.memory_space<vmem>> -> memref<2048xf32, #tpu.memory_space<vmem>>
        %dma_wait3A_802 = arith.constant 0 : i32
        %dma_wait3A_803 = tpu.memref_slice %arg5[%add3A_799, %dma_wait3A_802] : memref<256x16384xf32, #tpu.memory_space<hbm>> -> memref<1x2048xf32, #tpu.memory_space<hbm>>
        %dma_wait3A_804 = tpu.memref_squeeze %dma_wait3A_803 : memref<1x2048xf32, #tpu.memory_space<hbm>> -> memref<2048xf32, #tpu.memory_space<hbm>>
        %dma_wait3A_805 = arith.constant 0 : i32
        %dma_wait3A_806 = tpu.memref_slice %arg5[%add3A_799, %dma_wait3A_805] : memref<256x16384xf32, #tpu.memory_space<hbm>> -> memref<1x2048xf32, #tpu.memory_space<hbm>>
        %dma_wait3A_807 = tpu.memref_squeeze %dma_wait3A_806 : memref<1x2048xf32, #tpu.memory_space<hbm>> -> memref<2048xf32, #tpu.memory_space<hbm>>
        %dma_wait3A_808 = arith.constant 8192 : i32
        %dma_wait3A_809 = tpu.memref_slice %arg9[%dma_wait3A_808] : memref<16384xf32, #tpu.memory_space<vmem>> -> memref<2048xf32, #tpu.memory_space<vmem>>
        tpu.wait_dma2 semaphore(%arg17 : memref<!tpu.dma_semaphore, #tpu.memory_space<semaphore_mem>>) src(%dma_wait3A_809 : memref<2048xf32, #tpu.memory_space<vmem>>) dst(%dma_wait3A_807 : memref<2048xf32, #tpu.memory_space<hbm>>)
        %add3A_810 = arith.constant 1 : i32
        %add3A_811 = arith.addi %add3A_374, %add3A_810 : i32
        %dma_wait3A_812 = arith.constant 10240 : i32
        %dma_wait3A_813 = tpu.memref_slice %arg9[%dma_wait3A_812] : memref<16384xf32, #tpu.memory_space<vmem>> -> memref<2048xf32, #tpu.memory_space<vmem>>
        %dma_wait3A_814 = arith.constant 0 : i32
        %dma_wait3A_815 = tpu.memref_slice %arg5[%add3A_811, %dma_wait3A_814] : memref<256x16384xf32, #tpu.memory_space<hbm>> -> memref<1x2048xf32, #tpu.memory_space<hbm>>
        %dma_wait3A_816 = tpu.memref_squeeze %dma_wait3A_815 : memref<1x2048xf32, #tpu.memory_space<hbm>> -> memref<2048xf32, #tpu.memory_space<hbm>>
        %dma_wait3A_817 = arith.constant 0 : i32
        %dma_wait3A_818 = tpu.memref_slice %arg5[%add3A_811, %dma_wait3A_817] : memref<256x16384xf32, #tpu.memory_space<hbm>> -> memref<1x2048xf32, #tpu.memory_space<hbm>>
        %dma_wait3A_819 = tpu.memref_squeeze %dma_wait3A_818 : memref<1x2048xf32, #tpu.memory_space<hbm>> -> memref<2048xf32, #tpu.memory_space<hbm>>
        %dma_wait3A_820 = arith.constant 10240 : i32
        %dma_wait3A_821 = tpu.memref_slice %arg9[%dma_wait3A_820] : memref<16384xf32, #tpu.memory_space<vmem>> -> memref<2048xf32, #tpu.memory_space<vmem>>
        tpu.wait_dma2 semaphore(%arg17 : memref<!tpu.dma_semaphore, #tpu.memory_space<semaphore_mem>>) src(%dma_wait3A_821 : memref<2048xf32, #tpu.memory_space<vmem>>) dst(%dma_wait3A_819 : memref<2048xf32, #tpu.memory_space<hbm>>)
        %add3A_822 = arith.constant 2 : i32
        %add3A_823 = arith.addi %add3A_374, %add3A_822 : i32
        %dma_wait3A_824 = arith.constant 12288 : i32
        %dma_wait3A_825 = tpu.memref_slice %arg9[%dma_wait3A_824] : memref<16384xf32, #tpu.memory_space<vmem>> -> memref<2048xf32, #tpu.memory_space<vmem>>
        %dma_wait3A_826 = arith.constant 0 : i32
        %dma_wait3A_827 = tpu.memref_slice %arg5[%add3A_823, %dma_wait3A_826] : memref<256x16384xf32, #tpu.memory_space<hbm>> -> memref<1x2048xf32, #tpu.memory_space<hbm>>
        %dma_wait3A_828 = tpu.memref_squeeze %dma_wait3A_827 : memref<1x2048xf32, #tpu.memory_space<hbm>> -> memref<2048xf32, #tpu.memory_space<hbm>>
        %dma_wait3A_829 = arith.constant 0 : i32
        %dma_wait3A_830 = tpu.memref_slice %arg5[%add3A_823, %dma_wait3A_829] : memref<256x16384xf32, #tpu.memory_space<hbm>> -> memref<1x2048xf32, #tpu.memory_space<hbm>>
        %dma_wait3A_831 = tpu.memref_squeeze %dma_wait3A_830 : memref<1x2048xf32, #tpu.memory_space<hbm>> -> memref<2048xf32, #tpu.memory_space<hbm>>
        %dma_wait3A_832 = arith.constant 12288 : i32
        %dma_wait3A_833 = tpu.memref_slice %arg9[%dma_wait3A_832] : memref<16384xf32, #tpu.memory_space<vmem>> -> memref<2048xf32, #tpu.memory_space<vmem>>
        tpu.wait_dma2 semaphore(%arg17 : memref<!tpu.dma_semaphore, #tpu.memory_space<semaphore_mem>>) src(%dma_wait3A_833 : memref<2048xf32, #tpu.memory_space<vmem>>) dst(%dma_wait3A_831 : memref<2048xf32, #tpu.memory_space<hbm>>)
        %add3A_834 = arith.constant 3 : i32
        %add3A_835 = arith.addi %add3A_374, %add3A_834 : i32
        %dma_wait3A_836 = arith.constant 14336 : i32
        %dma_wait3A_837 = tpu.memref_slice %arg9[%dma_wait3A_836] : memref<16384xf32, #tpu.memory_space<vmem>> -> memref<2048xf32, #tpu.memory_space<vmem>>
        %dma_wait3A_838 = arith.constant 0 : i32
        %dma_wait3A_839 = tpu.memref_slice %arg5[%add3A_835, %dma_wait3A_838] : memref<256x16384xf32, #tpu.memory_space<hbm>> -> memref<1x2048xf32, #tpu.memory_space<hbm>>
        %dma_wait3A_840 = tpu.memref_squeeze %dma_wait3A_839 : memref<1x2048xf32, #tpu.memory_space<hbm>> -> memref<2048xf32, #tpu.memory_space<hbm>>
        %dma_wait3A_841 = arith.constant 0 : i32
        %dma_wait3A_842 = tpu.memref_slice %arg5[%add3A_835, %dma_wait3A_841] : memref<256x16384xf32, #tpu.memory_space<hbm>> -> memref<1x2048xf32, #tpu.memory_space<hbm>>
        %dma_wait3A_843 = tpu.memref_squeeze %dma_wait3A_842 : memref<1x2048xf32, #tpu.memory_space<hbm>> -> memref<2048xf32, #tpu.memory_space<hbm>>
        %dma_wait3A_844 = arith.constant 14336 : i32
        %dma_wait3A_845 = tpu.memref_slice %arg9[%dma_wait3A_844] : memref<16384xf32, #tpu.memory_space<vmem>> -> memref<2048xf32, #tpu.memory_space<vmem>>
        tpu.wait_dma2 semaphore(%arg17 : memref<!tpu.dma_semaphore, #tpu.memory_space<semaphore_mem>>) src(%dma_wait3A_845 : memref<2048xf32, #tpu.memory_space<vmem>>) dst(%dma_wait3A_843 : memref<2048xf32, #tpu.memory_space<hbm>>)
      } else {
      }
      %parallel_loop3A_747 = arith.constant 0 : i32
      %parallel_loop3A_748 = arith.constant 2048 : i32
      %parallel_loop3A_749 = arith.constant 16 : i32
      scf.for %parallel_loop3A_798 = %parallel_loop3A_747 to %parallel_loop3A_748 step %parallel_loop3A_749  : i32 {
        %parallel_loop3A_799 = arith.constant 4096 : i32
        %parallel_loop3A_800 = arith.addi %parallel_loop3A_799, %parallel_loop3A_798 : i32
        %parallel_loop3A_801 = arith.index_cast %parallel_loop3A_800 : i32 to index
        %parallel_loop3A_802 = tpu.vector_load %arg7[%parallel_loop3A_801] {strides = array<i32>} : memref<8192xi32, #tpu.memory_space<vmem>>, vector<16xi32>,
        %parallel_loop3A_803 = arith.constant 6144 : i32
        %parallel_loop3A_804 = arith.addi %parallel_loop3A_803, %parallel_loop3A_798 : i32
        %parallel_loop3A_805 = arith.index_cast %parallel_loop3A_804 : i32 to index
        %parallel_loop3A_806 = tpu.vector_load %arg7[%parallel_loop3A_805] {strides = array<i32>} : memref<8192xi32, #tpu.memory_space<vmem>>, vector<16xi32>,
        %parallel_loop3A_807 = arith.constant 8192 : i32
        %parallel_loop3A_808 = arith.addi %parallel_loop3A_807, %parallel_loop3A_798 : i32
        %parallel_loop3A_809 = arith.index_cast %parallel_loop3A_808 : i32 to index
        %parallel_loop3A_810 = tpu.vector_load %arg8[%parallel_loop3A_809] {strides = array<i32>} : memref<16384xf32, #tpu.memory_space<vmem>>, vector<16xf32>,
        %parallel_loop3A_811 = arith.constant 10240 : i32
        %parallel_loop3A_812 = arith.addi %parallel_loop3A_811, %parallel_loop3A_798 : i32
        %parallel_loop3A_813 = arith.index_cast %parallel_loop3A_812 : i32 to index
        %parallel_loop3A_814 = tpu.vector_load %arg8[%parallel_loop3A_813] {strides = array<i32>} : memref<16384xf32, #tpu.memory_space<vmem>>, vector<16xf32>,
        %parallel_loop3A_815 = arith.constant 12288 : i32
        %parallel_loop3A_816 = arith.addi %parallel_loop3A_815, %parallel_loop3A_798 : i32
        %parallel_loop3A_817 = arith.index_cast %parallel_loop3A_816 : i32 to index
        %parallel_loop3A_818 = tpu.vector_load %arg8[%parallel_loop3A_817] {strides = array<i32>} : memref<16384xf32, #tpu.memory_space<vmem>>, vector<16xf32>,
        %parallel_loop3A_819 = arith.constant 14336 : i32
        %parallel_loop3A_820 = arith.addi %parallel_loop3A_819, %parallel_loop3A_798 : i32
        %parallel_loop3A_821 = arith.index_cast %parallel_loop3A_820 : i32 to index
        %parallel_loop3A_822 = tpu.vector_load %arg8[%parallel_loop3A_821] {strides = array<i32>} : memref<16384xf32, #tpu.memory_space<vmem>>, vector<16xf32>,
        %parallel_loop3A_823 = arith.constant 0 : i32
        %parallel_loop3A_824 = vector.broadcast %parallel_loop3A_823 : i32 to vector<16xi32>
        %parallel_loop3A_825 = arith.addi %parallel_loop3A_802, %parallel_loop3A_824 : vector<16xi32>
        %parallel_loop3A_826 = tpu.vector_load_idx %arg6[%parallel_loop3A_825] : memref<65536xf32, #tpu.memory_space<vmem>>[vector<16xi32>], vector<16xf32>,
        %parallel_loop3A_827 = arith.constant 0 : i32
        %parallel_loop3A_828 = vector.broadcast %parallel_loop3A_827 : i32 to vector<16xi32>
        %parallel_loop3A_829 = arith.addi %parallel_loop3A_806, %parallel_loop3A_828 : vector<16xi32>
        %parallel_loop3A_830 = tpu.vector_load_idx %arg6[%parallel_loop3A_829] : memref<65536xf32, #tpu.memory_space<vmem>>[vector<16xi32>], vector<16xf32>,
        %parallel_loop3A_831 = arith.mulf %parallel_loop3A_826, %parallel_loop3A_814 : vector<16xf32>
        %parallel_loop3A_832 = arith.addf %parallel_loop3A_810, %parallel_loop3A_831 : vector<16xf32>
        %parallel_loop3A_833 = arith.mulf %parallel_loop3A_830, %parallel_loop3A_818 : vector<16xf32>
        %parallel_loop3A_834 = arith.addf %parallel_loop3A_832, %parallel_loop3A_833 : vector<16xf32>
        %parallel_loop3A_835 = arith.mulf %parallel_loop3A_826, %parallel_loop3A_830 : vector<16xf32>
        %parallel_loop3A_836 = arith.mulf %parallel_loop3A_835, %parallel_loop3A_822 : vector<16xf32>
        %parallel_loop3A_837 = arith.addf %parallel_loop3A_834, %parallel_loop3A_836 : vector<16xf32>
        %parallel_loop3A_838 = arith.constant 8192 : i32
        %parallel_loop3A_839 = arith.addi %parallel_loop3A_838, %parallel_loop3A_798 : i32
        %parallel_loop3A_840 = arith.index_cast %parallel_loop3A_839 : i32 to index
        %parallel_loop3A_841 = tpu.vector_load %arg9[%parallel_loop3A_840] {strides = array<i32>} : memref<16384xf32, #tpu.memory_space<vmem>>, vector<16xf32>,
        tpu.vector_store %arg9[%parallel_loop3A_840], %parallel_loop3A_837 {strides = array<i32>} : memref<16384xf32, #tpu.memory_space<vmem>>, vector<16xf32>,
        %parallel_loop3A_842 = arith.constant 16384 : i32
        %parallel_loop3A_843 = vector.broadcast %parallel_loop3A_842 : i32 to vector<16xi32>
        %parallel_loop3A_844 = arith.addi %parallel_loop3A_802, %parallel_loop3A_843 : vector<16xi32>
        %parallel_loop3A_845 = tpu.vector_load_idx %arg6[%parallel_loop3A_844] : memref<65536xf32, #tpu.memory_space<vmem>>[vector<16xi32>], vector<16xf32>,
        %parallel_loop3A_846 = arith.constant 16384 : i32
        %parallel_loop3A_847 = vector.broadcast %parallel_loop3A_846 : i32 to vector<16xi32>
        %parallel_loop3A_848 = arith.addi %parallel_loop3A_806, %parallel_loop3A_847 : vector<16xi32>
        %parallel_loop3A_849 = tpu.vector_load_idx %arg6[%parallel_loop3A_848] : memref<65536xf32, #tpu.memory_space<vmem>>[vector<16xi32>], vector<16xf32>,
        %parallel_loop3A_850 = arith.mulf %parallel_loop3A_845, %parallel_loop3A_814 : vector<16xf32>
        %parallel_loop3A_851 = arith.addf %parallel_loop3A_810, %parallel_loop3A_850 : vector<16xf32>
        %parallel_loop3A_852 = arith.mulf %parallel_loop3A_849, %parallel_loop3A_818 : vector<16xf32>
        %parallel_loop3A_853 = arith.addf %parallel_loop3A_851, %parallel_loop3A_852 : vector<16xf32>
        %parallel_loop3A_854 = arith.mulf %parallel_loop3A_845, %parallel_loop3A_849 : vector<16xf32>
        %parallel_loop3A_855 = arith.mulf %parallel_loop3A_854, %parallel_loop3A_822 : vector<16xf32>
        %parallel_loop3A_856 = arith.addf %parallel_loop3A_853, %parallel_loop3A_855 : vector<16xf32>
        %parallel_loop3A_857 = arith.constant 10240 : i32
        %parallel_loop3A_858 = arith.addi %parallel_loop3A_857, %parallel_loop3A_798 : i32
        %parallel_loop3A_859 = arith.index_cast %parallel_loop3A_858 : i32 to index
        %parallel_loop3A_860 = tpu.vector_load %arg9[%parallel_loop3A_859] {strides = array<i32>} : memref<16384xf32, #tpu.memory_space<vmem>>, vector<16xf32>,
        tpu.vector_store %arg9[%parallel_loop3A_859], %parallel_loop3A_856 {strides = array<i32>} : memref<16384xf32, #tpu.memory_space<vmem>>, vector<16xf32>,
        %parallel_loop3A_861 = arith.constant 32768 : i32
        %parallel_loop3A_862 = vector.broadcast %parallel_loop3A_861 : i32 to vector<16xi32>
        %parallel_loop3A_863 = arith.addi %parallel_loop3A_802, %parallel_loop3A_862 : vector<16xi32>
        %parallel_loop3A_864 = tpu.vector_load_idx %arg6[%parallel_loop3A_863] : memref<65536xf32, #tpu.memory_space<vmem>>[vector<16xi32>], vector<16xf32>,
        %parallel_loop3A_865 = arith.constant 32768 : i32
        %parallel_loop3A_866 = vector.broadcast %parallel_loop3A_865 : i32 to vector<16xi32>
        %parallel_loop3A_867 = arith.addi %parallel_loop3A_806, %parallel_loop3A_866 : vector<16xi32>
        %parallel_loop3A_868 = tpu.vector_load_idx %arg6[%parallel_loop3A_867] : memref<65536xf32, #tpu.memory_space<vmem>>[vector<16xi32>], vector<16xf32>,
        %parallel_loop3A_869 = arith.mulf %parallel_loop3A_864, %parallel_loop3A_814 : vector<16xf32>
        %parallel_loop3A_870 = arith.addf %parallel_loop3A_810, %parallel_loop3A_869 : vector<16xf32>
        %parallel_loop3A_871 = arith.mulf %parallel_loop3A_868, %parallel_loop3A_818 : vector<16xf32>
        %parallel_loop3A_872 = arith.addf %parallel_loop3A_870, %parallel_loop3A_871 : vector<16xf32>
        %parallel_loop3A_873 = arith.mulf %parallel_loop3A_864, %parallel_loop3A_868 : vector<16xf32>
        %parallel_loop3A_874 = arith.mulf %parallel_loop3A_873, %parallel_loop3A_822 : vector<16xf32>
        %parallel_loop3A_875 = arith.addf %parallel_loop3A_872, %parallel_loop3A_874 : vector<16xf32>
        %parallel_loop3A_876 = arith.constant 12288 : i32
        %parallel_loop3A_877 = arith.addi %parallel_loop3A_876, %parallel_loop3A_798 : i32
        %parallel_loop3A_878 = arith.index_cast %parallel_loop3A_877 : i32 to index
        %parallel_loop3A_879 = tpu.vector_load %arg9[%parallel_loop3A_878] {strides = array<i32>} : memref<16384xf32, #tpu.memory_space<vmem>>, vector<16xf32>,
        tpu.vector_store %arg9[%parallel_loop3A_878], %parallel_loop3A_875 {strides = array<i32>} : memref<16384xf32, #tpu.memory_space<vmem>>, vector<16xf32>,
        %parallel_loop3A_880 = arith.constant 49152 : i32
        %parallel_loop3A_881 = vector.broadcast %parallel_loop3A_880 : i32 to vector<16xi32>
        %parallel_loop3A_882 = arith.addi %parallel_loop3A_802, %parallel_loop3A_881 : vector<16xi32>
        %parallel_loop3A_883 = tpu.vector_load_idx %arg6[%parallel_loop3A_882] : memref<65536xf32, #tpu.memory_space<vmem>>[vector<16xi32>], vector<16xf32>,
        %parallel_loop3A_884 = arith.constant 49152 : i32
        %parallel_loop3A_885 = vector.broadcast %parallel_loop3A_884 : i32 to vector<16xi32>
        %parallel_loop3A_886 = arith.addi %parallel_loop3A_806, %parallel_loop3A_885 : vector<16xi32>
        %parallel_loop3A_887 = tpu.vector_load_idx %arg6[%parallel_loop3A_886] : memref<65536xf32, #tpu.memory_space<vmem>>[vector<16xi32>], vector<16xf32>,
        %parallel_loop3A_888 = arith.mulf %parallel_loop3A_883, %parallel_loop3A_814 : vector<16xf32>
        %parallel_loop3A_889 = arith.addf %parallel_loop3A_810, %parallel_loop3A_888 : vector<16xf32>
        %parallel_loop3A_890 = arith.mulf %parallel_loop3A_887, %parallel_loop3A_818 : vector<16xf32>
        %parallel_loop3A_891 = arith.addf %parallel_loop3A_889, %parallel_loop3A_890 : vector<16xf32>
        %parallel_loop3A_892 = arith.mulf %parallel_loop3A_883, %parallel_loop3A_887 : vector<16xf32>
        %parallel_loop3A_893 = arith.mulf %parallel_loop3A_892, %parallel_loop3A_822 : vector<16xf32>
        %parallel_loop3A_894 = arith.addf %parallel_loop3A_891, %parallel_loop3A_893 : vector<16xf32>
        %parallel_loop3A_895 = arith.constant 14336 : i32
        %parallel_loop3A_896 = arith.addi %parallel_loop3A_895, %parallel_loop3A_798 : i32
        %parallel_loop3A_897 = arith.index_cast %parallel_loop3A_896 : i32 to index
        %parallel_loop3A_898 = tpu.vector_load %arg9[%parallel_loop3A_897] {strides = array<i32>} : memref<16384xf32, #tpu.memory_space<vmem>>, vector<16xf32>,
        tpu.vector_store %arg9[%parallel_loop3A_897], %parallel_loop3A_894 {strides = array<i32>} : memref<16384xf32, #tpu.memory_space<vmem>>, vector<16xf32>,
      } {sc.loop_unroll_factor = 4 : i64, sc.parallel_access}
      %add3A_750 = arith.constant 0 : i32
      %add3A_751 = arith.addi %add3A_374, %add3A_750 : i32
      %mul3A_752 = arith.constant 2048 : i32
      %mul3A_753 = arith.muli %add3A_526, %mul3A_752 : i32
      %dma_start3A_754 = arith.constant 8192 : i32
      %dma_start3A_755 = tpu.memref_slice %arg9[%dma_start3A_754] : memref<16384xf32, #tpu.memory_space<vmem>> -> memref<2048xf32, #tpu.memory_space<vmem>>
      %dma_start3A_756 = tpu.memref_slice %arg5[%add3A_751, %mul3A_753] : memref<256x16384xf32, #tpu.memory_space<hbm>> -> memref<1x2048xf32, #tpu.memory_space<hbm>>
      %dma_start3A_757 = tpu.memref_squeeze %dma_start3A_756 : memref<1x2048xf32, #tpu.memory_space<hbm>> -> memref<2048xf32, #tpu.memory_space<hbm>>
      %dma_start3A_758 = tpu.memref_slice %arg5[%add3A_751, %mul3A_753] : memref<256x16384xf32, #tpu.memory_space<hbm>> -> memref<1x2048xf32, #tpu.memory_space<hbm>>
      %dma_start3A_759 = tpu.memref_squeeze %dma_start3A_758 : memref<1x2048xf32, #tpu.memory_space<hbm>> -> memref<2048xf32, #tpu.memory_space<hbm>>
      %dma_start3A_760 = arith.constant 8192 : i32
      %dma_start3A_761 = tpu.memref_slice %arg9[%dma_start3A_760] : memref<16384xf32, #tpu.memory_space<vmem>> -> memref<2048xf32, #tpu.memory_space<vmem>>
      tpu.enqueue_dma source(%dma_start3A_761 : memref<2048xf32, #tpu.memory_space<vmem>>) target(%dma_start3A_759 : memref<2048xf32, #tpu.memory_space<hbm>>) target_semaphore(%arg17 : memref<!tpu.dma_semaphore, #tpu.memory_space<semaphore_mem>>)
      %add3A_762 = arith.constant 1 : i32
      %add3A_763 = arith.addi %add3A_374, %add3A_762 : i32
      %mul3A_764 = arith.constant 2048 : i32
      %mul3A_765 = arith.muli %add3A_526, %mul3A_764 : i32
      %dma_start3A_766 = arith.constant 10240 : i32
      %dma_start3A_767 = tpu.memref_slice %arg9[%dma_start3A_766] : memref<16384xf32, #tpu.memory_space<vmem>> -> memref<2048xf32, #tpu.memory_space<vmem>>
      %dma_start3A_768 = tpu.memref_slice %arg5[%add3A_763, %mul3A_765] : memref<256x16384xf32, #tpu.memory_space<hbm>> -> memref<1x2048xf32, #tpu.memory_space<hbm>>
      %dma_start3A_769 = tpu.memref_squeeze %dma_start3A_768 : memref<1x2048xf32, #tpu.memory_space<hbm>> -> memref<2048xf32, #tpu.memory_space<hbm>>
      %dma_start3A_770 = tpu.memref_slice %arg5[%add3A_763, %mul3A_765] : memref<256x16384xf32, #tpu.memory_space<hbm>> -> memref<1x2048xf32, #tpu.memory_space<hbm>>
      %dma_start3A_771 = tpu.memref_squeeze %dma_start3A_770 : memref<1x2048xf32, #tpu.memory_space<hbm>> -> memref<2048xf32, #tpu.memory_space<hbm>>
      %dma_start3A_772 = arith.constant 10240 : i32
      %dma_start3A_773 = tpu.memref_slice %arg9[%dma_start3A_772] : memref<16384xf32, #tpu.memory_space<vmem>> -> memref<2048xf32, #tpu.memory_space<vmem>>
      tpu.enqueue_dma source(%dma_start3A_773 : memref<2048xf32, #tpu.memory_space<vmem>>) target(%dma_start3A_771 : memref<2048xf32, #tpu.memory_space<hbm>>) target_semaphore(%arg17 : memref<!tpu.dma_semaphore, #tpu.memory_space<semaphore_mem>>)
      %add3A_774 = arith.constant 2 : i32
      %add3A_775 = arith.addi %add3A_374, %add3A_774 : i32
      %mul3A_776 = arith.constant 2048 : i32
      %mul3A_777 = arith.muli %add3A_526, %mul3A_776 : i32
      %dma_start3A_778 = arith.constant 12288 : i32
      %dma_start3A_779 = tpu.memref_slice %arg9[%dma_start3A_778] : memref<16384xf32, #tpu.memory_space<vmem>> -> memref<2048xf32, #tpu.memory_space<vmem>>
      %dma_start3A_780 = tpu.memref_slice %arg5[%add3A_775, %mul3A_777] : memref<256x16384xf32, #tpu.memory_space<hbm>> -> memref<1x2048xf32, #tpu.memory_space<hbm>>
      %dma_start3A_781 = tpu.memref_squeeze %dma_start3A_780 : memref<1x2048xf32, #tpu.memory_space<hbm>> -> memref<2048xf32, #tpu.memory_space<hbm>>
      %dma_start3A_782 = tpu.memref_slice %arg5[%add3A_775, %mul3A_777] : memref<256x16384xf32, #tpu.memory_space<hbm>> -> memref<1x2048xf32, #tpu.memory_space<hbm>>
      %dma_start3A_783 = tpu.memref_squeeze %dma_start3A_782 : memref<1x2048xf32, #tpu.memory_space<hbm>> -> memref<2048xf32, #tpu.memory_space<hbm>>
      %dma_start3A_784 = arith.constant 12288 : i32
      %dma_start3A_785 = tpu.memref_slice %arg9[%dma_start3A_784] : memref<16384xf32, #tpu.memory_space<vmem>> -> memref<2048xf32, #tpu.memory_space<vmem>>
      tpu.enqueue_dma source(%dma_start3A_785 : memref<2048xf32, #tpu.memory_space<vmem>>) target(%dma_start3A_783 : memref<2048xf32, #tpu.memory_space<hbm>>) target_semaphore(%arg17 : memref<!tpu.dma_semaphore, #tpu.memory_space<semaphore_mem>>)
      %add3A_786 = arith.constant 3 : i32
      %add3A_787 = arith.addi %add3A_374, %add3A_786 : i32
      %mul3A_788 = arith.constant 2048 : i32
      %mul3A_789 = arith.muli %add3A_526, %mul3A_788 : i32
      %dma_start3A_790 = arith.constant 14336 : i32
      %dma_start3A_791 = tpu.memref_slice %arg9[%dma_start3A_790] : memref<16384xf32, #tpu.memory_space<vmem>> -> memref<2048xf32, #tpu.memory_space<vmem>>
      %dma_start3A_792 = tpu.memref_slice %arg5[%add3A_787, %mul3A_789] : memref<256x16384xf32, #tpu.memory_space<hbm>> -> memref<1x2048xf32, #tpu.memory_space<hbm>>
      %dma_start3A_793 = tpu.memref_squeeze %dma_start3A_792 : memref<1x2048xf32, #tpu.memory_space<hbm>> -> memref<2048xf32, #tpu.memory_space<hbm>>
      %dma_start3A_794 = tpu.memref_slice %arg5[%add3A_787, %mul3A_789] : memref<256x16384xf32, #tpu.memory_space<hbm>> -> memref<1x2048xf32, #tpu.memory_space<hbm>>
      %dma_start3A_795 = tpu.memref_squeeze %dma_start3A_794 : memref<1x2048xf32, #tpu.memory_space<hbm>> -> memref<2048xf32, #tpu.memory_space<hbm>>
      %dma_start3A_796 = arith.constant 14336 : i32
      %dma_start3A_797 = tpu.memref_slice %arg9[%dma_start3A_796] : memref<16384xf32, #tpu.memory_space<vmem>> -> memref<2048xf32, #tpu.memory_space<vmem>>
      tpu.enqueue_dma source(%dma_start3A_797 : memref<2048xf32, #tpu.memory_space<vmem>>) target(%dma_start3A_795 : memref<2048xf32, #tpu.memory_space<hbm>>) target_semaphore(%arg17 : memref<!tpu.dma_semaphore, #tpu.memory_space<semaphore_mem>>)
    }
    %scan3A_419 = arith.constant 4 : i32
    %add3A_420 = arith.constant 0 : i32
    %add3A_421 = arith.addi %add3A_374, %add3A_420 : i32
    %dma_wait3A_422 = arith.constant 0 : i32
    %dma_wait3A_423 = tpu.memref_slice %arg9[%dma_wait3A_422] : memref<16384xf32, #tpu.memory_space<vmem>> -> memref<2048xf32, #tpu.memory_space<vmem>>
    %dma_wait3A_424 = arith.constant 0 : i32
    %dma_wait3A_425 = tpu.memref_slice %arg5[%add3A_421, %dma_wait3A_424] : memref<256x16384xf32, #tpu.memory_space<hbm>> -> memref<1x2048xf32, #tpu.memory_space<hbm>>
    %dma_wait3A_426 = tpu.memref_squeeze %dma_wait3A_425 : memref<1x2048xf32, #tpu.memory_space<hbm>> -> memref<2048xf32, #tpu.memory_space<hbm>>
    %dma_wait3A_427 = arith.constant 0 : i32
    %dma_wait3A_428 = tpu.memref_slice %arg5[%add3A_421, %dma_wait3A_427] : memref<256x16384xf32, #tpu.memory_space<hbm>> -> memref<1x2048xf32, #tpu.memory_space<hbm>>
    %dma_wait3A_429 = tpu.memref_squeeze %dma_wait3A_428 : memref<1x2048xf32, #tpu.memory_space<hbm>> -> memref<2048xf32, #tpu.memory_space<hbm>>
    %dma_wait3A_430 = arith.constant 0 : i32
    %dma_wait3A_431 = tpu.memref_slice %arg9[%dma_wait3A_430] : memref<16384xf32, #tpu.memory_space<vmem>> -> memref<2048xf32, #tpu.memory_space<vmem>>
    tpu.wait_dma2 semaphore(%arg16 : memref<!tpu.dma_semaphore, #tpu.memory_space<semaphore_mem>>) src(%dma_wait3A_431 : memref<2048xf32, #tpu.memory_space<vmem>>) dst(%dma_wait3A_429 : memref<2048xf32, #tpu.memory_space<hbm>>)
    %add3A_432 = arith.constant 1 : i32
    %add3A_433 = arith.addi %add3A_374, %add3A_432 : i32
    %dma_wait3A_434 = arith.constant 2048 : i32
    %dma_wait3A_435 = tpu.memref_slice %arg9[%dma_wait3A_434] : memref<16384xf32, #tpu.memory_space<vmem>> -> memref<2048xf32, #tpu.memory_space<vmem>>
    %dma_wait3A_436 = arith.constant 0 : i32
    %dma_wait3A_437 = tpu.memref_slice %arg5[%add3A_433, %dma_wait3A_436] : memref<256x16384xf32, #tpu.memory_space<hbm>> -> memref<1x2048xf32, #tpu.memory_space<hbm>>
    %dma_wait3A_438 = tpu.memref_squeeze %dma_wait3A_437 : memref<1x2048xf32, #tpu.memory_space<hbm>> -> memref<2048xf32, #tpu.memory_space<hbm>>
    %dma_wait3A_439 = arith.constant 0 : i32
    %dma_wait3A_440 = tpu.memref_slice %arg5[%add3A_433, %dma_wait3A_439] : memref<256x16384xf32, #tpu.memory_space<hbm>> -> memref<1x2048xf32, #tpu.memory_space<hbm>>
    %dma_wait3A_441 = tpu.memref_squeeze %dma_wait3A_440 : memref<1x2048xf32, #tpu.memory_space<hbm>> -> memref<2048xf32, #tpu.memory_space<hbm>>
    %dma_wait3A_442 = arith.constant 2048 : i32
    %dma_wait3A_443 = tpu.memref_slice %arg9[%dma_wait3A_442] : memref<16384xf32, #tpu.memory_space<vmem>> -> memref<2048xf32, #tpu.memory_space<vmem>>
    tpu.wait_dma2 semaphore(%arg16 : memref<!tpu.dma_semaphore, #tpu.memory_space<semaphore_mem>>) src(%dma_wait3A_443 : memref<2048xf32, #tpu.memory_space<vmem>>) dst(%dma_wait3A_441 : memref<2048xf32, #tpu.memory_space<hbm>>)
    %add3A_444 = arith.constant 2 : i32
    %add3A_445 = arith.addi %add3A_374, %add3A_444 : i32
    %dma_wait3A_446 = arith.constant 4096 : i32
    %dma_wait3A_447 = tpu.memref_slice %arg9[%dma_wait3A_446] : memref<16384xf32, #tpu.memory_space<vmem>> -> memref<2048xf32, #tpu.memory_space<vmem>>
    %dma_wait3A_448 = arith.constant 0 : i32
    %dma_wait3A_449 = tpu.memref_slice %arg5[%add3A_445, %dma_wait3A_448] : memref<256x16384xf32, #tpu.memory_space<hbm>> -> memref<1x2048xf32, #tpu.memory_space<hbm>>
    %dma_wait3A_450 = tpu.memref_squeeze %dma_wait3A_449 : memref<1x2048xf32, #tpu.memory_space<hbm>> -> memref<2048xf32, #tpu.memory_space<hbm>>
    %dma_wait3A_451 = arith.constant 0 : i32
    %dma_wait3A_452 = tpu.memref_slice %arg5[%add3A_445, %dma_wait3A_451] : memref<256x16384xf32, #tpu.memory_space<hbm>> -> memref<1x2048xf32, #tpu.memory_space<hbm>>
    %dma_wait3A_453 = tpu.memref_squeeze %dma_wait3A_452 : memref<1x2048xf32, #tpu.memory_space<hbm>> -> memref<2048xf32, #tpu.memory_space<hbm>>
    %dma_wait3A_454 = arith.constant 4096 : i32
    %dma_wait3A_455 = tpu.memref_slice %arg9[%dma_wait3A_454] : memref<16384xf32, #tpu.memory_space<vmem>> -> memref<2048xf32, #tpu.memory_space<vmem>>
    tpu.wait_dma2 semaphore(%arg16 : memref<!tpu.dma_semaphore, #tpu.memory_space<semaphore_mem>>) src(%dma_wait3A_455 : memref<2048xf32, #tpu.memory_space<vmem>>) dst(%dma_wait3A_453 : memref<2048xf32, #tpu.memory_space<hbm>>)
    %add3A_456 = arith.constant 3 : i32
    %add3A_457 = arith.addi %add3A_374, %add3A_456 : i32
    %dma_wait3A_458 = arith.constant 6144 : i32
    %dma_wait3A_459 = tpu.memref_slice %arg9[%dma_wait3A_458] : memref<16384xf32, #tpu.memory_space<vmem>> -> memref<2048xf32, #tpu.memory_space<vmem>>
    %dma_wait3A_460 = arith.constant 0 : i32
    %dma_wait3A_461 = tpu.memref_slice %arg5[%add3A_457, %dma_wait3A_460] : memref<256x16384xf32, #tpu.memory_space<hbm>> -> memref<1x2048xf32, #tpu.memory_space<hbm>>
    %dma_wait3A_462 = tpu.memref_squeeze %dma_wait3A_461 : memref<1x2048xf32, #tpu.memory_space<hbm>> -> memref<2048xf32, #tpu.memory_space<hbm>>
    %dma_wait3A_463 = arith.constant 0 : i32
    %dma_wait3A_464 = tpu.memref_slice %arg5[%add3A_457, %dma_wait3A_463] : memref<256x16384xf32, #tpu.memory_space<hbm>> -> memref<1x2048xf32, #tpu.memory_space<hbm>>
    %dma_wait3A_465 = tpu.memref_squeeze %dma_wait3A_464 : memref<1x2048xf32, #tpu.memory_space<hbm>> -> memref<2048xf32, #tpu.memory_space<hbm>>
    %dma_wait3A_466 = arith.constant 6144 : i32
    %dma_wait3A_467 = tpu.memref_slice %arg9[%dma_wait3A_466] : memref<16384xf32, #tpu.memory_space<vmem>> -> memref<2048xf32, #tpu.memory_space<vmem>>
    tpu.wait_dma2 semaphore(%arg16 : memref<!tpu.dma_semaphore, #tpu.memory_space<semaphore_mem>>) src(%dma_wait3A_467 : memref<2048xf32, #tpu.memory_space<vmem>>) dst(%dma_wait3A_465 : memref<2048xf32, #tpu.memory_space<hbm>>)
    %add3A_468 = arith.constant 0 : i32
    %add3A_469 = arith.addi %add3A_374, %add3A_468 : i32
    %dma_wait3A_470 = arith.constant 8192 : i32
    %dma_wait3A_471 = tpu.memref_slice %arg9[%dma_wait3A_470] : memref<16384xf32, #tpu.memory_space<vmem>> -> memref<2048xf32, #tpu.memory_space<vmem>>
    %dma_wait3A_472 = arith.constant 0 : i32
    %dma_wait3A_473 = tpu.memref_slice %arg5[%add3A_469, %dma_wait3A_472] : memref<256x16384xf32, #tpu.memory_space<hbm>> -> memref<1x2048xf32, #tpu.memory_space<hbm>>
    %dma_wait3A_474 = tpu.memref_squeeze %dma_wait3A_473 : memref<1x2048xf32, #tpu.memory_space<hbm>> -> memref<2048xf32, #tpu.memory_space<hbm>>
    %dma_wait3A_475 = arith.constant 0 : i32
    %dma_wait3A_476 = tpu.memref_slice %arg5[%add3A_469, %dma_wait3A_475] : memref<256x16384xf32, #tpu.memory_space<hbm>> -> memref<1x2048xf32, #tpu.memory_space<hbm>>
    %dma_wait3A_477 = tpu.memref_squeeze %dma_wait3A_476 : memref<1x2048xf32, #tpu.memory_space<hbm>> -> memref<2048xf32, #tpu.memory_space<hbm>>
    %dma_wait3A_478 = arith.constant 8192 : i32
    %dma_wait3A_479 = tpu.memref_slice %arg9[%dma_wait3A_478] : memref<16384xf32, #tpu.memory_space<vmem>> -> memref<2048xf32, #tpu.memory_space<vmem>>
    tpu.wait_dma2 semaphore(%arg17 : memref<!tpu.dma_semaphore, #tpu.memory_space<semaphore_mem>>) src(%dma_wait3A_479 : memref<2048xf32, #tpu.memory_space<vmem>>) dst(%dma_wait3A_477 : memref<2048xf32, #tpu.memory_space<hbm>>)
    %add3A_480 = arith.constant 1 : i32
    %add3A_481 = arith.addi %add3A_374, %add3A_480 : i32
    %dma_wait3A_482 = arith.constant 10240 : i32
    %dma_wait3A_483 = tpu.memref_slice %arg9[%dma_wait3A_482] : memref<16384xf32, #tpu.memory_space<vmem>> -> memref<2048xf32, #tpu.memory_space<vmem>>
    %dma_wait3A_484 = arith.constant 0 : i32
    %dma_wait3A_485 = tpu.memref_slice %arg5[%add3A_481, %dma_wait3A_484] : memref<256x16384xf32, #tpu.memory_space<hbm>> -> memref<1x2048xf32, #tpu.memory_space<hbm>>
    %dma_wait3A_486 = tpu.memref_squeeze %dma_wait3A_485 : memref<1x2048xf32, #tpu.memory_space<hbm>> -> memref<2048xf32, #tpu.memory_space<hbm>>
    %dma_wait3A_487 = arith.constant 0 : i32
    %dma_wait3A_488 = tpu.memref_slice %arg5[%add3A_481, %dma_wait3A_487] : memref<256x16384xf32, #tpu.memory_space<hbm>> -> memref<1x2048xf32, #tpu.memory_space<hbm>>
    %dma_wait3A_489 = tpu.memref_squeeze %dma_wait3A_488 : memref<1x2048xf32, #tpu.memory_space<hbm>> -> memref<2048xf32, #tpu.memory_space<hbm>>
    %dma_wait3A_490 = arith.constant 10240 : i32
    %dma_wait3A_491 = tpu.memref_slice %arg9[%dma_wait3A_490] : memref<16384xf32, #tpu.memory_space<vmem>> -> memref<2048xf32, #tpu.memory_space<vmem>>
    tpu.wait_dma2 semaphore(%arg17 : memref<!tpu.dma_semaphore, #tpu.memory_space<semaphore_mem>>) src(%dma_wait3A_491 : memref<2048xf32, #tpu.memory_space<vmem>>) dst(%dma_wait3A_489 : memref<2048xf32, #tpu.memory_space<hbm>>)
    %add3A_492 = arith.constant 2 : i32
    %add3A_493 = arith.addi %add3A_374, %add3A_492 : i32
    %dma_wait3A_494 = arith.constant 12288 : i32
    %dma_wait3A_495 = tpu.memref_slice %arg9[%dma_wait3A_494] : memref<16384xf32, #tpu.memory_space<vmem>> -> memref<2048xf32, #tpu.memory_space<vmem>>
    %dma_wait3A_496 = arith.constant 0 : i32
    %dma_wait3A_497 = tpu.memref_slice %arg5[%add3A_493, %dma_wait3A_496] : memref<256x16384xf32, #tpu.memory_space<hbm>> -> memref<1x2048xf32, #tpu.memory_space<hbm>>
    %dma_wait3A_498 = tpu.memref_squeeze %dma_wait3A_497 : memref<1x2048xf32, #tpu.memory_space<hbm>> -> memref<2048xf32, #tpu.memory_space<hbm>>
    %dma_wait3A_499 = arith.constant 0 : i32
    %dma_wait3A_500 = tpu.memref_slice %arg5[%add3A_493, %dma_wait3A_499] : memref<256x16384xf32, #tpu.memory_space<hbm>> -> memref<1x2048xf32, #tpu.memory_space<hbm>>
    %dma_wait3A_501 = tpu.memref_squeeze %dma_wait3A_500 : memref<1x2048xf32, #tpu.memory_space<hbm>> -> memref<2048xf32, #tpu.memory_space<hbm>>
    %dma_wait3A_502 = arith.constant 12288 : i32
    %dma_wait3A_503 = tpu.memref_slice %arg9[%dma_wait3A_502] : memref<16384xf32, #tpu.memory_space<vmem>> -> memref<2048xf32, #tpu.memory_space<vmem>>
    tpu.wait_dma2 semaphore(%arg17 : memref<!tpu.dma_semaphore, #tpu.memory_space<semaphore_mem>>) src(%dma_wait3A_503 : memref<2048xf32, #tpu.memory_space<vmem>>) dst(%dma_wait3A_501 : memref<2048xf32, #tpu.memory_space<hbm>>)
    %add3A_504 = arith.constant 3 : i32
    %add3A_505 = arith.addi %add3A_374, %add3A_504 : i32
    %dma_wait3A_506 = arith.constant 14336 : i32
    %dma_wait3A_507 = tpu.memref_slice %arg9[%dma_wait3A_506] : memref<16384xf32, #tpu.memory_space<vmem>> -> memref<2048xf32, #tpu.memory_space<vmem>>
    %dma_wait3A_508 = arith.constant 0 : i32
    %dma_wait3A_509 = tpu.memref_slice %arg5[%add3A_505, %dma_wait3A_508] : memref<256x16384xf32, #tpu.memory_space<hbm>> -> memref<1x2048xf32, #tpu.memory_space<hbm>>
    %dma_wait3A_510 = tpu.memref_squeeze %dma_wait3A_509 : memref<1x2048xf32, #tpu.memory_space<hbm>> -> memref<2048xf32, #tpu.memory_space<hbm>>
    %dma_wait3A_511 = arith.constant 0 : i32
    %dma_wait3A_512 = tpu.memref_slice %arg5[%add3A_505, %dma_wait3A_511] : memref<256x16384xf32, #tpu.memory_space<hbm>> -> memref<1x2048xf32, #tpu.memory_space<hbm>>
    %dma_wait3A_513 = tpu.memref_squeeze %dma_wait3A_512 : memref<1x2048xf32, #tpu.memory_space<hbm>> -> memref<2048xf32, #tpu.memory_space<hbm>>
    %dma_wait3A_514 = arith.constant 14336 : i32
    %dma_wait3A_515 = tpu.memref_slice %arg9[%dma_wait3A_514] : memref<16384xf32, #tpu.memory_space<vmem>> -> memref<2048xf32, #tpu.memory_space<vmem>>
    tpu.wait_dma2 semaphore(%arg17 : memref<!tpu.dma_semaphore, #tpu.memory_space<semaphore_mem>>) src(%dma_wait3A_515 : memref<2048xf32, #tpu.memory_space<vmem>>) dst(%dma_wait3A_513 : memref<2048xf32, #tpu.memory_space<hbm>>)
    return
  }
}

</mosaic_0001>

<sc_bundles>
// kernel: kernel.3.cloned.1.call-start
scs
__scs_entry_jumppad:
0x0: {  	(pc) =	sbr.rel $0x88, $3  }
0x1: {  	(tag) =	ssettag $0x0;
	lr =	simm.s32 $0x1  }
0x2: {  	[smem:$0x3F9E] =	sst lr;
	_ =	strace $0xD0000000  }
0x3: {  	_ = 	snop  }
0x4: {  	_ = 	snop  }
0x5: {  	_ = 	snop  }
0x6: {  	_ = 	snop  }
0x7: {  	_ = 	snop  }
__scs_overlays_trampoline_lowered:
0x8: {  	[smem:$0x3FAD] =	sst s0  }
0x9: {  	[smem:$0x3FAE] =	sst s1  }
0xa: {  	[smem:$0x3FAF] =	sst s2  }
0xb: {  	[smem:$0x3FB0] =	sst s3  }
0xc: {  	[smem:$0x3FB1] =	sst s4  }
0xd: {  	[smem:$0x3FB2] =	sst s5  }
0xe: {  	[smem:$0x3FB3] =	sst s6  }
0xf: {  	[smem:$0x3FB4] =	sst s7  }
0x10: {  	[smem:$0x3FB5] =	sst s8  }
0x11: {  	[smem:$0x3FB6] =	sst s9;
	s0 =	simm.s32 @!p0 $0x0  }
0x12: {  	s1 =	sld [smem:$0x3F9C];
	s0 =	simm.s32 @p0 $0x1  }
0x13: {  	[smem:$0x3FB7] =	sst s0;
	s0 =	simm.s32 @!p1 $0x0  }
0x14: {  	s2 =	sld [smem:$0x3F9B];
	s0 =	simm.s32 @p1 $0x1  }
0x15: {  	[smem:$0x3FB8] =	sst s0;
	s0 =	simm.s32 @!p2 $0x0  }
0x16: {  	s3 =	sld [smem:$0x3FDB];
	s0 =	simm.s32 @p2 $0x1  }
0x17: {  	s4 =	simm.s32 $0x1BF5;
	[smem:$0x3FBA] =	sst s0  }
0x18: {  	s0 =	sld [smem:$0x3F9D];
	_ =	swait.ge [sflag:s4], $0x0  }
0x19: {  	s7 =	sld [smem:$0x3F9E]  }
0x1a: {  	s8 =	sadd.s32 $0xFFFFE003, lr  }
0x1b: {  	s9 =	sadd.s32 $0xFFFFFEF7, lr;
	s5 =	simm.s32 $0xFFFFFFFF;
	p2 =	slt.u32 s8, $0xFFFFF086  }
0x1c: {  	p1 =	slt.u32 s9, $0xF7A;
	s5 =	simm.s32 @!p2 $0x0  }
0x1d: {  	s5 =	simm.s32 @p1 $0x1;
	p0 =	seq.s32 s7, s2  }
0x1e: {  	s7 =	smul.u32 @!p0 $0xF7A, s2;
	p2 =	seq.s32 @!p0 s5, $0x0  }
0x1f: {  	s9 =	smul.u32 $0xF7A, s1;
	s8 =	simm.s32 @!p0 $0x1BF5;
	p2 =	por !p2, p0  }
0x20: {  	[sflag:s8] =	ssyncset.s32 @!p0 $0xFFFFF086;
	s6 =	sadd.s32 @!p0 s3, s7;
	s7 =	simm.s32 @!p0 $0x108  }
0x21: {  	s3 =	sadd.s32 s3, s9;
	s6 =	sadd.s32 @!p0 $0x88, s6;
	s7 =	simm.s32 @p2 $0x1082  }
0x22: {  	[simem:s7], [sflag:s8] =	dma.local @!p0 [hbm:s6], $0xF7A  }
0x23: {  	s9 =	sor.u32 $0xD0000000, s2;
	s6 =	simm.s32 $0x108;
	_ =	swait.ge @!p0 [sflag:s8], $0x0  }
0x24: {  	s3 =	sadd.s32 $0x88, s3;
	s6 =	simm.s32 @!p1 $0x1082;
	[sflag:s4] =	ssyncset.s32 $0xFFFFF086  }
0x25: {  	[simem:s6], [sflag:s4] =	dma.local [hbm:s3], $0xF7A  }
0x26: {  	[smem:$0x3F9E] =	sst s1;
	(tag) =	ssettag s2;
	_ =	strace s9  }
0x27: {  	s1 =	sld [smem:$0x3FAE]  }
0x28: {  	s2 =	sld [smem:$0x3FAF]  }
0x29: {  	s4 =	sld [smem:$0x3FB1]  }
0x2a: {  	p0 =	seq.s32 s5, $0x0;
	s5 =	sld [smem:$0x3FB2]  }
0x2b: {  	s6 =	sld [smem:$0x3FB3]  }
0x2c: {  	s7 =	sld [smem:$0x3FB4]  }
0x2d: {  	s3 =	simm.s32 $0x108;
	s8 =	sld [smem:$0x3FB5]  }
0x2e: {  	s3 =	simm.s32 @!p0 $0x1082;
	s9 =	sld [smem:$0x3FB6]  }
0x2f: {  	lr =	sadd.s32 s0, s3;
	s0 =	sld [smem:$0x3FAD]  }
0x30: {  	s3 =	sld [smem:$0x3FB0]  }
0x31: {  	[smem:$0x3FB9] =	sst s10  }
0x32: {  	s10 =	sld [smem:$0x3FB7];
	_ =	sdelay $0x3  }
0x33: {  	p0 =	seq.s32 s10, $0x1;
	s10 =	sld [smem:$0x3FB9];
	_ =	sdelay $0x3  }
0x34: {  	[smem:$0x3FB9] =	sst s10  }
0x35: {  	s10 =	sld [smem:$0x3FB8];
	_ =	sdelay $0x3  }
0x36: {  	p1 =	seq.s32 s10, $0x1;
	s10 =	sld [smem:$0x3FB9];
	_ =	sdelay $0x3  }
0x37: {  	[smem:$0x3FB9] =	sst s10  }
0x38: {  	s10 =	sld [smem:$0x3FBA]  }
0x39: {  	_ = 	snop;
	(pc) =	sbr.ind lr, $3  }
0x3a: {  	_ = 	snop  }
0x3b: {  	_ = 	snop  }
0x3c: {  	p2 =	seq.s32 s10, $0x1;
	s10 =	sld [smem:$0x3FB9]  }
0x3d: {  	_ =	shalt  }
0x3e: {  	_ =	shalt  }
0x3f: {  	_ =	shalt  }
0x40: {  	_ =	shalt  }
0x41: {  	_ =	shalt  }
0x42: {  	_ =	shalt  }
0x43: {  	_ =	shalt  }
0x44: {  	_ =	shalt  }
0x45: {  	_ =	shalt  }
0x46: {  	_ =	shalt  }
0x47: {  	_ =	shalt  }
0x48: {  	_ =	shalt  }
0x49: {  	_ =	shalt  }
0x4a: {  	_ =	shalt  }
0x4b: {  	_ =	shalt  }
0x4c: {  	_ =	shalt  }
0x4d: {  	_ =	shalt  }
0x4e: {  	_ =	shalt  }
0x4f: {  	_ =	shalt  }
0x50: {  	_ =	shalt  }
0x51: {  	_ =	shalt  }
0x52: {  	_ =	shalt  }
0x53: {  	_ =	shalt  }
0x54: {  	_ =	shalt  }
0x55: {  	_ =	shalt  }
0x56: {  	_ =	shalt  }
0x57: {  	_ =	shalt  }
0x58: {  	_ =	shalt  }
0x59: {  	_ =	shalt  }
0x5a: {  	_ =	shalt  }
0x5b: {  	_ =	shalt  }
0x5c: {  	_ =	shalt  }
0x5d: {  	_ =	shalt  }
0x5e: {  	_ =	shalt  }
0x5f: {  	_ =	shalt  }
0x60: {  	_ =	shalt  }
0x61: {  	_ =	shalt  }
0x62: {  	_ =	shalt  }
0x63: {  	_ =	shalt  }
0x64: {  	_ =	shalt  }
0x65: {  	_ =	shalt  }
0x66: {  	_ =	shalt  }
0x67: {  	_ =	shalt  }
0x68: {  	_ =	shalt  }
0x69: {  	_ =	shalt  }
0x6a: {  	_ =	shalt  }
0x6b: {  	_ =	shalt  }
0x6c: {  	_ =	shalt  }
0x6d: {  	_ =	shalt  }
0x6e: {  	_ =	shalt  }
0x6f: {  	_ =	shalt  }
0x70: {  	_ =	shalt  }
0x71: {  	_ =	shalt  }
0x72: {  	_ =	shalt  }
0x73: {  	_ =	shalt  }
0x74: {  	_ =	shalt  }
0x75: {  	_ =	shalt  }
0x76: {  	_ =	shalt  }
0x77: {  	_ =	shalt  }
0x78: {  	_ =	shalt  }
0x79: {  	_ =	shalt  }
0x7a: {  	_ =	shalt  }
0x7b: {  	_ =	shalt  }
0x7c: {  	_ =	shalt  }
0x7d: {  	_ =	shalt  }
0x7e: {  	_ =	shalt  }
0x7f: {  	_ =	shalt  }
0x80: {  	_ =	shalt  }
0x81: {  	_ =	shalt  }
0x82: {  	_ =	shalt  }
0x83: {  	_ =	shalt  }
0x84: {  	_ =	shalt  }
0x85: {  	_ =	shalt  }
0x86: {  	_ =	shalt  }
0x87: {  	_ =	shalt  }
.Lfunc_end0:
.L_simem_size_0:
called_computation_lowered:
.L_overlay_start_0:
0x88: {  	s2 =	sld [smem:$0x3FD9]  }
0x89: {  	s3 =	sld [smem:$0x3FFE];
	_ =	sdelay $0x1  }
0x8a: {  	s1 =	srdreg.scid  }
0x8b: {  	s0 =	sand.u32 $0x1, s1  }
0x8c: {  	s17 =	sshll.u32 s0, $0xA;
	s2 =	sadd.s32 s3, s2  }
0x8d: {  	s2 =	sadd.s32 s2, s17  }
0x8e: {  	[smem:$0x3FC5] =	sst s2  }
0x8f: {  	_ = 	snop  }
0x90: {  	s2 =	sld [smem:$0x3FC9]  }
0x91: {  	s18 =	sld [smem:$0x3FC7]  }
0x92: {  	s4 =	sld [smem:$0x3FD0];
	(tm) =	ssettm $0x1  }
0x93: {  	s5 =	sld [smem:$0x3FFB];
	_ =	sdelay $0x3  }
0x94: {  	_ =	strace s5  }
0x95: {  	s5 =	sld [smem:$0x3FFC];
	_ =	sdelay $0x3  }
0x96: {  	_ =	strace s5  }
0x97: {  	s5 =	sld [smem:$0x3FFD];
	_ =	sdelay $0x3  }
0x98: {  	_ =	strace s5  }
0x99: {  	_ =	strace $0x8FFFFFFF  }
0x9a: {  	s19 =	sld [smem:$0x3FDB];
	_ =	sdelay $0x1  }
0x9b: {  	s6 =	simm.s32 $_scs_section_size  }
0x9c: {  	s7 =	simm.s32 $_size__tile_overlayer_lowered;
	s8 =	simm.s32 $_tile_overlayer_lowered  }
0x9d: {  	s22 =	simm.s32 $0x1BFF;
	s21 =	sshll.u32 s8, $0x1;
	s5 =	sadd.s32 s6, s19  }
0x9e: {  	s9 =	simm.s32 $0x0;
	s20 =	sshll.u32 s7, $0x1;
	s7 =	sadd.s32 s21, s5  }
0x9f: {  	[timem:s9], [sflag:s22] =	dma.local [hbm:s7], s20  }
0xa0: {  	_ =	swait.ge [sflag:s22], s20  }
0xa1: {  	s6 =	ssub.s32 $0x0, s20;
	[sflag:s22] =	ssyncset.done $0x0  }
0xa2: {  	[sflag:s22] =	ssyncadd.s32 s6;
	_ =	sdelay $0x1  }
0xa3: {  	s23 =	simm.s32 $0x1B8B  }
0xa4: {  	_ =	swait.ge [sflag:s23], $0x1  }
0xa5: {  	[sflag:s23] =	ssyncset.done $0x0  }
0xa6: {  	s25 =	simm.s32 $0x1B8E;
	s24 =	sld [smem:$0x3FFE];
	[sflag:s23] =	ssyncadd.s32 $0xFFFFFFFF  }
0xa7: {  	s26 =	simm.s32 $execute0_lowered;
	[smem:$0x3FD2] =	sst s25  }
0xa8: {  	s7 =	sshll.u32 s26, $0x1;
	_ =	strace $0x80000046;
	[dreg:$0x1] =	wrdreg $0xFFFFFFFF  }
0xa9: {  	s28 =	simm.s32 $_size_execute0_lowered;
	s5 =	sadd.s32 s5, s7;
	[dreg:$0x0] =	wrdreg $0x0  }
0xaa: {  	s7 =	sshll.u32 s28, $0x1;
	[dreg:$0x2] =	wrdreg s5  }
0xab: {  	[dreg:$0x3] =	wrdreg s7  }
0xac: {  	[dreg:$0x4] =	wrdreg $0xC0  }
0xad: {  	_ =	task [dreg:s9], $0x5FFFF  }
0xae: {  	[dreg:$0x1] =	wrdreg $0xFFFFFFFF  }
0xaf: {  	[dreg:$0x0] =	wrdreg $0x60  }
0xb0: {  	[dreg:$0x2] =	wrdreg s2  }
0xb1: {  	[dreg:$0x3] =	wrdreg s18  }
0xb2: {  	[dreg:$0x4] =	wrdreg s24  }
0xb3: {  	[dreg:$0x5] =	wrdreg s4  }
0xb4: {  	[dreg:$0x6] =	wrdreg $0x1A0000  }
0xb5: {  	[dreg:$0x7] =	wrdreg $0x1A8000  }
0xb6: {  	[dreg:$0x8] =	wrdreg $0x9  }
0xb7: {  	_ =	task.clear_ibuf [dreg:s9], $0x9FFFF;
	_ =	strace $0x90000046  }
0xb8: {  	s29 =	simm.s32 $0x9;
	_ =	strace $0x80000048  }
0xb9: {  	_ =	swait.ge [sflag:s29], $0x1  }
0xba: {  	[sflag:s29] =	ssyncadd.s32 $0xFFFFFFFF  }
0xbb: {  	_ =	strace $0x90000048  }
0xbc: {  	_ =	sfence  }
0xbd: {  	s30 =	sld [smem:$0x0];
	_ =	sdelay $0x2  }
0xbe: {  	s31 =	sshll.u32 s1, $0xD;
	s1 =	sshrl.u32 s1, $0x2  }
0xbf: {  	s3 =	sand.u32 $0x4000, s31;
	s1 =	sadd.s32 s1, s30  }
0xc0: {  	s0 =	sor.u32 s3, s0;
	s1 =	sshll.u32 s1, $0x11  }
0xc1: {  	s0 =	sor.u32 s1, s0  }
0xc2: {  	s0 =	sadd.s32 $0x8F2B, s0  }
0xc3: {  	[sflag:s0] =	ssyncadd.remote.s32 $0x1  }
0xc4: {  	_ =	sfence.sel $0xFFFF  }
0xc5: {  	[dreg:$0x0] =	wrdreg $0xFFFFFFFF;
	(pc) =	sbr.abs _section_cstart, $3  }
0xc6: {  	[dreg:$0x1] =	wrdreg $0xFFFFFFFF  }
0xc7: {  	_ =	task.clear_ibuf [dreg:s9], $0x2FFFF;
	_ =	strace $0x9FFFFFFF  }
0xc8: {  	(tm) =	ssettm $0x7FFFFFFF  }
0xc9: {  	_ =	shalt  }
tec
execute0_lowered:
.L_overlay_start_1:
0x0: {  	(tag) =	ssettag $0x1  }
0x1: {  	s0 =	rddreg [dreg:$0x0]  }
0x2: {  	s11 =	rddreg [dreg:$0x1]  }
0x3: {  	s1 =	rddreg [dreg:$0x2]  }
0x4: {  	s12 =	rddreg [dreg:$0x3]  }
0x5: {  	s3 =	rddreg [dreg:$0x4]  }
0x6: {  	s4 =	rddreg [dreg:$0x5];
	s2 =	srdreg.scid  }
0x7: {  	s5 =	simm.s32 $0x0;
	s7 =	stileid.u32;
	s2 =	sand.u32 $0x1, s2  }
0x8: {  	[smem:$0x7FF] =	sst s5;
	s6 =	sshll.u32 s7, $0x4;
	s9 =	sshll.u32 s7, $0xB  }
0x9: {  	s17 =	sshll.u32 s7, $0xA;
	s18 =	sadd.s32 $0x4000, s3;
	s19 =	sadd.s32 $0x10, s11  }
0xa: {  	v0 =	vlaneseq.u32;
	s22 =	sadd.s32 $0x4000, s4;
	_ =	strace $0x80000047;
	[dreg:$0xc] =	wrdreg s18  }
0xb: {  	s23 =	sadd.s32 $0x8000, s4;
	s24 =	sadd.s32 $0xC000, s4;
	v12 =	vmul.u32 $0x10, v0;
	[dreg:$0xd] =	wrdreg s19  }
0xc: {  	p0 =	sne.s32 s7, $0x0;
	s31 =	sadd.s32 $0x40, s12;
	[dreg:$0x12] =	wrdreg s22  }
0xd: {  	s8 =	sshll.u32 s2, $0x3;
	s2 =	ssub.s32 $0x2, s2;
	[dreg:$0x13] =	wrdreg s23;
	v14 =	vor.u32 $0x1, v12;
	[tilespmem:$0x1FEE0] =	vst v12  }
0xe: {  	s1 =	sadd.s32 s9, s1;
	[dreg:$0x14] =	wrdreg s24;
	s10 =	sshrl.u32 s2, $0x1;
	v15 =	vor.u32 $0x2, v12;
	[tilespmem:$0x1FF00] =	vst v14  }
0xf: {  	s8 =	sor.u32 s8, s6;
	s16 =	sadd.s32 $0x400, s1;
	v16 =	vor.u32 $0x3, v12;
	s2 =	ssub.s32 s2, s10;
	[tilespmem:$0x1FF10] =	vst v15  }
0x10: {  	v47 =	vor.u32 $0x4, v12;
	s6 =	sshll.u32 s8, $0xB;
	[dreg:$0xb] =	wrdreg s16;
	[tilespmem:$0x1FF20] =	vst v16;
	s25 =	smax.u32 s2, $0x1  }
0x11: {  	s11 =	simm.s32 $0x400;
	v48 =	vor.u32 $0x5, v12;
	[tilespmem:$0x1FF30] =	vst v47;
	s13 =	sadd.s32 s0, s6;
	[dreg:$0x15] =	wrdreg s25  }
0x12: {  	s22 =	sadd.s32 $0x10, s12;
	v49 =	vor.u32 $0x6, v12;
	[tilespmem:$0x1FF40] =	vst v48;
	s0 =	sadd.s32 $0x10, s13;
	[dreg:$0x7] =	wrdreg s13  }
0x13: {  	s23 =	sadd.s32 $0x20, s12;
	v50 =	vor.u32 $0x7, v12;
	[tilespmem:$0x1FF50] =	vst v49;
	s14 =	sadd.s32 $0x20, s13;
	[dreg:$0x8] =	wrdreg s0  }
0x14: {  	s24 =	sadd.s32 $0x30, s12;
	v51 =	vor.u32 $0x8, v12;
	[tilespmem:$0x1FF60] =	vst v50;
	s15 =	sadd.s32 $0x30, s13;
	[dreg:$0x9] =	wrdreg s14  }
0x15: {  	s9 =	sadd.s32 $0x70, s12;
	v52 =	vor.u32 $0x9, v12;
	[tilespmem:$0x1FF70] =	vst v51;
	s26 =	sadd.s32 $0x40, s13;
	[dreg:$0xa] =	wrdreg s15  }
0x16: {  	s18 =	simm.s32 $0x16800;
	v53 =	vor.u32 $0xA, v12;
	[tilespmem:$0x1FF80] =	vst v52;
	s28 =	sadd.s32 $0x50, s13;
	[dreg:$0x16] =	wrdreg s26  }
0x17: {  	s1 =	sadd.s32 $0x60, s12;
	v54 =	vor.u32 $0xB, v12;
	[tilespmem:$0x1FF90] =	vst v53;
	s29 =	sadd.s32 $0x60, s13;
	[dreg:$0x17] =	wrdreg s28  }
0x18: {  	v55 =	vor.u32 $0xC, v12;
	s8 =	sshll.u32 s8, $0xE;
	[tilespmem:$0x1FFA0] =	vst v54;
	s30 =	sadd.s32 $0x70, s13;
	[dreg:$0x18] =	wrdreg s29  }
0x19: {  	v1 =	vand.u32 $0x7, v0;
	v56 =	vor.u32 $0xD, v12;
	s10 =	simm.s32 $0x80;
	[tilespmem:$0x1FFB0] =	vst v55;
	s0 =	sadd.s32 s17, s4;
	[dreg:$0x19] =	wrdreg s30  }
0x1a: {  	v63 =	vmul.u32 $0x10, v1;
	v57 =	vor.u32 $0xE, v12;
	s16 =	simm.s32 $0x16000;
	[tilespmem:$0x1FFC0] =	vst v56;
	s20 =	sadd.s32 $0x4000, s0;
	[dreg:$0xe] =	wrdreg s0  }
0x1b: {  	v58 =	vor.u32 $0xF, v12;
	[tilespmem:$0x1FFD0] =	vst v57;
	s2 =	simm.s32 $0x19800;
	s21 =	sadd.s32 $0x8000, s0;
	[dreg:$0xf] =	wrdreg s20  }
0x1c: {  	v13 =	vor.u32 $0xFFFFFE80, v63;
	[tilespmem:$0x1FFE0] =	vst v58;
	s25 =	simm.s32 $0x19000;
	s0 =	sadd.s32 $0xC000, s0;
	[dreg:$0x10] =	wrdreg s21  }
0x1d: {  	v59 =	vor.u32 $0xFFFFFF80, v63;
	[tilespmem:$0x1FEF0] =	vst v13;
	s14 =	simm.s32 $0x3;
	s15 =	simm.s32 $0x0;
	[dreg:$0x11] =	wrdreg s0  }
0x1e: {  	[tilespmem:$0x1FFF0] =	vst v59;
	s0 =	sadd.s32 $0x50, s12;
	s12 =	simm.s32 $0x12000;
	s21 =	simm.s32 $0x4  }
.LBB2_1:
0x1f: {  	[dreg:$0x1a] =	wrdreg s15  }
0x20: {  	s7 =	rddreg [dreg:$0x7]  }
0x21: {  	s15 =	rddreg [dreg:$0x8]  }
0x22: {  	s17 =	rddreg [dreg:$0x9]  }
0x23: {  	[tilespmem:s5], [sflag:$0x1] =	stream.strided.gather [hbm4b:s7+s10], $0x4000, s11, s10, $0x38;
	[tilespmem:$0x1B800] =	vst v63  }
0x24: {  	s13 =	simm.s32 $0x4000;
	s20 =	rddreg [dreg:$0xa]  }
0x25: {  	[tilespmem:s13], [sflag:$0x1] =	stream.strided.gather [hbm4b:s15+s10], $0x4000, s11, s10, $0x38;
	[tilespmem:$0x1B800] =	vst v63  }
0x26: {  	s19 =	simm.s32 $0x8000;
	s26 =	simm.s32 $0xC000;
	s28 =	rddreg [dreg:$0xb]  }
0x27: {  	[tilespmem:s19], [sflag:$0x1] =	stream.strided.gather [hbm4b:s17+s10], $0x4000, s11, s10, $0x38;
	[tilespmem:$0x1B800] =	vst v63  }
0x28: {  	s7 =	sshrl.u32 @!p0 s3, $0x3;
	s13 =	simm.s32 @!p0 $0x1;
	s15 =	simm.s32 @!p0 $0x10  }
0x29: {  	[tilespmem:s26], [sflag:$0x1] =	stream.strided.gather [hbm4b:s20+s10], $0x4000, s11, s10, $0x38;
	[tilespmem:$0x1B800] =	vst v63  }
0x2a: {  	s17 =	simm.s32 @!p0 $0x20;
	s19 =	simm.s32 @!p0 $0x1C03;
	s20 =	rddreg [dreg:$0x1]  }
0x2b: {  	[tilespmem:s12], [sflag:$0x2] =	stream.linear.gather [hbm4b:s28+s5], $0x4000, $0x38;
	[tilespmem:$0x1B800] =	vst v63  }
0x2c: {  	[spmem:s7@s15], [sflag:s19] =	dma.strided @!p0 [hbm:s20@s17], $0x800, s13, $0x10   }
0x2d: {  	s29 =	simm.s32 $0x100;
	s20 =	rddreg [dreg:$0xc]  }
0x2e: {  	s30 =	simm.s32 $0x2;
	v0 =	vor.u32 s29, v12;
	v1 =	vor.u32 s29, v14;
	s26 =	rddreg [dreg:$0xd];
	s20 =	sshrl.u32 @!p0 s20, $0x3  }
0x2f: {  	v0 =	vand.u32 v59, v0;
	[spmem:s20@s15], [sflag:s19] =	dma.strided @!p0 [hbm:s26@s17], $0x800, s13, $0x10   }
0x30: {  	v2 =	vor.u32 s29, v15;
	_ =	swait.ge [sflag:s30], $0x4000  }
0x31: {  	v3 =	vor.u32 s29, v16;
	[sflag:s30] =	ssyncset.done $0x0  }
0x32: {  	v4 =	vor.u32 s29, v47;
	[sflag:s30] =	ssyncadd.s32 $0xFFFFC000  }
0x33: {  	v5 =	vor.u32 s29, v48;
	v1 =	vld.idx.msk [tilespmem:v1+s12+$0x0], $0xffff  }
0x34: {  	v6 =	vor.u32 s29, v49;
	v0 =	vld.idx.msk [tilespmem:v0+s12+$0x0], $0xffff  }
0x35: {  	v7 =	vor.u32 s29, v50;
	v2 =	vld.idx.msk [tilespmem:v2+s12+$0x0], $0xffff  }
0x36: {  	v8 =	vor.u32 s29, v51;
	v3 =	vld.idx.msk [tilespmem:v3+s12+$0x0], $0xffff  }
0x37: {  	v9 =	vor.u32 s29, v52;
	v4 =	vld.idx.msk [tilespmem:v4+s12+$0x0], $0xffff  }
0x38: {  	v10 =	vor.u32 s29, v53;
	v5 =	vld.idx.msk [tilespmem:v5+s12+$0x0], $0xffff  }
0x39: {  	v11 =	vor.u32 s29, v54;
	v6 =	vld.idx.msk [tilespmem:v6+s12+$0x0], $0xffff;
	v17 =	vmax.f32 v0, v1  }
0x3a: {  	v18 =	vor.u32 s29, v55;
	v7 =	vld.idx.msk [tilespmem:v7+s12+$0x0], $0xffff;
	v17 =	vmax.f32 v17, v2  }
0x3b: {  	v19 =	vor.u32 s29, v56;
	v8 =	vld.idx.msk [tilespmem:v8+s12+$0x0], $0xffff;
	v17 =	vmax.f32 v17, v3  }
0x3c: {  	v20 =	vor.u32 s29, v57;
	v9 =	vld.idx.msk [tilespmem:v9+s12+$0x0], $0xffff;
	v17 =	vmax.f32 v17, v4  }
0x3d: {  	v21 =	vor.u32 s29, v58;
	v10 =	vld.idx.msk [tilespmem:v10+s12+$0x0], $0xffff;
	v17 =	vmax.f32 v17, v5  }
0x3e: {  	v11 =	vld.idx.msk [tilespmem:v11+s12+$0x0], $0xffff;
	v17 =	vmax.f32 v17, v6  }
0x3f: {  	v18 =	vld.idx.msk [tilespmem:v18+s12+$0x0], $0xffff;
	v17 =	vmax.f32 v17, v7  }
0x40: {  	v22 =	vor.u32 s5, v12;
	v23 =	vor.u32 s5, v14;
	v19 =	vld.idx.msk [tilespmem:v19+s12+$0x0], $0xffff;
	v17 =	vmax.f32 v17, v8  }
0x41: {  	v22 =	vand.u32 v13, v22;
	v20 =	vld.idx.msk [tilespmem:v20+s12+$0x0], $0xffff;
	v17 =	vmax.f32 v17, v9  }
0x42: {  	v24 =	vor.u32 s5, v15;
	v21 =	vld.idx.msk [tilespmem:v21+s12+$0x0], $0xffff;
	v17 =	vmax.f32 v17, v10  }
0x43: {  	v17 =	vmax.f32 v17, v11  }
0x44: {  	v17 =	vmax.f32 v17, v18  }
0x45: {  	v25 =	vor.u32 s5, v16;
	v23 =	vld.idx.msk [tilespmem:v23+s12+$0x0], $0xffff;
	v17 =	vmax.f32 v17, v19  }
0x46: {  	v26 =	vor.u32 s5, v47;
	v22 =	vld.idx.msk [tilespmem:v22+s12+$0x0], $0xffff;
	v17 =	vmax.f32 v17, v20  }
0x47: {  	v24 =	vld.idx.msk [tilespmem:v24+s12+$0x0], $0xffff;
	v27 =	vmax.f32 v17, v21;
	v17 =	vor.u32 s5, v48  }
0x48: {  	v28 =	vor.u32 s5, v49;
	v0 =	vsub.f32 v0, v27  }
0x49: {  	v29 =	vor.u32 s5, v50;
	v30 =	vor.u32 s5, v51;
	v1 =	vsub.f32 v1, v27  }
0x4a: {  	v31 =	vor.u32 s5, v52;
	v33 =	vor.u32 s5, v53;
	v25 =	vld.idx.msk [tilespmem:v25+s12+$0x0], $0xffff;
	v0 =	vmul.f32 $1.442695020e+00, v0  }
0x4b: {  	v26 =	vld.idx.msk [tilespmem:v26+s12+$0x0], $0xffff;
	v32 =	vmax.f32 v22, v23;
	v2 =	vsub.f32 v2, v27;
	v1 =	vmul.f32 $1.442695020e+00, v1  }
0x4c: {  	v36 =	vor.u32 s5, v57;
	v32 =	vmax.f32 v32, v24;
	(erf) = vpow2.f32 v0;
	v34 =	vld.idx.msk [tilespmem:v17+s12+$0x0], $0xffff  }
0x4d: {  	v0 =	vmul.f32 $1.442695020e+00, v2;
	v2 =	vsub.f32 v3, v27;
	v3 =	vld.idx.msk [tilespmem:v28+s12+$0x0], $0xffff;
	(erf) = vpow2.f32 v1  }
0x4e: {  	v4 =	vsub.f32 v4, v27;
	v5 =	vsub.f32 v5, v27;
	v28 =	vld.idx.msk [tilespmem:v29+s12+$0x0], $0xffff;
	v1 =	vor.u32 s5, v54  }
0x4f: {  	v17 =	vmax.f32 v32, v25;
	v29 =	vld.idx.msk [tilespmem:v30+s12+$0x0], $0xffff;
	(erf) = vpow2.f32 v0;
	v0 =	vor.u32 s5, v55  }
0x50: {  	v6 =	vsub.f32 v6, v27;
	v30 =	vld.idx.msk [tilespmem:v31+s12+$0x0], $0xffff;
	v17 =	vmax.f32 v17, v26;
	v2 =	vmul.f32 $1.442695020e+00, v2  }
0x51: {  	v38 =	vsub.f32 v7, v27;
	v8 =	vsub.f32 v8, v27;
	v17 =	vmax.f32 v17, v34  }
0x52: {  	v31 =	vld.idx.msk [tilespmem:v33+s12+$0x0], $0xffff;
	(erf) = vpow2.f32 v2;
	v2 =	vor.u32 s5, v56;
	v17 =	vmax.f32 v17, v3  }
0x53: {  	v41 =	vsub.f32 v9, v27;
	v4 =	vmul.f32 $1.442695020e+00, v4;
	v32 =	vld.idx.msk [tilespmem:v1+s12+$0x0], $0xffff;
	v1 =	vmax.f32 v17, v28  }
0x54: {  	v10 =	vsub.f32 v10, v27;
	v17 =	vor.u32 s5, v58;
	v33 =	vld.idx.msk [tilespmem:v0+s12+$0x0], $0xffff;
	v0 =	vmax.f32 v1, v29  }
0x55: {  	v5 =	vmul.f32 $1.442695020e+00, v5;
	(erf) = vpow2.f32 v4;
	v35 =	vpop (erf);
	v0 =	vmax.f32 v0, v30  }
0x56: {  	v43 =	vsub.f32 v11, v27;
	v44 =	vsub.f32 v18, v27;
	v1 =	vpop (erf)  }
0x57: {  	v37 =	vmul.f32 $1.442695020e+00, v6;
	(erf) = vpow2.f32 v5;
	v2 =	vld.idx.msk [tilespmem:v2+s12+$0x0], $0xffff;
	v35 =	vadd.f32 v1, v35  }
0x58: {  	v18 =	vsub.f32 v19, v27;
	v6 =	vmul.f32 $1.442695020e+00, v38;
	v4 =	vld.idx.msk [tilespmem:v36+s12+$0x0], $0xffff;
	v39 =	vmax.f32 v0, v31;
	v0 =	vpop (erf)  }
0x59: {  	v46 =	vsub.f32 v20, v27;
	(erf) = vpow2.f32 v37;
	v42 =	vadd.f32 v35, v0;
	v35 =	vld.idx.msk [tilespmem:v17+s12+$0x0], $0xffff  }
0x5a: {  	v8 =	vmul.f32 $1.442695020e+00, v8;
	v7 =	vmul.f32 $1.442695020e+00, v41;
	v40 =	vmax.f32 v39, v32  }
0x5b: {  	v10 =	vmul.f32 $1.442695020e+00, v10;
	(erf) = vpow2.f32 v6;
	v5 =	vmax.f32 v40, v33  }
0x5c: {  	v18 =	vmul.f32 $1.442695020e+00, v18;
	v6 =	vpop (erf);
	(erf) = vpow2.f32 v8;
	v5 =	vmax.f32 v5, v2  }
0x5d: {  	v8 =	vmul.f32 $1.442695020e+00, v43;
	v9 =	vadd.f32 v42, v6;
	v5 =	vmax.f32 v5, v4  }
0x5e: {  	v11 =	vpop (erf);
	(erf) = vpow2.f32 v7;
	v7 =	vmul.f32 $1.442695020e+00, v44;
	v5 =	vmax.f32 v5, v35  }
0x5f: {  	(erf) = vpow2.f32 v10;
	v9 =	vadd.f32 v9, v11;
	v45 =	vsub.f32 v22, v5  }
0x60: {  	v17 =	vpop (erf);
	(erf) = vpow2.f32 v8;
	v8 =	vmul.f32 $1.442695020e+00, v46;
	v61 =	vsub.f32 v23, v5  }
0x61: {  	(erf) = vpow2.f32 v7;
	v9 =	vadd.f32 v9, v17;
	v60 =	vmul.f32 $1.442695020e+00, v45  }
0x62: {  	v19 =	vsub.f32 v21, v27;
	(erf) = vpow2.f32 v18;
	v18 =	vpop (erf);
	v10 =	vmul.f32 $1.442695020e+00, v61  }
0x63: {  	v62 =	vsub.f32 v24, v5;
	v63 =	vadd.f32 v9, v18;
	(erf) = vpow2.f32 v60  }
0x64: {  	v24 =	vmul.f32 $1.442695020e+00, v19;
	(erf) = vpow2.f32 v8;
	v8 =	vpop (erf)  }
0x65: {  	v25 =	vsub.f32 v25, v5;
	v19 =	vmul.f32 $1.442695020e+00, v62;
	v7 =	vadd.f32 v63, v8  }
0x66: {  	(erf) = vpow2.f32 v10;
	v10 =	vpop (erf)  }
0x67: {  	v20 =	vmul.f32 $1.442695020e+00, v25;
	(erf) = vpow2.f32 v24;
	v7 =	vadd.f32 v7, v10  }
0x68: {  	v27 =	vsub.f32 v26, v5;
	v9 =	vpop (erf);
	(erf) = vpow2.f32 v19  }
0x69: {  	v19 =	vpop (erf);
	v7 =	vadd.f32 v7, v9  }
0x6a: {  	v34 =	vsub.f32 v34, v5;
	v21 =	vmul.f32 $1.442695020e+00, v27;
	v23 =	vpop (erf);
	(erf) = vpow2.f32 v20  }
0x6b: {  	v20 =	vpop (erf);
	v7 =	vadd.f32 v7, v19  }
0x6c: {  	v3 =	vsub.f32 v3, v5;
	v22 =	vmul.f32 $1.442695020e+00, v34;
	(erf) = vpow2.f32 v21;
	v36 =	vpop (erf)  }
0x6d: {  	v60 =	vpop (erf);
	v7 =	vadd.f32 v7, v23  }
0x6e: {  	v46 =	vsub.f32 v28, v5;
	v3 =	vmul.f32 $1.442695020e+00, v3;
	(erf) = vpow2.f32 v22;
	v61 =	vpop (erf)  }
0x6f: {  	v37 =	vsub.f32 v30, v5;
	v26 =	vpop (erf);
	v7 =	vadd.f32 v7, v20  }
0x70: {  	v24 =	vmul.f32 $1.442695020e+00, v46;
	(erf) = vpow2.f32 v3;
	v3 =	vadd.f32 v26, v60;
	v63 =	vpop (erf)  }
0x71: {  	v62 =	vsub.f32 v29, v5;
	v29 =	vpop (erf);
	v7 =	vadd.f32 v7, v36  }
0x72: {  	(erf) = vpow2.f32 v24;
	v3 =	vadd.f32 v3, v29  }
0x73: {  	v28 =	vmul.f32 $1.442695020e+00, v37;
	v27 =	vmul.f32 $1.442695020e+00, v62;
	v30 =	vpop (erf);
	v7 =	vadd.f32 v7, v61  }
0x74: {  	v38 =	vsub.f32 v31, v5;
	v3 =	vadd.f32 v3, v30  }
0x75: {  	v39 =	vsub.f32 v32, v5;
	(erf) = vpow2.f32 v27;
	v31 =	vpop (erf);
	v7 =	vadd.f32 v7, v63  }
0x76: {  	v24 =	vmul.f32 $1.442695020e+00, v38;
	v3 =	vadd.f32 v3, v31  }
0x77: {  	v27 =	vmul.f32 $1.442695020e+00, v39;
	(erf) = vpow2.f32 v28;
	v28 =	vpop (erf)  }
0x78: {  	(erf) = vpow2.f32 v24;
	v3 =	vadd.f32 v3, v28  }
0x79: {  	v40 =	vsub.f32 v33, v5;
	(erf) = vrcp.f32 v7;
	v7 =	vpop (erf)  }
0x7a: {  	v3 =	vadd.f32 v3, v7  }
0x7b: {  	v2 =	vsub.f32 v2, v5;
	v41 =	vmul.f32 $1.442695020e+00, v40;
	(erf) = vpow2.f32 v27;
	v27 =	vpop (erf)  }
0x7c: {  	v4 =	vsub.f32 v4, v5;
	v3 =	vadd.f32 v3, v27  }
0x7d: {  	v2 =	vmul.f32 $1.442695020e+00, v2;
	(erf) = vpow2.f32 v41  }
0x7e: {  	v4 =	vmul.f32 $1.442695020e+00, v4;
	v42 =	vpop (erf)  }
0x7f: {  	v5 =	vsub.f32 v35, v5;
	(erf) = vpow2.f32 v2;
	v2 =	vadd.f32 v3, v42  }
0x80: {  	v3 =	vpop (erf)  }
0x81: {  	v5 =	vmul.f32 $1.442695020e+00, v5;
	(erf) = vpow2.f32 v4;
	v2 =	vadd.f32 v2, v3  }
0x82: {  	v4 =	vpop (erf)  }
0x83: {  	(erf) = vpow2.f32 v5;
	v43 =	vpop (erf);
	v2 =	vadd.f32 v2, v4  }
0x84: {  	v44 =	vpop (erf)  }
0x85: {  	v2 =	vadd.f32 v2, v44  }
0x86: {  	v33 =	vpop (erf)  }
0x87: {  	v2 =	vadd.f32 v2, v33  }
0x88: {  	v45 =	vpop (erf)  }
0x89: {  	v2 =	vadd.f32 v2, v45  }
0x8a: {  	v6 =	vmul.f32 v43, v6;
	v46 =	vpop (erf)  }
0x8b: {  	v18 =	vmul.f32 v43, v18;
	v1 =	vmul.f32 v43, v1;
	v2 =	vadd.f32 v2, v46  }
0x8c: {  	v0 =	vmul.f32 v43, v0;
	v21 =	vmul.f32 v43, v36;
	v36 =	vpop (erf)  }
0x8d: {  	v11 =	vmul.f32 v43, v11;
	v8 =	vmul.f32 v43, v8;
	v2 =	vadd.f32 v2, v36  }
0x8e: {  	v10 =	vmul.f32 v43, v10;
	v23 =	vmul.f32 v43, v23  }
0x8f: {  	v22 =	vmul.f32 v43, v61;
	(erf) = vrcp.f32 v2  }
0x90: {  	v9 =	vmul.f32 v43, v9;
	v1 =	vsub.f32 v1, v0;
	v37 =	vadd.f32 v8, v11  }
0x91: {  	v19 =	vmul.f32 v43, v19;
	v38 =	vadd.f32 v23, v10;
	v39 =	vsub.f32 v21, v22  }
0x92: {  	v20 =	vmul.f32 v43, v20;
	v0 =	vadd.f32 v6, v0;
	v60 =	vsub.f32 v9, v18  }
0x93: {  	v9 =	vadd.f32 v9, v10;
	v62 =	vadd.f32 v23, v19  }
0x94: {  	v5 =	vmul.f32 v43, v17;
	v17 =	vadd.f32 v21, v20;
	v8 =	vadd.f32 v8, v18  }
0x95: {  	v1 =	vsub.f32 v1, v37;
	v2 =	vadd.f32 v39, v38  }
0x96: {  	v5 =	vadd.f32 v5, v11;
	v6 =	vadd.f32 v62, v9  }
0x97: {  	v61 =	vmul.f32 v43, v63;
	v1 =	vadd.f32 v2, v1;
	v2 =	vadd.f32 v60, v60  }
0x98: {  	v0 =	vadd.f32 v8, v0;
	v9 =	vadd.f32 v17, v9;
	v63 =	vpop (erf)  }
0x99: {  	v1 =	vadd.f32 v1, v2;
	v2 =	vadd.f32 v61, v22;
	v37 =	vmul.f32 v63, v26  }
0x9a: {  	v5 =	vadd.f32 v8, v5;
	v38 =	vmul.f32 v63, v29;
	v39 =	vmul.f32 v63, v31  }
0x9b: {  	v2 =	vadd.f32 v2, v17;
	v40 =	vmul.f32 v63, v27;
	v17 =	vmul.f32 v63, v42  }
0x9c: {  	v0 =	vsub.f32 v0, v9;
	v18 =	vmul.f32 v63, v44;
	v19 =	vmul.f32 v63, v45  }
0x9d: {  	v5 =	vsub.f32 v5, v6;
	v41 =	vmul.f32 v63, v46;
	v43 =	vmul.f32 v63, v30  }
0x9e: {  	v2 =	vadd.f32 v2, v6;
	v3 =	vmul.f32 v63, v3;
	v4 =	vmul.f32 v63, v4  }
0x9f: {  	v46 =	vmul.f32 v63, v33;
	v9 =	vsub.f32 v37, v38;
	v42 =	vadd.f32 v40, v39  }
0xa0: {  	v60 =	vmul.f32 v63, v36;
	v44 =	vadd.f32 v18, v17;
	v45 =	vsub.f32 v19, v41  }
0xa1: {  	v7 =	vmul.f32 v63, v7;
	v17 =	vadd.f32 v3, v17;
	v4 =	vadd.f32 v18, v4  }
0xa2: {  	v8 =	vmul.f32 v63, v28;
	v18 =	vadd.f32 v19, v46;
	v19 =	vadd.f32 v60, v41  }
0xa3: {  	v10 =	vadd.f32 v43, v38;
	v11 =	vadd.f32 v40, v7  }
0xa4: {  	v6 =	vadd.f32 v8, v39;
	v3 =	vsub.f32 v3, v7  }
0xa5: {  	v9 =	vsub.f32 v9, v42;
	v23 =	vadd.f32 v45, v44  }
0xa6: {  	[tilespmem:s16+$0xC10] =	vst v1;
	v4 =	vadd.f32 v4, v17;
	v1 =	vadd.f32 v19, v18  }
0xa7: {  	[tilespmem:s16+$0x10] =	vst v2;
	v62 =	vadd.f32 v11, v10;
	v2 =	vadd.f32 v18, v17  }
0xa8: {  	v3 =	vadd.f32 v3, v3;
	v61 =	vadd.f32 v23, v9  }
0xa9: {  	[tilespmem:s16+$0x410] =	vst v0;
	v6 =	vadd.f32 v11, v6;
	v63 =	vadd.f32 v1, v4  }
0xaa: {  	s7 =	simm.s32 $0x0;
	[tilespmem:s16+$0x810] =	vst v5;
	v1 =	vsub.f32 v62, v2;
	v2 =	vadd.f32 v61, v3  }
0xab: {  	s17 =	sand.u32 $0x3E0, s7;
	s15 =	simm.s32 $0x200;
	s26 =	simm.s32 $0x16000;
	v0 =	vsub.f32 v6, v4;
	[tilespmem:s16+$0x0] =	vst v63  }
.LBB2_2:
0xac: {  	v3 =	vor.u32 s15, v12;
	v4 =	vor.u32 s15, v14;
	v5 =	vor.u32 s15, v15;
	s13 =	sadd.s32 $0x100, s15;
	[tilespmem:s17+$0x16C00] =	vst v2  }
0xad: {  	v3 =	vand.u32 v13, v3;
	v2 =	vor.u32 s13, v12;
	v6 =	vor.u32 s13, v14;
	[tilespmem:s17+$0x16400] =	vst v1  }
0xae: {  	v7 =	vor.u32 s15, v47;
	v1 =	vor.u32 s15, v16;
	v2 =	vand.u32 v59, v2;
	[tilespmem:s17+$0x16800] =	vst v0  }
0xaf: {  	v8 =	vor.u32 s15, v48;
	v9 =	vor.u32 s15, v49;
	v0 =	vor.u32 s13, v15  }
0xb0: {  	v10 =	vor.u32 s15, v50;
	v11 =	vor.u32 s15, v51;
	v17 =	vor.u32 s13, v16  }
0xb1: {  	v19 =	vor.u32 s15, v53;
	v20 =	vor.u32 s13, v47;
	v18 =	vld.idx.msk [tilespmem:v4+s12+$0x0], $0xffff;
	v4 =	vor.u32 s15, v52  }
0xb2: {  	v21 =	vor.u32 s15, v54;
	v22 =	vor.u32 s15, v55;
	v23 =	vor.u32 s13, v48;
	v6 =	vld.idx.msk [tilespmem:v6+s12+$0x0], $0xffff  }
0xb3: {  	v26 =	vor.u32 s15, v56;
	v27 =	vor.u32 s15, v57;
	v24 =	vld.idx.msk [tilespmem:v2+s12+$0x0], $0xffff;
	v2 =	vor.u32 s13, v49  }
0xb4: {  	v35 =	vor.u32 s15, v58;
	v25 =	vld.idx.msk [tilespmem:v0+s12+$0x0], $0xffff;
	v0 =	vor.u32 s13, v50  }
0xb5: {  	v28 =	vor.u32 s13, v51;
	v17 =	vld.idx.msk [tilespmem:v17+s12+$0x0], $0xffff  }
0xb6: {  	v29 =	vor.u32 s13, v52;
	v20 =	vld.idx.msk [tilespmem:v20+s12+$0x0], $0xffff  }
0xb7: {  	v36 =	vld.idx.msk [tilespmem:v23+s12+$0x0], $0xffff;
	v23 =	vor.u32 s13, v53  }
0xb8: {  	v37 =	vld.idx.msk [tilespmem:v2+s12+$0x0], $0xffff;
	v2 =	vor.u32 s13, v54  }
0xb9: {  	v30 =	vmax.f32 v24, v6;
	v38 =	vld.idx.msk [tilespmem:v0+s12+$0x0], $0xffff;
	v0 =	vor.u32 s13, v55  }
0xba: {  	v30 =	vmax.f32 v30, v25;
	v39 =	vld.idx.msk [tilespmem:v28+s12+$0x0], $0xffff;
	v28 =	vor.u32 s13, v56  }
0xbb: {  	v30 =	vmax.f32 v30, v17;
	v40 =	vld.idx.msk [tilespmem:v29+s12+$0x0], $0xffff;
	v29 =	vor.u32 s13, v57  }
0xbc: {  	v30 =	vmax.f32 v30, v20;
	v41 =	vld.idx.msk [tilespmem:v23+s12+$0x0], $0xffff;
	v23 =	vor.u32 s13, v58  }
0xbd: {  	v42 =	vld.idx.msk [tilespmem:v2+s12+$0x0], $0xffff;
	v2 =	vmax.f32 v30, v36  }
0xbe: {  	v43 =	vld.idx.msk [tilespmem:v0+s12+$0x0], $0xffff;
	v0 =	vmax.f32 v2, v37  }
0xbf: {  	v44 =	vld.idx.msk [tilespmem:v28+s12+$0x0], $0xffff;
	v0 =	vmax.f32 v0, v38  }
0xc0: {  	v45 =	vld.idx.msk [tilespmem:v29+s12+$0x0], $0xffff;
	v0 =	vmax.f32 v0, v39  }
0xc1: {  	v2 =	vld.idx.msk [tilespmem:v23+s12+$0x0], $0xffff;
	v0 =	vmax.f32 v0, v40  }
0xc2: {  	v46 =	vld.idx.msk [tilespmem:v3+s12+$0x0], $0xffff;
	v3 =	vmax.f32 v0, v41  }
0xc3: {  	v0 =	vld.idx.msk [tilespmem:v5+s12+$0x0], $0xffff;
	v3 =	vmax.f32 v3, v42  }
0xc4: {  	v34 =	vld.idx.msk [tilespmem:v1+s12+$0x0], $0xffff;
	v1 =	vmax.f32 v3, v43  }
0xc5: {  	v33 =	vld.idx.msk [tilespmem:v7+s12+$0x0], $0xffff;
	v1 =	vmax.f32 v1, v44  }
0xc6: {  	v32 =	vld.idx.msk [tilespmem:v8+s12+$0x0], $0xffff;
	v1 =	vmax.f32 v1, v45  }
0xc7: {  	v31 =	vld.idx.msk [tilespmem:v9+s12+$0x0], $0xffff;
	v5 =	vmax.f32 v1, v2  }
0xc8: {  	v1 =	vmax.f32 v46, v18;
	v30 =	vld.idx.msk [tilespmem:v10+s12+$0x0], $0xffff;
	v3 =	vsub.f32 v24, v5  }
0xc9: {  	v1 =	vmax.f32 v1, v0;
	v6 =	vsub.f32 v6, v5;
	v28 =	vld.idx.msk [tilespmem:v11+s12+$0x0], $0xffff  }
0xca: {  	v1 =	vmax.f32 v1, v34;
	v29 =	vld.idx.msk [tilespmem:v4+s12+$0x0], $0xffff;
	v3 =	vmul.f32 $1.442695020e+00, v3  }
0xcb: {  	v1 =	vmax.f32 v1, v33;
	v4 =	vmul.f32 $1.442695020e+00, v6;
	v6 =	vsub.f32 v25, v5;
	v24 =	vld.idx.msk [tilespmem:v19+s12+$0x0], $0xffff  }
0xcc: {  	v1 =	vmax.f32 v1, v32;
	v25 =	vld.idx.msk [tilespmem:v21+s12+$0x0], $0xffff;
	(erf) = vpow2.f32 v3  }
0xcd: {  	v3 =	vmul.f32 $1.442695020e+00, v6;
	v6 =	vsub.f32 v17, v5;
	v21 =	vld.idx.msk [tilespmem:v22+s12+$0x0], $0xffff;
	(erf) = vpow2.f32 v4  }
0xce: {  	v1 =	vmax.f32 v1, v31;
	v22 =	vld.idx.msk [tilespmem:v26+s12+$0x0], $0xffff  }
0xcf: {  	v4 =	vmul.f32 $1.442695020e+00, v6;
	v6 =	vsub.f32 v20, v5;
	v23 =	vld.idx.msk [tilespmem:v27+s12+$0x0], $0xffff;
	(erf) = vpow2.f32 v3  }
0xd0: {  	v1 =	vmax.f32 v1, v30;
	v19 =	vld.idx.msk [tilespmem:v35+s12+$0x0], $0xffff  }
0xd1: {  	v3 =	vmul.f32 $1.442695020e+00, v6;
	v6 =	vsub.f32 v36, v5;
	(erf) = vpow2.f32 v4  }
0xd2: {  	v1 =	vmax.f32 v1, v28  }
0xd3: {  	v4 =	vmul.f32 $1.442695020e+00, v6;
	v6 =	vsub.f32 v37, v5;
	(erf) = vpow2.f32 v3  }
0xd4: {  	v9 =	vmax.f32 v1, v29  }
0xd5: {  	v3 =	vmul.f32 $1.442695020e+00, v6;
	v6 =	vsub.f32 v38, v5;
	v7 =	vpop (erf);
	(erf) = vpow2.f32 v4  }
0xd6: {  	v8 =	vsub.f32 v39, v5;
	v4 =	vmax.f32 v9, v24;
	v1 =	vpop (erf)  }
0xd7: {  	v6 =	vmul.f32 $1.442695020e+00, v6;
	v7 =	vadd.f32 v1, v7;
	(erf) = vpow2.f32 v3  }
0xd8: {  	v3 =	vmax.f32 v4, v25;
	v4 =	vsub.f32 v40, v5;
	v17 =	vpop (erf)  }
0xd9: {  	v8 =	vmul.f32 $1.442695020e+00, v8;
	v7 =	vadd.f32 v7, v17;
	(erf) = vpow2.f32 v6  }
0xda: {  	v3 =	vmax.f32 v3, v21;
	v6 =	vsub.f32 v41, v5;
	v26 =	vpop (erf)  }
0xdb: {  	v4 =	vmul.f32 $1.442695020e+00, v4;
	v7 =	vadd.f32 v7, v26;
	(erf) = vpow2.f32 v8  }
0xdc: {  	v3 =	vmax.f32 v3, v22;
	v8 =	vsub.f32 v42, v5;
	v27 =	vpop (erf)  }
0xdd: {  	v6 =	vmul.f32 $1.442695020e+00, v6;
	v7 =	vadd.f32 v7, v27;
	(erf) = vpow2.f32 v4  }
0xde: {  	v10 =	vmax.f32 v3, v23;
	v4 =	vsub.f32 v43, v5;
	v20 =	vpop (erf)  }
0xdf: {  	v8 =	vmul.f32 $1.442695020e+00, v8;
	v7 =	vadd.f32 v7, v20;
	(erf) = vpow2.f32 v6  }
0xe0: {  	v9 =	vsub.f32 v44, v5;
	v6 =	vmax.f32 v10, v19;
	v3 =	vpop (erf)  }
0xe1: {  	v10 =	vmul.f32 $1.442695020e+00, v4;
	v7 =	vadd.f32 v7, v3;
	(erf) = vpow2.f32 v8  }
0xe2: {  	v11 =	vsub.f32 v45, v5;
	v8 =	vsub.f32 v46, v6;
	v4 =	vpop (erf)  }
0xe3: {  	v9 =	vmul.f32 $1.442695020e+00, v9;
	v7 =	vadd.f32 v7, v4;
	(erf) = vpow2.f32 v10  }
0xe4: {  	v2 =	vsub.f32 v2, v5;
	v35 =	vmul.f32 $1.442695020e+00, v8;
	v10 =	vsub.f32 v18, v6;
	v5 =	vpop (erf)  }
0xe5: {  	v11 =	vmul.f32 $1.442695020e+00, v11;
	v7 =	vadd.f32 v7, v5;
	(erf) = vpow2.f32 v9  }
0xe6: {  	v0 =	vsub.f32 v0, v6;
	v18 =	vmul.f32 $1.442695020e+00, v10;
	(erf) = vpow2.f32 v35;
	v8 =	vpop (erf)  }
0xe7: {  	v2 =	vmul.f32 $1.442695020e+00, v2;
	v7 =	vadd.f32 v7, v8;
	(erf) = vpow2.f32 v11  }
0xe8: {  	v0 =	vmul.f32 $1.442695020e+00, v0;
	v10 =	vsub.f32 v34, v6;
	(erf) = vpow2.f32 v18;
	v9 =	vpop (erf)  }
0xe9: {  	v11 =	vsub.f32 v33, v6;
	v7 =	vadd.f32 v7, v9;
	(erf) = vpow2.f32 v2  }
0xea: {  	v2 =	vmul.f32 $1.442695020e+00, v10;
	v10 =	vsub.f32 v32, v6;
	(erf) = vpow2.f32 v0;
	v32 =	vpop (erf)  }
0xeb: {  	v0 =	vmul.f32 $1.442695020e+00, v11;
	v11 =	vsub.f32 v31, v6;
	v7 =	vadd.f32 v7, v32  }
0xec: {  	v18 =	vsub.f32 v30, v6;
	v31 =	vmul.f32 $1.442695020e+00, v10;
	(erf) = vpow2.f32 v2;
	v30 =	vpop (erf)  }
0xed: {  	v2 =	vmul.f32 $1.442695020e+00, v11;
	v7 =	vadd.f32 v7, v30;
	(erf) = vpow2.f32 v0  }
0xee: {  	v11 =	vsub.f32 v28, v6;
	v0 =	vmul.f32 $1.442695020e+00, v18;
	(erf) = vpow2.f32 v31;
	v10 =	vpop (erf)  }
0xef: {  	v33 =	vsub.f32 v29, v6;
	v7 =	vadd.f32 v7, v10;
	v28 =	vpop (erf);
	(erf) = vpow2.f32 v2  }
0xf0: {  	v31 =	vmul.f32 $1.442695020e+00, v11;
	v11 =	vsub.f32 v24, v6;
	(erf) = vpow2.f32 v0;
	v24 =	vpop (erf)  }
0xf1: {  	v25 =	vsub.f32 v25, v6;
	v0 =	vmul.f32 $1.442695020e+00, v33;
	v7 =	vadd.f32 v7, v24;
	v18 =	vpop (erf)  }
0xf2: {  	v11 =	vmul.f32 $1.442695020e+00, v11;
	v28 =	vadd.f32 v18, v28;
	(erf) = vpow2.f32 v31;
	v29 =	vpop (erf)  }
0xf3: {  	v25 =	vmul.f32 $1.442695020e+00, v25;
	v7 =	vadd.f32 v7, v29;
	v2 =	vpop (erf);
	(erf) = vpow2.f32 v0  }
0xf4: {  	v21 =	vsub.f32 v21, v6;
	v28 =	vadd.f32 v28, v2;
	(erf) = vpow2.f32 v11  }
0xf5: {  	v11 =	vsub.f32 v22, v6;
	v22 =	vsub.f32 v23, v6;
	v0 =	vpop (erf);
	(erf) = vrcp.f32 v7  }
0xf6: {  	v31 =	vmul.f32 $1.442695020e+00, v21;
	v21 =	vadd.f32 v28, v0;
	v23 =	vpop (erf);
	(erf) = vpow2.f32 v25  }
0xf7: {  	v6 =	vsub.f32 v19, v6;
	v11 =	vmul.f32 $1.442695020e+00, v11;
	v22 =	vmul.f32 $1.442695020e+00, v22;
	v19 =	vpop (erf)  }
0xf8: {  	v28 =	vadd.f32 v21, v23;
	v25 =	vpop (erf);
	(erf) = vpow2.f32 v31  }
0xf9: {  	v6 =	vmul.f32 $1.442695020e+00, v6;
	v7 =	vpop (erf);
	(erf) = vpow2.f32 v11  }
0xfa: {  	v28 =	vadd.f32 v28, v19;
	(erf) = vpow2.f32 v22  }
0xfb: {  	v21 =	vpop (erf);
	(erf) = vpow2.f32 v6  }
0xfc: {  	v6 =	vadd.f32 v28, v25;
	v11 =	vpop (erf)  }
0xfd: {  	v22 =	vpop (erf)  }
0xfe: {  	v6 =	vadd.f32 v6, v7;
	v28 =	vpop (erf)  }
0xff: {  	v26 =	vmul.f32 v28, v26;
	v3 =	vmul.f32 v28, v3;
	v31 =	vpop (erf)  }
0x100: {  	v1 =	vmul.f32 v28, v1;
	v17 =	vmul.f32 v28, v17;
	v6 =	vadd.f32 v6, v21  }
0x101: {  	v27 =	vmul.f32 v28, v27;
	v4 =	vmul.f32 v28, v4;
	v33 =	vpop (erf)  }
0x102: {  	v5 =	vmul.f32 v28, v5;
	v32 =	vmul.f32 v28, v32;
	v6 =	vadd.f32 v6, v11;
	v34 =	vpop (erf)  }
0x103: {  	v10 =	vmul.f32 v28, v10;
	v24 =	vmul.f32 v28, v24;
	v26 =	vadd.f32 v26, v17;
	v35 =	vpop (erf)  }
0x104: {  	v8 =	vmul.f32 v28, v8;
	v1 =	vsub.f32 v1, v17;
	v17 =	vadd.f32 v4, v27;
	v36 =	vpop (erf)  }
0x105: {  	v20 =	vmul.f32 v28, v20;
	v37 =	vadd.f32 v32, v5;
	v38 =	vsub.f32 v10, v24  }
0x106: {  	v9 =	vmul.f32 v28, v9;
	v39 =	vsub.f32 v8, v3;
	v6 =	vadd.f32 v6, v22  }
0x107: {  	v30 =	vmul.f32 v28, v30;
	v1 =	vsub.f32 v1, v17;
	v17 =	vadd.f32 v38, v37  }
0x108: {  	v28 =	vmul.f32 v28, v29;
	v5 =	vadd.f32 v8, v5;
	v6 =	vadd.f32 v6, v31  }
0x109: {  	v8 =	vadd.f32 v39, v39;
	v1 =	vadd.f32 v17, v1  }
0x10a: {  	v9 =	vadd.f32 v32, v9;
	v6 =	vadd.f32 v6, v33  }
0x10b: {  	v10 =	vadd.f32 v10, v30;
	v1 =	vadd.f32 v1, v8  }
0x10c: {  	s26 =	sadd.s32 $0x20, s26;
	v8 =	vadd.f32 v28, v24;
	v6 =	vadd.f32 v6, v34  }
0x10d: {  	v3 =	vadd.f32 v4, v3;
	v4 =	vadd.f32 v20, v27;
	[tilespmem:s26+$0xC10] =	vst v1  }
0x10e: {  	v1 =	vadd.f32 v6, v35;
	v6 =	vadd.f32 v9, v5  }
0x10f: {  	v8 =	vadd.f32 v8, v10;
	v9 =	vadd.f32 v3, v26  }
0x110: {  	v5 =	vadd.f32 v10, v5;
	v1 =	vadd.f32 v1, v36  }
0x111: {  	v3 =	vadd.f32 v3, v4;
	v8 =	vadd.f32 v8, v6  }
0x112: {  	v4 =	vsub.f32 v9, v5;
	(erf) = vrcp.f32 v1  }
0x113: {  	v1 =	vsub.f32 v3, v6;
	[tilespmem:s26+$0x10] =	vst v8  }
0x114: {  	[tilespmem:s26+$0x410] =	vst v4  }
0x115: {  	[tilespmem:s26+$0x810] =	vst v1;
	_ =	sdelay $0x5  }
0x116: {  	v1 =	vpop (erf)  }
0x117: {  	v3 =	vmul.f32 v1, v18;
	v2 =	vmul.f32 v1, v2  }
0x118: {  	v4 =	vmul.f32 v1, v23;
	v5 =	vmul.f32 v1, v7  }
0x119: {  	v6 =	vmul.f32 v1, v21;
	v7 =	vmul.f32 v1, v31;
	v3 =	vsub.f32 v3, v2  }
0x11a: {  	v8 =	vmul.f32 v1, v34;
	v9 =	vmul.f32 v1, v35;
	v10 =	vadd.f32 v5, v4  }
0x11b: {  	v0 =	vmul.f32 v1, v0;
	v17 =	vmul.f32 v1, v19;
	v18 =	vadd.f32 v7, v6  }
0x11c: {  	v19 =	vmul.f32 v1, v25;
	v11 =	vmul.f32 v1, v11;
	v20 =	vsub.f32 v8, v9  }
0x11d: {  	v21 =	vmul.f32 v1, v22;
	v22 =	vmul.f32 v1, v33;
	v3 =	vsub.f32 v3, v10  }
0x11e: {  	v1 =	vmul.f32 v1, v36;
	v6 =	vadd.f32 v11, v6;
	v10 =	vadd.f32 v20, v18  }
0x11f: {  	v7 =	vadd.f32 v7, v21;
	v8 =	vadd.f32 v8, v22  }
0x120: {  	v1 =	vadd.f32 v1, v9;
	v0 =	vadd.f32 v0, v2  }
0x121: {  	v2 =	vadd.f32 v5, v19;
	v4 =	vadd.f32 v17, v4  }
0x122: {  	s7 =	sadd.s32 $0x20, s7;
	v5 =	vsub.f32 v11, v19;
	v3 =	vadd.f32 v10, v3  }
0x123: {  	p1 =	slt.u32 s7, $0x3E0;
	v7 =	vadd.f32 v7, v6;
	v1 =	vadd.f32 v1, v8  }
.Ltmp0:
0x124: {  	v0 =	vadd.f32 v2, v0;
	v6 =	vadd.f32 v8, v6;
	(pc) =	sbr.rel @p1 .LBB2_2-.Ltmp0, $4  }
0x125: {  	v2 =	vadd.f32 v2, v4;
	v4 =	vadd.f32 v5, v5  }
0x126: {  	v5 =	vadd.f32 v1, v7;
	v1 =	vsub.f32 v0, v6  }
0x127: {  	v0 =	vsub.f32 v2, v7;
	v2 =	vadd.f32 v3, v4  }
0x128: {  	s17 =	sand.u32 $0x3E0, s7;
	s15 =	sadd.s32 $0x200, s15;
	[tilespmem:s26+$0x0] =	vst v5  }
0x129: {  	[tilespmem:s17+$0x16C00] =	vst v2  }
0x12a: {  	[tilespmem:s17+$0x16400] =	vst v1  }
0x12b: {  	[tilespmem:s17+$0x16800] =	vst v0  }
0x12c: {  	s13 =	simm.s32 $0x7;
	s7 =	rddreg [dreg:$0xe]  }
0x12d: {  	[spmem:s7] =	stream.linear.scatter [tilespmem:s16], [sflag:$0x7], $0x400, $0x38;
	[tilespmem:$0x1B800] =	vst v63  }
0x12e: {  	_ =	swait.ge [sflag:s13], $0x400  }
0x12f: {  	[sflag:s13] =	ssyncset.done $0x0  }
0x130: {  	s15 =	simm.s32 $0x16400;
	s30 =	rddreg [dreg:$0xf];
	[sflag:s13] =	ssyncadd.s32 $0xFFFFFC00  }
0x131: {  	[spmem:s30] =	stream.linear.scatter [tilespmem:s15], [sflag:$0x7], $0x400, $0x38;
	[tilespmem:$0x1B800] =	vst v63  }
0x132: {  	_ =	swait.ge [sflag:s13], $0x400  }
0x133: {  	[sflag:s13] =	ssyncset.done $0x0  }
0x134: {  	s17 =	rddreg [dreg:$0x10];
	[sflag:s13] =	ssyncadd.s32 $0xFFFFFC00  }
0x135: {  	[spmem:s17] =	stream.linear.scatter [tilespmem:s18], [sflag:$0x7], $0x400, $0x38;
	[tilespmem:$0x1B800] =	vst v63  }
0x136: {  	_ =	swait.ge [sflag:s13], $0x400  }
0x137: {  	[sflag:s13] =	ssyncset.done $0x0  }
0x138: {  	s20 =	simm.s32 $0x16C00;
	s19 =	rddreg [dreg:$0x11];
	[sflag:s13] =	ssyncadd.s32 $0xFFFFFC00  }
0x139: {  	[spmem:s19] =	stream.linear.scatter [tilespmem:s20], [sflag:$0x7], $0x400, $0x38;
	[tilespmem:$0x1B800] =	vst v63  }
0x13a: {  	_ =	swait.ge [sflag:s13], $0x400  }
0x13b: {  	[sflag:s13] =	ssyncset.done $0x0  }
0x13c: {  	s7 =	simm.s32 @!p0 $0x3;
	[sflag:s13] =	ssyncadd.s32 $0xFFFFFC00  }
0x13d: {  	_ =	swait.ge @!p0 [sflag:s7], $0x800  }
0x13e: {  	[sflag:s7] =	ssyncset.done @!p0 $0x0  }
0x13f: {  	[sflag:s7] =	ssyncadd.s32 @!p0 $0xFFFFF800  }
0x140: {  	_ =	swait.ge @!p0 [sflag:s7], $0x800  }
0x141: {  	[sflag:s7] =	ssyncset.done @!p0 $0x0  }
0x142: {  	[sflag:s7] =	ssyncadd.s32 @!p0 $0xFFFFF800  }
0x143: {  	s26 =	simm.s32 $0x10000;
	[bflag:$0x0] =	sbarrier.arrive $0xFFFF  }
0x144: {  	[tilespmem:s26], [sflag:$0x3] =	stream.linear.gather [spmem:s3], $0x800, $0x38;
	[tilespmem:$0x1B800] =	vst v63  }
0x145: {  	s30 =	simm.s32 $0x10800;
	s29 =	rddreg [dreg:$0xc]  }
0x146: {  	[tilespmem:s30], [sflag:$0x3] =	stream.linear.gather [spmem:s29], $0x800, $0x38;
	[tilespmem:$0x1B800] =	vst v63  }
0x147: {  	_ = 	snop  }
0x148: {  	[tilespmem:s12], [sflag:$0x3] =	stream.linear.gather [spmem:s4], $0x800, $0x38;
	[tilespmem:$0x1B800] =	vst v63  }
0x149: {  	s17 =	simm.s32 $0x12800;
	s15 =	rddreg [dreg:$0x12]  }
0x14a: {  	[tilespmem:s17], [sflag:$0x3] =	stream.linear.gather [spmem:s15], $0x800, $0x38;
	[tilespmem:$0x1B800] =	vst v63  }
0x14b: {  	s20 =	simm.s32 $0x13000;
	s19 =	rddreg [dreg:$0x13]  }
0x14c: {  	[tilespmem:s20], [sflag:$0x3] =	stream.linear.gather [spmem:s19], $0x800, $0x38;
	[tilespmem:$0x1B800] =	vst v63  }
0x14d: {  	s26 =	rddreg [dreg:$0x14];
	s29 =	simm.s32 $0x13800;
	s30 =	simm.s32 $0x1  }
0x14e: {  	[tilespmem:s29], [sflag:$0x3] =	stream.linear.gather [spmem:s26], $0x800, $0x38;
	[tilespmem:$0x1B800] =	vst v63  }
0x14f: {  	_ =	swait.ge [sflag:s30], $0x4000  }
0x150: {  	[sflag:s30] =	ssyncset.done $0x0  }
0x151: {  	[sflag:s30] =	ssyncadd.s32 $0xFFFFC000  }
0x152: {  	_ =	swait.ge [sflag:s30], $0x4000  }
0x153: {  	[sflag:s30] =	ssyncset.done $0x0  }
0x154: {  	[sflag:s30] =	ssyncadd.s32 $0xFFFFC000  }
0x155: {  	_ =	swait.ge [sflag:s30], $0x4000  }
0x156: {  	[sflag:s30] =	ssyncset.done $0x0  }
0x157: {  	[sflag:s30] =	ssyncadd.s32 $0xFFFFC000  }
0x158: {  	_ =	swait.ge [sflag:s30], $0x4000  }
0x159: {  	[sflag:s30] =	ssyncset.done $0x0  }
0x15a: {  	s28 =	simm.s32 $0x0;
	[sflag:s30] =	ssyncadd.s32 $0xFFFFC000  }
.LBB2_4:
0x15b: {  	s30 =	sshll.u32 s28, $0xC  }
0x15c: {  	s26 =	sor.u32 $0x800, s30  }
0x15d: {  	s13 =	simm.s32 $0x11000;
	s7 =	sadd.s32 s26, s3  }
0x15e: {  	[tilespmem:s13], [sflag:$0x4] =	stream.linear.gather [spmem:s7], $0x800, $0x38;
	[tilespmem:$0x1B800] =	vst v63  }
0x15f: {  	s7 =	sor.u32 $0x4800, s30  }
0x160: {  	s15 =	simm.s32 $0x11800;
	s17 =	sadd.s32 s7, s3  }
0x161: {  	[tilespmem:s15], [sflag:$0x4] =	stream.linear.gather [spmem:s17], $0x800, $0x38;
	[tilespmem:$0x1B800] =	vst v63  }
0x162: {  	s20 =	simm.s32 $0x14000;
	s19 =	sadd.s32 s26, s4  }
0x163: {  	[tilespmem:s20], [sflag:$0x4] =	stream.linear.gather [spmem:s19], $0x800, $0x38;
	[tilespmem:$0x1B800] =	vst v63  }
0x164: {  	s29 =	sadd.s32 s30, s4;
	s7 =	sadd.s32 s7, s4;
	s17 =	simm.s32 $0x14800  }
0x165: {  	[tilespmem:s17], [sflag:$0x4] =	stream.linear.gather [spmem:s7], $0x800, $0x38;
	[tilespmem:$0x1B800] =	vst v63  }
0x166: {  	s19 =	sadd.s32 $0x8800, s29;
	s20 =	simm.s32 $0x15000  }
0x167: {  	[tilespmem:s20], [sflag:$0x4] =	stream.linear.gather [spmem:s19], $0x800, $0x38;
	[tilespmem:$0x1B800] =	vst v63  }
0x168: {  	s15 =	sadd.s32 $0xC800, s29;
	s17 =	simm.s32 $0x15800  }
0x169: {  	[tilespmem:s17], [sflag:$0x4] =	stream.linear.gather [spmem:s15], $0x800, $0x38;
	[tilespmem:$0x1B800] =	vst v63  }
0x16a: {  	_ =	swait.ge [sflag:s14], $0x800  }
0x16b: {  	[sflag:s14] =	ssyncset.done $0x0  }
0x16c: {  	[sflag:s14] =	ssyncadd.s32 $0xFFFFF800  }
0x16d: {  	_ =	swait.ge [sflag:s14], $0x800  }
0x16e: {  	[sflag:s14] =	ssyncset.done $0x0  }
0x16f: {  	[sflag:s14] =	ssyncadd.s32 $0xFFFFF800  }
0x170: {  	_ =	swait.ge [sflag:s14], $0x800  }
0x171: {  	[sflag:s14] =	ssyncset.done $0x0  }
0x172: {  	[sflag:s14] =	ssyncadd.s32 $0xFFFFF800  }
0x173: {  	_ =	swait.ge [sflag:s14], $0x800  }
0x174: {  	[sflag:s14] =	ssyncset.done $0x0  }
0x175: {  	[sflag:s14] =	ssyncadd.s32 $0xFFFFF800  }
0x176: {  	_ =	swait.ge [sflag:s14], $0x800  }
0x177: {  	[sflag:s14] =	ssyncset.done $0x0  }
0x178: {  	[sflag:s14] =	ssyncadd.s32 $0xFFFFF800  }
0x179: {  	_ =	swait.ge [sflag:s14], $0x800  }
0x17a: {  	p1 =	seq.s32 s28, $0x0;
	[sflag:s14] =	ssyncset.done $0x0  }
0x17b: {  	s7 =	simm.s32 @!p1 $0x5;
	[sflag:s14] =	ssyncadd.s32 $0xFFFFF800  }
0x17c: {  	_ =	swait.ge @!p1 [sflag:s7], $0x800  }
0x17d: {  	[sflag:s7] =	ssyncset.done @!p1 $0x0  }
0x17e: {  	[sflag:s7] =	ssyncadd.s32 @!p1 $0xFFFFF800  }
0x17f: {  	_ =	swait.ge @!p1 [sflag:s7], $0x800  }
0x180: {  	[sflag:s7] =	ssyncset.done @!p1 $0x0  }
0x181: {  	[sflag:s7] =	ssyncadd.s32 @!p1 $0xFFFFF800  }
0x182: {  	_ =	swait.ge @!p1 [sflag:s7], $0x800  }
0x183: {  	[sflag:s7] =	ssyncset.done @!p1 $0x0  }
0x184: {  	[sflag:s7] =	ssyncadd.s32 @!p1 $0xFFFFF800  }
0x185: {  	_ =	swait.ge @!p1 [sflag:s7], $0x800  }
0x186: {  	[sflag:s7] =	ssyncset.done @!p1 $0x0  }
0x187: {  	s19 =	simm.s32 $0x13000;
	[sflag:s7] =	ssyncadd.s32 @!p1 $0xFFFFF800  }
0x188: {  	v22 =	vld [tilespmem:s19+$0xFFFFF010]  }
0x189: {  	v58 =	vld [tilespmem:s19+$0xFFFFF830]  }
0x18a: {  	v13 =	vld [tilespmem:s19+$0x800]  }
0x18b: {  	v19 =	vld [tilespmem:s19+$0x830]  }
0x18c: {  	v15 =	vld [tilespmem:s19+$0x820]  }
0x18d: {  	v59 =	vld [tilespmem:s19+$0x30]  }
0x18e: {  	v12 =	vld [tilespmem:s19+$0xFFFFF030]  }
0x18f: {  	v25 =	vld [tilespmem:s19+$0x810]  }
0x190: {  	v14 =	vld [tilespmem:s19+$0xFFFFF800]  }
0x191: {  	v21 =	vld [tilespmem:s19+$0xFFFFF020]  }
0x192: {  	v36 =	vld [tilespmem:s19+$0xFFFFF810]  }
0x193: {  	v33 =	vld [tilespmem:s19+$0x20]  }
0x194: {  	v39 =	vld [tilespmem:s19+$0xFFFFF820]  }
0x195: {  	v23 =	vld [tilespmem:s19+$0x10]  }
0x196: {  	s20 =	simm.s32 $0x10800;
	v30 =	vld [tilespmem:s19+$0x0]  }
0x197: {  	v17 =	vld [tilespmem:s20+$0x20]  }
0x198: {  	v1 =	vld [tilespmem:s20+$0x10]  }
0x199: {  	v54 =	vld [tilespmem:s20+$0xFFFFF810]  }
0x19a: {  	v62 =	vld [tilespmem:s20+$0x0]  }
0x19b: {  	v55 =	vld [tilespmem:s20+$0xFFFFF820]  }
0x19c: {  	v60 =	vld [tilespmem:s20+$0xFFFFF800]  }
0x19d: {  	v0 =	vld [tilespmem:s20+$0xFFFFF830]  }
0x19e: {  	s15 =	simm.s32 $0x13040;
	v2 =	vld [tilespmem:s20+$0x30]  }
0x19f: {  	v18 =	vld [tilespmem:s15+$0xFFFFF010]  }
0x1a0: {  	v24 =	vld [tilespmem:s15+$0xFFFFF830]  }
0x1a1: {  	v29 =	vld [tilespmem:s19+$0xFFFFF000]  }
0x1a2: {  	v3 =	vld.idx.msk [tilespmem:v17+s5+$0x0], $0xffff  }
0x1a3: {  	v5 =	vld.idx.msk [tilespmem:v54+s5+$0x0], $0xffff  }
0x1a4: {  	v4 =	vld.idx.msk [tilespmem:v1+s5+$0x0], $0xffff  }
0x1a5: {  	v9 =	vld.idx.msk [tilespmem:v0+s5+$0x0], $0xffff  }
0x1a6: {  	v10 =	vld.idx.msk [tilespmem:v2+s5+$0x0], $0xffff  }
0x1a7: {  	v7 =	vld.idx.msk [tilespmem:v55+s5+$0x0], $0xffff  }
0x1a8: {  	v16 =	vld [tilespmem:s15+$0x800];
	v11 =	vmul.f32 v5, v36  }
0x1a9: {  	v40 =	vadd.s32 $0x4000, v1;
	v31 =	vadd.s32 $0x4000, v54;
	v8 =	vld.idx.msk [tilespmem:v60+s5+$0x0], $0xffff;
	v27 =	vmul.f32 v3, v33  }
0x1aa: {  	v6 =	vld.idx.msk [tilespmem:v62+s5+$0x0], $0xffff;
	v26 =	vmul.f32 v4, v23;
	v4 =	vmul.f32 v4, v5;
	v5 =	vadd.f32 v11, v22  }
0x1ab: {  	v20 =	vld [tilespmem:s15+$0x830];
	v43 =	vadd.s32 $0x4000, v0;
	v28 =	vmul.f32 v9, v58;
	v9 =	vmul.f32 v10, v9  }
0x1ac: {  	v63 =	vld [tilespmem:s15+$0xFFFFF800];
	v4 =	vmul.f32 v4, v25;
	v5 =	vadd.f32 v26, v5;
	v26 =	vmul.f32 v7, v39  }
0x1ad: {  	v32 =	vld [tilespmem:s15+$0x820];
	v10 =	vmul.f32 v10, v59;
	v3 =	vmul.f32 v3, v7;
	v42 =	vadd.f32 v28, v12  }
0x1ae: {  	v56 =	vld [tilespmem:s15+$0x810];
	v7 =	vmul.f32 v8, v14;
	v4 =	vadd.f32 v4, v5;
	v5 =	vadd.f32 v26, v21  }
0x1af: {  	s19 =	simm.s32 $0x17000;
	v11 =	vmul.f32 v6, v30;
	v28 =	vld [tilespmem:s15+$0x30];
	v9 =	vmul.f32 v9, v19;
	v10 =	vadd.f32 v10, v42  }
0x1b0: {  	v3 =	vmul.f32 v3, v15;
	v26 =	vld [tilespmem:s15+$0xFFFFF030];
	v7 =	vadd.f32 v7, v29;
	[tilespmem:s19+$0xFFFFF010] =	vst v4;
	v5 =	vadd.f32 v27, v5  }
0x1b1: {  	v41 =	vadd.s32 $0x4000, v2;
	v9 =	vadd.f32 v9, v10;
	v4 =	vmul.f32 v6, v8;
	v6 =	vld.idx.msk [tilespmem:v31+s5+$0x0], $0xffff;
	[tilespmem:$0x1FEC0] =	vst v63  }
0x1b2: {  	v8 =	vadd.s32 $0x4000, v55;
	v3 =	vadd.f32 v3, v5;
	v5 =	vadd.f32 v11, v7;
	v11 =	vld.idx.msk [tilespmem:v40+s5+$0x0], $0xffff  }
0x1b3: {  	v10 =	vadd.s32 $0x4000, v17;
	[tilespmem:s19+$0xFFFFF030] =	vst v9;
	v44 =	vld [tilespmem:s15+$0xFFFFF020]  }
0x1b4: {  	v31 =	vmov v13;
	v4 =	vmul.f32 v4, v13;
	v13 =	vld.idx.msk [tilespmem:v43+s5+$0x0], $0xffff  }
0x1b5: {  	v7 =	vadd.s32 $0x4000, v60;
	v49 =	vld [tilespmem:s15+$0xFFFFF810]  }
0x1b6: {  	v9 =	vadd.s32 $0x4000, v62;
	[tilespmem:s19+$0xFFFFF020] =	vst v3;
	v3 =	vadd.f32 v4, v5;
	v4 =	vld.idx.msk [tilespmem:v41+s5+$0x0], $0xffff  }
0x1b7: {  	v5 =	vld.idx.msk [tilespmem:v8+s5+$0x0], $0xffff  }
0x1b8: {  	v45 =	vadd.s32 $0x8000, v2;
	[tilespmem:s19+$0xFFFFF000] =	vst v3;
	v3 =	vld.idx.msk [tilespmem:v10+s5+$0x0], $0xffff;
	v8 =	vmul.f32 v6, v36  }
0x1b9: {  	v48 =	vadd.s32 $0x8000, v0;
	v46 =	vld [tilespmem:s15+$0x20];
	v10 =	vadd.s32 $0x8000, v1;
	v34 =	vmul.f32 v13, v58  }
0x1ba: {  	v7 =	vld.idx.msk [tilespmem:v7+s5+$0x0], $0xffff;
	v6 =	vmul.f32 v11, v6;
	v11 =	vmul.f32 v11, v23;
	v8 =	vadd.f32 v8, v22  }
0x1bb: {  	v9 =	vld.idx.msk [tilespmem:v9+s5+$0x0], $0xffff;
	v40 =	vmul.f32 v4, v13;
	v4 =	vmul.f32 v4, v59;
	v41 =	vadd.f32 v34, v12  }
0x1bc: {  	v27 =	vmovc v19;
	v47 =	vld [tilespmem:s15+$0xFFFFF820];
	v6 =	vmul.f32 v6, v25;
	v8 =	vadd.f32 v11, v8;
	v11 =	vmul.f32 v5, v39  }
0x1bd: {  	s20 =	simm.s32 $0x10840;
	v19 =	vld [tilespmem:s15+$0x10];
	v5 =	vmul.f32 v3, v5;
	v35 =	vmul.f32 v40, v27;
	v4 =	vadd.f32 v4, v41  }
0x1be: {  	v37 =	vld [tilespmem:s20+$0x10];
	v3 =	vmul.f32 v3, v33;
	v6 =	vadd.f32 v6, v8;
	v8 =	vadd.f32 v11, v21  }
0x1bf: {  	v42 =	vld [tilespmem:s20+$0x20];
	v11 =	vadd.s32 $0x8000, v54;
	v51 =	vmul.f32 v7, v14;
	v4 =	vadd.f32 v35, v4  }
0x1c0: {  	v52 =	vld [tilespmem:s20+$0x0];
	v5 =	vmul.f32 v5, v15;
	[tilespmem:s19+$0xFFFFF810] =	vst v6;
	v3 =	vadd.f32 v3, v8;
	v6 =	vmul.f32 v9, v30  }
0x1c1: {  	v50 =	vadd.s32 $0x8000, v55;
	v8 =	vld.idx.msk [tilespmem:v10+s5+$0x0], $0xffff;
	[tilespmem:s19+$0xFFFFF830] =	vst v4;
	v4 =	vmul.f32 v9, v7;
	v7 =	vadd.f32 v51, v29  }
0x1c2: {  	v10 =	vadd.s32 $0x8000, v17;
	v3 =	vadd.f32 v5, v3;
	v5 =	vld.idx.msk [tilespmem:v48+s5+$0x0], $0xffff  }
0x1c3: {  	v53 =	vld [tilespmem:s20+$0xFFFFF800];
	v6 =	vadd.f32 v6, v7;
	v4 =	vmul.f32 v4, v31  }
0x1c4: {  	v9 =	vld.idx.msk [tilespmem:v45+s5+$0x0], $0xffff;
	[tilespmem:s19+$0xFFFFF820] =	vst v3;
	v3 =	vadd.s32 $0x8000, v62  }
0x1c5: {  	v11 =	vld.idx.msk [tilespmem:v11+s5+$0x0], $0xffff;
	v4 =	vadd.f32 v4, v6  }
0x1c6: {  	v43 =	vld.idx.msk [tilespmem:v50+s5+$0x0], $0xffff  }
0x1c7: {  	v7 =	vadd.s32 $0x8000, v60;
	v6 =	vld.idx.msk [tilespmem:v10+s5+$0x0], $0xffff;
	[tilespmem:s19+$0xFFFFF800] =	vst v4;
	v4 =	vmul.f32 v5, v58  }
0x1c8: {  	v13 =	vld [tilespmem:s20+$0xFFFFF820]  }
0x1c9: {  	v5 =	vmul.f32 v9, v5;
	v57 =	vld.idx.msk [tilespmem:v3+s5+$0x0], $0xffff;
	v3 =	vadd.f32 v4, v12;
	v4 =	vmul.f32 v9, v59  }
0x1ca: {  	v2 =	vadd.s32 $0xC000, v2;
	v61 =	vld.idx.msk [tilespmem:v42+s5+$0x0], $0xffff;
	v10 =	vmul.f32 v8, v23;
	v8 =	vmul.f32 v8, v11  }
0x1cb: {  	v40 =	vld [tilespmem:s15+$0x0];
	v50 =	vmul.f32 v43, v39;
	v3 =	vadd.f32 v4, v3;
	v4 =	vmul.f32 v5, v27  }
0x1cc: {  	v0 =	vadd.s32 $0xC000, v0;
	v7 =	vld.idx.msk [tilespmem:v7+s5+$0x0], $0xffff;
	v9 =	vmul.f32 v11, v36;
	v5 =	vmul.f32 v6, v43  }
0x1cd: {  	v41 =	vmovc v22;
	v35 =	vld [tilespmem:s20+$0xFFFFF810];
	v63 =	vadd.f32 v50, v21;
	v6 =	vmul.f32 v6, v33;
	v3 =	vadd.f32 v4, v3  }
0x1ce: {  	v51 =	vld [tilespmem:s20+$0x30];
	v9 =	vadd.f32 v9, v41  }
0x1cf: {  	v8 =	vmul.f32 v8, v25;
	v50 =	vld [tilespmem:s20+$0xFFFFF830];
	v6 =	vadd.f32 v6, v63;
	[tilespmem:s19+$0x30] =	vst v3  }
0x1d0: {  	v5 =	vmul.f32 v5, v15;
	v4 =	vld.idx.msk [tilespmem:v37+s5+$0x0], $0xffff;
	v9 =	vadd.f32 v10, v9;
	[tilespmem:$0x1FED0] =	vst v14  }
0x1d1: {  	v17 =	vadd.s32 $0xC000, v17;
	v11 =	vadd.s32 $0xC000, v55;
	v63 =	vmul.f32 v7, v14;
	v0 =	vld.idx.msk [tilespmem:v0+s5+$0x0], $0xffff  }
0x1d2: {  	v5 =	vadd.f32 v5, v6;
	v6 =	vmul.f32 v57, v7;
	v7 =	vadd.f32 v8, v9;
	v2 =	vld.idx.msk [tilespmem:v2+s5+$0x0], $0xffff  }
0x1d3: {  	v10 =	vadd.s32 $0xC000, v54;
	v8 =	vadd.f32 v63, v29;
	v9 =	vmul.f32 v57, v30;
	v3 =	vld.idx.msk [tilespmem:v52+s5+$0x0], $0xffff  }
0x1d4: {  	[tilespmem:s19+$0x10] =	vst v7;
	v7 =	vmul.f32 v6, v31;
	v6 =	vld.idx.msk [tilespmem:v13+s5+$0x0], $0xffff  }
0x1d5: {  	[tilespmem:s19+$0x20] =	vst v5;
	v5 =	vadd.f32 v9, v8;
	v9 =	vld.idx.msk [tilespmem:v35+s5+$0x0], $0xffff  }
0x1d6: {  	v1 =	vadd.s32 $0xC000, v1;
	v34 =	vmov v15;
	v22 =	vmov v30;
	v55 =	vld.idx.msk [tilespmem:v11+s5+$0x0], $0xffff  }
0x1d7: {  	v45 =	vmovc v33;
	v57 =	vmovc v13;
	v63 =	vadd.s32 $0xC000, v62;
	v8 =	vmul.f32 v61, v46;
	v43 =	vld.idx.msk [tilespmem:v17+s5+$0x0], $0xffff;
	v17 =	vadd.s32 $0x4000, v42  }
0x1d8: {  	v54 =	vld.idx.msk [tilespmem:v10+s5+$0x0], $0xffff;
	v10 =	vadd.f32 v7, v5;
	v11 =	vmul.f32 v0, v58;
	v59 =	vmul.f32 v2, v59  }
0x1d9: {  	v30 =	vmovc v19;
	v7 =	vld.idx.msk [tilespmem:v53+s5+$0x0], $0xffff;
	v58 =	vadd.s32 $0xC000, v60;
	v5 =	vmul.f32 v2, v0;
	v0 =	vmul.f32 v3, v40  }
0x1da: {  	s13 =	simm.s32 $0x13040;
	s17 =	simm.s32 $0x40;
	s7 =	simm.s32 $0x17000;
	[tilespmem:s19+$0x0] =	vst v10;
	v10 =	vld.idx.msk [tilespmem:v50+s5+$0x0], $0xffff;
	v2 =	vadd.s32 $0x4000, v37;
	v62 =	vadd.f32 v11, v12;
	v11 =	vmul.f32 v4, v19  }
.LBB2_5:
0x1db: {  	_ = 	snop  }
0x1dc: {  	v1 =	vld.idx.msk [tilespmem:v1+s5+$0x0], $0xffff  }
0x1dd: {  	v60 =	vld.idx.msk [tilespmem:v51+s5+$0x0], $0xffff;
	v33 =	vmov v28;
	v28 =	vmov v37;
	v37 =	vmov v29  }
0x1de: {  	v29 =	vmovc v25;
	v25 =	vmovc v23;
	v23 =	vmov v32;
	v48 =	vmov v35;
	v63 =	vld.idx.msk [tilespmem:v63+s5+$0x0], $0xffff;
	v32 =	vmul.f32 v54, v36  }
0x1df: {  	s15 =	sadd.s32 $0x40, s15;
	v35 =	vadd.f32 v59, v62;
	v39 =	vmul.f32 v55, v39;
	v14 =	vmul.f32 v43, v45;
	v36 =	vmovc v49  }
0x1e0: {  	v38 =	vmul.f32 v6, v47;
	v45 =	vmul.f32 v9, v36;
	v32 =	vadd.f32 v32, v41;
	v41 =	vmovc v18;
	v18 =	vld [tilespmem:s15+$0xFFFFF830]  }
0x1e1: {  	v49 =	vld.idx.msk [tilespmem:v58+s5+$0x0], $0xffff;
	v58 =	vmovc v42;
	v42 =	vmov v40;
	v4 =	vmul.f32 v4, v9;
	v62 =	vmul.f32 v10, v24  }
0x1e2: {  	v40 =	vmovc v31;
	v31 =	vld [tilespmem:s15+$0xFFFFF010];
	v6 =	vmul.f32 v61, v6;
	v10 =	vmul.f32 v60, v10;
	v59 =	vadd.f32 v45, v41  }
0x1e3: {  	v61 =	vld [tilespmem:s15+$0x830];
	v15 =	vadd.f32 v39, v21;
	v9 =	vadd.f32 v38, v44;
	v21 =	vmovc v44;
	v4 =	vmul.f32 v4, v56  }
0x1e4: {  	v44 =	vadd.f32 v62, v26;
	v62 =	vld [tilespmem:s15+$0x30];
	v39 =	vmovc v47;
	v47 =	vmul.f32 v60, v33;
	v11 =	vadd.f32 v11, v59  }
0x1e5: {  	v5 =	vmul.f32 v5, v27;
	v27 =	vmov v20;
	v8 =	vadd.f32 v8, v9;
	[tilespmem:$0x1FEB0] =	vst v18;
	v18 =	vld [tilespmem:$0x1FEC0]  }
0x1e6: {  	v10 =	vmul.f32 v10, v27;
	v9 =	vld [tilespmem:s15+$0x800];
	v4 =	vadd.f32 v4, v11;
	v11 =	vadd.f32 v47, v44  }
0x1e7: {  	v20 =	vadd.s32 $0x4000, v48;
	v3 =	vmul.f32 v3, v7;
	v43 =	vmul.f32 v43, v55;
	v45 =	vmovc v46;
	v46 =	vld [tilespmem:s13+$0xFFFFF000]  }
0x1e8: {  	v6 =	vmul.f32 v6, v23;
	v10 =	vadd.f32 v10, v11;
	v11 =	vld [tilespmem:$0x1FED0]  }
0x1e9: {  	v12 =	vadd.s32 $0x4000, v52;
	v3 =	vmul.f32 v3, v16;
	v60 =	vld [tilespmem:s15+$0xFFFFF030];
	v44 =	vmul.f32 v43, v34  }
0x1ea: {  	s19 =	sadd.s32 $0x40, s19;
	v13 =	vadd.s32 $0x4000, v51;
	v59 =	vmovc v53;
	v53 =	vld [tilespmem:s15+$0x820];
	v34 =	vmul.f32 v1, v25;
	v7 =	vmul.f32 v7, v18  }
0x1eb: {  	v19 =	vadd.s32 $0x4000, v50;
	v1 =	vmul.f32 v1, v54;
	[tilespmem:s19+$0xFFFFF010] =	vst v4;
	v4 =	vadd.f32 v6, v8;
	v54 =	vmovc v18;
	v18 =	vld [tilespmem:s15+$0xFFFFF800]  }
0x1ec: {  	v55 =	vmovc v23;
	v23 =	vmov v30;
	v30 =	vmul.f32 v63, v22;
	v8 =	vld.idx.msk [tilespmem:v20+s5+$0x0], $0xffff;
	v7 =	vadd.f32 v7, v46  }
0x1ed: {  	v6 =	vmul.f32 v63, v49;
	v20 =	vadd.s32 $0x4000, v57;
	v47 =	vld [tilespmem:s15+$0x810];
	[tilespmem:s19+$0xFFFFF020] =	vst v4;
	v11 =	vmul.f32 v49, v11  }
0x1ee: {  	v2 =	vld.idx.msk [tilespmem:v2+s5+$0x0], $0xffff;
	v4 =	vadd.f32 v14, v15;
	[tilespmem:s19+$0xFFFFF030] =	vst v10;
	v0 =	vadd.f32 v0, v7;
	v7 =	vadd.s32 $0x4000, v59  }
0x1ef: {  	v1 =	vmul.f32 v1, v29;
	v13 =	vld.idx.msk [tilespmem:v13+s5+$0x0], $0xffff;
	v10 =	vadd.f32 v11, v37;
	v11 =	vadd.f32 v34, v32  }
0x1f0: {  	[tilespmem:$0x1FEC0] =	vst v18;
	v18 =	vmovc v31;
	v31 =	vmov v16;
	v16 =	vmov v9;
	v9 =	vld.idx.msk [tilespmem:v17+s5+$0x0], $0xffff;
	v0 =	vadd.f32 v3, v0  }
0x1f1: {  	v6 =	vmul.f32 v6, v40;
	v3 =	vld.idx.msk [tilespmem:v19+s5+$0x0], $0xffff;
	v1 =	vadd.f32 v1, v11  }
0x1f2: {  	v4 =	vadd.f32 v44, v4;
	v10 =	vadd.f32 v30, v10;
	[tilespmem:s19+$0xFFFFF000] =	vst v0;
	v0 =	vld.idx.msk [tilespmem:v20+s5+$0x0], $0xffff  }
0x1f3: {  	[tilespmem:s7+$0x810] =	vst v1;
	v1 =	vld.idx.msk [tilespmem:v7+s5+$0x0], $0xffff  }
0x1f4: {  	v6 =	vadd.f32 v6, v10;
	[tilespmem:s7+$0x820] =	vst v4;
	v7 =	vmul.f32 v8, v36;
	v4 =	vld.idx.msk [tilespmem:v12+s5+$0x0], $0xffff  }
0x1f5: {  	v5 =	vadd.f32 v5, v35;
	v25 =	vmov v56;
	v8 =	vmul.f32 v2, v8;
	v44 =	vld [tilespmem:s15+$0xFFFFF020]  }
0x1f6: {  	v2 =	vmul.f32 v2, v23;
	v49 =	vld [tilespmem:s15+$0xFFFFF810];
	[tilespmem:s7+$0x800] =	vst v6;
	v6 =	vadd.f32 v7, v41;
	v7 =	vmul.f32 v3, v24  }
0x1f7: {  	v29 =	vmovc v46;
	[tilespmem:s7+$0x830] =	vst v5;
	v10 =	vadd.s32 $0x8000, v28;
	v46 =	vld [tilespmem:s15+$0x20];
	v5 =	vmul.f32 v8, v25;
	v3 =	vmul.f32 v13, v3  }
0x1f8: {  	v56 =	vmovc v47;
	v47 =	vld [tilespmem:s15+$0xFFFFF820];
	v2 =	vadd.f32 v2, v6;
	v6 =	vadd.f32 v7, v26;
	v7 =	vmul.f32 v13, v33  }
0x1f9: {  	v35 =	vadd.s32 $0x8000, v50;
	v11 =	vadd.s32 $0x8000, v48;
	v19 =	vld [tilespmem:s15+$0x10];
	v34 =	vmul.f32 v0, v39  }
0x1fa: {  	s20 =	sadd.s32 $0x40, s20;
	v40 =	vld [tilespmem:s15+$0x0];
	v3 =	vmul.f32 v3, v27;
	v2 =	vadd.f32 v5, v2;
	v5 =	vadd.f32 v7, v6  }
0x1fb: {  	v22 =	vmovc v42;
	v8 =	vadd.s32 $0x8000, v51;
	v0 =	vmul.f32 v9, v0;
	v13 =	vld [tilespmem:s20+$0x10];
	v6 =	vmul.f32 v1, v54  }
0x1fc: {  	v9 =	vmul.f32 v9, v45;
	v7 =	vadd.f32 v34, v21;
	[tilespmem:s19+$0xFFFFF810] =	vst v2;
	v2 =	vadd.f32 v3, v5;
	v3 =	vld [tilespmem:s20+$0x20]  }
0x1fd: {  	v15 =	vmul.f32 v4, v22;
	v1 =	vmul.f32 v4, v1;
	v4 =	vadd.f32 v6, v29;
	v6 =	vld.idx.msk [tilespmem:v10+s5+$0x0], $0xffff  }
0x1fe: {  	v63 =	vadd.s32 $0x8000, v57;
	v0 =	vmul.f32 v0, v55;
	v5 =	vadd.f32 v9, v7;
	v10 =	vld [tilespmem:s20+$0xFFFFF810];
	[tilespmem:s19+$0xFFFFF830] =	vst v2  }
0x1ff: {  	v7 =	vadd.s32 $0x8000, v58;
	v2 =	vadd.f32 v15, v4;
	v4 =	vld.idx.msk [tilespmem:v35+s5+$0x0], $0xffff  }
0x200: {  	v1 =	vmul.f32 v1, v31;
	v0 =	vadd.f32 v0, v5;
	v5 =	vld.idx.msk [tilespmem:v8+s5+$0x0], $0xffff  }
0x201: {  	v8 =	vld.idx.msk [tilespmem:v11+s5+$0x0], $0xffff  }
0x202: {  	v37 =	vadd.s32 $0xC000, v51;
	v51 =	vld [tilespmem:s20+$0x30];
	v1 =	vadd.f32 v1, v2;
	[tilespmem:s19+$0xFFFFF820] =	vst v0  }
0x203: {  	v9 =	vld.idx.msk [tilespmem:v63+s5+$0x0], $0xffff  }
0x204: {  	v7 =	vld.idx.msk [tilespmem:v7+s5+$0x0], $0xffff;
	[tilespmem:s19+$0xFFFFF800] =	vst v1  }
0x205: {  	v38 =	vmovc v52;
	v15 =	vadd.s32 $0xC000, v50;
	v2 =	vadd.s32 $0x8000, v59;
	v52 =	vld [tilespmem:s20+$0x0];
	v11 =	vmul.f32 v4, v24  }
0x206: {  	v50 =	vld [tilespmem:s20+$0xFFFFF830];
	v0 =	vadd.s32 $0x8000, v38;
	v1 =	vmul.f32 v6, v23;
	v4 =	vmul.f32 v5, v4  }
0x207: {  	v17 =	vld [tilespmem:s20+$0xFFFFF820];
	v43 =	vmul.f32 v8, v36;
	v5 =	vmul.f32 v5, v33;
	v11 =	vadd.f32 v11, v26  }
0x208: {  	v32 =	vmov v53;
	v53 =	vld [tilespmem:s20+$0xFFFFF800];
	v6 =	vmul.f32 v6, v8;
	v8 =	vmul.f32 v9, v39  }
0x209: {  	v20 =	vmov v61;
	v61 =	vld.idx.msk [tilespmem:v3+s5+$0x0], $0xffff;
	v4 =	vmul.f32 v4, v27;
	v5 =	vadd.f32 v5, v11  }
0x20a: {  	v2 =	vld.idx.msk [tilespmem:v2+s5+$0x0], $0xffff;
	v9 =	vmul.f32 v7, v9;
	v7 =	vmul.f32 v7, v45;
	v8 =	vadd.f32 v8, v21  }
0x20b: {  	v0 =	vld.idx.msk [tilespmem:v0+s5+$0x0], $0xffff;
	v11 =	vadd.f32 v43, v41;
	v5 =	vadd.f32 v4, v5  }
0x20c: {  	v42 =	vmovc v3;
	v7 =	vadd.f32 v7, v8;
	v8 =	vmul.f32 v9, v55;
	v9 =	vadd.s32 $0xC000, v57;
	v4 =	vld.idx.msk [tilespmem:v13+s5+$0x0], $0xffff  }
0x20d: {  	v6 =	vmul.f32 v6, v25;
	v1 =	vadd.f32 v1, v11;
	v11 =	vadd.s32 $0xC000, v48;
	v3 =	vld.idx.msk [tilespmem:v52+s5+$0x0], $0xffff;
	[tilespmem:s19+$0x30] =	vst v5  }
0x20e: {  	v63 =	vadd.s32 $0xC000, v58;
	v7 =	vadd.f32 v8, v7;
	v8 =	vld.idx.msk [tilespmem:v15+s5+$0x0], $0xffff  }
0x20f: {  	[tilespmem:$0x1FED0] =	vst v54;
	v1 =	vadd.f32 v6, v1;
	v12 =	vld.idx.msk [tilespmem:v37+s5+$0x0], $0xffff  }
0x210: {  	v5 =	vmul.f32 v2, v54;
	[tilespmem:s19+$0x20] =	vst v7;
	v7 =	vld.idx.msk [tilespmem:v53+s5+$0x0], $0xffff  }
0x211: {  	v34 =	vmov v55;
	[tilespmem:s19+$0x10] =	vst v1;
	v55 =	vld.idx.msk [tilespmem:v9+s5+$0x0], $0xffff  }
0x212: {  	v2 =	vmul.f32 v0, v2;
	v0 =	vmul.f32 v0, v22;
	v5 =	vadd.f32 v5, v29;
	v54 =	vld.idx.msk [tilespmem:v11+s5+$0x0], $0xffff  }
0x213: {  	s17 =	sadd.s32 $0x40, s17;
	v43 =	vld.idx.msk [tilespmem:v63+s5+$0x0], $0xffff  }
0x214: {  	p2 =	slt.u32 s17, $0x7C0;
	v2 =	vmul.f32 v2, v31;
	v0 =	vadd.f32 v0, v5;
	v5 =	vld [tilespmem:$0x1FEB0]  }
.Ltmp1:
0x215: {  	v30 =	vmov v19;
	v58 =	vadd.s32 $0xC000, v59;
	v35 =	vmov v10;
	v6 =	vld.idx.msk [tilespmem:v17+s5+$0x0], $0xffff;
	(pc) =	sbr.rel @p2 .LBB2_5-.Ltmp1, $4  }
0x216: {  	v57 =	vmovc v17;
	v1 =	vadd.s32 $0xC000, v28;
	v9 =	vld.idx.msk [tilespmem:v10+s5+$0x0], $0xffff;
	v0 =	vadd.f32 v2, v0;
	v2 =	vmul.f32 v8, v24  }
0x217: {  	v37 =	vmovc v13;
	v28 =	vmovc v62;
	v63 =	vadd.s32 $0xC000, v38;
	v17 =	vadd.s32 $0x4000, v42;
	v11 =	vmul.f32 v4, v19;
	v10 =	vld.idx.msk [tilespmem:v50+s5+$0x0], $0xffff  }
0x218: {  	v59 =	vmul.f32 v12, v33;
	[tilespmem:s19+$0x0] =	vst v0;
	v62 =	vadd.f32 v2, v26;
	v0 =	vmul.f32 v3, v40  }
0x219: {  	s13 =	smov.u32 s15;
	s7 =	smov.u32 s19;
	v2 =	vadd.s32 $0x4000, v37;
	v26 =	vmovc v60;
	v24 =	vmovc v5;
	v5 =	vmul.f32 v12, v8;
	v8 =	vmul.f32 v61, v46  }
0x21a: {  	_ = 	snop  }
0x21b: {  	v13 =	vmul.f32 v9, v49;
	_ =	sdelay $0x1  }
0x21c: {  	v4 =	vmul.f32 v4, v9;
	v9 =	vadd.f32 v13, v18  }
0x21d: {  	v12 =	vld.idx.msk [tilespmem:v51+s5+$0x0], $0xffff  }
0x21e: {  	v4 =	vmul.f32 v4, v56;
	v9 =	vadd.f32 v11, v9;
	_ =	sdelay $0x1  }
0x21f: {  	v14 =	vmul.f32 v10, v24;
	v4 =	vadd.f32 v4, v9  }
0x220: {  	v48 =	vmul.f32 v6, v47;
	v15 =	vadd.s32 $0x4000, v35;
	s19 =	sadd.s32 $0x40, s19  }
0x221: {  	v10 =	vmul.f32 v12, v10;
	v11 =	vadd.f32 v14, v26;
	v12 =	vmul.f32 v12, v28;
	[tilespmem:s19+$0xFFFFF010] =	vst v4  }
0x222: {  	v38 =	vmov v18;
	v60 =	vadd.s32 $0x4000, v50;
	v6 =	vmul.f32 v61, v6;
	v18 =	vld [tilespmem:$0x1FEC0]  }
0x223: {  	v13 =	vadd.f32 v48, v44;
	v9 =	vmul.f32 v10, v20;
	v10 =	vadd.f32 v12, v11  }
0x224: {  	v33 =	vmov v27;
	v27 =	vld [tilespmem:s13+$0xFFFFF000];
	v11 =	vadd.s32 $0x4000, v51  }
0x225: {  	v6 =	vmul.f32 v6, v32;
	v8 =	vadd.f32 v8, v13;
	v9 =	vadd.f32 v9, v10  }
0x226: {  	v48 =	vld.idx.msk [tilespmem:v15+s5+$0x0], $0xffff  }
0x227: {  	v6 =	vadd.f32 v6, v8;
	v4 =	vadd.s32 $0x4000, v57;
	v2 =	vld.idx.msk [tilespmem:v2+s5+$0x0], $0xffff;
	[tilespmem:s19+$0xFFFFF030] =	vst v9;
	v10 =	vmul.f32 v7, v18  }
0x228: {  	v8 =	vld.idx.msk [tilespmem:v60+s5+$0x0], $0xffff  }
0x229: {  	v3 =	vmul.f32 v3, v7;
	[tilespmem:s19+$0xFFFFF020] =	vst v6;
	v6 =	vld.idx.msk [tilespmem:v11+s5+$0x0], $0xffff;
	v7 =	vadd.f32 v10, v27;
	_ =	sdelay $0x1  }
0x22a: {  	v3 =	vmul.f32 v3, v16;
	v9 =	vadd.s32 $0x4000, v53;
	v0 =	vadd.f32 v0, v7  }
0x22b: {  	v4 =	vld.idx.msk [tilespmem:v4+s5+$0x0], $0xffff;
	v7 =	vadd.s32 $0x4000, v52  }
0x22c: {  	v11 =	vmul.f32 v2, v48;
	v10 =	vld.idx.msk [tilespmem:v17+s5+$0x0], $0xffff;
	v0 =	vadd.f32 v3, v0;
	v3 =	vmul.f32 v48, v49  }
0x22d: {  	v60 =	vadd.s32 $0x8000, v37;
	v61 =	vmul.f32 v8, v24;
	v8 =	vmul.f32 v6, v8  }
0x22e: {  	v2 =	vmul.f32 v2, v30;
	v11 =	vmul.f32 v11, v56;
	v3 =	vadd.f32 v3, v38;
	[tilespmem:s19+$0xFFFFF000] =	vst v0  }
0x22f: {  	v6 =	vmul.f32 v6, v28;
	v13 =	vadd.f32 v61, v26;
	v8 =	vmul.f32 v8, v20;
	v9 =	vld.idx.msk [tilespmem:v9+s5+$0x0], $0xffff  }
0x230: {  	v48 =	vadd.s32 $0x8000, v50;
	v7 =	vld.idx.msk [tilespmem:v7+s5+$0x0], $0xffff;
	v2 =	vadd.f32 v2, v3;
	v3 =	vmul.f32 v4, v47  }
0x231: {  	v6 =	vadd.f32 v6, v13;
	v0 =	vadd.s32 $0x8000, v51;
	v4 =	vmul.f32 v10, v4  }
0x232: {  	v10 =	vmul.f32 v10, v46;
	v2 =	vadd.f32 v11, v2;
	v3 =	vadd.f32 v3, v44  }
0x233: {  	v6 =	vadd.f32 v8, v6;
	v8 =	vadd.s32 $0x8000, v57;
	v11 =	vadd.s32 $0x8000, v35  }
0x234: {  	[tilespmem:s19+$0xFFFFF810] =	vst v2;
	v2 =	vadd.f32 v10, v3;
	v3 =	vmul.f32 v4, v32;
	v4 =	vmul.f32 v9, v18  }
0x235: {  	[tilespmem:s19+$0xFFFFF830] =	vst v6;
	v6 =	vmul.f32 v7, v40;
	v10 =	vld.idx.msk [tilespmem:v60+s5+$0x0], $0xffff;
	v60 =	vadd.s32 $0x8000, v42  }
0x236: {  	v7 =	vmul.f32 v7, v9;
	v2 =	vadd.f32 v3, v2;
	v3 =	vld.idx.msk [tilespmem:v48+s5+$0x0], $0xffff;
	v4 =	vadd.f32 v4, v27  }
0x237: {  	v0 =	vld.idx.msk [tilespmem:v0+s5+$0x0], $0xffff  }
0x238: {  	v11 =	vld.idx.msk [tilespmem:v11+s5+$0x0], $0xffff;
	[tilespmem:s19+$0xFFFFF820] =	vst v2;
	v2 =	vadd.f32 v6, v4;
	v4 =	vmul.f32 v7, v16  }
0x239: {  	v7 =	vld.idx.msk [tilespmem:v8+s5+$0x0], $0xffff;
	v8 =	vmul.f32 v54, v36  }
0x23a: {  	v6 =	vadd.s32 $0x8000, v53;
	v12 =	vld.idx.msk [tilespmem:v60+s5+$0x0], $0xffff;
	v2 =	vadd.f32 v4, v2  }
0x23b: {  	v9 =	vmul.f32 v55, v39;
	v4 =	vmul.f32 v3, v24;
	v8 =	vadd.f32 v8, v41  }
0x23c: {  	v39 =	vadd.s32 $0x8000, v52;
	v41 =	vmovc v16;
	v16 =	vmul.f32 v10, v30;
	[tilespmem:s19+$0xFFFFF800] =	vst v2;
	v2 =	vmul.f32 v0, v3  }
0x23d: {  	v0 =	vmul.f32 v0, v28;
	v17 =	vmul.f32 v11, v49  }
0x23e: {  	v10 =	vmul.f32 v10, v11;
	v3 =	vadd.f32 v4, v26;
	v19 =	vmul.f32 v7, v47  }
0x23f: {  	v4 =	vld.idx.msk [tilespmem:v6+s5+$0x0], $0xffff;
	v2 =	vmul.f32 v2, v20;
	v17 =	vadd.f32 v17, v38;
	v7 =	vmul.f32 v12, v7  }
0x240: {  	v0 =	vadd.f32 v0, v3;
	v11 =	vmul.f32 v12, v46;
	v3 =	vadd.f32 v19, v44  }
0x241: {  	v14 =	vld.idx.msk [tilespmem:v39+s5+$0x0], $0xffff;
	v10 =	vmul.f32 v10, v56;
	v16 =	vadd.f32 v16, v17  }
0x242: {  	v0 =	vadd.f32 v2, v0;
	v2 =	vadd.f32 v11, v3;
	v3 =	vmul.f32 v7, v32  }
0x243: {  	v1 =	vld.idx.msk [tilespmem:v1+s5+$0x0], $0xffff;
	v61 =	vmul.f32 v43, v45;
	v45 =	vadd.s32 $0xC000, v50;
	v10 =	vadd.f32 v10, v16  }
0x244: {  	v6 =	vadd.s32 $0xC000, v51;
	v19 =	vld.idx.msk [tilespmem:v58+s5+$0x0], $0xffff;
	v17 =	vmul.f32 v4, v18;
	[tilespmem:s19+$0x30] =	vst v0;
	v0 =	vadd.f32 v3, v2  }
0x245: {  	v48 =	vmov v20;
	v20 =	vadd.s32 $0xC000, v35;
	v7 =	vld.idx.msk [tilespmem:v63+s5+$0x0], $0xffff;
	v11 =	vadd.s32 $0xC000, v57;
	[tilespmem:s19+$0x10] =	vst v10  }
0x246: {  	v4 =	vmul.f32 v14, v4;
	v2 =	vadd.f32 v17, v27;
	v3 =	vmul.f32 v14, v40;
	[tilespmem:s19+$0x20] =	vst v0  }
0x247: {  	v5 =	vmul.f32 v5, v33;
	v50 =	vadd.s32 $0xC000, v42;
	v9 =	vadd.f32 v9, v21;
	v57 =	vld [tilespmem:$0x1FED0]  }
0x248: {  	v12 =	vld.idx.msk [tilespmem:v45+s5+$0x0], $0xffff;
	v0 =	vadd.f32 v3, v2;
	v2 =	vmul.f32 v4, v41;
	v3 =	vadd.s32 $0xC000, v53  }
0x249: {  	v51 =	vmul.f32 v43, v55;
	v16 =	vadd.s32 $0xC000, v37;
	v6 =	vld.idx.msk [tilespmem:v6+s5+$0x0], $0xffff;
	v17 =	vmul.f32 v1, v54  }
0x24a: {  	v1 =	vmul.f32 v1, v23;
	v10 =	vld.idx.msk [tilespmem:v11+s5+$0x0], $0xffff;
	v11 =	vadd.s32 $0xC000, v52;
	v0 =	vadd.f32 v2, v0  }
0x24b: {  	v15 =	vadd.f32 v59, v62;
	v20 =	vld.idx.msk [tilespmem:v20+s5+$0x0], $0xffff;
	v55 =	vmul.f32 v7, v19;
	v2 =	vmul.f32 v7, v22  }
0x24c: {  	v7 =	vadd.f32 v61, v9;
	v9 =	vld.idx.msk [tilespmem:v50+s5+$0x0], $0xffff;
	[tilespmem:s19+$0x0] =	vst v0;
	v19 =	vmul.f32 v19, v57  }
0x24d: {  	v5 =	vadd.f32 v5, v15;
	v4 =	vmul.f32 v51, v34;
	v58 =	vmul.f32 v17, v25;
	v3 =	vld.idx.msk [tilespmem:v3+s5+$0x0], $0xffff  }
0x24e: {  	v1 =	vadd.f32 v1, v8;
	v8 =	vmul.f32 v55, v31;
	v0 =	vld.idx.msk [tilespmem:v16+s5+$0x0], $0xffff;
	v17 =	vadd.f32 v19, v29  }
0x24f: {  	v59 =	vmul.f32 v6, v28;
	v6 =	vmul.f32 v6, v12;
	v4 =	vadd.f32 v4, v7;
	v11 =	vld.idx.msk [tilespmem:v11+s5+$0x0], $0xffff  }
0x250: {  	v7 =	vmul.f32 v12, v24;
	v61 =	vmul.f32 v20, v49;
	v2 =	vadd.f32 v2, v17  }
0x251: {  	v1 =	vadd.f32 v58, v1;
	v60 =	vmul.f32 v10, v47;
	v15 =	vmul.f32 v9, v46  }
0x252: {  	v62 =	vmul.f32 v3, v18;
	v2 =	vadd.f32 v8, v2;
	v8 =	vmul.f32 v9, v10  }
0x253: {  	v9 =	vmul.f32 v0, v30;
	v10 =	vadd.f32 v61, v38;
	v0 =	vmul.f32 v0, v20  }
0x254: {  	v21 =	vmovc v32;
	v12 =	vadd.f32 v60, v44;
	v3 =	vmul.f32 v11, v3;
	v11 =	vmul.f32 v11, v40  }
0x255: {  	[tilespmem:s7+$0x810] =	vst v1;
	v1 =	vadd.f32 v62, v27;
	v0 =	vmul.f32 v0, v56;
	v9 =	vadd.f32 v9, v10  }
0x256: {  	[tilespmem:s7+$0x820] =	vst v4;
	v4 =	vadd.f32 v7, v26;
	v7 =	vmul.f32 v8, v21;
	v8 =	vadd.f32 v15, v12  }
0x257: {  	[tilespmem:s7+$0x800] =	vst v2;
	v2 =	vmul.f32 v3, v41;
	v1 =	vadd.f32 v11, v1;
	v0 =	vadd.f32 v0, v9  }
0x258: {  	[tilespmem:s7+$0x830] =	vst v5;
	v4 =	vadd.f32 v59, v4;
	v3 =	vmul.f32 v6, v48;
	v5 =	vadd.f32 v7, v8  }
0x259: {  	s20 =	sshll.u32 s28, $0xF;
	v1 =	vadd.f32 v2, v1;
	[tilespmem:s19+$0x810] =	vst v0  }
0x25a: {  	s7 =	sadd.s32 s8, s20;
	v0 =	vadd.f32 v3, v4;
	[tilespmem:s19+$0x820] =	vst v5  }
0x25b: {  	s15 =	rddreg [dreg:$0x3];
	s7 =	sshrl.u32 s7, $0x3;
	[tilespmem:s19+$0x800] =	vst v1  }
0x25c: {  	s13 =	sadd.s32 s15, s7;
	[tilespmem:s19+$0x830] =	vst v0  }
0x25d: {  	[hbm4b:s13+s10] =	stream.strided.scatter [tilespmem:s16], [sflag:$0x5], $0x800, s11, s10, $0x38;
	[tilespmem:$0x1B800] =	vst v63  }
0x25e: {  	s17 =	sadd.s32 s7, s22  }
0x25f: {  	[hbm4b:s17+s10] =	stream.strided.scatter [tilespmem:s18], [sflag:$0x5], $0x800, s11, s10, $0x38;
	[tilespmem:$0x1B800] =	vst v63  }
0x260: {  	s15 =	simm.s32 $0x17000;
	s19 =	sadd.s32 s7, s23  }
0x261: {  	[hbm4b:s19+s10] =	stream.strided.scatter [tilespmem:s15], [sflag:$0x5], $0x800, s11, s10, $0x38;
	[tilespmem:$0x1B800] =	vst v63  }
0x262: {  	p2 =	seq.s32 s28, $0x3;
	s20 =	simm.s32 $0x17800;
	s7 =	sadd.s32 s7, s24  }
0x263: {  	[hbm4b:s7+s10] =	stream.strided.scatter [tilespmem:s20], [sflag:$0x5], $0x800, s11, s10, $0x38;
	[tilespmem:$0x1B800] =	vst v63  }
0x264: {  	s7 =	sadd.s32 @!p2 $0x1000, s30  }
0x265: {  	s15 =	simm.s32 @!p2 $0x10000;
	s13 =	sadd.s32 @!p2 s7, s3  }
0x266: {  	[tilespmem:s15], [sflag:$0x3] =	stream.linear.gather @!p2 [spmem:s13], $0x800, $0x38;
	[tilespmem:$0x1B800] =	vst v63  }
0x267: {  	s13 =	sadd.s32 @!p2 $0x5000, s30  }
0x268: {  	s17 =	simm.s32 @!p2 $0x10800;
	s15 =	sadd.s32 @!p2 s13, s3  }
0x269: {  	[tilespmem:s17], [sflag:$0x3] =	stream.linear.gather @!p2 [spmem:s15], $0x800, $0x38;
	[tilespmem:$0x1B800] =	vst v63  }
0x26a: {  	s7 =	sadd.s32 @!p2 s7, s4;
	s15 =	simm.s32 @!p2 $0x12000  }
0x26b: {  	[tilespmem:s15], [sflag:$0x3] =	stream.linear.gather @!p2 [spmem:s7], $0x800, $0x38;
	[tilespmem:$0x1B800] =	vst v63  }
0x26c: {  	s7 =	sadd.s32 @!p2 s13, s4;
	s13 =	simm.s32 @!p2 $0x12800  }
0x26d: {  	[tilespmem:s13], [sflag:$0x3] =	stream.linear.gather @!p2 [spmem:s7], $0x800, $0x38;
	[tilespmem:$0x1B800] =	vst v63  }
0x26e: {  	s7 =	sadd.s32 @!p2 $0x9000, s29;
	s13 =	simm.s32 @!p2 $0x13000  }
0x26f: {  	[tilespmem:s13], [sflag:$0x3] =	stream.linear.gather @!p2 [spmem:s7], $0x800, $0x38;
	[tilespmem:$0x1B800] =	vst v63  }
0x270: {  	s7 =	sadd.s32 @!p2 $0xD000, s29;
	s13 =	simm.s32 @!p2 $0x13800  }
0x271: {  	[tilespmem:s13], [sflag:$0x3] =	stream.linear.gather @!p2 [spmem:s7], $0x800, $0x38;
	[tilespmem:$0x1B800] =	vst v63  }
0x272: {  	_ =	swait.ge [sflag:s21], $0x800  }
0x273: {  	[sflag:s21] =	ssyncset.done $0x0  }
0x274: {  	[sflag:s21] =	ssyncadd.s32 $0xFFFFF800  }
0x275: {  	_ =	swait.ge [sflag:s21], $0x800  }
0x276: {  	[sflag:s21] =	ssyncset.done $0x0  }
0x277: {  	[sflag:s21] =	ssyncadd.s32 $0xFFFFF800  }
0x278: {  	_ =	swait.ge [sflag:s21], $0x800  }
0x279: {  	[sflag:s21] =	ssyncset.done $0x0  }
0x27a: {  	[sflag:s21] =	ssyncadd.s32 $0xFFFFF800  }
0x27b: {  	_ =	swait.ge [sflag:s21], $0x800  }
0x27c: {  	[sflag:s21] =	ssyncset.done $0x0  }
0x27d: {  	[sflag:s21] =	ssyncadd.s32 $0xFFFFF800  }
0x27e: {  	_ =	swait.ge [sflag:s21], $0x800  }
0x27f: {  	[sflag:s21] =	ssyncset.done $0x0  }
0x280: {  	[sflag:s21] =	ssyncadd.s32 $0xFFFFF800  }
0x281: {  	_ =	swait.ge [sflag:s21], $0x800  }
0x282: {  	[sflag:s21] =	ssyncset.done $0x0  }
0x283: {  	s7 =	simm.s32 @!p1 $0x6;
	[sflag:s21] =	ssyncadd.s32 $0xFFFFF800  }
0x284: {  	_ =	swait.ge @!p1 [sflag:s7], $0x800  }
0x285: {  	[sflag:s7] =	ssyncset.done @!p1 $0x0  }
0x286: {  	[sflag:s7] =	ssyncadd.s32 @!p1 $0xFFFFF800  }
0x287: {  	_ =	swait.ge @!p1 [sflag:s7], $0x800  }
0x288: {  	[sflag:s7] =	ssyncset.done @!p1 $0x0  }
0x289: {  	[sflag:s7] =	ssyncadd.s32 @!p1 $0xFFFFF800  }
0x28a: {  	_ =	swait.ge @!p1 [sflag:s7], $0x800  }
0x28b: {  	[sflag:s7] =	ssyncset.done @!p1 $0x0  }
0x28c: {  	[sflag:s7] =	ssyncadd.s32 @!p1 $0xFFFFF800  }
0x28d: {  	_ =	swait.ge @!p1 [sflag:s7], $0x800  }
0x28e: {  	s15 =	simm.s32 $0x0;
	[sflag:s7] =	ssyncset.done @!p1 $0x0  }
0x28f: {  	s17 =	sand.u32 $0x7C0, s15;
	[sflag:s7] =	ssyncadd.s32 @!p1 $0xFFFFF800  }
0x290: {  	v63 =	vld [tilespmem:s17+$0x11000];
	_ =	sdelay $0x1  }
0x291: {  	v0 =	vld [tilespmem:s17+$0x11800];
	_ =	sdelay $0x1  }
0x292: {  	s13 =	simm.s32 $0x15830  }
0x293: {  	v45 =	vld [tilespmem:s13+$0xFFFFE7D0]  }
0x294: {  	v48 =	vld [tilespmem:s13+$0xFFFFEFD0]  }
0x295: {  	v44 =	vld [tilespmem:s13+$0xFFFFF7D0]  }
0x296: {  	v1 =	vld.idx.msk [tilespmem:v63+s5+$0x0], $0xffff  }
0x297: {  	v49 =	vld [tilespmem:s13+$0xFFFFFFD0]  }
0x298: {  	v2 =	vld.idx.msk [tilespmem:v0+s5+$0x0], $0xffff  }
0x299: {  	v24 =	vld [tilespmem:s13+$0xFFFFF7E0]  }
0x29a: {  	v19 =	vld [tilespmem:s13+$0xFFFFF7F0]  }
0x29b: {  	v21 =	vld [tilespmem:s13+$0xFFFFE7E0];
	v3 =	vmul.f32 v1, v48  }
0x29c: {  	v20 =	vld [tilespmem:s13+$0xFFFFFFF0]  }
0x29d: {  	v25 =	vld [tilespmem:s13+$0xFFFFE7F0];
	v4 =	vmul.f32 v2, v44;
	v1 =	vmul.f32 v2, v1;
	v3 =	vadd.f32 v3, v45  }
0x29e: {  	v51 =	vld [tilespmem:s13+$0x0]  }
0x29f: {  	v50 =	vld [tilespmem:s13+$0xFFFFEFE0];
	v2 =	vadd.s32 $0x4000, v63;
	v1 =	vmul.f32 v1, v49;
	v3 =	vadd.f32 v4, v3  }
0x2a0: {  	v26 =	vld [tilespmem:s13+$0xFFFFEFF0]  }
0x2a1: {  	v52 =	vld [tilespmem:s13+$0xFFFFE800];
	v4 =	vadd.s32 $0x4000, v0;
	v1 =	vadd.f32 v1, v3  }
0x2a2: {  	s19 =	simm.s32 $0x11830;
	s29 =	simm.s32 $0x19830;
	v55 =	vld [tilespmem:s13+$0xFFFFF000]  }
0x2a3: {  	v41 =	vld [tilespmem:s19+$0x0];
	[tilespmem:s29+$0xFFFFE7D0] =	vst v1  }
0x2a4: {  	v1 =	vld.idx.msk [tilespmem:v2+s5+$0x0], $0xffff  }
0x2a5: {  	v42 =	vld [tilespmem:s19+$0xFFFFF800]  }
0x2a6: {  	v2 =	vld.idx.msk [tilespmem:v4+s5+$0x0], $0xffff  }
0x2a7: {  	v53 =	vld [tilespmem:s13+$0xFFFFF800]  }
0x2a8: {  	v56 =	vld [tilespmem:s19+$0xFFFFF7F0]  }
0x2a9: {  	v54 =	vld [tilespmem:s19+$0xFFFFFFF0];
	v3 =	vmul.f32 v1, v48  }
0x2aa: {  	s15 =	simm.s32 $0x15870;
	v17 =	vld [tilespmem:s19+$0xFFFFF7E0]  }
0x2ab: {  	v18 =	vld [tilespmem:s15+$0xFFFFF7E0];
	v4 =	vmul.f32 v2, v44;
	v1 =	vmul.f32 v2, v1;
	v3 =	vadd.f32 v3, v45  }
0x2ac: {  	v29 =	vld [tilespmem:s13+$0xFFFFFFE0]  }
0x2ad: {  	v23 =	vld [tilespmem:s15+$0xFFFFFFD0];
	v1 =	vmul.f32 v1, v49;
	v2 =	vadd.f32 v4, v3  }
0x2ae: {  	v27 =	vld [tilespmem:s15+$0xFFFFE7D0]  }
0x2af: {  	v28 =	vld [tilespmem:s15+$0xFFFFEFD0];
	v1 =	vadd.f32 v1, v2  }
0x2b0: {  	v22 =	vld [tilespmem:s15+$0xFFFFF7F0];
	v3 =	vadd.s32 $0x8000, v0  }
0x2b1: {  	v2 =	vadd.s32 $0x8000, v63;
	[tilespmem:s29+$0xFFFFEFD0] =	vst v1;
	v1 =	vld [tilespmem:s19+$0xFFFFFFE0]  }
0x2b2: {  	s7 =	simm.s32 $0x40;
	v5 =	vld.idx.msk [tilespmem:v42+s5+$0x0], $0xffff  }
0x2b3: {  	s20 =	sand.u32 $0x7C0, s7;
	v4 =	vld.idx.msk [tilespmem:v41+s5+$0x0], $0xffff  }
0x2b4: {  	v31 =	vld [tilespmem:s20+$0x11000]  }
0x2b5: {  	v3 =	vld.idx.msk [tilespmem:v3+s5+$0x0], $0xffff  }
0x2b6: {  	v2 =	vld.idx.msk [tilespmem:v2+s5+$0x0], $0xffff  }
0x2b7: {  	v8 =	vld.idx.msk [tilespmem:v17+s5+$0x0], $0xffff;
	v9 =	vmul.f32 v5, v55  }
0x2b8: {  	v6 =	vld.idx.msk [tilespmem:v56+s5+$0x0], $0xffff;
	v11 =	vmul.f32 v4, v53;
	v4 =	vmul.f32 v4, v5  }
0x2b9: {  	v9 =	vadd.f32 v9, v52;
	v10 =	vld.idx.msk [tilespmem:v1+s5+$0x0], $0xffff  }
0x2ba: {  	v47 =	vadd.s32 $0x4000, v42;
	v7 =	vld.idx.msk [tilespmem:v54+s5+$0x0], $0xffff;
	v4 =	vmul.f32 v4, v51  }
0x2bb: {  	v33 =	vld [tilespmem:s20+$0x11800];
	v9 =	vadd.f32 v11, v9;
	v5 =	vmul.f32 v3, v44;
	v46 =	vmul.f32 v2, v48  }
0x2bc: {  	v30 =	vld [tilespmem:s15+$0xFFFFF7D0];
	v2 =	vmul.f32 v3, v2;
	v3 =	vmul.f32 v8, v50  }
0x2bd: {  	v36 =	vld [tilespmem:s15+$0xFFFFE7E0];
	v57 =	vadd.s32 $0x4000, v41;
	v58 =	vmul.f32 v6, v26;
	v4 =	vadd.f32 v4, v9  }
0x2be: {  	v35 =	vld [tilespmem:s15+$0xFFFFFFF0];
	v3 =	vadd.f32 v3, v21;
	v9 =	vmul.f32 v10, v24;
	v8 =	vmul.f32 v10, v8  }
0x2bf: {  	v40 =	vld [tilespmem:s15+$0xFFFFE7F0];
	v6 =	vmul.f32 v7, v6;
	v7 =	vmul.f32 v7, v19;
	[tilespmem:s29+$0xFFFFE800] =	vst v4;
	v10 =	vadd.f32 v46, v45  }
0x2c0: {  	v3 =	vadd.f32 v9, v3;
	v4 =	vmul.f32 v8, v29;
	v8 =	vadd.s32 $0x4000, v17;
	v9 =	vld.idx.msk [tilespmem:v47+s5+$0x0], $0xffff  }
0x2c1: {  	v59 =	vld.idx.msk [tilespmem:v31+s5+$0x0], $0xffff;
	v11 =	vadd.s32 $0x4000, v1;
	v5 =	vadd.f32 v5, v10;
	v10 =	vadd.f32 v58, v25  }
0x2c2: {  	v2 =	vmul.f32 v2, v49;
	v3 =	vadd.f32 v4, v3;
	v4 =	vld.idx.msk [tilespmem:v57+s5+$0x0], $0xffff  }
0x2c3: {  	v61 =	vadd.s32 $0x4000, v56;
	v60 =	vld.idx.msk [tilespmem:v33+s5+$0x0], $0xffff;
	v6 =	vmul.f32 v6, v20;
	v7 =	vadd.f32 v7, v10  }
0x2c4: {  	v32 =	vld [tilespmem:s15+$0x0];
	v2 =	vadd.f32 v2, v5;
	[tilespmem:s29+$0xFFFFE7E0] =	vst v3  }
0x2c5: {  	v3 =	vadd.s32 $0x4000, v54;
	v6 =	vadd.f32 v6, v7;
	v5 =	vld.idx.msk [tilespmem:v8+s5+$0x0], $0xffff;
	v7 =	vmul.f32 v9, v55  }
0x2c6: {  	[tilespmem:s29+$0xFFFFF7D0] =	vst v2;
	v2 =	vld.idx.msk [tilespmem:v11+s5+$0x0], $0xffff;
	v8 =	vmul.f32 v59, v28  }
0x2c7: {  	v34 =	vld [tilespmem:s15+$0xFFFFEFE0];
	[tilespmem:s29+$0xFFFFE7F0] =	vst v6;
	v6 =	vadd.f32 v7, v52;
	v7 =	vmul.f32 v4, v53;
	v4 =	vmul.f32 v4, v9  }
0x2c8: {  	v10 =	vmul.f32 v60, v59;
	v8 =	vadd.f32 v8, v27;
	v9 =	vmul.f32 v60, v30;
	v11 =	vld.idx.msk [tilespmem:v61+s5+$0x0], $0xffff  }
0x2c9: {  	v37 =	vld [tilespmem:s15+$0xFFFFE800];
	v62 =	vadd.s32 $0x8000, v42;
	v6 =	vadd.f32 v7, v6;
	v4 =	vmul.f32 v4, v51  }
0x2ca: {  	v3 =	vld.idx.msk [tilespmem:v3+s5+$0x0], $0xffff;
	v7 =	vadd.s32 $0x4000, v31;
	v8 =	vadd.f32 v9, v8;
	v9 =	vmul.f32 v10, v23  }
0x2cb: {  	v38 =	vld [tilespmem:s15+$0xFFFFF000];
	v10 =	vadd.s32 $0x8000, v41;
	v4 =	vadd.f32 v4, v6  }
0x2cc: {  	v39 =	vld [tilespmem:s15+$0xFFFFF800];
	v6 =	vadd.s32 $0x4000, v33;
	v8 =	vadd.f32 v9, v8;
	v9 =	vmul.f32 v5, v50  }
0x2cd: {  	s30 =	simm.s32 $0x19870;
	v0 =	vadd.s32 $0xC000, v0;
	v47 =	vld [tilespmem:s15+$0xFFFFEFF0];
	[tilespmem:s29+$0xFFFFF000] =	vst v4;
	v4 =	vmul.f32 v2, v5;
	v5 =	vmul.f32 v11, v26  }
0x2ce: {  	v63 =	vadd.s32 $0xC000, v63;
	[tilespmem:s30+$0xFFFFE7D0] =	vst v8;
	v9 =	vadd.f32 v9, v21;
	v2 =	vmul.f32 v2, v24;
	v8 =	vld.idx.msk [tilespmem:v62+s5+$0x0], $0xffff  }
0x2cf: {  	v7 =	vld.idx.msk [tilespmem:v7+s5+$0x0], $0xffff;
	v11 =	vmul.f32 v3, v11;
	v3 =	vmul.f32 v3, v19;
	v5 =	vadd.f32 v5, v25  }
0x2d0: {  	v10 =	vld.idx.msk [tilespmem:v10+s5+$0x0], $0xffff;
	v4 =	vmul.f32 v4, v29;
	v2 =	vadd.f32 v2, v9;
	v9 =	vadd.s32 $0x8000, v17  }
0x2d1: {  	s19 =	simm.s32 $0x11870;
	v43 =	vadd.s32 $0x8000, v1;
	v58 =	vadd.s32 $0xC000, v42;
	v6 =	vld.idx.msk [tilespmem:v6+s5+$0x0], $0xffff  }
0x2d2: {  	v42 =	vld [tilespmem:s19+$0x0];
	v3 =	vadd.f32 v3, v5;
	v5 =	vmul.f32 v11, v20;
	v2 =	vadd.f32 v4, v2  }
0x2d3: {  	v46 =	vadd.s32 $0x8000, v54;
	v0 =	vld.idx.msk [tilespmem:v0+s5+$0x0], $0xffff;
	v4 =	vmul.f32 v8, v55  }
0x2d4: {  	v11 =	vadd.s32 $0x8000, v56;
	v3 =	vadd.f32 v5, v3;
	[tilespmem:s29+$0xFFFFEFE0] =	vst v2;
	v2 =	vmul.f32 v7, v28;
	v5 =	vld.idx.msk [tilespmem:v63+s5+$0x0], $0xffff  }
0x2d5: {  	v57 =	vmul.f32 v10, v53;
	v8 =	vmul.f32 v10, v8;
	v9 =	vld.idx.msk [tilespmem:v9+s5+$0x0], $0xffff;
	v4 =	vadd.f32 v4, v52  }
0x2d6: {  	v2 =	vadd.f32 v2, v27;
	v10 =	vmul.f32 v6, v30;
	v6 =	vmul.f32 v6, v7;
	v7 =	vld.idx.msk [tilespmem:v43+s5+$0x0], $0xffff  }
0x2d7: {  	v8 =	vmul.f32 v8, v51;
	[tilespmem:s29+$0xFFFFEFF0] =	vst v3;
	v3 =	vadd.s32 $0xC000, v41;
	v41 =	vld [tilespmem:s19+$0xFFFFFFF0];
	v4 =	vadd.f32 v57, v4  }
0x2d8: {  	v43 =	vld [tilespmem:s19+$0xFFFFF7F0];
	v2 =	vadd.f32 v10, v2;
	v6 =	vmul.f32 v6, v23  }
0x2d9: {  	v12 =	vld.idx.msk [tilespmem:v46+s5+$0x0], $0xffff;
	v4 =	vadd.f32 v8, v4  }
0x2da: {  	v46 =	vld [tilespmem:s19+$0xFFFFF800];
	v2 =	vadd.f32 v6, v2  }
0x2db: {  	v10 =	vadd.s32 $0x8000, v33;
	v8 =	vld.idx.msk [tilespmem:v11+s5+$0x0], $0xffff;
	[tilespmem:s29+$0xFFFFF800] =	vst v4;
	v4 =	vmul.f32 v9, v50  }
0x2dc: {  	v59 =	vadd.s32 $0x8000, v31;
	v60 =	vmul.f32 v5, v48;
	v11 =	vmul.f32 v0, v44;
	v44 =	vld [tilespmem:s19+$0xFFFFF7E0];
	[tilespmem:s30+$0xFFFFEFD0] =	vst v2  }
0x2dd: {  	v2 =	vmul.f32 v7, v24;
	v7 =	vmul.f32 v7, v9;
	v6 =	vld.idx.msk [tilespmem:v58+s5+$0x0], $0xffff;
	v4 =	vadd.f32 v4, v21  }
0x2de: {  	v0 =	vmul.f32 v0, v5;
	v5 =	vadd.f32 v60, v45;
	v3 =	vld.idx.msk [tilespmem:v3+s5+$0x0], $0xffff  }
0x2df: {  	v45 =	vld [tilespmem:s19+$0xFFFFFFE0];
	v9 =	vadd.s32 $0xC000, v17;
	v7 =	vmul.f32 v7, v29;
	v2 =	vadd.f32 v2, v4  }
0x2e0: {  	v1 =	vadd.s32 $0xC000, v1;
	v10 =	vld.idx.msk [tilespmem:v10+s5+$0x0], $0xffff;
	v4 =	vmul.f32 v8, v26  }
0x2e1: {  	v15 =	vmul.f32 v12, v19;
	v13 =	vld.idx.msk [tilespmem:v59+s5+$0x0], $0xffff;
	v7 =	vadd.f32 v7, v2  }
0x2e2: {  	v8 =	vmul.f32 v12, v8;
	v2 =	vld.idx.msk [tilespmem:v42+s5+$0x0], $0xffff;
	v61 =	vadd.f32 v4, v25;
	v62 =	vmul.f32 v6, v55  }
0x2e3: {  	v63 =	vadd.s32 $0xC000, v56;
	v4 =	vld.idx.msk [tilespmem:v46+s5+$0x0], $0xffff;
	v6 =	vmul.f32 v3, v6;
	v3 =	vmul.f32 v3, v53;
	[tilespmem:s29+$0xFFFFF7E0] =	vst v7  }
0x2e4: {  	v7 =	vmul.f32 v8, v20;
	v8 =	vadd.f32 v15, v61;
	v48 =	vld.idx.msk [tilespmem:v9+s5+$0x0], $0xffff;
	v9 =	vadd.f32 v62, v52  }
0x2e5: {  	v0 =	vmul.f32 v0, v49;
	v5 =	vadd.f32 v11, v5;
	v49 =	vld.idx.msk [tilespmem:v1+s5+$0x0], $0xffff;
	v1 =	vadd.s32 $0xC000, v54  }
0x2e6: {  	v11 =	vmul.f32 v6, v51;
	v6 =	vld.idx.msk [tilespmem:v43+s5+$0x0], $0xffff;
	v7 =	vadd.f32 v7, v8;
	v9 =	vadd.f32 v3, v9  }
0x2e7: {  	v0 =	vadd.f32 v0, v5;
	v17 =	vmul.f32 v10, v30;
	v3 =	vld.idx.msk [tilespmem:v41+s5+$0x0], $0xffff  }
0x2e8: {  	v53 =	vmul.f32 v10, v13;
	[tilespmem:s29+$0xFFFFF7F0] =	vst v7;
	v7 =	vld.idx.msk [tilespmem:v44+s5+$0x0], $0xffff;
	v5 =	vadd.f32 v11, v9  }
0x2e9: {  	[tilespmem:s29+$0xFFFFFFD0] =	vst v0;
	v8 =	vmul.f32 v2, v39;
	v9 =	vmul.f32 v4, v38;
	v0 =	vld.idx.msk [tilespmem:v63+s5+$0x0], $0xffff  }
0x2ea: {  	s28 =	sadd.s32 $0x1, s28;
	s13 =	simm.s32 $0x158B0;
	v52 =	vmul.f32 v48, v50;
	v1 =	vld.idx.msk [tilespmem:v1+s5+$0x0], $0xffff;
	[tilespmem:s29+$0x0] =	vst v5;
	v5 =	vmul.f32 v13, v28  }
.LBB2_7:
0x2eb: {  	s7 =	sadd.s32 $0x40, s7;
	v10 =	vld.idx.msk [tilespmem:v45+s5+$0x0], $0xffff;
	v11 =	vadd.s32 $0x4000, v45;
	v9 =	vadd.f32 v9, v37;
	v4 =	vmul.f32 v2, v4  }
0x2ec: {  	v12 =	vadd.s32 $0x4000, v46;
	v13 =	vadd.s32 $0x4000, v42;
	v14 =	vmul.f32 v49, v24;
	v24 =	vmovc v18;
	s17 =	sand.u32 $0x7C0, s7;
	p1 =	slt.u32 s7, $0x7C0;
	v18 =	vld [tilespmem:s13+$0xFFFFF7E0]  }
0x2ed: {  	v15 =	vmul.f32 v6, v47;
	v5 =	vadd.f32 v5, v27;
	v2 =	vld [tilespmem:s17+$0x11000];
	v8 =	vadd.f32 v8, v9  }
0x2ee: {  	v9 =	vadd.s32 $0xC000, v33;
	v16 =	vmul.f32 v7, v34;
	v4 =	vmul.f32 v4, v32;
	v33 =	vld [tilespmem:s17+$0x11800]  }
0x2ef: {  	v6 =	vmul.f32 v3, v6;
	v15 =	vadd.f32 v15, v40;
	v5 =	vadd.f32 v17, v5;
	v54 =	vld [tilespmem:s15+$0xFFFFFFE0];
	s15 =	smov.u32 s13  }
0x2f0: {  	v55 =	vmul.f32 v0, v26;
	v26 =	vmovc v47;
	v16 =	vadd.f32 v16, v36;
	v0 =	vmul.f32 v1, v0;
	v50 =	vld [tilespmem:s13+$0xFFFFFFD0]  }
0x2f1: {  	v6 =	vmul.f32 v6, v35;
	v4 =	vadd.f32 v4, v8;
	v47 =	vmul.f32 v10, v24;
	v51 =	vld [tilespmem:s13+$0xFFFFE7D0]  }
0x2f2: {  	v8 =	vadd.f32 v52, v21;
	v21 =	vmovc v36;
	v7 =	vmul.f32 v10, v7;
	v10 =	vadd.f32 v55, v25;
	v17 =	vld [tilespmem:s13+$0xFFFFEFD0]  }
0x2f3: {  	v3 =	vmul.f32 v3, v22;
	v25 =	vmovc v40;
	v16 =	vadd.f32 v47, v16;
	v47 =	vadd.s32 $0x4000, v43;
	v36 =	vld [tilespmem:s13+$0xFFFFF7F0];
	[tilespmem:s30+$0xFFFFE800] =	vst v4  }
0x2f4: {  	v40 =	vmul.f32 v49, v48;
	v4 =	vmul.f32 v7, v54;
	v7 =	vadd.s32 $0x4000, v44;
	v12 =	vld.idx.msk [tilespmem:v12+s5+$0x0], $0xffff  }
0x2f5: {  	v3 =	vadd.f32 v3, v15;
	v1 =	vmul.f32 v1, v19;
	v49 =	vmul.f32 v53, v23;
	v48 =	vld.idx.msk [tilespmem:v2+s5+$0x0], $0xffff  }
0x2f6: {  	v0 =	vmul.f32 v0, v20;
	v15 =	vmul.f32 v40, v29;
	v4 =	vadd.f32 v4, v16;
	v13 =	vld.idx.msk [tilespmem:v13+s5+$0x0], $0xffff  }
0x2f7: {  	v3 =	vadd.f32 v6, v3;
	v6 =	vadd.s32 $0x4000, v41;
	v8 =	vadd.f32 v14, v8;
	v29 =	vmovc v54;
	v16 =	vld.idx.msk [tilespmem:v33+s5+$0x0], $0xffff  }
0x2f8: {  	v19 =	vmovc v22;
	v5 =	vadd.f32 v49, v5;
	v1 =	vadd.f32 v1, v10;
	v14 =	vld [tilespmem:s13+$0xFFFFF7D0];
	[tilespmem:s30+$0xFFFFE7E0] =	vst v4;
	v22 =	vmov v36  }
0x2f9: {  	v20 =	vmov v35;
	v4 =	vld.idx.msk [tilespmem:v7+s5+$0x0], $0xffff;
	[tilespmem:s30+$0xFFFFE7F0] =	vst v3;
	v3 =	vadd.f32 v15, v8  }
0x2fa: {  	v0 =	vadd.f32 v0, v1;
	v7 =	vmul.f32 v12, v38;
	[tilespmem:s30+$0xFFFFF7D0] =	vst v5;
	v5 =	vld.idx.msk [tilespmem:v11+s5+$0x0], $0xffff  }
0x2fb: {  	v10 =	vadd.s32 $0x8000, v42;
	v1 =	vmul.f32 v48, v17;
	v8 =	vld.idx.msk [tilespmem:v9+s5+$0x0], $0xffff;
	v9 =	vadd.s32 $0x8000, v46;
	[tilespmem:s29+$0xFFFFFFE0] =	vst v3  }
0x2fc: {  	v3 =	vadd.f32 v7, v37;
	v7 =	vmul.f32 v13, v39;
	v11 =	vmul.f32 v13, v12;
	v36 =	vld [tilespmem:s13+$0xFFFFE7E0];
	[tilespmem:s29+$0xFFFFFFF0] =	vst v0;
	s29 =	smov.u32 s30  }
0x2fd: {  	v0 =	vadd.f32 v1, v51;
	v12 =	vmul.f32 v16, v48;
	v1 =	vmul.f32 v16, v14;
	v13 =	vld.idx.msk [tilespmem:v47+s5+$0x0], $0xffff  }
0x2fe: {  	v15 =	vadd.s32 $0x4000, v2;
	v3 =	vadd.f32 v7, v3;
	v7 =	vmul.f32 v11, v32;
	v6 =	vld.idx.msk [tilespmem:v6+s5+$0x0], $0xffff  }
0x2ff: {  	v11 =	vmul.f32 v4, v34;
	v0 =	vadd.f32 v1, v0;
	v1 =	vmul.f32 v12, v50;
	v35 =	vld [tilespmem:s13+$0xFFFFFFF0]  }
0x300: {  	v12 =	vadd.s32 $0x4000, v33;
	v4 =	vmul.f32 v5, v4;
	v3 =	vadd.f32 v7, v3;
	v40 =	vld [tilespmem:s13+$0xFFFFE7F0]  }
0x301: {  	v5 =	vmul.f32 v5, v24;
	v7 =	vadd.f32 v11, v21;
	v0 =	vadd.f32 v1, v0;
	v52 =	vld [tilespmem:s13+$0x0]  }
0x302: {  	s30 =	sadd.s32 $0x40, s30;
	v4 =	vmul.f32 v4, v29;
	v1 =	vld [tilespmem:s13+$0xFFFFEFE0];
	[tilespmem:s29+$0xFFFFF000] =	vst v3  }
0x303: {  	v3 =	vmul.f32 v13, v26;
	[tilespmem:s30+$0xFFFFE7D0] =	vst v0;
	v0 =	vadd.f32 v5, v7;
	v5 =	vld.idx.msk [tilespmem:v9+s5+$0x0], $0xffff  }
0x304: {  	v9 =	vadd.s32 $0xC000, v31;
	v11 =	vmul.f32 v6, v13;
	v31 =	vmov v2;
	v7 =	vld.idx.msk [tilespmem:v15+s5+$0x0], $0xffff  }
0x305: {  	v2 =	vadd.f32 v3, v25;
	v3 =	vmul.f32 v6, v19;
	v0 =	vadd.f32 v4, v0;
	v4 =	vld.idx.msk [tilespmem:v10+s5+$0x0], $0xffff  }
0x306: {  	v10 =	vmul.f32 v8, v30;
	v30 =	vmov v14;
	v6 =	vld.idx.msk [tilespmem:v12+s5+$0x0], $0xffff;
	v12 =	vadd.s32 $0x8000, v44  }
0x307: {  	v2 =	vadd.f32 v3, v2;
	v3 =	vmul.f32 v11, v20;
	v47 =	vld [tilespmem:s13+$0xFFFFEFF0];
	[tilespmem:s29+$0xFFFFEFE0] =	vst v0;
	v0 =	vadd.s32 $0x8000, v45  }
0x308: {  	v11 =	vld [tilespmem:s13+$0xFFFFE800]  }
0x309: {  	v2 =	vadd.f32 v3, v2;
	v3 =	vmul.f32 v5, v38;
	v13 =	vld [tilespmem:s13+$0xFFFFF000]  }
0x30a: {  	v16 =	vadd.s32 $0x8000, v41;
	v15 =	vadd.s32 $0x8000, v43;
	v14 =	vmul.f32 v7, v17;
	v9 =	vld.idx.msk [tilespmem:v9+s5+$0x0], $0xffff  }
0x30b: {  	v3 =	vadd.f32 v3, v37;
	v48 =	vmul.f32 v4, v39;
	v4 =	vmul.f32 v4, v5;
	v12 =	vld.idx.msk [tilespmem:v12+s5+$0x0], $0xffff  }
0x30c: {  	v5 =	vadd.f32 v14, v51;
	v14 =	vmul.f32 v6, v30;
	v6 =	vmul.f32 v6, v7;
	v0 =	vld.idx.msk [tilespmem:v0+s5+$0x0], $0xffff  }
0x30d: {  	s19 =	sadd.s32 $0x40, s19;
	v3 =	vadd.f32 v48, v3;
	v4 =	vmul.f32 v4, v32;
	v48 =	vadd.s32 $0xC000, v46;
	v7 =	vld [tilespmem:s13+$0xFFFFF800]  }
0x30e: {  	v5 =	vadd.f32 v14, v5;
	v6 =	vmul.f32 v6, v50;
	[tilespmem:s29+$0xFFFFEFF0] =	vst v2;
	v2 =	vadd.s32 $0xC000, v42;
	v42 =	vld [tilespmem:s19+$0x0]  }
0x30f: {  	v14 =	vadd.s32 $0x8000, v33;
	v3 =	vadd.f32 v4, v3;
	v16 =	vld.idx.msk [tilespmem:v16+s5+$0x0], $0xffff  }
0x310: {  	v4 =	vmul.f32 v9, v28;
	v8 =	vmul.f32 v8, v9;
	v28 =	vmov v17;
	v9 =	vld.idx.msk [tilespmem:v15+s5+$0x0], $0xffff  }
0x311: {  	v5 =	vadd.f32 v6, v5;
	v6 =	vmul.f32 v12, v34;
	v46 =	vld [tilespmem:s19+$0xFFFFF800];
	[tilespmem:s29+$0xFFFFF800] =	vst v3  }
0x312: {  	v3 =	vadd.f32 v4, v27;
	v4 =	vmul.f32 v0, v24;
	v0 =	vmul.f32 v0, v12;
	v12 =	vld.idx.msk [tilespmem:v48+s5+$0x0], $0xffff  }
0x313: {  	v6 =	vadd.f32 v6, v21;
	[tilespmem:s30+$0xFFFFEFD0] =	vst v5;
	v5 =	vmul.f32 v8, v23;
	v8 =	vld.idx.msk [tilespmem:v2+s5+$0x0], $0xffff;
	v23 =	vmov v50  }
0x314: {  	v27 =	vmov v51;
	v2 =	vadd.f32 v10, v3;
	v0 =	vmul.f32 v0, v29;
	v14 =	vld.idx.msk [tilespmem:v14+s5+$0x0], $0xffff  }
0x315: {  	v4 =	vadd.f32 v4, v6;
	v6 =	vmul.f32 v16, v19;
	v3 =	vld [tilespmem:s19+$0xFFFFFFF0]  }
0x316: {  	v15 =	vadd.s32 $0xC000, v44;
	v5 =	vadd.f32 v5, v2;
	v17 =	vmul.f32 v9, v26;
	v10 =	vld [tilespmem:s19+$0xFFFFF7F0]  }
0x317: {  	v49 =	vadd.s32 $0x8000, v31;
	v9 =	vmul.f32 v16, v9;
	v0 =	vadd.f32 v0, v4;
	v44 =	vld [tilespmem:s19+$0xFFFFF7E0]  }
0x318: {  	v16 =	vadd.f32 v17, v25;
	v17 =	vmul.f32 v12, v38;
	v2 =	vld.idx.msk [tilespmem:v42+s5+$0x0], $0xffff;
	[tilespmem:s29+$0xFFFFFFD0] =	vst v5;
	v5 =	vadd.s32 $0xC000, v45  }
0x319: {  	v38 =	vmov v13;
	v4 =	vld.idx.msk [tilespmem:v46+s5+$0x0], $0xffff;
	[tilespmem:s29+$0xFFFFF7E0] =	vst v0;
	v0 =	vmul.f32 v9, v20;
	v9 =	vmul.f32 v8, v12  }
0x31a: {  	v6 =	vadd.f32 v6, v16;
	v12 =	vadd.f32 v17, v37;
	v8 =	vmul.f32 v8, v39;
	v37 =	vmovc v11;
	v45 =	vld [tilespmem:s19+$0xFFFFFFE0]  }
0x31b: {  	v17 =	vmul.f32 v14, v30;
	v11 =	vadd.s32 $0xC000, v43;
	v39 =	vmovc v7;
	v48 =	vld.idx.msk [tilespmem:v15+s5+$0x0], $0xffff;
	v43 =	vmov v10  }
0x31c: {  	v0 =	vadd.f32 v0, v6;
	v7 =	vadd.f32 v8, v12;
	v9 =	vmul.f32 v9, v32;
	v13 =	vld.idx.msk [tilespmem:v49+s5+$0x0], $0xffff  }
0x31d: {  	v12 =	vadd.s32 $0xC000, v41;
	v32 =	vmov v52;
	v41 =	vmov v3;
	v49 =	vld.idx.msk [tilespmem:v5+s5+$0x0], $0xffff  }
.Ltmp2:
0x31e: {  	v8 =	vmul.f32 v2, v39;
	v6 =	vld.idx.msk [tilespmem:v10+s5+$0x0], $0xffff;
	[tilespmem:s29+$0xFFFFF7F0] =	vst v0;
	v0 =	vadd.f32 v9, v7;
	(pc) =	sbr.rel @p1 .LBB2_7-.Ltmp2, $4  }
0x31f: {  	v3 =	vld.idx.msk [tilespmem:v3+s5+$0x0], $0xffff  }
0x320: {  	v7 =	vld.idx.msk [tilespmem:v44+s5+$0x0], $0xffff;
	[tilespmem:s29+$0x0] =	vst v0  }
0x321: {  	v9 =	vmul.f32 v4, v38;
	v52 =	vmul.f32 v48, v34;
	v34 =	vmov v1;
	v0 =	vld.idx.msk [tilespmem:v11+s5+$0x0], $0xffff  }
0x322: {  	s13 =	sadd.s32 $0x40, s13;
	v5 =	vmul.f32 v13, v28;
	v53 =	vmul.f32 v14, v13;
	v1 =	vld.idx.msk [tilespmem:v12+s5+$0x0], $0xffff  }
0x323: {  	_ =	sdelay $0x2  }
0x324: {  	v9 =	vadd.f32 v9, v37;
	v2 =	vmul.f32 v2, v4  }
0x325: {  	v10 =	vld.idx.msk [tilespmem:v45+s5+$0x0], $0xffff;
	v16 =	vadd.s32 $0x4000, v46  }
0x326: {  	v12 =	vmul.f32 v6, v47;
	v8 =	vadd.f32 v8, v9;
	v2 =	vmul.f32 v2, v32  }
0x327: {  	v50 =	vld [tilespmem:s15+$0xFFFFFFE0];
	v11 =	vadd.s32 $0x4000, v42;
	v58 =	vmul.f32 v3, v6;
	v51 =	vmul.f32 v7, v34  }
0x328: {  	v59 =	vmul.f32 v3, v22;
	v57 =	vadd.f32 v12, v40;
	v2 =	vadd.f32 v2, v8  }
0x329: {  	v62 =	vadd.s32 $0x4000, v43;
	v6 =	vmul.f32 v58, v35;
	v54 =	vadd.f32 v51, v36  }
0x32a: {  	v3 =	vadd.f32 v59, v57;
	v55 =	vmul.f32 v10, v18;
	v56 =	vmul.f32 v10, v7;
	[tilespmem:s30+$0xFFFFE800] =	vst v2  }
0x32b: {  	v61 =	vadd.s32 $0x4000, v44;
	v13 =	vadd.s32 $0x4000, v41;
	v4 =	vld.idx.msk [tilespmem:v16+s5+$0x0], $0xffff  }
0x32c: {  	v3 =	vadd.f32 v6, v3;
	v60 =	vadd.f32 v55, v54;
	v7 =	vmul.f32 v56, v50  }
0x32d: {  	v63 =	vadd.s32 $0x4000, v45;
	v12 =	vld.idx.msk [tilespmem:v11+s5+$0x0], $0xffff  }
0x32e: {  	[tilespmem:s30+$0xFFFFE7F0] =	vst v3;
	v2 =	vadd.f32 v7, v60  }
0x32f: {  	v15 =	vld.idx.msk [tilespmem:v62+s5+$0x0], $0xffff  }
0x330: {  	v6 =	vld.idx.msk [tilespmem:v13+s5+$0x0], $0xffff;
	[tilespmem:s30+$0xFFFFE7E0] =	vst v2;
	v14 =	vmul.f32 v4, v38  }
0x331: {  	v2 =	vld.idx.msk [tilespmem:v61+s5+$0x0], $0xffff  }
0x332: {  	v16 =	vld.idx.msk [tilespmem:v63+s5+$0x0], $0xffff;
	v51 =	vmul.f32 v12, v39;
	v4 =	vmul.f32 v12, v4;
	v3 =	vadd.f32 v14, v37  }
0x333: {  	v54 =	vadd.s32 $0x8000, v46  }
0x334: {  	v4 =	vmul.f32 v4, v32;
	v57 =	vmul.f32 v15, v47;
	v3 =	vadd.f32 v51, v3  }
0x335: {  	v56 =	vadd.s32 $0x8000, v42;
	v58 =	vmul.f32 v6, v15;
	v6 =	vmul.f32 v6, v22  }
0x336: {  	v55 =	vmul.f32 v2, v34;
	v3 =	vadd.f32 v4, v3;
	v4 =	vadd.f32 v57, v40  }
0x337: {  	v61 =	vadd.s32 $0x8000, v43;
	v2 =	vmul.f32 v16, v2;
	v9 =	vmul.f32 v16, v18  }
0x338: {  	v10 =	vadd.f32 v55, v36;
	[tilespmem:s30+$0xFFFFF000] =	vst v3;
	v4 =	vadd.f32 v6, v4;
	v3 =	vmul.f32 v58, v35  }
0x339: {  	v60 =	vadd.s32 $0x8000, v44;
	v16 =	vadd.s32 $0x8000, v41  }
0x33a: {  	v2 =	vmul.f32 v2, v50;
	v59 =	vadd.f32 v9, v10;
	v3 =	vadd.f32 v3, v4  }
0x33b: {  	v63 =	vadd.s32 $0x8000, v45;
	v7 =	vld.idx.msk [tilespmem:v54+s5+$0x0], $0xffff  }
0x33c: {  	v5 =	vadd.f32 v5, v27;
	v62 =	vld.idx.msk [tilespmem:v56+s5+$0x0], $0xffff;
	v2 =	vadd.f32 v2, v59;
	[tilespmem:s30+$0xFFFFEFF0] =	vst v3  }
0x33d: {  	v51 =	vmul.f32 v0, v26;
	v6 =	vld.idx.msk [tilespmem:v61+s5+$0x0], $0xffff  }
0x33e: {  	v11 =	vadd.s32 $0xC000, v33;
	v33 =	vadd.f32 v17, v5;
	[tilespmem:s30+$0xFFFFEFE0] =	vst v2;
	v4 =	vld.idx.msk [tilespmem:v16+s5+$0x0], $0xffff  }
0x33f: {  	v13 =	vmul.f32 v53, v23;
	v26 =	vmul.f32 v49, v48;
	v5 =	vadd.f32 v51, v25;
	v9 =	vld.idx.msk [tilespmem:v60+s5+$0x0], $0xffff  }
0x340: {  	v57 =	vadd.s32 $0xC000, v46;
	v2 =	vmul.f32 v49, v24;
	v24 =	vmul.f32 v7, v38;
	v53 =	vld.idx.msk [tilespmem:v63+s5+$0x0], $0xffff  }
0x341: {  	v25 =	vadd.s32 $0xC000, v43;
	v56 =	vadd.s32 $0xC000, v31;
	v7 =	vmul.f32 v62, v7  }
0x342: {  	v3 =	vadd.f32 v13, v33;
	v14 =	vmul.f32 v62, v39;
	v12 =	vadd.f32 v24, v37  }
0x343: {  	v16 =	vadd.s32 $0xC000, v42;
	v7 =	vmul.f32 v7, v32;
	v58 =	vmul.f32 v6, v47  }
0x344: {  	v12 =	vadd.f32 v14, v12;
	v61 =	vmul.f32 v4, v22;
	v15 =	vmul.f32 v9, v34  }
0x345: {  	v4 =	vmul.f32 v4, v6;
	v59 =	vmul.f32 v53, v18;
	v62 =	vadd.f32 v58, v40  }
0x346: {  	v8 =	vmul.f32 v53, v9;
	v7 =	vadd.f32 v7, v12;
	v60 =	vadd.f32 v15, v36  }
0x347: {  	v55 =	vadd.f32 v52, v21;
	[tilespmem:s30+$0xFFFFF7D0] =	vst v3;
	v4 =	vmul.f32 v4, v35;
	v6 =	vadd.f32 v61, v62  }
0x348: {  	v21 =	vadd.s32 $0xC000, v44;
	v24 =	vld.idx.msk [tilespmem:v56+s5+$0x0], $0xffff;
	v63 =	vmul.f32 v8, v50;
	[tilespmem:s30+$0xFFFFF800] =	vst v7;
	v17 =	vadd.f32 v59, v60  }
0x349: {  	v41 =	vadd.s32 $0xC000, v41;
	v54 =	vmul.f32 v1, v0;
	v14 =	vld.idx.msk [tilespmem:v57+s5+$0x0], $0xffff;
	v4 =	vadd.f32 v4, v6  }
0x34a: {  	v31 =	vadd.s32 $0xC000, v45;
	v33 =	vmul.f32 v1, v19;
	v11 =	vld.idx.msk [tilespmem:v11+s5+$0x0], $0xffff;
	v3 =	vadd.f32 v63, v17  }
0x34b: {  	v0 =	vmul.f32 v54, v20;
	v13 =	vmul.f32 v26, v29;
	v42 =	vld.idx.msk [tilespmem:v16+s5+$0x0], $0xffff;
	[tilespmem:s30+$0xFFFFF7F0] =	vst v4  }
0x34c: {  	v1 =	vadd.f32 v33, v5;
	v2 =	vadd.f32 v2, v55;
	[tilespmem:s30+$0xFFFFF7E0] =	vst v3;
	v44 =	vld.idx.msk [tilespmem:v25+s5+$0x0], $0xffff  }
0x34d: {  	v43 =	vmul.f32 v24, v28;
	v3 =	vld.idx.msk [tilespmem:v21+s5+$0x0], $0xffff  }
0x34e: {  	v0 =	vadd.f32 v0, v1;
	v2 =	vadd.f32 v13, v2;
	v6 =	vld.idx.msk [tilespmem:v41+s5+$0x0], $0xffff;
	v45 =	vmul.f32 v14, v38  }
0x34f: {  	v48 =	vmul.f32 v11, v30;
	v49 =	vmul.f32 v11, v24;
	v4 =	vadd.f32 v43, v27;
	v46 =	vld.idx.msk [tilespmem:v31+s5+$0x0], $0xffff  }
0x350: {  	v51 =	vmul.f32 v42, v14;
	v52 =	vmul.f32 v42, v39;
	v1 =	vadd.f32 v45, v37  }
0x351: {  	v9 =	vmul.f32 v49, v23;
	v4 =	vadd.f32 v48, v4;
	v54 =	vmul.f32 v44, v47  }
0x352: {  	v10 =	vmul.f32 v51, v32;
	v1 =	vadd.f32 v52, v1;
	v53 =	vmul.f32 v3, v34  }
0x353: {  	v5 =	vmul.f32 v6, v44;
	v6 =	vmul.f32 v6, v22;
	v56 =	vadd.f32 v54, v40  }
0x354: {  	v55 =	vmul.f32 v46, v18;
	v3 =	vmul.f32 v46, v3;
	v8 =	vadd.f32 v53, v36  }
0x355: {  	[tilespmem:s29+$0xFFFFFFF0] =	vst v0;
	v57 =	vadd.f32 v9, v4;
	v60 =	vmul.f32 v5, v35;
	v61 =	vadd.f32 v6, v56  }
0x356: {  	[tilespmem:s29+$0xFFFFFFE0] =	vst v2;
	v59 =	vadd.f32 v10, v1;
	v3 =	vmul.f32 v3, v50;
	v58 =	vadd.f32 v55, v8  }
0x357: {  	[tilespmem:s30+$0xFFFFFFD0] =	vst v57;
	v63 =	vadd.f32 v60, v61  }
0x358: {  	[tilespmem:s30+$0x0] =	vst v59;
	v62 =	vadd.f32 v3, v58  }
0x359: {  	s7 =	sor.u32 s6, s26;
	s13 =	rddreg [dreg:$0x3];
	[tilespmem:s30+$0xFFFFFFF0] =	vst v63  }
0x35a: {  	s20 =	simm.s32 $0x18000;
	s13 =	sadd.s32 s13, s7;
	[tilespmem:s30+$0xFFFFFFE0] =	vst v62  }
0x35b: {  	[hbm4b:s13+s10] =	stream.strided.scatter [tilespmem:s20], [sflag:$0x6], $0x800, s11, s10, $0x38;
	[tilespmem:$0x1B800] =	vst v63  }
0x35c: {  	p1 =	sne.s32 s28, $0x4;
	s26 =	sadd.s32 s7, s22;
	s29 =	simm.s32 $0x18800  }
0x35d: {  	[hbm4b:s26+s10] =	stream.strided.scatter [tilespmem:s29], [sflag:$0x6], $0x800, s11, s10, $0x38;
	[tilespmem:$0x1B800] =	vst v63  }
.Ltmp3:
0x35e: {  	_ = 	snop;
	(pc) =	sbr.rel @p1 .LBB2_4-.Ltmp3, $4  }
0x35f: {  	s30 =	sadd.s32 s7, s23  }
0x360: {  	[hbm4b:s30+s10] =	stream.strided.scatter [tilespmem:s25], [sflag:$0x6], $0x800, s11, s10, $0x38;
	[tilespmem:$0x1B800] =	vst v63  }
0x361: {  	s7 =	sadd.s32 s7, s24  }
0x362: {  	[hbm4b:s7+s10] =	stream.strided.scatter [tilespmem:s2], [sflag:$0x6], $0x800, s11, s10, $0x38;
	[tilespmem:$0x1B800] =	vst v63  }
0x363: {  	s28 =	simm.s32 $0x0;
	s7 =	rddreg [dreg:$0x16]  }
0x364: {  	[tilespmem:s28], [sflag:$0x1] =	stream.strided.gather [hbm4b:s7+s10], $0x4000, s11, s10, $0x38;
	[tilespmem:$0x1B800] =	vst v63  }
0x365: {  	s26 =	rddreg [dreg:$0x17];
	s13 =	simm.s32 $0x4000  }
0x366: {  	[tilespmem:s13], [sflag:$0x1] =	stream.strided.gather [hbm4b:s26+s10], $0x4000, s11, s10, $0x38;
	[tilespmem:$0x1B800] =	vst v63  }
0x367: {  	s29 =	rddreg [dreg:$0x18];
	s30 =	simm.s32 $0x8000  }
0x368: {  	[tilespmem:s30], [sflag:$0x1] =	stream.strided.gather [hbm4b:s29+s10], $0x4000, s11, s10, $0x38;
	[tilespmem:$0x1B800] =	vst v63  }
0x369: {  	s15 =	rddreg [dreg:$0x19];
	s17 =	simm.s32 $0xC000  }
0x36a: {  	[tilespmem:s17], [sflag:$0x1] =	stream.strided.gather [hbm4b:s15+s10], $0x4000, s11, s10, $0x38;
	[tilespmem:$0x1B800] =	vst v63  }
0x36b: {  	s19 =	simm.s32 $0x10000  }
0x36c: {  	[tilespmem:s19], [sflag:$0x3] =	stream.linear.gather [spmem:s3], $0x800, $0x38;
	[tilespmem:$0x1B800] =	vst v63  }
0x36d: {  	s20 =	rddreg [dreg:$0xc];
	s26 =	simm.s32 $0x10800  }
0x36e: {  	[tilespmem:s26], [sflag:$0x3] =	stream.linear.gather [spmem:s20], $0x800, $0x38;
	[tilespmem:$0x1B800] =	vst v63  }
0x36f: {  	_ = 	snop  }
0x370: {  	[tilespmem:s12], [sflag:$0x3] =	stream.linear.gather [spmem:s4], $0x800, $0x38;
	[tilespmem:$0x1B800] =	vst v63  }
0x371: {  	s29 =	rddreg [dreg:$0x12];
	s30 =	simm.s32 $0x12800  }
0x372: {  	[tilespmem:s30], [sflag:$0x3] =	stream.linear.gather [spmem:s29], $0x800, $0x38;
	[tilespmem:$0x1B800] =	vst v63  }
0x373: {  	s15 =	rddreg [dreg:$0x13];
	s17 =	simm.s32 $0x13000  }
0x374: {  	[tilespmem:s17], [sflag:$0x3] =	stream.linear.gather [spmem:s15], $0x800, $0x38;
	[tilespmem:$0x1B800] =	vst v63  }
0x375: {  	s19 =	rddreg [dreg:$0x14];
	s20 =	simm.s32 $0x13800;
	s26 =	simm.s32 $0x5  }
0x376: {  	[tilespmem:s20], [sflag:$0x3] =	stream.linear.gather [spmem:s19], $0x800, $0x38;
	[tilespmem:$0x1B800] =	vst v63  }
0x377: {  	_ =	swait.ge [sflag:s26], $0x800  }
0x378: {  	[sflag:s26] =	ssyncset.done $0x0  }
0x379: {  	[sflag:s26] =	ssyncadd.s32 $0xFFFFF800  }
0x37a: {  	_ =	swait.ge [sflag:s26], $0x800  }
0x37b: {  	[sflag:s26] =	ssyncset.done $0x0  }
0x37c: {  	[sflag:s26] =	ssyncadd.s32 $0xFFFFF800  }
0x37d: {  	_ =	swait.ge [sflag:s26], $0x800  }
0x37e: {  	[sflag:s26] =	ssyncset.done $0x0  }
0x37f: {  	[sflag:s26] =	ssyncadd.s32 $0xFFFFF800  }
0x380: {  	_ =	swait.ge [sflag:s26], $0x800  }
0x381: {  	[sflag:s26] =	ssyncset.done $0x0  }
0x382: {  	s29 =	simm.s32 $0x6;
	[sflag:s26] =	ssyncadd.s32 $0xFFFFF800  }
0x383: {  	_ =	swait.ge [sflag:s29], $0x800  }
0x384: {  	[sflag:s29] =	ssyncset.done $0x0  }
0x385: {  	[sflag:s29] =	ssyncadd.s32 $0xFFFFF800  }
0x386: {  	_ =	swait.ge [sflag:s29], $0x800  }
0x387: {  	[sflag:s29] =	ssyncset.done $0x0  }
0x388: {  	[sflag:s29] =	ssyncadd.s32 $0xFFFFF800  }
0x389: {  	_ =	swait.ge [sflag:s29], $0x800  }
0x38a: {  	[sflag:s29] =	ssyncset.done $0x0  }
0x38b: {  	[sflag:s29] =	ssyncadd.s32 $0xFFFFF800  }
0x38c: {  	_ =	swait.ge [sflag:s29], $0x800  }
0x38d: {  	[sflag:s29] =	ssyncset.done $0x0  }
0x38e: {  	s30 =	simm.s32 $0x1;
	[sflag:s29] =	ssyncadd.s32 $0xFFFFF800  }
0x38f: {  	_ =	swait.ge [sflag:s30], $0x4000  }
0x390: {  	[sflag:s30] =	ssyncset.done $0x0  }
0x391: {  	[sflag:s30] =	ssyncadd.s32 $0xFFFFC000  }
0x392: {  	_ =	swait.ge [sflag:s30], $0x4000  }
0x393: {  	[sflag:s30] =	ssyncset.done $0x0  }
0x394: {  	[sflag:s30] =	ssyncadd.s32 $0xFFFFC000  }
0x395: {  	_ =	swait.ge [sflag:s30], $0x4000  }
0x396: {  	[sflag:s30] =	ssyncset.done $0x0  }
0x397: {  	[sflag:s30] =	ssyncadd.s32 $0xFFFFC000  }
0x398: {  	_ =	swait.ge [sflag:s30], $0x4000  }
0x399: {  	[sflag:s30] =	ssyncset.done $0x0  }
0x39a: {  	[sflag:s30] =	ssyncadd.s32 $0xFFFFC000  }
.LBB2_10:
0x39b: {  	s30 =	sshll.u32 s28, $0xC  }
0x39c: {  	s26 =	sor.u32 $0x800, s30  }
0x39d: {  	s13 =	simm.s32 $0x11000;
	s7 =	sadd.s32 s26, s3  }
0x39e: {  	[tilespmem:s13], [sflag:$0x4] =	stream.linear.gather [spmem:s7], $0x800, $0x38;
	[tilespmem:$0x1B800] =	vst v63  }
0x39f: {  	s7 =	sor.u32 $0x4800, s30  }
0x3a0: {  	s15 =	simm.s32 $0x11800;
	s17 =	sadd.s32 s7, s3  }
0x3a1: {  	[tilespmem:s15], [sflag:$0x4] =	stream.linear.gather [spmem:s17], $0x800, $0x38;
	[tilespmem:$0x1B800] =	vst v63  }
0x3a2: {  	s20 =	simm.s32 $0x14000;
	s19 =	sadd.s32 s26, s4  }
0x3a3: {  	[tilespmem:s20], [sflag:$0x4] =	stream.linear.gather [spmem:s19], $0x800, $0x38;
	[tilespmem:$0x1B800] =	vst v63  }
0x3a4: {  	s29 =	sadd.s32 s30, s4;
	s7 =	sadd.s32 s7, s4;
	s17 =	simm.s32 $0x14800  }
0x3a5: {  	[tilespmem:s17], [sflag:$0x4] =	stream.linear.gather [spmem:s7], $0x800, $0x38;
	[tilespmem:$0x1B800] =	vst v63  }
0x3a6: {  	s19 =	sadd.s32 $0x8800, s29;
	s20 =	simm.s32 $0x15000  }
0x3a7: {  	[tilespmem:s20], [sflag:$0x4] =	stream.linear.gather [spmem:s19], $0x800, $0x38;
	[tilespmem:$0x1B800] =	vst v63  }
0x3a8: {  	s15 =	sadd.s32 $0xC800, s29;
	s17 =	simm.s32 $0x15800  }
0x3a9: {  	[tilespmem:s17], [sflag:$0x4] =	stream.linear.gather [spmem:s15], $0x800, $0x38;
	[tilespmem:$0x1B800] =	vst v63  }
0x3aa: {  	_ =	swait.ge [sflag:s14], $0x800  }
0x3ab: {  	[sflag:s14] =	ssyncset.done $0x0  }
0x3ac: {  	[sflag:s14] =	ssyncadd.s32 $0xFFFFF800  }
0x3ad: {  	_ =	swait.ge [sflag:s14], $0x800  }
0x3ae: {  	[sflag:s14] =	ssyncset.done $0x0  }
0x3af: {  	[sflag:s14] =	ssyncadd.s32 $0xFFFFF800  }
0x3b0: {  	_ =	swait.ge [sflag:s14], $0x800  }
0x3b1: {  	[sflag:s14] =	ssyncset.done $0x0  }
0x3b2: {  	[sflag:s14] =	ssyncadd.s32 $0xFFFFF800  }
0x3b3: {  	_ =	swait.ge [sflag:s14], $0x800  }
0x3b4: {  	[sflag:s14] =	ssyncset.done $0x0  }
0x3b5: {  	[sflag:s14] =	ssyncadd.s32 $0xFFFFF800  }
0x3b6: {  	_ =	swait.ge [sflag:s14], $0x800  }
0x3b7: {  	[sflag:s14] =	ssyncset.done $0x0  }
0x3b8: {  	[sflag:s14] =	ssyncadd.s32 $0xFFFFF800  }
0x3b9: {  	_ =	swait.ge [sflag:s14], $0x800  }
0x3ba: {  	p1 =	seq.s32 s28, $0x0;
	[sflag:s14] =	ssyncset.done $0x0  }
0x3bb: {  	s7 =	simm.s32 @!p1 $0x5;
	[sflag:s14] =	ssyncadd.s32 $0xFFFFF800  }
0x3bc: {  	_ =	swait.ge @!p1 [sflag:s7], $0x800  }
0x3bd: {  	[sflag:s7] =	ssyncset.done @!p1 $0x0  }
0x3be: {  	[sflag:s7] =	ssyncadd.s32 @!p1 $0xFFFFF800  }
0x3bf: {  	_ =	swait.ge @!p1 [sflag:s7], $0x800  }
0x3c0: {  	[sflag:s7] =	ssyncset.done @!p1 $0x0  }
0x3c1: {  	[sflag:s7] =	ssyncadd.s32 @!p1 $0xFFFFF800  }
0x3c2: {  	_ =	swait.ge @!p1 [sflag:s7], $0x800  }
0x3c3: {  	[sflag:s7] =	ssyncset.done @!p1 $0x0  }
0x3c4: {  	[sflag:s7] =	ssyncadd.s32 @!p1 $0xFFFFF800  }
0x3c5: {  	_ =	swait.ge @!p1 [sflag:s7], $0x800  }
0x3c6: {  	[sflag:s7] =	ssyncset.done @!p1 $0x0  }
0x3c7: {  	s19 =	simm.s32 $0x13000;
	[sflag:s7] =	ssyncadd.s32 @!p1 $0xFFFFF800  }
0x3c8: {  	v33 =	vld [tilespmem:s19+$0xFFFFF010]  }
0x3c9: {  	v58 =	vld [tilespmem:s19+$0xFFFFF830]  }
0x3ca: {  	v56 =	vld [tilespmem:s19+$0x800]  }
0x3cb: {  	v35 =	vld [tilespmem:s19+$0x830]  }
0x3cc: {  	v22 =	vld [tilespmem:s19+$0x820]  }
0x3cd: {  	v59 =	vld [tilespmem:s19+$0x30]  }
0x3ce: {  	v29 =	vld [tilespmem:s19+$0xFFFFF030]  }
0x3cf: {  	v57 =	vld [tilespmem:s19+$0x810]  }
0x3d0: {  	v21 =	vld [tilespmem:s19+$0xFFFFF800]  }
0x3d1: {  	v37 =	vld [tilespmem:s19+$0xFFFFF020]  }
0x3d2: {  	v36 =	vld [tilespmem:s19+$0xFFFFF810]  }
0x3d3: {  	v39 =	vld [tilespmem:s19+$0x20]  }
0x3d4: {  	v38 =	vld [tilespmem:s19+$0xFFFFF820]  }
0x3d5: {  	v31 =	vld [tilespmem:s19+$0x10]  }
0x3d6: {  	s20 =	simm.s32 $0x10800;
	v1 =	vld [tilespmem:s19+$0x0]  }
0x3d7: {  	v17 =	vld [tilespmem:s20+$0x20]  }
0x3d8: {  	v18 =	vld [tilespmem:s20+$0x10]  }
0x3d9: {  	v54 =	vld [tilespmem:s20+$0xFFFFF810]  }
0x3da: {  	v62 =	vld [tilespmem:s20+$0x0]  }
0x3db: {  	v55 =	vld [tilespmem:s20+$0xFFFFF820]  }
0x3dc: {  	v60 =	vld [tilespmem:s20+$0xFFFFF800]  }
0x3dd: {  	v0 =	vld [tilespmem:s20+$0xFFFFF830]  }
0x3de: {  	s15 =	simm.s32 $0x13040;
	v2 =	vld [tilespmem:s20+$0x30]  }
0x3df: {  	v27 =	vld [tilespmem:s15+$0xFFFFF010]  }
0x3e0: {  	v24 =	vld [tilespmem:s15+$0xFFFFF830]  }
0x3e1: {  	v63 =	vld [tilespmem:s19+$0xFFFFF000]  }
0x3e2: {  	v20 =	vld [tilespmem:s15+$0x820]  }
0x3e3: {  	v3 =	vld.idx.msk [tilespmem:v17+s5+$0x0], $0xffff  }
0x3e4: {  	v4 =	vld.idx.msk [tilespmem:v18+s5+$0x0], $0xffff  }
0x3e5: {  	v5 =	vld.idx.msk [tilespmem:v54+s5+$0x0], $0xffff  }
0x3e6: {  	v9 =	vld.idx.msk [tilespmem:v0+s5+$0x0], $0xffff  }
0x3e7: {  	v7 =	vld.idx.msk [tilespmem:v55+s5+$0x0], $0xffff  }
0x3e8: {  	v10 =	vld.idx.msk [tilespmem:v2+s5+$0x0], $0xffff  }
0x3e9: {  	v19 =	vld [tilespmem:s15+$0x800];
	v14 =	vadd.s32 $0x4000, v18;
	v15 =	vadd.s32 $0x4000, v54  }
0x3ea: {  	v52 =	vadd.s32 $0x4000, v2;
	v8 =	vld.idx.msk [tilespmem:v60+s5+$0x0], $0xffff;
	v11 =	vmul.f32 v5, v36;
	v12 =	vmul.f32 v3, v39  }
0x3eb: {  	v40 =	vadd.s32 $0x4000, v0;
	v6 =	vld.idx.msk [tilespmem:v62+s5+$0x0], $0xffff;
	v13 =	vmul.f32 v4, v31;
	v16 =	vmul.f32 v9, v58  }
0x3ec: {  	v32 =	vld [tilespmem:s15+$0x830];
	[tilespmem:$0x1FE80] =	vst v20;
	v4 =	vmul.f32 v4, v5;
	v26 =	vmul.f32 v7, v38;
	v5 =	vadd.f32 v11, v33  }
0x3ed: {  	v28 =	vld [tilespmem:s15+$0x30];
	v9 =	vmul.f32 v10, v9;
	v10 =	vmul.f32 v10, v59;
	v16 =	vadd.f32 v16, v29  }
0x3ee: {  	v20 =	vld [tilespmem:s15+$0x810];
	v3 =	vmul.f32 v3, v7;
	v4 =	vmul.f32 v4, v57;
	v5 =	vadd.f32 v13, v5  }
0x3ef: {  	v23 =	vld [tilespmem:s15+$0xFFFFF800];
	v7 =	vmul.f32 v8, v21;
	v9 =	vmul.f32 v9, v35;
	v10 =	vadd.f32 v10, v16  }
0x3f0: {  	v44 =	vld [tilespmem:s15+$0xFFFFF020];
	v11 =	vmul.f32 v6, v1;
	v4 =	vadd.f32 v4, v5;
	v5 =	vadd.f32 v26, v37  }
0x3f1: {  	s19 =	simm.s32 $0x17000;
	s20 =	simm.s32 $0x10840;
	v49 =	vld [tilespmem:s15+$0xFFFFF810];
	v3 =	vmul.f32 v3, v22;
	v7 =	vadd.f32 v7, v63;
	v9 =	vadd.f32 v9, v10  }
0x3f2: {  	v42 =	vld [tilespmem:s20+$0x20];
	[tilespmem:s19+$0xFFFFF010] =	vst v4;
	v4 =	vmul.f32 v6, v8;
	v5 =	vadd.f32 v12, v5;
	v8 =	vadd.s32 $0x4000, v55  }
0x3f3: {  	v10 =	vadd.s32 $0x4000, v17;
	[tilespmem:s19+$0xFFFFF030] =	vst v9;
	v6 =	vld.idx.msk [tilespmem:v15+s5+$0x0], $0xffff  }
0x3f4: {  	v53 =	vld.idx.msk [tilespmem:v40+s5+$0x0], $0xffff;
	v4 =	vmul.f32 v4, v56;
	v3 =	vadd.f32 v3, v5;
	v5 =	vadd.f32 v11, v7  }
0x3f5: {  	v7 =	vadd.s32 $0x4000, v60;
	v11 =	vld.idx.msk [tilespmem:v14+s5+$0x0], $0xffff  }
0x3f6: {  	[tilespmem:s19+$0xFFFFF020] =	vst v3;
	v3 =	vadd.f32 v4, v5;
	v4 =	vld.idx.msk [tilespmem:v52+s5+$0x0], $0xffff  }
0x3f7: {  	v9 =	vadd.s32 $0x4000, v62;
	v5 =	vld.idx.msk [tilespmem:v8+s5+$0x0], $0xffff  }
0x3f8: {  	v34 =	vadd.s32 $0x8000, v2;
	[tilespmem:s19+$0xFFFFF000] =	vst v3;
	v3 =	vld.idx.msk [tilespmem:v10+s5+$0x0], $0xffff;
	v8 =	vmul.f32 v6, v36  }
0x3f9: {  	v46 =	vld [tilespmem:s15+$0x20];
	v15 =	vadd.s32 $0x8000, v0;
	v10 =	vadd.s32 $0x8000, v18;
	v61 =	vmul.f32 v53, v58  }
0x3fa: {  	v7 =	vld.idx.msk [tilespmem:v7+s5+$0x0], $0xffff;
	v6 =	vmul.f32 v11, v6;
	v11 =	vmul.f32 v11, v31;
	v8 =	vadd.f32 v8, v33  }
0x3fb: {  	v47 =	vld [tilespmem:s15+$0xFFFFF820];
	v13 =	vadd.f32 v61, v29;
	v12 =	vmul.f32 v4, v53;
	v4 =	vmul.f32 v4, v59  }
0x3fc: {  	v9 =	vld.idx.msk [tilespmem:v9+s5+$0x0], $0xffff;
	v6 =	vmul.f32 v6, v57;
	v8 =	vadd.f32 v11, v8;
	v11 =	vmul.f32 v5, v38  }
0x3fd: {  	v43 =	vld [tilespmem:s15+$0x10];
	v5 =	vmul.f32 v3, v5;
	v4 =	vadd.f32 v4, v13;
	v12 =	vmul.f32 v12, v35  }
0x3fe: {  	v41 =	vld [tilespmem:s20+$0x10];
	v3 =	vmul.f32 v3, v39;
	v6 =	vadd.f32 v6, v8;
	v8 =	vadd.f32 v11, v37  }
0x3ff: {  	v45 =	vadd.s32 $0x8000, v55;
	v16 =	vld [tilespmem:s15+$0x0];
	v48 =	vmul.f32 v7, v21;
	v4 =	vadd.f32 v12, v4  }
0x400: {  	v61 =	vld.idx.msk [tilespmem:v42+s5+$0x0], $0xffff;
	v11 =	vadd.s32 $0x8000, v54;
	v5 =	vmul.f32 v5, v22;
	[tilespmem:s19+$0xFFFFF810] =	vst v6;
	v3 =	vadd.f32 v3, v8  }
0x401: {  	v26 =	vld [tilespmem:s15+$0xFFFFF030];
	v6 =	vmul.f32 v9, v1;
	[tilespmem:s19+$0xFFFFF830] =	vst v4;
	v4 =	vmul.f32 v9, v7;
	v7 =	vadd.f32 v48, v63  }
0x402: {  	v8 =	vld.idx.msk [tilespmem:v10+s5+$0x0], $0xffff;
	v10 =	vadd.s32 $0x8000, v17  }
0x403: {  	v3 =	vadd.f32 v5, v3;
	v5 =	vld.idx.msk [tilespmem:v15+s5+$0x0], $0xffff;
	v6 =	vadd.f32 v6, v7;
	v4 =	vmul.f32 v4, v56  }
0x404: {  	v9 =	vld.idx.msk [tilespmem:v34+s5+$0x0], $0xffff;
	v7 =	vadd.s32 $0x8000, v60  }
0x405: {  	v11 =	vld.idx.msk [tilespmem:v11+s5+$0x0], $0xffff;
	[tilespmem:s19+$0xFFFFF820] =	vst v3;
	v3 =	vadd.s32 $0x8000, v62;
	v4 =	vadd.f32 v4, v6  }
0x406: {  	v50 =	vld.idx.msk [tilespmem:v45+s5+$0x0], $0xffff  }
0x407: {  	v45 =	vld [tilespmem:s20+$0xFFFFF810];
	[tilespmem:s19+$0xFFFFF800] =	vst v4  }
0x408: {  	v6 =	vld.idx.msk [tilespmem:v10+s5+$0x0], $0xffff;
	v4 =	vmul.f32 v5, v58;
	[tilespmem:$0x1FE90] =	vst v31  }
0x409: {  	v2 =	vadd.s32 $0xC000, v2;
	v7 =	vld.idx.msk [tilespmem:v7+s5+$0x0], $0xffff  }
0x40a: {  	v5 =	vmul.f32 v9, v5;
	v13 =	vld.idx.msk [tilespmem:v3+s5+$0x0], $0xffff;
	v3 =	vadd.f32 v4, v29;
	v4 =	vmul.f32 v9, v59  }
0x40b: {  	v0 =	vadd.s32 $0xC000, v0;
	v10 =	vmul.f32 v8, v31;
	v9 =	vmul.f32 v11, v36;
	v52 =	vld [tilespmem:s20+$0x0]  }
0x40c: {  	v48 =	vld [tilespmem:s20+$0xFFFFF820];
	v34 =	vmul.f32 v50, v38;
	v3 =	vadd.f32 v4, v3;
	v4 =	vmul.f32 v5, v35  }
0x40d: {  	v8 =	vmul.f32 v8, v11;
	v53 =	vld [tilespmem:s20+$0xFFFFF800];
	v5 =	vmul.f32 v6, v50;
	v9 =	vadd.f32 v9, v33  }
0x40e: {  	v51 =	vld [tilespmem:s20+$0x30];
	v6 =	vmul.f32 v6, v39;
	v40 =	vadd.f32 v34, v37;
	v3 =	vadd.f32 v4, v3  }
0x40f: {  	v8 =	vmul.f32 v8, v57;
	v50 =	vld [tilespmem:s20+$0xFFFFF830];
	[tilespmem:$0x1FEA0] =	vst v57;
	v5 =	vmul.f32 v5, v22  }
0x410: {  	v4 =	vld.idx.msk [tilespmem:v41+s5+$0x0], $0xffff;
	v9 =	vadd.f32 v10, v9;
	v6 =	vadd.f32 v6, v40;
	[tilespmem:s19+$0x30] =	vst v3  }
0x411: {  	v11 =	vadd.s32 $0xC000, v55;
	v10 =	vadd.s32 $0xC000, v54;
	v57 =	vmul.f32 v7, v21;
	v0 =	vld.idx.msk [tilespmem:v0+s5+$0x0], $0xffff  }
0x412: {  	v5 =	vadd.f32 v5, v6;
	v6 =	vmul.f32 v13, v7;
	v7 =	vadd.f32 v8, v9;
	v2 =	vld.idx.msk [tilespmem:v2+s5+$0x0], $0xffff  }
0x413: {  	v12 =	vadd.s32 $0xC000, v17;
	v8 =	vadd.f32 v57, v63;
	v9 =	vmul.f32 v13, v1;
	v3 =	vld.idx.msk [tilespmem:v52+s5+$0x0], $0xffff  }
0x414: {  	[tilespmem:s19+$0x10] =	vst v7;
	v7 =	vmul.f32 v6, v56;
	v6 =	vld.idx.msk [tilespmem:v48+s5+$0x0], $0xffff  }
0x415: {  	[tilespmem:s19+$0x20] =	vst v5;
	v5 =	vadd.f32 v9, v8;
	v9 =	vld.idx.msk [tilespmem:v45+s5+$0x0], $0xffff  }
0x416: {  	v25 =	vmovc v63;
	v30 =	vmovc v1;
	v17 =	vadd.s32 $0x4000, v42;
	v34 =	vmov v22;
	v1 =	vadd.s32 $0xC000, v18;
	v55 =	vld.idx.msk [tilespmem:v11+s5+$0x0], $0xffff  }
0x417: {  	v22 =	vmovc v21;
	v40 =	vmovc v56;
	v63 =	vadd.s32 $0xC000, v62;
	v56 =	vmov v37;
	v54 =	vld.idx.msk [tilespmem:v10+s5+$0x0], $0xffff;
	v10 =	vadd.f32 v7, v5  }
0x418: {  	v8 =	vmul.f32 v61, v46;
	v37 =	vmovc v16;
	v57 =	vld.idx.msk [tilespmem:v12+s5+$0x0], $0xffff;
	v11 =	vmul.f32 v0, v58;
	v58 =	vadd.s32 $0xC000, v60  }
0x419: {  	v7 =	vld.idx.msk [tilespmem:v53+s5+$0x0], $0xffff;
	v59 =	vmul.f32 v2, v59;
	v5 =	vmul.f32 v2, v0;
	v2 =	vadd.s32 $0x4000, v41;
	[tilespmem:s19+$0x0] =	vst v10  }
0x41a: {  	s13 =	simm.s32 $0x13040;
	s17 =	simm.s32 $0x40;
	s7 =	simm.s32 $0x17000;
	v0 =	vmul.f32 v3, v16;
	v10 =	vld.idx.msk [tilespmem:v50+s5+$0x0], $0xffff;
	v62 =	vadd.f32 v11, v29;
	v11 =	vmul.f32 v4, v43  }
.LBB2_11:
0x41b: {  	v1 =	vld.idx.msk [tilespmem:v1+s5+$0x0], $0xffff  }
0x41c: {  	v12 =	vadd.s32 $0x4000, v52;
	v14 =	vld.idx.msk [tilespmem:v51+s5+$0x0], $0xffff  }
0x41d: {  	v29 =	vmovc v24;
	s15 =	sadd.s32 $0x40, s15;
	v63 =	vld.idx.msk [tilespmem:v63+s5+$0x0], $0xffff;
	v5 =	vmul.f32 v5, v35;
	v35 =	vmov v32;
	v13 =	vmul.f32 v55, v38  }
0x41e: {  	v31 =	vadd.f32 v59, v62;
	v18 =	vld [tilespmem:s15+$0xFFFFF010];
	v16 =	vmul.f32 v54, v36;
	v21 =	vmul.f32 v57, v39;
	v36 =	vmovc v49  }
0x41f: {  	v59 =	vmovc v53;
	v38 =	vmul.f32 v6, v47;
	v49 =	vld.idx.msk [tilespmem:v58+s5+$0x0], $0xffff;
	v58 =	vmov v52;
	v39 =	vmul.f32 v9, v36  }
0x420: {  	v52 =	vmul.f32 v57, v55;
	v57 =	vld [tilespmem:$0x1FE80];
	v13 =	vadd.f32 v13, v56;
	v16 =	vadd.f32 v16, v33;
	v33 =	vmovc v27  }
0x421: {  	v53 =	vld [tilespmem:s15+$0x820];
	v4 =	vmul.f32 v4, v9;
	v32 =	vadd.f32 v38, v44;
	v56 =	vmovc v44;
	v44 =	vadd.f32 v39, v33  }
0x422: {  	v24 =	vmov v43;
	v43 =	vadd.s32 $0x4000, v45;
	v62 =	vld [tilespmem:s15+$0x30];
	v60 =	vmul.f32 v10, v29  }
0x423: {  	v6 =	vmul.f32 v61, v6;
	v9 =	vld [tilespmem:s15+$0xFFFFF830];
	v4 =	vmul.f32 v4, v20;
	v11 =	vadd.f32 v11, v44  }
0x424: {  	v10 =	vmul.f32 v14, v10;
	v14 =	vmul.f32 v14, v28;
	v38 =	vmovc v47;
	v8 =	vadd.f32 v8, v32;
	v47 =	vld [tilespmem:s15+$0x800]  }
0x425: {  	v32 =	vld [tilespmem:s15+$0x830];
	v44 =	vadd.f32 v60, v26;
	v6 =	vmul.f32 v6, v57;
	v4 =	vadd.f32 v4, v11  }
0x426: {  	s19 =	sadd.s32 $0x40, s19;
	v39 =	vmov v46;
	v46 =	vld [tilespmem:s13+$0xFFFFF000]  }
0x427: {  	v11 =	vadd.f32 v14, v44;
	v14 =	vmul.f32 v52, v34;
	v52 =	vld [tilespmem:$0x1FE90];
	[tilespmem:s19+$0xFFFFF010] =	vst v4;
	v4 =	vadd.f32 v6, v8  }
0x428: {  	v3 =	vmul.f32 v3, v7;
	v60 =	vld [tilespmem:s15+$0xFFFFF030]  }
0x429: {  	v15 =	vadd.s32 $0x4000, v51;
	v7 =	vmul.f32 v7, v23;
	v10 =	vmul.f32 v10, v35;
	[tilespmem:s19+$0xFFFFF020] =	vst v4;
	v4 =	vld [tilespmem:$0x1FEA0]  }
0x42a: {  	v30 =	vmul.f32 v63, v30;
	v27 =	vadd.s32 $0x4000, v50;
	v3 =	vmul.f32 v3, v19;
	v8 =	vld.idx.msk [tilespmem:v43+s5+$0x0], $0xffff  }
0x42b: {  	v10 =	vadd.f32 v10, v11;
	v11 =	vmul.f32 v49, v22;
	v7 =	vadd.f32 v7, v46;
	v61 =	vld [tilespmem:s15+$0x810]  }
0x42c: {  	v55 =	vmovc v57;
	v34 =	vadd.s32 $0x4000, v48;
	v2 =	vld.idx.msk [tilespmem:v2+s5+$0x0], $0xffff;
	v57 =	vmul.f32 v1, v52;
	v1 =	vmul.f32 v1, v54  }
0x42d: {  	v6 =	vmul.f32 v63, v49;
	[tilespmem:s19+$0xFFFFF030] =	vst v10;
	v54 =	vmovc v23;
	v23 =	vld [tilespmem:s15+$0xFFFFF800];
	v0 =	vadd.f32 v0, v7;
	v7 =	vadd.s32 $0x4000, v59  }
0x42e: {  	v10 =	vadd.f32 v11, v25;
	v63 =	vld.idx.msk [tilespmem:v15+s5+$0x0], $0xffff;
	v16 =	vadd.f32 v57, v16;
	v1 =	vmul.f32 v1, v4  }
0x42f: {  	v11 =	vmov v53;
	v0 =	vadd.f32 v3, v0;
	v3 =	vld.idx.msk [tilespmem:v27+s5+$0x0], $0xffff;
	v4 =	vadd.f32 v21, v13  }
0x430: {  	v6 =	vmul.f32 v6, v40;
	[tilespmem:$0x1FE80] =	vst v11;
	v11 =	vld.idx.msk [tilespmem:v17+s5+$0x0], $0xffff;
	v1 =	vadd.f32 v1, v16  }
0x431: {  	v10 =	vadd.f32 v30, v10;
	[tilespmem:s19+$0xFFFFF000] =	vst v0;
	v0 =	vld.idx.msk [tilespmem:v34+s5+$0x0], $0xffff;
	v4 =	vadd.f32 v14, v4  }
0x432: {  	v5 =	vadd.f32 v5, v31;
	v40 =	vmovc v46;
	v52 =	vmov v24;
	v15 =	vadd.s32 $0x8000, v50;
	[tilespmem:s7+$0x810] =	vst v1;
	v1 =	vld.idx.msk [tilespmem:v7+s5+$0x0], $0xffff  }
0x433: {  	v27 =	vmov v18;
	v6 =	vadd.f32 v6, v10;
	v7 =	vmul.f32 v8, v36;
	[tilespmem:s7+$0x820] =	vst v4;
	v4 =	vld.idx.msk [tilespmem:v12+s5+$0x0], $0xffff  }
0x434: {  	v18 =	vmovc v19;
	v57 =	vadd.s32 $0x8000, v45;
	v10 =	vadd.s32 $0x8000, v41;
	v21 =	vmovc v20;
	v8 =	vmul.f32 v2, v8;
	v44 =	vld [tilespmem:s15+$0xFFFFF020]  }
0x435: {  	[tilespmem:s7+$0x800] =	vst v6;
	v2 =	vmul.f32 v2, v52;
	v49 =	vld [tilespmem:s15+$0xFFFFF810];
	v6 =	vadd.f32 v7, v33;
	v7 =	vmul.f32 v3, v29  }
0x436: {  	[tilespmem:s7+$0x830] =	vst v5;
	v20 =	vmovc v61;
	v61 =	vadd.s32 $0x8000, v48;
	v46 =	vld [tilespmem:s15+$0x20];
	v5 =	vmul.f32 v8, v21;
	v3 =	vmul.f32 v63, v3  }
0x437: {  	v19 =	vmovc v47;
	v47 =	vld [tilespmem:s15+$0xFFFFF820];
	v2 =	vadd.f32 v2, v6;
	v6 =	vadd.f32 v7, v26;
	v7 =	vmul.f32 v63, v28  }
0x438: {  	v43 =	vld [tilespmem:s15+$0x10];
	v8 =	vadd.s32 $0x8000, v51;
	v63 =	vmul.f32 v0, v38;
	v0 =	vmul.f32 v11, v0  }
0x439: {  	s20 =	sadd.s32 $0x40, s20;
	v31 =	vld [tilespmem:s15+$0x0];
	v3 =	vmul.f32 v3, v35;
	v2 =	vadd.f32 v5, v2;
	v5 =	vadd.f32 v7, v6  }
0x43a: {  	v17 =	vmovc v37;
	v13 =	vld [tilespmem:s20+$0x10];
	v11 =	vmul.f32 v11, v39;
	v6 =	vmul.f32 v1, v54;
	v7 =	vadd.f32 v63, v56  }
0x43b: {  	v16 =	vmul.f32 v4, v17;
	v1 =	vmul.f32 v4, v1;
	[tilespmem:s19+$0xFFFFF810] =	vst v2;
	v2 =	vadd.f32 v3, v5;
	v3 =	vld [tilespmem:s20+$0x20]  }
0x43c: {  	v0 =	vmul.f32 v0, v55;
	v4 =	vadd.f32 v6, v40;
	v5 =	vadd.f32 v11, v7;
	v6 =	vld.idx.msk [tilespmem:v10+s5+$0x0], $0xffff  }
0x43d: {  	v11 =	vld [tilespmem:s20+$0xFFFFF810];
	[tilespmem:s19+$0xFFFFF830] =	vst v2  }
0x43e: {  	v7 =	vadd.s32 $0x8000, v42;
	v2 =	vadd.f32 v16, v4;
	v0 =	vadd.f32 v0, v5;
	v4 =	vld.idx.msk [tilespmem:v15+s5+$0x0], $0xffff  }
0x43f: {  	v1 =	vmul.f32 v1, v18;
	v5 =	vld.idx.msk [tilespmem:v8+s5+$0x0], $0xffff  }
0x440: {  	v8 =	vld.idx.msk [tilespmem:v57+s5+$0x0], $0xffff;
	[tilespmem:s19+$0xFFFFF820] =	vst v0  }
0x441: {  	v1 =	vadd.f32 v1, v2;
	v10 =	vld.idx.msk [tilespmem:v61+s5+$0x0], $0xffff  }
0x442: {  	v37 =	vadd.s32 $0xC000, v51;
	v51 =	vld [tilespmem:s20+$0x30]  }
0x443: {  	v16 =	vadd.s32 $0xC000, v50;
	v2 =	vadd.s32 $0x8000, v59;
	v7 =	vld.idx.msk [tilespmem:v7+s5+$0x0], $0xffff;
	[tilespmem:s19+$0xFFFFF800] =	vst v1;
	v34 =	vmul.f32 v4, v29  }
0x444: {  	[tilespmem:$0x1FE90] =	vst v52;
	v0 =	vadd.s32 $0x8000, v58;
	v1 =	vmul.f32 v6, v52;
	v52 =	vld [tilespmem:s20+$0x0];
	v4 =	vmul.f32 v5, v4  }
0x445: {  	v50 =	vld [tilespmem:s20+$0xFFFFF830];
	v15 =	vmul.f32 v8, v36;
	v5 =	vmul.f32 v5, v28;
	v12 =	vadd.f32 v34, v26  }
0x446: {  	v63 =	vadd.s32 $0xC000, v45;
	v53 =	vld [tilespmem:s20+$0xFFFFF800];
	v6 =	vmul.f32 v6, v8;
	v8 =	vmul.f32 v10, v38  }
0x447: {  	v61 =	vld.idx.msk [tilespmem:v3+s5+$0x0], $0xffff;
	v4 =	vmul.f32 v4, v35;
	v57 =	vadd.f32 v15, v33;
	v5 =	vadd.f32 v5, v12  }
0x448: {  	v2 =	vld.idx.msk [tilespmem:v2+s5+$0x0], $0xffff;
	v10 =	vmul.f32 v7, v10;
	v7 =	vmul.f32 v7, v39;
	v8 =	vadd.f32 v8, v56  }
0x449: {  	v0 =	vld.idx.msk [tilespmem:v0+s5+$0x0], $0xffff;
	v6 =	vmul.f32 v6, v21;
	v1 =	vadd.f32 v1, v57;
	v5 =	vadd.f32 v4, v5  }
0x44a: {  	v7 =	vadd.f32 v7, v8;
	v8 =	vmul.f32 v10, v55;
	v10 =	vadd.s32 $0xC000, v48;
	v48 =	vld [tilespmem:s20+$0xFFFFF820]  }
0x44b: {  	v4 =	vld.idx.msk [tilespmem:v13+s5+$0x0], $0xffff  }
0x44c: {  	v15 =	vadd.s32 $0xC000, v42;
	v42 =	vmov v3;
	v1 =	vadd.f32 v6, v1;
	v3 =	vld.idx.msk [tilespmem:v52+s5+$0x0], $0xffff;
	[tilespmem:s19+$0x30] =	vst v5  }
0x44d: {  	v7 =	vadd.f32 v8, v7;
	v8 =	vld.idx.msk [tilespmem:v16+s5+$0x0], $0xffff  }
0x44e: {  	v5 =	vmul.f32 v2, v54;
	[tilespmem:s19+$0x10] =	vst v1;
	v14 =	vld.idx.msk [tilespmem:v37+s5+$0x0], $0xffff  }
0x44f: {  	v24 =	vmov v9;
	v22 =	vmov v54;
	[tilespmem:$0x1FEA0] =	vst v21;
	v54 =	vld.idx.msk [tilespmem:v63+s5+$0x0], $0xffff  }
0x450: {  	s17 =	sadd.s32 $0x40, s17;
	v2 =	vmul.f32 v0, v2;
	v0 =	vmul.f32 v0, v17;
	v9 =	vld.idx.msk [tilespmem:v11+s5+$0x0], $0xffff;
	v5 =	vadd.f32 v5, v40  }
0x451: {  	p2 =	slt.u32 s17, $0x7C0;
	v25 =	vmovc v40;
	v30 =	vmov v17;
	v45 =	vmov v11;
	v1 =	vadd.s32 $0xC000, v41;
	[tilespmem:s19+$0x20] =	vst v7;
	v7 =	vld.idx.msk [tilespmem:v53+s5+$0x0], $0xffff  }
.Ltmp4:
0x452: {  	v34 =	vmovc v55;
	v17 =	vadd.s32 $0x4000, v42;
	v2 =	vmul.f32 v2, v18;
	v55 =	vld.idx.msk [tilespmem:v10+s5+$0x0], $0xffff;
	v0 =	vadd.f32 v0, v5;
	(pc) =	sbr.rel @p2 .LBB2_11-.Ltmp4, $4  }
0x453: {  	v41 =	vmovc v13;
	v63 =	vadd.s32 $0xC000, v58;
	v58 =	vadd.s32 $0xC000, v59;
	v37 =	vmovc v31;
	v57 =	vld.idx.msk [tilespmem:v15+s5+$0x0], $0xffff;
	v11 =	vmul.f32 v4, v43  }
0x454: {  	v10 =	vld.idx.msk [tilespmem:v50+s5+$0x0], $0xffff;
	v0 =	vadd.f32 v2, v0;
	v2 =	vmul.f32 v8, v29;
	v59 =	vmul.f32 v14, v28  }
0x455: {  	v40 =	vmovc v18;
	v6 =	vld.idx.msk [tilespmem:v48+s5+$0x0], $0xffff;
	v5 =	vmul.f32 v14, v8;
	v28 =	vmov v62;
	v8 =	vmul.f32 v61, v46  }
0x456: {  	s13 =	smov.u32 s15;
	s7 =	smov.u32 s19;
	[tilespmem:s19+$0x0] =	vst v0;
	v62 =	vadd.f32 v2, v26;
	v0 =	vmul.f32 v3, v31;
	v2 =	vadd.s32 $0x4000, v41;
	v26 =	vmovc v60  }
0x457: {  	_ =	sdelay $0x3  }
0x458: {  	v12 =	vld.idx.msk [tilespmem:v51+s5+$0x0], $0xffff;
	v13 =	vmul.f32 v9, v49;
	_ =	sdelay $0x1  }
0x459: {  	v4 =	vmul.f32 v4, v9;
	v9 =	vadd.f32 v13, v27;
	v60 =	vmul.f32 v6, v47  }
0x45a: {  	v15 =	vadd.s32 $0x4000, v45;
	v14 =	vmul.f32 v10, v24  }
0x45b: {  	v4 =	vmul.f32 v4, v20;
	v9 =	vadd.f32 v11, v9;
	v13 =	vadd.f32 v60, v44;
	v60 =	vld [tilespmem:$0x1FE80]  }
0x45c: {  	v11 =	vadd.f32 v14, v26;
	v10 =	vmul.f32 v12, v10;
	v12 =	vmul.f32 v12, v28  }
0x45d: {  	v6 =	vmul.f32 v61, v6;
	v14 =	vadd.s32 $0x4000, v50  }
0x45e: {  	v16 =	vmovc v56;
	v56 =	vld [tilespmem:s13+$0xFFFFF000];
	v4 =	vadd.f32 v4, v9;
	v9 =	vmul.f32 v10, v32;
	v10 =	vadd.f32 v12, v11  }
0x45f: {  	s19 =	sadd.s32 $0x40, s19;
	v11 =	vadd.s32 $0x4000, v51;
	v8 =	vadd.f32 v8, v13  }
0x460: {  	[tilespmem:s19+$0xFFFFF010] =	vst v4;
	v4 =	vadd.s32 $0x4000, v48;
	v9 =	vadd.f32 v9, v10;
	v6 =	vmul.f32 v6, v60  }
0x461: {  	v10 =	vmul.f32 v7, v23;
	v61 =	vld.idx.msk [tilespmem:v15+s5+$0x0], $0xffff  }
0x462: {  	v2 =	vld.idx.msk [tilespmem:v2+s5+$0x0], $0xffff;
	[tilespmem:s19+$0xFFFFF030] =	vst v9;
	v6 =	vadd.f32 v6, v8  }
0x463: {  	v3 =	vmul.f32 v3, v7;
	v7 =	vadd.f32 v10, v56;
	v8 =	vld.idx.msk [tilespmem:v14+s5+$0x0], $0xffff  }
0x464: {  	[tilespmem:s19+$0xFFFFF020] =	vst v6;
	v6 =	vld.idx.msk [tilespmem:v11+s5+$0x0], $0xffff  }
0x465: {  	v3 =	vmul.f32 v3, v19;
	v9 =	vadd.s32 $0x4000, v53;
	v0 =	vadd.f32 v0, v7;
	v4 =	vld.idx.msk [tilespmem:v4+s5+$0x0], $0xffff  }
0x466: {  	v7 =	vadd.s32 $0x4000, v52;
	v10 =	vld.idx.msk [tilespmem:v17+s5+$0x0], $0xffff  }
0x467: {  	v11 =	vmul.f32 v2, v61;
	v0 =	vadd.f32 v3, v0;
	v3 =	vmul.f32 v61, v49  }
0x468: {  	v12 =	vadd.s32 $0x8000, v41;
	v14 =	vadd.s32 $0x8000, v50;
	v61 =	vmul.f32 v8, v24  }
0x469: {  	v2 =	vmul.f32 v2, v43;
	v11 =	vmul.f32 v11, v20;
	v3 =	vadd.f32 v3, v27;
	[tilespmem:s19+$0xFFFFF000] =	vst v0  }
0x46a: {  	v9 =	vld.idx.msk [tilespmem:v9+s5+$0x0], $0xffff;
	v8 =	vmul.f32 v6, v8;
	v13 =	vadd.f32 v61, v26;
	v6 =	vmul.f32 v6, v28  }
0x46b: {  	v7 =	vld.idx.msk [tilespmem:v7+s5+$0x0], $0xffff;
	v2 =	vadd.f32 v2, v3;
	v3 =	vmul.f32 v4, v47;
	v4 =	vmul.f32 v10, v4  }
0x46c: {  	v10 =	vmul.f32 v10, v46;
	v6 =	vadd.f32 v6, v13;
	v8 =	vmul.f32 v8, v32  }
0x46d: {  	v2 =	vadd.f32 v11, v2;
	v11 =	vadd.s32 $0x8000, v45;
	v3 =	vadd.f32 v3, v44  }
0x46e: {  	v0 =	vadd.s32 $0x8000, v51;
	v6 =	vadd.f32 v8, v6;
	v8 =	vadd.s32 $0x8000, v48  }
0x46f: {  	[tilespmem:s19+$0xFFFFF810] =	vst v2;
	v2 =	vadd.f32 v10, v3;
	v3 =	vmul.f32 v4, v60;
	v4 =	vmul.f32 v9, v23  }
0x470: {  	v61 =	vadd.s32 $0x8000, v42;
	v10 =	vld.idx.msk [tilespmem:v12+s5+$0x0], $0xffff;
	[tilespmem:s19+$0xFFFFF830] =	vst v6;
	v6 =	vmul.f32 v7, v37  }
0x471: {  	v7 =	vmul.f32 v7, v9;
	v2 =	vadd.f32 v3, v2;
	v3 =	vld.idx.msk [tilespmem:v14+s5+$0x0], $0xffff;
	v4 =	vadd.f32 v4, v56  }
0x472: {  	v11 =	vld.idx.msk [tilespmem:v11+s5+$0x0], $0xffff  }
0x473: {  	v0 =	vld.idx.msk [tilespmem:v0+s5+$0x0], $0xffff;
	[tilespmem:s19+$0xFFFFF820] =	vst v2;
	v2 =	vadd.f32 v6, v4;
	v4 =	vmul.f32 v7, v19;
	v6 =	vadd.s32 $0x8000, v53  }
0x474: {  	v9 =	vmul.f32 v55, v38;
	v38 =	vmul.f32 v57, v39;
	v39 =	vadd.s32 $0x8000, v52;
	v7 =	vld.idx.msk [tilespmem:v8+s5+$0x0], $0xffff  }
0x475: {  	v2 =	vadd.f32 v4, v2  }
0x476: {  	v9 =	vadd.f32 v9, v16;
	v12 =	vld.idx.msk [tilespmem:v61+s5+$0x0], $0xffff;
	v16 =	vmul.f32 v10, v43;
	v4 =	vmul.f32 v3, v24  }
0x477: {  	v50 =	vadd.s32 $0xC000, v50;
	v17 =	vmul.f32 v11, v49;
	v10 =	vmul.f32 v10, v11;
	[tilespmem:s19+$0xFFFFF800] =	vst v2  }
0x478: {  	v2 =	vmul.f32 v0, v3;
	v0 =	vmul.f32 v0, v28;
	v3 =	vadd.f32 v4, v26;
	v4 =	vld.idx.msk [tilespmem:v6+s5+$0x0], $0xffff  }
0x479: {  	v31 =	vmovc v19;
	v6 =	vadd.s32 $0xC000, v51;
	v14 =	vld.idx.msk [tilespmem:v39+s5+$0x0], $0xffff;
	v17 =	vadd.f32 v17, v27;
	v19 =	vmul.f32 v7, v47  }
0x47a: {  	v10 =	vmul.f32 v10, v20;
	v2 =	vmul.f32 v2, v32;
	v0 =	vadd.f32 v0, v3  }
0x47b: {  	v7 =	vmul.f32 v12, v7;
	v11 =	vmul.f32 v12, v46;
	v3 =	vadd.f32 v19, v44  }
0x47c: {  	v1 =	vld.idx.msk [tilespmem:v1+s5+$0x0], $0xffff;
	v21 =	vmovc v20;
	v20 =	vadd.s32 $0xC000, v45;
	v16 =	vadd.f32 v16, v17;
	v0 =	vadd.f32 v2, v0  }
0x47d: {  	v19 =	vld.idx.msk [tilespmem:v58+s5+$0x0], $0xffff;
	v2 =	vadd.f32 v11, v3;
	v3 =	vmul.f32 v7, v60;
	v17 =	vmul.f32 v4, v23  }
0x47e: {  	v10 =	vadd.f32 v10, v16;
	v7 =	vld.idx.msk [tilespmem:v63+s5+$0x0], $0xffff;
	v4 =	vmul.f32 v14, v4  }
0x47f: {  	[tilespmem:s19+$0x30] =	vst v0;
	v0 =	vadd.f32 v3, v2;
	v2 =	vadd.f32 v17, v56;
	v3 =	vmul.f32 v14, v37  }
0x480: {  	v11 =	vadd.s32 $0xC000, v48;
	[tilespmem:s19+$0x10] =	vst v10;
	v12 =	vld.idx.msk [tilespmem:v50+s5+$0x0], $0xffff  }
0x481: {  	v6 =	vld.idx.msk [tilespmem:v6+s5+$0x0], $0xffff;
	[tilespmem:s19+$0x20] =	vst v0;
	v0 =	vadd.f32 v3, v2;
	v2 =	vmul.f32 v4, v31  }
0x482: {  	v20 =	vld.idx.msk [tilespmem:v20+s5+$0x0], $0xffff;
	v3 =	vadd.s32 $0xC000, v53  }
0x483: {  	v5 =	vmul.f32 v5, v35;
	v18 =	vmovc v27;
	v27 =	vadd.s32 $0xC000, v42;
	v0 =	vadd.f32 v2, v0;
	v2 =	vld [tilespmem:$0x1FE90]  }
0x484: {  	v15 =	vadd.f32 v59, v62;
	v51 =	vmul.f32 v57, v55;
	v16 =	vadd.s32 $0xC000, v41;
	v57 =	vld [tilespmem:$0x1FEA0]  }
0x485: {  	v8 =	vmul.f32 v54, v36;
	v17 =	vmul.f32 v1, v54;
	v10 =	vld.idx.msk [tilespmem:v11+s5+$0x0], $0xffff;
	v11 =	vadd.s32 $0xC000, v52  }
0x486: {  	v5 =	vadd.f32 v5, v15;
	v4 =	vmul.f32 v51, v34;
	v55 =	vmul.f32 v7, v19;
	[tilespmem:s19+$0x0] =	vst v0  }
0x487: {  	v8 =	vadd.f32 v8, v33;
	v19 =	vmul.f32 v19, v22;
	v58 =	vmul.f32 v6, v28;
	v3 =	vld.idx.msk [tilespmem:v3+s5+$0x0], $0xffff  }
0x488: {  	v1 =	vmul.f32 v1, v2;
	v2 =	vmul.f32 v7, v30;
	v7 =	vadd.f32 v38, v9;
	v9 =	vld.idx.msk [tilespmem:v27+s5+$0x0], $0xffff  }
0x489: {  	v6 =	vmul.f32 v6, v12;
	v0 =	vld.idx.msk [tilespmem:v16+s5+$0x0], $0xffff;
	v13 =	vmul.f32 v17, v57;
	v17 =	vadd.f32 v19, v25  }
0x48a: {  	v61 =	vmul.f32 v20, v49;
	v11 =	vld.idx.msk [tilespmem:v11+s5+$0x0], $0xffff;
	v59 =	vmul.f32 v10, v47;
	v1 =	vadd.f32 v1, v8  }
0x48b: {  	v8 =	vmul.f32 v55, v40;
	v4 =	vadd.f32 v4, v7;
	v2 =	vadd.f32 v2, v17  }
0x48c: {  	v7 =	vmul.f32 v12, v24;
	v62 =	vmul.f32 v3, v23;
	v1 =	vadd.f32 v13, v1  }
0x48d: {  	v2 =	vadd.f32 v8, v2;
	v15 =	vmul.f32 v9, v46;
	v8 =	vmul.f32 v9, v10  }
0x48e: {  	v9 =	vmul.f32 v0, v43;
	v10 =	vadd.f32 v61, v18;
	v0 =	vmul.f32 v0, v20  }
0x48f: {  	v12 =	vadd.f32 v59, v44;
	v3 =	vmul.f32 v11, v3;
	v11 =	vmul.f32 v11, v37  }
0x490: {  	[tilespmem:s7+$0x810] =	vst v1;
	v1 =	vadd.f32 v62, v56;
	v0 =	vmul.f32 v0, v21;
	v9 =	vadd.f32 v9, v10  }
0x491: {  	[tilespmem:s7+$0x820] =	vst v4;
	v4 =	vadd.f32 v7, v26;
	v7 =	vmul.f32 v8, v60;
	v8 =	vadd.f32 v15, v12  }
0x492: {  	[tilespmem:s7+$0x800] =	vst v2;
	v2 =	vmul.f32 v3, v31;
	v1 =	vadd.f32 v11, v1;
	v0 =	vadd.f32 v0, v9  }
0x493: {  	[tilespmem:s7+$0x830] =	vst v5;
	v3 =	vmul.f32 v6, v32;
	v4 =	vadd.f32 v58, v4;
	v5 =	vadd.f32 v7, v8  }
0x494: {  	s20 =	sshll.u32 s28, $0xF;
	v1 =	vadd.f32 v2, v1;
	[tilespmem:s19+$0x810] =	vst v0  }
0x495: {  	s7 =	sadd.s32 s8, s20;
	v0 =	vadd.f32 v3, v4;
	[tilespmem:s19+$0x820] =	vst v5  }
0x496: {  	s7 =	sshrl.u32 s7, $0x3;
	[tilespmem:s19+$0x800] =	vst v1  }
0x497: {  	s15 =	sadd.s32 s7, s31;
	[tilespmem:s19+$0x830] =	vst v0  }
0x498: {  	[hbm4b:s15+s10] =	stream.strided.scatter [tilespmem:s16], [sflag:$0x5], $0x800, s11, s10, $0x38;
	[tilespmem:$0x1B800] =	vst v63  }
0x499: {  	s17 =	sadd.s32 s7, s0  }
0x49a: {  	[hbm4b:s17+s10] =	stream.strided.scatter [tilespmem:s18], [sflag:$0x5], $0x800, s11, s10, $0x38;
	[tilespmem:$0x1B800] =	vst v63  }
0x49b: {  	s19 =	sadd.s32 s7, s1;
	s15 =	simm.s32 $0x17000  }
0x49c: {  	[hbm4b:s19+s10] =	stream.strided.scatter [tilespmem:s15], [sflag:$0x5], $0x800, s11, s10, $0x38;
	[tilespmem:$0x1B800] =	vst v63  }
0x49d: {  	p2 =	seq.s32 s28, $0x3;
	s20 =	simm.s32 $0x17800;
	s7 =	sadd.s32 s7, s9  }
0x49e: {  	[hbm4b:s7+s10] =	stream.strided.scatter [tilespmem:s20], [sflag:$0x5], $0x800, s11, s10, $0x38;
	[tilespmem:$0x1B800] =	vst v63  }
0x49f: {  	s7 =	sadd.s32 @!p2 $0x1000, s30  }
0x4a0: {  	s15 =	simm.s32 @!p2 $0x10000;
	s13 =	sadd.s32 @!p2 s7, s3  }
0x4a1: {  	[tilespmem:s15], [sflag:$0x3] =	stream.linear.gather @!p2 [spmem:s13], $0x800, $0x38;
	[tilespmem:$0x1B800] =	vst v63  }
0x4a2: {  	s13 =	sadd.s32 @!p2 $0x5000, s30  }
0x4a3: {  	s17 =	simm.s32 @!p2 $0x10800;
	s15 =	sadd.s32 @!p2 s13, s3  }
0x4a4: {  	[tilespmem:s17], [sflag:$0x3] =	stream.linear.gather @!p2 [spmem:s15], $0x800, $0x38;
	[tilespmem:$0x1B800] =	vst v63  }
0x4a5: {  	s7 =	sadd.s32 @!p2 s7, s4;
	s15 =	simm.s32 @!p2 $0x12000  }
0x4a6: {  	[tilespmem:s15], [sflag:$0x3] =	stream.linear.gather @!p2 [spmem:s7], $0x800, $0x38;
	[tilespmem:$0x1B800] =	vst v63  }
0x4a7: {  	s7 =	sadd.s32 @!p2 s13, s4;
	s13 =	simm.s32 @!p2 $0x12800  }
0x4a8: {  	[tilespmem:s13], [sflag:$0x3] =	stream.linear.gather @!p2 [spmem:s7], $0x800, $0x38;
	[tilespmem:$0x1B800] =	vst v63  }
0x4a9: {  	s7 =	sadd.s32 @!p2 $0x9000, s29;
	s13 =	simm.s32 @!p2 $0x13000  }
0x4aa: {  	[tilespmem:s13], [sflag:$0x3] =	stream.linear.gather @!p2 [spmem:s7], $0x800, $0x38;
	[tilespmem:$0x1B800] =	vst v63  }
0x4ab: {  	s7 =	sadd.s32 @!p2 $0xD000, s29;
	s13 =	simm.s32 @!p2 $0x13800  }
0x4ac: {  	[tilespmem:s13], [sflag:$0x3] =	stream.linear.gather @!p2 [spmem:s7], $0x800, $0x38;
	[tilespmem:$0x1B800] =	vst v63  }
0x4ad: {  	_ =	swait.ge [sflag:s21], $0x800  }
0x4ae: {  	[sflag:s21] =	ssyncset.done $0x0  }
0x4af: {  	[sflag:s21] =	ssyncadd.s32 $0xFFFFF800  }
0x4b0: {  	_ =	swait.ge [sflag:s21], $0x800  }
0x4b1: {  	[sflag:s21] =	ssyncset.done $0x0  }
0x4b2: {  	[sflag:s21] =	ssyncadd.s32 $0xFFFFF800  }
0x4b3: {  	_ =	swait.ge [sflag:s21], $0x800  }
0x4b4: {  	[sflag:s21] =	ssyncset.done $0x0  }
0x4b5: {  	[sflag:s21] =	ssyncadd.s32 $0xFFFFF800  }
0x4b6: {  	_ =	swait.ge [sflag:s21], $0x800  }
0x4b7: {  	[sflag:s21] =	ssyncset.done $0x0  }
0x4b8: {  	[sflag:s21] =	ssyncadd.s32 $0xFFFFF800  }
0x4b9: {  	_ =	swait.ge [sflag:s21], $0x800  }
0x4ba: {  	[sflag:s21] =	ssyncset.done $0x0  }
0x4bb: {  	[sflag:s21] =	ssyncadd.s32 $0xFFFFF800  }
0x4bc: {  	_ =	swait.ge [sflag:s21], $0x800  }
0x4bd: {  	[sflag:s21] =	ssyncset.done $0x0  }
0x4be: {  	s7 =	simm.s32 @!p1 $0x6;
	[sflag:s21] =	ssyncadd.s32 $0xFFFFF800  }
0x4bf: {  	_ =	swait.ge @!p1 [sflag:s7], $0x800  }
0x4c0: {  	[sflag:s7] =	ssyncset.done @!p1 $0x0  }
0x4c1: {  	[sflag:s7] =	ssyncadd.s32 @!p1 $0xFFFFF800  }
0x4c2: {  	_ =	swait.ge @!p1 [sflag:s7], $0x800  }
0x4c3: {  	[sflag:s7] =	ssyncset.done @!p1 $0x0  }
0x4c4: {  	[sflag:s7] =	ssyncadd.s32 @!p1 $0xFFFFF800  }
0x4c5: {  	_ =	swait.ge @!p1 [sflag:s7], $0x800  }
0x4c6: {  	[sflag:s7] =	ssyncset.done @!p1 $0x0  }
0x4c7: {  	[sflag:s7] =	ssyncadd.s32 @!p1 $0xFFFFF800  }
0x4c8: {  	_ =	swait.ge @!p1 [sflag:s7], $0x800  }
0x4c9: {  	s15 =	simm.s32 $0x0;
	[sflag:s7] =	ssyncset.done @!p1 $0x0  }
0x4ca: {  	s17 =	sand.u32 $0x7C0, s15;
	[sflag:s7] =	ssyncadd.s32 @!p1 $0xFFFFF800  }
0x4cb: {  	v63 =	vld [tilespmem:s17+$0x11000];
	_ =	sdelay $0x1  }
0x4cc: {  	v0 =	vld [tilespmem:s17+$0x11800];
	_ =	sdelay $0x1  }
0x4cd: {  	s13 =	simm.s32 $0x15830  }
0x4ce: {  	v45 =	vld [tilespmem:s13+$0xFFFFE7D0]  }
0x4cf: {  	v48 =	vld [tilespmem:s13+$0xFFFFEFD0]  }
0x4d0: {  	v44 =	vld [tilespmem:s13+$0xFFFFF7D0]  }
0x4d1: {  	v1 =	vld.idx.msk [tilespmem:v63+s5+$0x0], $0xffff  }
0x4d2: {  	v49 =	vld [tilespmem:s13+$0xFFFFFFD0]  }
0x4d3: {  	v2 =	vld.idx.msk [tilespmem:v0+s5+$0x0], $0xffff  }
0x4d4: {  	v24 =	vld [tilespmem:s13+$0xFFFFF7E0]  }
0x4d5: {  	v19 =	vld [tilespmem:s13+$0xFFFFF7F0]  }
0x4d6: {  	v21 =	vld [tilespmem:s13+$0xFFFFE7E0];
	v3 =	vmul.f32 v1, v48  }
0x4d7: {  	v20 =	vld [tilespmem:s13+$0xFFFFFFF0]  }
0x4d8: {  	v25 =	vld [tilespmem:s13+$0xFFFFE7F0];
	v4 =	vmul.f32 v2, v44;
	v1 =	vmul.f32 v2, v1;
	v3 =	vadd.f32 v3, v45  }
0x4d9: {  	v51 =	vld [tilespmem:s13+$0x0]  }
0x4da: {  	v50 =	vld [tilespmem:s13+$0xFFFFEFE0];
	v2 =	vadd.s32 $0x4000, v63;
	v1 =	vmul.f32 v1, v49;
	v3 =	vadd.f32 v4, v3  }
0x4db: {  	v26 =	vld [tilespmem:s13+$0xFFFFEFF0]  }
0x4dc: {  	v52 =	vld [tilespmem:s13+$0xFFFFE800];
	v4 =	vadd.s32 $0x4000, v0;
	v1 =	vadd.f32 v1, v3  }
0x4dd: {  	s19 =	simm.s32 $0x11830;
	s29 =	simm.s32 $0x19830;
	v55 =	vld [tilespmem:s13+$0xFFFFF000]  }
0x4de: {  	v41 =	vld [tilespmem:s19+$0x0];
	[tilespmem:s29+$0xFFFFE7D0] =	vst v1  }
0x4df: {  	v1 =	vld.idx.msk [tilespmem:v2+s5+$0x0], $0xffff  }
0x4e0: {  	v42 =	vld [tilespmem:s19+$0xFFFFF800]  }
0x4e1: {  	v2 =	vld.idx.msk [tilespmem:v4+s5+$0x0], $0xffff  }
0x4e2: {  	v53 =	vld [tilespmem:s13+$0xFFFFF800]  }
0x4e3: {  	v56 =	vld [tilespmem:s19+$0xFFFFF7F0]  }
0x4e4: {  	v54 =	vld [tilespmem:s19+$0xFFFFFFF0];
	v3 =	vmul.f32 v1, v48  }
0x4e5: {  	s15 =	simm.s32 $0x15870;
	v17 =	vld [tilespmem:s19+$0xFFFFF7E0]  }
0x4e6: {  	v18 =	vld [tilespmem:s15+$0xFFFFF7E0];
	v4 =	vmul.f32 v2, v44;
	v1 =	vmul.f32 v2, v1;
	v3 =	vadd.f32 v3, v45  }
0x4e7: {  	v29 =	vld [tilespmem:s13+$0xFFFFFFE0]  }
0x4e8: {  	v23 =	vld [tilespmem:s15+$0xFFFFFFD0];
	v1 =	vmul.f32 v1, v49;
	v2 =	vadd.f32 v4, v3  }
0x4e9: {  	v27 =	vld [tilespmem:s15+$0xFFFFE7D0]  }
0x4ea: {  	v28 =	vld [tilespmem:s15+$0xFFFFEFD0];
	v1 =	vadd.f32 v1, v2  }
0x4eb: {  	v22 =	vld [tilespmem:s15+$0xFFFFF7F0];
	v3 =	vadd.s32 $0x8000, v0  }
0x4ec: {  	v2 =	vadd.s32 $0x8000, v63;
	[tilespmem:s29+$0xFFFFEFD0] =	vst v1;
	v1 =	vld [tilespmem:s19+$0xFFFFFFE0]  }
0x4ed: {  	s7 =	simm.s32 $0x40;
	v5 =	vld.idx.msk [tilespmem:v42+s5+$0x0], $0xffff  }
0x4ee: {  	s20 =	sand.u32 $0x7C0, s7;
	v4 =	vld.idx.msk [tilespmem:v41+s5+$0x0], $0xffff  }
0x4ef: {  	v31 =	vld [tilespmem:s20+$0x11000]  }
0x4f0: {  	v3 =	vld.idx.msk [tilespmem:v3+s5+$0x0], $0xffff  }
0x4f1: {  	v2 =	vld.idx.msk [tilespmem:v2+s5+$0x0], $0xffff  }
0x4f2: {  	v8 =	vld.idx.msk [tilespmem:v17+s5+$0x0], $0xffff;
	v9 =	vmul.f32 v5, v55  }
0x4f3: {  	v6 =	vld.idx.msk [tilespmem:v56+s5+$0x0], $0xffff;
	v11 =	vmul.f32 v4, v53;
	v4 =	vmul.f32 v4, v5  }
0x4f4: {  	v9 =	vadd.f32 v9, v52;
	v10 =	vld.idx.msk [tilespmem:v1+s5+$0x0], $0xffff  }
0x4f5: {  	v47 =	vadd.s32 $0x4000, v42;
	v7 =	vld.idx.msk [tilespmem:v54+s5+$0x0], $0xffff;
	v4 =	vmul.f32 v4, v51  }
0x4f6: {  	v33 =	vld [tilespmem:s20+$0x11800];
	v9 =	vadd.f32 v11, v9;
	v5 =	vmul.f32 v3, v44;
	v46 =	vmul.f32 v2, v48  }
0x4f7: {  	v30 =	vld [tilespmem:s15+$0xFFFFF7D0];
	v2 =	vmul.f32 v3, v2;
	v3 =	vmul.f32 v8, v50  }
0x4f8: {  	v36 =	vld [tilespmem:s15+$0xFFFFE7E0];
	v57 =	vadd.s32 $0x4000, v41;
	v58 =	vmul.f32 v6, v26;
	v4 =	vadd.f32 v4, v9  }
0x4f9: {  	v35 =	vld [tilespmem:s15+$0xFFFFFFF0];
	v3 =	vadd.f32 v3, v21;
	v9 =	vmul.f32 v10, v24;
	v8 =	vmul.f32 v10, v8  }
0x4fa: {  	v40 =	vld [tilespmem:s15+$0xFFFFE7F0];
	v6 =	vmul.f32 v7, v6;
	v7 =	vmul.f32 v7, v19;
	[tilespmem:s29+$0xFFFFE800] =	vst v4;
	v10 =	vadd.f32 v46, v45  }
0x4fb: {  	v3 =	vadd.f32 v9, v3;
	v4 =	vmul.f32 v8, v29;
	v8 =	vadd.s32 $0x4000, v17;
	v9 =	vld.idx.msk [tilespmem:v47+s5+$0x0], $0xffff  }
0x4fc: {  	v59 =	vld.idx.msk [tilespmem:v31+s5+$0x0], $0xffff;
	v11 =	vadd.s32 $0x4000, v1;
	v5 =	vadd.f32 v5, v10;
	v10 =	vadd.f32 v58, v25  }
0x4fd: {  	v2 =	vmul.f32 v2, v49;
	v3 =	vadd.f32 v4, v3;
	v4 =	vld.idx.msk [tilespmem:v57+s5+$0x0], $0xffff  }
0x4fe: {  	v61 =	vadd.s32 $0x4000, v56;
	v60 =	vld.idx.msk [tilespmem:v33+s5+$0x0], $0xffff;
	v6 =	vmul.f32 v6, v20;
	v7 =	vadd.f32 v7, v10  }
0x4ff: {  	v32 =	vld [tilespmem:s15+$0x0];
	v2 =	vadd.f32 v2, v5;
	[tilespmem:s29+$0xFFFFE7E0] =	vst v3  }
0x500: {  	v3 =	vadd.s32 $0x4000, v54;
	v6 =	vadd.f32 v6, v7;
	v5 =	vld.idx.msk [tilespmem:v8+s5+$0x0], $0xffff;
	v7 =	vmul.f32 v9, v55  }
0x501: {  	[tilespmem:s29+$0xFFFFF7D0] =	vst v2;
	v2 =	vld.idx.msk [tilespmem:v11+s5+$0x0], $0xffff;
	v8 =	vmul.f32 v59, v28  }
0x502: {  	v34 =	vld [tilespmem:s15+$0xFFFFEFE0];
	[tilespmem:s29+$0xFFFFE7F0] =	vst v6;
	v6 =	vadd.f32 v7, v52;
	v7 =	vmul.f32 v4, v53;
	v4 =	vmul.f32 v4, v9  }
0x503: {  	v10 =	vmul.f32 v60, v59;
	v8 =	vadd.f32 v8, v27;
	v9 =	vmul.f32 v60, v30;
	v11 =	vld.idx.msk [tilespmem:v61+s5+$0x0], $0xffff  }
0x504: {  	v37 =	vld [tilespmem:s15+$0xFFFFE800];
	v62 =	vadd.s32 $0x8000, v42;
	v6 =	vadd.f32 v7, v6;
	v4 =	vmul.f32 v4, v51  }
0x505: {  	v3 =	vld.idx.msk [tilespmem:v3+s5+$0x0], $0xffff;
	v7 =	vadd.s32 $0x4000, v31;
	v8 =	vadd.f32 v9, v8;
	v9 =	vmul.f32 v10, v23  }
0x506: {  	v38 =	vld [tilespmem:s15+$0xFFFFF000];
	v10 =	vadd.s32 $0x8000, v41;
	v4 =	vadd.f32 v4, v6  }
0x507: {  	v39 =	vld [tilespmem:s15+$0xFFFFF800];
	v6 =	vadd.s32 $0x4000, v33;
	v8 =	vadd.f32 v9, v8;
	v9 =	vmul.f32 v5, v50  }
0x508: {  	s30 =	simm.s32 $0x19870;
	v0 =	vadd.s32 $0xC000, v0;
	v47 =	vld [tilespmem:s15+$0xFFFFEFF0];
	[tilespmem:s29+$0xFFFFF000] =	vst v4;
	v4 =	vmul.f32 v2, v5;
	v5 =	vmul.f32 v11, v26  }
0x509: {  	v63 =	vadd.s32 $0xC000, v63;
	[tilespmem:s30+$0xFFFFE7D0] =	vst v8;
	v9 =	vadd.f32 v9, v21;
	v2 =	vmul.f32 v2, v24;
	v8 =	vld.idx.msk [tilespmem:v62+s5+$0x0], $0xffff  }
0x50a: {  	v7 =	vld.idx.msk [tilespmem:v7+s5+$0x0], $0xffff;
	v11 =	vmul.f32 v3, v11;
	v3 =	vmul.f32 v3, v19;
	v5 =	vadd.f32 v5, v25  }
0x50b: {  	v10 =	vld.idx.msk [tilespmem:v10+s5+$0x0], $0xffff;
	v4 =	vmul.f32 v4, v29;
	v2 =	vadd.f32 v2, v9;
	v9 =	vadd.s32 $0x8000, v17  }
0x50c: {  	s19 =	simm.s32 $0x11870;
	v43 =	vadd.s32 $0x8000, v1;
	v58 =	vadd.s32 $0xC000, v42;
	v6 =	vld.idx.msk [tilespmem:v6+s5+$0x0], $0xffff  }
0x50d: {  	v42 =	vld [tilespmem:s19+$0x0];
	v3 =	vadd.f32 v3, v5;
	v5 =	vmul.f32 v11, v20;
	v2 =	vadd.f32 v4, v2  }
0x50e: {  	v46 =	vadd.s32 $0x8000, v54;
	v0 =	vld.idx.msk [tilespmem:v0+s5+$0x0], $0xffff;
	v4 =	vmul.f32 v8, v55  }
0x50f: {  	v11 =	vadd.s32 $0x8000, v56;
	v3 =	vadd.f32 v5, v3;
	[tilespmem:s29+$0xFFFFEFE0] =	vst v2;
	v2 =	vmul.f32 v7, v28;
	v5 =	vld.idx.msk [tilespmem:v63+s5+$0x0], $0xffff  }
0x510: {  	v57 =	vmul.f32 v10, v53;
	v8 =	vmul.f32 v10, v8;
	v9 =	vld.idx.msk [tilespmem:v9+s5+$0x0], $0xffff;
	v4 =	vadd.f32 v4, v52  }
0x511: {  	v2 =	vadd.f32 v2, v27;
	v10 =	vmul.f32 v6, v30;
	v6 =	vmul.f32 v6, v7;
	v7 =	vld.idx.msk [tilespmem:v43+s5+$0x0], $0xffff  }
0x512: {  	v8 =	vmul.f32 v8, v51;
	[tilespmem:s29+$0xFFFFEFF0] =	vst v3;
	v3 =	vadd.s32 $0xC000, v41;
	v41 =	vld [tilespmem:s19+$0xFFFFFFF0];
	v4 =	vadd.f32 v57, v4  }
0x513: {  	v43 =	vld [tilespmem:s19+$0xFFFFF7F0];
	v2 =	vadd.f32 v10, v2;
	v6 =	vmul.f32 v6, v23  }
0x514: {  	v12 =	vld.idx.msk [tilespmem:v46+s5+$0x0], $0xffff;
	v4 =	vadd.f32 v8, v4  }
0x515: {  	v46 =	vld [tilespmem:s19+$0xFFFFF800];
	v2 =	vadd.f32 v6, v2  }
0x516: {  	v10 =	vadd.s32 $0x8000, v33;
	v8 =	vld.idx.msk [tilespmem:v11+s5+$0x0], $0xffff;
	[tilespmem:s29+$0xFFFFF800] =	vst v4;
	v4 =	vmul.f32 v9, v50  }
0x517: {  	v59 =	vadd.s32 $0x8000, v31;
	v60 =	vmul.f32 v5, v48;
	v11 =	vmul.f32 v0, v44;
	v44 =	vld [tilespmem:s19+$0xFFFFF7E0];
	[tilespmem:s30+$0xFFFFEFD0] =	vst v2  }
0x518: {  	v2 =	vmul.f32 v7, v24;
	v7 =	vmul.f32 v7, v9;
	v6 =	vld.idx.msk [tilespmem:v58+s5+$0x0], $0xffff;
	v4 =	vadd.f32 v4, v21  }
0x519: {  	v0 =	vmul.f32 v0, v5;
	v5 =	vadd.f32 v60, v45;
	v3 =	vld.idx.msk [tilespmem:v3+s5+$0x0], $0xffff  }
0x51a: {  	v45 =	vld [tilespmem:s19+$0xFFFFFFE0];
	v9 =	vadd.s32 $0xC000, v17;
	v7 =	vmul.f32 v7, v29;
	v2 =	vadd.f32 v2, v4  }
0x51b: {  	v1 =	vadd.s32 $0xC000, v1;
	v10 =	vld.idx.msk [tilespmem:v10+s5+$0x0], $0xffff;
	v4 =	vmul.f32 v8, v26  }
0x51c: {  	v15 =	vmul.f32 v12, v19;
	v13 =	vld.idx.msk [tilespmem:v59+s5+$0x0], $0xffff;
	v7 =	vadd.f32 v7, v2  }
0x51d: {  	v8 =	vmul.f32 v12, v8;
	v2 =	vld.idx.msk [tilespmem:v42+s5+$0x0], $0xffff;
	v61 =	vadd.f32 v4, v25;
	v62 =	vmul.f32 v6, v55  }
0x51e: {  	v63 =	vadd.s32 $0xC000, v56;
	v4 =	vld.idx.msk [tilespmem:v46+s5+$0x0], $0xffff;
	v6 =	vmul.f32 v3, v6;
	v3 =	vmul.f32 v3, v53;
	[tilespmem:s29+$0xFFFFF7E0] =	vst v7  }
0x51f: {  	v7 =	vmul.f32 v8, v20;
	v8 =	vadd.f32 v15, v61;
	v48 =	vld.idx.msk [tilespmem:v9+s5+$0x0], $0xffff;
	v9 =	vadd.f32 v62, v52  }
0x520: {  	v0 =	vmul.f32 v0, v49;
	v5 =	vadd.f32 v11, v5;
	v49 =	vld.idx.msk [tilespmem:v1+s5+$0x0], $0xffff;
	v1 =	vadd.s32 $0xC000, v54  }
0x521: {  	v11 =	vmul.f32 v6, v51;
	v6 =	vld.idx.msk [tilespmem:v43+s5+$0x0], $0xffff;
	v7 =	vadd.f32 v7, v8;
	v9 =	vadd.f32 v3, v9  }
0x522: {  	v0 =	vadd.f32 v0, v5;
	v17 =	vmul.f32 v10, v30;
	v3 =	vld.idx.msk [tilespmem:v41+s5+$0x0], $0xffff  }
0x523: {  	v53 =	vmul.f32 v10, v13;
	[tilespmem:s29+$0xFFFFF7F0] =	vst v7;
	v7 =	vld.idx.msk [tilespmem:v44+s5+$0x0], $0xffff;
	v5 =	vadd.f32 v11, v9  }
0x524: {  	[tilespmem:s29+$0xFFFFFFD0] =	vst v0;
	v8 =	vmul.f32 v2, v39;
	v9 =	vmul.f32 v4, v38;
	v0 =	vld.idx.msk [tilespmem:v63+s5+$0x0], $0xffff  }
0x525: {  	s28 =	sadd.s32 $0x1, s28;
	s13 =	simm.s32 $0x158B0;
	v52 =	vmul.f32 v48, v50;
	v1 =	vld.idx.msk [tilespmem:v1+s5+$0x0], $0xffff;
	[tilespmem:s29+$0x0] =	vst v5;
	v5 =	vmul.f32 v13, v28  }
.LBB2_13:
0x526: {  	s7 =	sadd.s32 $0x40, s7;
	v10 =	vld.idx.msk [tilespmem:v45+s5+$0x0], $0xffff;
	v11 =	vadd.s32 $0x4000, v45;
	v9 =	vadd.f32 v9, v37;
	v4 =	vmul.f32 v2, v4  }
0x527: {  	v12 =	vadd.s32 $0x4000, v46;
	v13 =	vadd.s32 $0x4000, v42;
	v14 =	vmul.f32 v49, v24;
	v24 =	vmovc v18;
	s17 =	sand.u32 $0x7C0, s7;
	p1 =	slt.u32 s7, $0x7C0;
	v18 =	vld [tilespmem:s13+$0xFFFFF7E0]  }
0x528: {  	v15 =	vmul.f32 v6, v47;
	v5 =	vadd.f32 v5, v27;
	v2 =	vld [tilespmem:s17+$0x11000];
	v8 =	vadd.f32 v8, v9  }
0x529: {  	v9 =	vadd.s32 $0xC000, v33;
	v16 =	vmul.f32 v7, v34;
	v4 =	vmul.f32 v4, v32;
	v33 =	vld [tilespmem:s17+$0x11800]  }
0x52a: {  	v6 =	vmul.f32 v3, v6;
	v15 =	vadd.f32 v15, v40;
	v5 =	vadd.f32 v17, v5;
	v54 =	vld [tilespmem:s15+$0xFFFFFFE0];
	s15 =	smov.u32 s13  }
0x52b: {  	v55 =	vmul.f32 v0, v26;
	v26 =	vmovc v47;
	v16 =	vadd.f32 v16, v36;
	v0 =	vmul.f32 v1, v0;
	v50 =	vld [tilespmem:s13+$0xFFFFFFD0]  }
0x52c: {  	v6 =	vmul.f32 v6, v35;
	v4 =	vadd.f32 v4, v8;
	v47 =	vmul.f32 v10, v24;
	v51 =	vld [tilespmem:s13+$0xFFFFE7D0]  }
0x52d: {  	v8 =	vadd.f32 v52, v21;
	v21 =	vmovc v36;
	v7 =	vmul.f32 v10, v7;
	v10 =	vadd.f32 v55, v25;
	v17 =	vld [tilespmem:s13+$0xFFFFEFD0]  }
0x52e: {  	v3 =	vmul.f32 v3, v22;
	v25 =	vmovc v40;
	v16 =	vadd.f32 v47, v16;
	v47 =	vadd.s32 $0x4000, v43;
	v36 =	vld [tilespmem:s13+$0xFFFFF7F0];
	[tilespmem:s30+$0xFFFFE800] =	vst v4  }
0x52f: {  	v40 =	vmul.f32 v49, v48;
	v4 =	vmul.f32 v7, v54;
	v7 =	vadd.s32 $0x4000, v44;
	v12 =	vld.idx.msk [tilespmem:v12+s5+$0x0], $0xffff  }
0x530: {  	v3 =	vadd.f32 v3, v15;
	v1 =	vmul.f32 v1, v19;
	v49 =	vmul.f32 v53, v23;
	v48 =	vld.idx.msk [tilespmem:v2+s5+$0x0], $0xffff  }
0x531: {  	v0 =	vmul.f32 v0, v20;
	v15 =	vmul.f32 v40, v29;
	v4 =	vadd.f32 v4, v16;
	v13 =	vld.idx.msk [tilespmem:v13+s5+$0x0], $0xffff  }
0x532: {  	v3 =	vadd.f32 v6, v3;
	v6 =	vadd.s32 $0x4000, v41;
	v8 =	vadd.f32 v14, v8;
	v29 =	vmovc v54;
	v16 =	vld.idx.msk [tilespmem:v33+s5+$0x0], $0xffff  }
0x533: {  	v19 =	vmovc v22;
	v5 =	vadd.f32 v49, v5;
	v1 =	vadd.f32 v1, v10;
	v14 =	vld [tilespmem:s13+$0xFFFFF7D0];
	[tilespmem:s30+$0xFFFFE7E0] =	vst v4;
	v22 =	vmov v36  }
0x534: {  	v20 =	vmov v35;
	v4 =	vld.idx.msk [tilespmem:v7+s5+$0x0], $0xffff;
	[tilespmem:s30+$0xFFFFE7F0] =	vst v3;
	v3 =	vadd.f32 v15, v8  }
0x535: {  	v0 =	vadd.f32 v0, v1;
	v7 =	vmul.f32 v12, v38;
	[tilespmem:s30+$0xFFFFF7D0] =	vst v5;
	v5 =	vld.idx.msk [tilespmem:v11+s5+$0x0], $0xffff  }
0x536: {  	v10 =	vadd.s32 $0x8000, v42;
	v1 =	vmul.f32 v48, v17;
	v8 =	vld.idx.msk [tilespmem:v9+s5+$0x0], $0xffff;
	v9 =	vadd.s32 $0x8000, v46;
	[tilespmem:s29+$0xFFFFFFE0] =	vst v3  }
0x537: {  	v3 =	vadd.f32 v7, v37;
	v7 =	vmul.f32 v13, v39;
	v11 =	vmul.f32 v13, v12;
	v36 =	vld [tilespmem:s13+$0xFFFFE7E0];
	[tilespmem:s29+$0xFFFFFFF0] =	vst v0;
	s29 =	smov.u32 s30  }
0x538: {  	v0 =	vadd.f32 v1, v51;
	v12 =	vmul.f32 v16, v48;
	v1 =	vmul.f32 v16, v14;
	v13 =	vld.idx.msk [tilespmem:v47+s5+$0x0], $0xffff  }
0x539: {  	v15 =	vadd.s32 $0x4000, v2;
	v3 =	vadd.f32 v7, v3;
	v7 =	vmul.f32 v11, v32;
	v6 =	vld.idx.msk [tilespmem:v6+s5+$0x0], $0xffff  }
0x53a: {  	v11 =	vmul.f32 v4, v34;
	v0 =	vadd.f32 v1, v0;
	v1 =	vmul.f32 v12, v50;
	v35 =	vld [tilespmem:s13+$0xFFFFFFF0]  }
0x53b: {  	v12 =	vadd.s32 $0x4000, v33;
	v4 =	vmul.f32 v5, v4;
	v3 =	vadd.f32 v7, v3;
	v40 =	vld [tilespmem:s13+$0xFFFFE7F0]  }
0x53c: {  	v5 =	vmul.f32 v5, v24;
	v7 =	vadd.f32 v11, v21;
	v0 =	vadd.f32 v1, v0;
	v52 =	vld [tilespmem:s13+$0x0]  }
0x53d: {  	s30 =	sadd.s32 $0x40, s30;
	v4 =	vmul.f32 v4, v29;
	v1 =	vld [tilespmem:s13+$0xFFFFEFE0];
	[tilespmem:s29+$0xFFFFF000] =	vst v3  }
0x53e: {  	v3 =	vmul.f32 v13, v26;
	[tilespmem:s30+$0xFFFFE7D0] =	vst v0;
	v0 =	vadd.f32 v5, v7;
	v5 =	vld.idx.msk [tilespmem:v9+s5+$0x0], $0xffff  }
0x53f: {  	v9 =	vadd.s32 $0xC000, v31;
	v11 =	vmul.f32 v6, v13;
	v31 =	vmov v2;
	v7 =	vld.idx.msk [tilespmem:v15+s5+$0x0], $0xffff  }
0x540: {  	v2 =	vadd.f32 v3, v25;
	v3 =	vmul.f32 v6, v19;
	v0 =	vadd.f32 v4, v0;
	v4 =	vld.idx.msk [tilespmem:v10+s5+$0x0], $0xffff  }
0x541: {  	v10 =	vmul.f32 v8, v30;
	v30 =	vmov v14;
	v6 =	vld.idx.msk [tilespmem:v12+s5+$0x0], $0xffff;
	v12 =	vadd.s32 $0x8000, v44  }
0x542: {  	v2 =	vadd.f32 v3, v2;
	v3 =	vmul.f32 v11, v20;
	v47 =	vld [tilespmem:s13+$0xFFFFEFF0];
	[tilespmem:s29+$0xFFFFEFE0] =	vst v0;
	v0 =	vadd.s32 $0x8000, v45  }
0x543: {  	v11 =	vld [tilespmem:s13+$0xFFFFE800]  }
0x544: {  	v2 =	vadd.f32 v3, v2;
	v3 =	vmul.f32 v5, v38;
	v13 =	vld [tilespmem:s13+$0xFFFFF000]  }
0x545: {  	v16 =	vadd.s32 $0x8000, v41;
	v15 =	vadd.s32 $0x8000, v43;
	v14 =	vmul.f32 v7, v17;
	v9 =	vld.idx.msk [tilespmem:v9+s5+$0x0], $0xffff  }
0x546: {  	v3 =	vadd.f32 v3, v37;
	v48 =	vmul.f32 v4, v39;
	v4 =	vmul.f32 v4, v5;
	v12 =	vld.idx.msk [tilespmem:v12+s5+$0x0], $0xffff  }
0x547: {  	v5 =	vadd.f32 v14, v51;
	v14 =	vmul.f32 v6, v30;
	v6 =	vmul.f32 v6, v7;
	v0 =	vld.idx.msk [tilespmem:v0+s5+$0x0], $0xffff  }
0x548: {  	s19 =	sadd.s32 $0x40, s19;
	v3 =	vadd.f32 v48, v3;
	v4 =	vmul.f32 v4, v32;
	v48 =	vadd.s32 $0xC000, v46;
	v7 =	vld [tilespmem:s13+$0xFFFFF800]  }
0x549: {  	v5 =	vadd.f32 v14, v5;
	v6 =	vmul.f32 v6, v50;
	[tilespmem:s29+$0xFFFFEFF0] =	vst v2;
	v2 =	vadd.s32 $0xC000, v42;
	v42 =	vld [tilespmem:s19+$0x0]  }
0x54a: {  	v14 =	vadd.s32 $0x8000, v33;
	v3 =	vadd.f32 v4, v3;
	v16 =	vld.idx.msk [tilespmem:v16+s5+$0x0], $0xffff  }
0x54b: {  	v4 =	vmul.f32 v9, v28;
	v8 =	vmul.f32 v8, v9;
	v28 =	vmov v17;
	v9 =	vld.idx.msk [tilespmem:v15+s5+$0x0], $0xffff  }
0x54c: {  	v5 =	vadd.f32 v6, v5;
	v6 =	vmul.f32 v12, v34;
	v46 =	vld [tilespmem:s19+$0xFFFFF800];
	[tilespmem:s29+$0xFFFFF800] =	vst v3  }
0x54d: {  	v3 =	vadd.f32 v4, v27;
	v4 =	vmul.f32 v0, v24;
	v0 =	vmul.f32 v0, v12;
	v12 =	vld.idx.msk [tilespmem:v48+s5+$0x0], $0xffff  }
0x54e: {  	v6 =	vadd.f32 v6, v21;
	[tilespmem:s30+$0xFFFFEFD0] =	vst v5;
	v5 =	vmul.f32 v8, v23;
	v8 =	vld.idx.msk [tilespmem:v2+s5+$0x0], $0xffff;
	v23 =	vmov v50  }
0x54f: {  	v27 =	vmov v51;
	v2 =	vadd.f32 v10, v3;
	v0 =	vmul.f32 v0, v29;
	v14 =	vld.idx.msk [tilespmem:v14+s5+$0x0], $0xffff  }
0x550: {  	v4 =	vadd.f32 v4, v6;
	v6 =	vmul.f32 v16, v19;
	v3 =	vld [tilespmem:s19+$0xFFFFFFF0]  }
0x551: {  	v15 =	vadd.s32 $0xC000, v44;
	v5 =	vadd.f32 v5, v2;
	v17 =	vmul.f32 v9, v26;
	v10 =	vld [tilespmem:s19+$0xFFFFF7F0]  }
0x552: {  	v49 =	vadd.s32 $0x8000, v31;
	v9 =	vmul.f32 v16, v9;
	v0 =	vadd.f32 v0, v4;
	v44 =	vld [tilespmem:s19+$0xFFFFF7E0]  }
0x553: {  	v16 =	vadd.f32 v17, v25;
	v17 =	vmul.f32 v12, v38;
	v2 =	vld.idx.msk [tilespmem:v42+s5+$0x0], $0xffff;
	[tilespmem:s29+$0xFFFFFFD0] =	vst v5;
	v5 =	vadd.s32 $0xC000, v45  }
0x554: {  	v38 =	vmov v13;
	v4 =	vld.idx.msk [tilespmem:v46+s5+$0x0], $0xffff;
	[tilespmem:s29+$0xFFFFF7E0] =	vst v0;
	v0 =	vmul.f32 v9, v20;
	v9 =	vmul.f32 v8, v12  }
0x555: {  	v6 =	vadd.f32 v6, v16;
	v12 =	vadd.f32 v17, v37;
	v8 =	vmul.f32 v8, v39;
	v37 =	vmovc v11;
	v45 =	vld [tilespmem:s19+$0xFFFFFFE0]  }
0x556: {  	v17 =	vmul.f32 v14, v30;
	v11 =	vadd.s32 $0xC000, v43;
	v39 =	vmovc v7;
	v48 =	vld.idx.msk [tilespmem:v15+s5+$0x0], $0xffff;
	v43 =	vmov v10  }
0x557: {  	v0 =	vadd.f32 v0, v6;
	v7 =	vadd.f32 v8, v12;
	v9 =	vmul.f32 v9, v32;
	v13 =	vld.idx.msk [tilespmem:v49+s5+$0x0], $0xffff  }
0x558: {  	v12 =	vadd.s32 $0xC000, v41;
	v32 =	vmov v52;
	v41 =	vmov v3;
	v49 =	vld.idx.msk [tilespmem:v5+s5+$0x0], $0xffff  }
.Ltmp5:
0x559: {  	v8 =	vmul.f32 v2, v39;
	v6 =	vld.idx.msk [tilespmem:v10+s5+$0x0], $0xffff;
	[tilespmem:s29+$0xFFFFF7F0] =	vst v0;
	v0 =	vadd.f32 v9, v7;
	(pc) =	sbr.rel @p1 .LBB2_13-.Ltmp5, $4  }
0x55a: {  	v3 =	vld.idx.msk [tilespmem:v3+s5+$0x0], $0xffff  }
0x55b: {  	v7 =	vld.idx.msk [tilespmem:v44+s5+$0x0], $0xffff;
	[tilespmem:s29+$0x0] =	vst v0  }
0x55c: {  	v9 =	vmul.f32 v4, v38;
	v52 =	vmul.f32 v48, v34;
	v34 =	vmov v1;
	v0 =	vld.idx.msk [tilespmem:v11+s5+$0x0], $0xffff  }
0x55d: {  	s13 =	sadd.s32 $0x40, s13;
	v5 =	vmul.f32 v13, v28;
	v53 =	vmul.f32 v14, v13;
	v1 =	vld.idx.msk [tilespmem:v12+s5+$0x0], $0xffff  }
0x55e: {  	_ =	sdelay $0x2  }
0x55f: {  	v9 =	vadd.f32 v9, v37;
	v2 =	vmul.f32 v2, v4  }
0x560: {  	v10 =	vld.idx.msk [tilespmem:v45+s5+$0x0], $0xffff;
	v16 =	vadd.s32 $0x4000, v46  }
0x561: {  	v12 =	vmul.f32 v6, v47;
	v8 =	vadd.f32 v8, v9;
	v2 =	vmul.f32 v2, v32  }
0x562: {  	v50 =	vld [tilespmem:s15+$0xFFFFFFE0];
	v11 =	vadd.s32 $0x4000, v42;
	v58 =	vmul.f32 v3, v6;
	v51 =	vmul.f32 v7, v34  }
0x563: {  	v59 =	vmul.f32 v3, v22;
	v57 =	vadd.f32 v12, v40;
	v2 =	vadd.f32 v2, v8  }
0x564: {  	v62 =	vadd.s32 $0x4000, v43;
	v6 =	vmul.f32 v58, v35;
	v54 =	vadd.f32 v51, v36  }
0x565: {  	v3 =	vadd.f32 v59, v57;
	v55 =	vmul.f32 v10, v18;
	v56 =	vmul.f32 v10, v7;
	[tilespmem:s30+$0xFFFFE800] =	vst v2  }
0x566: {  	v61 =	vadd.s32 $0x4000, v44;
	v13 =	vadd.s32 $0x4000, v41;
	v4 =	vld.idx.msk [tilespmem:v16+s5+$0x0], $0xffff  }
0x567: {  	v3 =	vadd.f32 v6, v3;
	v60 =	vadd.f32 v55, v54;
	v7 =	vmul.f32 v56, v50  }
0x568: {  	v63 =	vadd.s32 $0x4000, v45;
	v12 =	vld.idx.msk [tilespmem:v11+s5+$0x0], $0xffff  }
0x569: {  	[tilespmem:s30+$0xFFFFE7F0] =	vst v3;
	v2 =	vadd.f32 v7, v60  }
0x56a: {  	v15 =	vld.idx.msk [tilespmem:v62+s5+$0x0], $0xffff  }
0x56b: {  	v6 =	vld.idx.msk [tilespmem:v13+s5+$0x0], $0xffff;
	[tilespmem:s30+$0xFFFFE7E0] =	vst v2;
	v14 =	vmul.f32 v4, v38  }
0x56c: {  	v2 =	vld.idx.msk [tilespmem:v61+s5+$0x0], $0xffff  }
0x56d: {  	v16 =	vld.idx.msk [tilespmem:v63+s5+$0x0], $0xffff;
	v51 =	vmul.f32 v12, v39;
	v4 =	vmul.f32 v12, v4;
	v3 =	vadd.f32 v14, v37  }
0x56e: {  	v54 =	vadd.s32 $0x8000, v46  }
0x56f: {  	v4 =	vmul.f32 v4, v32;
	v57 =	vmul.f32 v15, v47;
	v3 =	vadd.f32 v51, v3  }
0x570: {  	v56 =	vadd.s32 $0x8000, v42;
	v58 =	vmul.f32 v6, v15;
	v6 =	vmul.f32 v6, v22  }
0x571: {  	v55 =	vmul.f32 v2, v34;
	v3 =	vadd.f32 v4, v3;
	v4 =	vadd.f32 v57, v40  }
0x572: {  	v61 =	vadd.s32 $0x8000, v43;
	v2 =	vmul.f32 v16, v2;
	v9 =	vmul.f32 v16, v18  }
0x573: {  	v10 =	vadd.f32 v55, v36;
	[tilespmem:s30+$0xFFFFF000] =	vst v3;
	v4 =	vadd.f32 v6, v4;
	v3 =	vmul.f32 v58, v35  }
0x574: {  	v60 =	vadd.s32 $0x8000, v44;
	v16 =	vadd.s32 $0x8000, v41  }
0x575: {  	v2 =	vmul.f32 v2, v50;
	v59 =	vadd.f32 v9, v10;
	v3 =	vadd.f32 v3, v4  }
0x576: {  	v63 =	vadd.s32 $0x8000, v45;
	v7 =	vld.idx.msk [tilespmem:v54+s5+$0x0], $0xffff  }
0x577: {  	v5 =	vadd.f32 v5, v27;
	v62 =	vld.idx.msk [tilespmem:v56+s5+$0x0], $0xffff;
	v2 =	vadd.f32 v2, v59;
	[tilespmem:s30+$0xFFFFEFF0] =	vst v3  }
0x578: {  	v51 =	vmul.f32 v0, v26;
	v6 =	vld.idx.msk [tilespmem:v61+s5+$0x0], $0xffff  }
0x579: {  	v11 =	vadd.s32 $0xC000, v33;
	v33 =	vadd.f32 v17, v5;
	[tilespmem:s30+$0xFFFFEFE0] =	vst v2;
	v4 =	vld.idx.msk [tilespmem:v16+s5+$0x0], $0xffff  }
0x57a: {  	v13 =	vmul.f32 v53, v23;
	v26 =	vmul.f32 v49, v48;
	v5 =	vadd.f32 v51, v25;
	v9 =	vld.idx.msk [tilespmem:v60+s5+$0x0], $0xffff  }
0x57b: {  	v57 =	vadd.s32 $0xC000, v46;
	v2 =	vmul.f32 v49, v24;
	v24 =	vmul.f32 v7, v38;
	v53 =	vld.idx.msk [tilespmem:v63+s5+$0x0], $0xffff  }
0x57c: {  	v25 =	vadd.s32 $0xC000, v43;
	v56 =	vadd.s32 $0xC000, v31;
	v7 =	vmul.f32 v62, v7  }
0x57d: {  	v3 =	vadd.f32 v13, v33;
	v14 =	vmul.f32 v62, v39;
	v12 =	vadd.f32 v24, v37  }
0x57e: {  	v16 =	vadd.s32 $0xC000, v42;
	v7 =	vmul.f32 v7, v32;
	v58 =	vmul.f32 v6, v47  }
0x57f: {  	v12 =	vadd.f32 v14, v12;
	v61 =	vmul.f32 v4, v22;
	v15 =	vmul.f32 v9, v34  }
0x580: {  	v4 =	vmul.f32 v4, v6;
	v59 =	vmul.f32 v53, v18;
	v62 =	vadd.f32 v58, v40  }
0x581: {  	v8 =	vmul.f32 v53, v9;
	v7 =	vadd.f32 v7, v12;
	v60 =	vadd.f32 v15, v36  }
0x582: {  	v55 =	vadd.f32 v52, v21;
	[tilespmem:s30+$0xFFFFF7D0] =	vst v3;
	v4 =	vmul.f32 v4, v35;
	v6 =	vadd.f32 v61, v62  }
0x583: {  	v21 =	vadd.s32 $0xC000, v44;
	v24 =	vld.idx.msk [tilespmem:v56+s5+$0x0], $0xffff;
	v63 =	vmul.f32 v8, v50;
	[tilespmem:s30+$0xFFFFF800] =	vst v7;
	v17 =	vadd.f32 v59, v60  }
0x584: {  	v41 =	vadd.s32 $0xC000, v41;
	v54 =	vmul.f32 v1, v0;
	v14 =	vld.idx.msk [tilespmem:v57+s5+$0x0], $0xffff;
	v4 =	vadd.f32 v4, v6  }
0x585: {  	v31 =	vadd.s32 $0xC000, v45;
	v33 =	vmul.f32 v1, v19;
	v11 =	vld.idx.msk [tilespmem:v11+s5+$0x0], $0xffff;
	v3 =	vadd.f32 v63, v17  }
0x586: {  	v0 =	vmul.f32 v54, v20;
	v13 =	vmul.f32 v26, v29;
	v42 =	vld.idx.msk [tilespmem:v16+s5+$0x0], $0xffff;
	[tilespmem:s30+$0xFFFFF7F0] =	vst v4  }
0x587: {  	v1 =	vadd.f32 v33, v5;
	v2 =	vadd.f32 v2, v55;
	[tilespmem:s30+$0xFFFFF7E0] =	vst v3;
	v44 =	vld.idx.msk [tilespmem:v25+s5+$0x0], $0xffff  }
0x588: {  	v43 =	vmul.f32 v24, v28;
	v3 =	vld.idx.msk [tilespmem:v21+s5+$0x0], $0xffff  }
0x589: {  	v0 =	vadd.f32 v0, v1;
	v2 =	vadd.f32 v13, v2;
	v6 =	vld.idx.msk [tilespmem:v41+s5+$0x0], $0xffff;
	v45 =	vmul.f32 v14, v38  }
0x58a: {  	v48 =	vmul.f32 v11, v30;
	v49 =	vmul.f32 v11, v24;
	v4 =	vadd.f32 v43, v27;
	v46 =	vld.idx.msk [tilespmem:v31+s5+$0x0], $0xffff  }
0x58b: {  	v51 =	vmul.f32 v42, v14;
	v52 =	vmul.f32 v42, v39;
	v1 =	vadd.f32 v45, v37  }
0x58c: {  	v9 =	vmul.f32 v49, v23;
	v4 =	vadd.f32 v48, v4;
	v54 =	vmul.f32 v44, v47  }
0x58d: {  	v10 =	vmul.f32 v51, v32;
	v1 =	vadd.f32 v52, v1;
	v53 =	vmul.f32 v3, v34  }
0x58e: {  	v5 =	vmul.f32 v6, v44;
	v6 =	vmul.f32 v6, v22;
	v56 =	vadd.f32 v54, v40  }
0x58f: {  	v55 =	vmul.f32 v46, v18;
	v3 =	vmul.f32 v46, v3;
	v8 =	vadd.f32 v53, v36  }
0x590: {  	[tilespmem:s29+$0xFFFFFFF0] =	vst v0;
	v57 =	vadd.f32 v9, v4;
	v60 =	vmul.f32 v5, v35;
	v61 =	vadd.f32 v6, v56  }
0x591: {  	[tilespmem:s29+$0xFFFFFFE0] =	vst v2;
	v59 =	vadd.f32 v10, v1;
	v3 =	vmul.f32 v3, v50;
	v58 =	vadd.f32 v55, v8  }
0x592: {  	[tilespmem:s30+$0xFFFFFFD0] =	vst v57;
	v63 =	vadd.f32 v60, v61  }
0x593: {  	[tilespmem:s30+$0x0] =	vst v59;
	v62 =	vadd.f32 v3, v58  }
0x594: {  	s7 =	sor.u32 s6, s26;
	[tilespmem:s30+$0xFFFFFFF0] =	vst v63  }
0x595: {  	s20 =	simm.s32 $0x18000;
	s13 =	sadd.s32 s7, s31;
	[tilespmem:s30+$0xFFFFFFE0] =	vst v62  }
0x596: {  	[hbm4b:s13+s10] =	stream.strided.scatter [tilespmem:s20], [sflag:$0x6], $0x800, s11, s10, $0x38;
	[tilespmem:$0x1B800] =	vst v63  }
0x597: {  	p1 =	sne.s32 s28, $0x4;
	s26 =	sadd.s32 s7, s0;
	s29 =	simm.s32 $0x18800  }
0x598: {  	[hbm4b:s26+s10] =	stream.strided.scatter [tilespmem:s29], [sflag:$0x6], $0x800, s11, s10, $0x38;
	[tilespmem:$0x1B800] =	vst v63  }
.Ltmp6:
0x599: {  	_ = 	snop;
	(pc) =	sbr.rel @p1 .LBB2_10-.Ltmp6, $4  }
0x59a: {  	s30 =	sadd.s32 s7, s1  }
0x59b: {  	[hbm4b:s30+s10] =	stream.strided.scatter [tilespmem:s25], [sflag:$0x6], $0x800, s11, s10, $0x38;
	[tilespmem:$0x1B800] =	vst v63  }
0x59c: {  	s7 =	sadd.s32 s7, s9  }
0x59d: {  	[hbm4b:s7+s10] =	stream.strided.scatter [tilespmem:s2], [sflag:$0x6], $0x800, s11, s10, $0x38;
	[tilespmem:$0x1B800] =	vst v63  }
0x59e: {  	s7 =	simm.s32 $0x5  }
0x59f: {  	_ =	swait.ge [sflag:s7], $0x800  }
0x5a0: {  	[sflag:s7] =	ssyncset.done $0x0  }
0x5a1: {  	[sflag:s7] =	ssyncadd.s32 $0xFFFFF800  }
0x5a2: {  	_ =	swait.ge [sflag:s7], $0x800  }
0x5a3: {  	[sflag:s7] =	ssyncset.done $0x0  }
0x5a4: {  	[sflag:s7] =	ssyncadd.s32 $0xFFFFF800  }
0x5a5: {  	_ =	swait.ge [sflag:s7], $0x800  }
0x5a6: {  	[sflag:s7] =	ssyncset.done $0x0  }
0x5a7: {  	[sflag:s7] =	ssyncadd.s32 $0xFFFFF800  }
0x5a8: {  	_ =	swait.ge [sflag:s7], $0x800  }
0x5a9: {  	[sflag:s7] =	ssyncset.done $0x0  }
0x5aa: {  	s13 =	simm.s32 $0x6;
	[sflag:s7] =	ssyncadd.s32 $0xFFFFF800  }
0x5ab: {  	_ =	swait.ge [sflag:s13], $0x800  }
0x5ac: {  	[sflag:s13] =	ssyncset.done $0x0  }
0x5ad: {  	[sflag:s13] =	ssyncadd.s32 $0xFFFFF800  }
0x5ae: {  	_ =	swait.ge [sflag:s13], $0x800  }
0x5af: {  	[sflag:s13] =	ssyncset.done $0x0  }
0x5b0: {  	[sflag:s13] =	ssyncadd.s32 $0xFFFFF800  }
0x5b1: {  	_ =	swait.ge [sflag:s13], $0x800  }
0x5b2: {  	[sflag:s13] =	ssyncset.done $0x0  }
0x5b3: {  	[sflag:s13] =	ssyncadd.s32 $0xFFFFF800  }
0x5b4: {  	_ =	swait.ge [sflag:s13], $0x800  }
0x5b5: {  	v12 =	vld [tilespmem:$0x1FEE0]  }
0x5b6: {  	v13 =	vld [tilespmem:$0x1FEF0]  }
0x5b7: {  	v14 =	vld [tilespmem:$0x1FF00]  }
0x5b8: {  	v15 =	vld [tilespmem:$0x1FF10]  }
0x5b9: {  	v16 =	vld [tilespmem:$0x1FF20]  }
0x5ba: {  	v47 =	vld [tilespmem:$0x1FF30]  }
0x5bb: {  	v48 =	vld [tilespmem:$0x1FF40]  }
0x5bc: {  	v49 =	vld [tilespmem:$0x1FF50]  }
0x5bd: {  	v50 =	vld [tilespmem:$0x1FF60]  }
0x5be: {  	v51 =	vld [tilespmem:$0x1FF70]  }
0x5bf: {  	s15 =	rddreg [dreg:$0x1a];
	v52 =	vld [tilespmem:$0x1FF80]  }
0x5c0: {  	s30 =	rddreg [dreg:$0x15];
	v53 =	vld [tilespmem:$0x1FF90];
	s15 =	sadd.s32 $0x1, s15  }
0x5c1: {  	v54 =	vld [tilespmem:$0x1FFA0];
	p1 =	sne.s32 s15, s30  }
.Ltmp7:
0x5c2: {  	v55 =	vld [tilespmem:$0x1FFB0];
	(pc) =	sbr.rel @p1 .LBB2_1-.Ltmp7, $4  }
0x5c3: {  	v56 =	vld [tilespmem:$0x1FFC0]  }
0x5c4: {  	v59 =	vld [tilespmem:$0x1FFF0]  }
0x5c5: {  	[sflag:s13] =	ssyncset.done $0x0;
	v57 =	vld [tilespmem:$0x1FFD0]  }
0x5c6: {  	v58 =	vld [tilespmem:$0x1FFE0];
	[sflag:s13] =	ssyncadd.s32 $0xFFFFF800  }
0x5c7: {  	_ =	sfence.sel $0x180000  }
0x5c8: {  	[bflag:$0x0] =	sbarrier.arrive $0xFFFF  }
0x5c9: {  	_ =	strace $0x90000047  }
0x5ca: {  	[bflag:$0x2] =	sbarrier.arrive $0xFFFF  }
0x5cb: {  	s0 =	rddreg [dreg:$0x6]  }
0x5cc: {  	s0 =	sadd.s32 @!p0 $0x100000, s0  }
0x5cd: {  	[sflag:s0] =	ssyncadd.tile.s32 @!p0 $0x1;
	_ =	shalt  }
.Lfunc_end2:
_tile_overlayer_lowered:
.L_overlay_start_2:
0x5ce: {  	(tag) =	ssettag $0x2  }
0x5cf: {  	s0 =	rddreg [dreg:$0x0];
	s2 =	stileid.u32  }
0x5d0: {  	s1 =	rddreg [dreg:$0x1];
	p0 =	sne.s32 s2, $0x0  }
0x5d1: {  	s3 =	rddreg [dreg:$0x2];
	[bflag:$0x3] =	sbarrier.arrive $0xFFFF;
	s2 =	simm.s32 @!p0 $0x1C07  }
0x5d2: {  	[timem:s3], [sflag:s2] =	dma.local @!p0 [hbm:s0], s1  }
0x5d3: {  	s0 =	simm.s32 @!p0 $0x7  }
0x5d4: {  	_ =	swait.ge @!p0 [sflag:s0], s1  }
0x5d5: {  	s1 =	ssub.s32 @!p0 $0x0, s1;
	[sflag:s0] =	ssyncset.done @!p0 $0x0  }
0x5d6: {  	[sflag:s0] =	ssyncadd.s32 @!p0 s1  }
0x5d7: {  	[bflag:$0x3] =	sbarrier.arrive $0xFFFF  }
0x5d8: {  	_ =	shalt  }

</sc_bundles>
